<compile_context>
chip_gen: v7x
topology: tpu7x:2x2x1
jax: 0.10.2.dev20260603
libtpu: 0.0.44.dev20260713+nightly
codegen_flags: <defaults>
</compile_context>

<pallas_src>
import jax
import jax.numpy as jnp
from jax import lax
from jax.experimental import pallas as pl
from jax.experimental.pallas import tpu as pltpu
from jax.experimental.pallas import tpu_sc as plsc

VOCAB = 30522
HIDDEN = 768
MAX_POS = 512
BATCH = 128
SEQ = 512

L = 16
NC = 2
NS = 16
NW = NC * NS
P_PER_W = SEQ // NW
KH = HIDDEN // L
KH2 = KH // 2

_GDN = lax.GatherDimensionNumbers(
    offset_dims=(), collapsed_slice_dims=(0,), start_index_map=(0,))


def _permute(vec, idx):
    return lax.gather(vec, idx, _GDN, (1,),
                      mode=lax.GatherScatterMode.PROMISE_IN_BOUNDS)


def _rsqrt(x):
    i = plsc.bitcast(x, jnp.int32)
    i = jnp.int32(0x5F3759DF) - (i >> 1)
    y = plsc.bitcast(i, jnp.float32)
    for _ in range(3):
        y = y * (1.5 - 0.5 * x * y * y)
    return y


def _unpack2(v):
    vb = plsc.bitcast(v, jnp.bfloat16)
    return plsc.unpack(vb, format=plsc.PackFormat.INTERLEAVED,
                       preferred_element_type=jnp.float32)


def _body(ids_ref, tt_ref, word_ref, base_ref, gb_ref,
          out_ref, idx_v, tt_v, base_v, gb_v, sums_v, sumsq_v,
          rows2, outb2, gsem, osem):
    cid = lax.axis_index("c")
    sid = lax.axis_index("s")
    wid = sid * NC + cid
    p0 = wid * P_PER_W

    pltpu.sync_copy(base_ref.at[0, pl.ds(p0, P_PER_W), :], base_v.at[0])
    pltpu.sync_copy(base_ref.at[1, pl.ds(p0, P_PER_W), :], base_v.at[1])
    pltpu.sync_copy(gb_ref, gb_v)
    pltpu.sync_copy(ids_ref.at[wid], idx_v)
    pltpu.sync_copy(tt_ref.at[wid], tt_v)

    inv_h = jnp.float32(1.0 / HIDDEN)
    zeros = jnp.zeros((L,), jnp.float32)
    lanes = lax.iota(jnp.int32, L)
    nacc = 4

    def _compute(b, rows, outb):
        ttrow = tt_v[b, :]

        def _ttj(j):
            return _permute(ttrow, jnp.full((L, 1), j, dtype=jnp.int32))[0]

        def _tokA(j, ttj):
            ttn = _ttj(jnp.minimum(j + 1, P_PER_W - 1))

            accs = [zeros] * nacc
            acc2s = [zeros] * nacc

            def _triple(k2):
                return (rows[j, pl.ds(k2 * 2 * L, L)],
                        rows[j, pl.ds((k2 * 2 + 1) * L, L)],
                        base_v[ttj, j, pl.ds(k2 * L, L)])
            ld = [_triple(0), _triple(1)]
            for k2 in range(KH2):
                if k2 + 2 < KH2:
                    ld.append(_triple(k2 + 2))
                r0, r1, pk = ld[k2]
                ba, bb = _unpack2(pk)
                e0 = r0 + ba
                e1 = r1 + bb
                outb[j, pl.ds(k2 * 2 * L, L)] = e0
                outb[j, pl.ds((k2 * 2 + 1) * L, L)] = e1
                a = (2 * k2) % nacc
                accs[a] = accs[a] + e0
                acc2s[a] = acc2s[a] + e0 * e0
                accs[a + 1] = accs[a + 1] + e1
                acc2s[a + 1] = acc2s[a + 1] + e1 * e1
            acc = (accs[0] + accs[1]) + (accs[2] + accs[3])
            acc2 = (acc2s[0] + acc2s[1]) + (acc2s[2] + acc2s[3])
            jcol = jnp.full((L,), j, dtype=jnp.int32)
            plsc.store_scatter(sums_v, [lanes, jcol], acc)
            plsc.store_scatter(sumsq_v, [lanes, jcol], acc2)
            return ttn
        lax.fori_loop(0, P_PER_W, _tokA, _ttj(0))

        rs = [sums_v[r, :] for r in range(L)]
        rq = [sumsq_v[r, :] for r in range(L)]
        while len(rs) > 1:
            rs = [rs[i] + rs[i + 1] for i in range(0, len(rs), 2)]
            rq = [rq[i] + rq[i + 1] for i in range(0, len(rq), 2)]
        mean_all = rs[0] * inv_h
        var_all = jnp.maximum(rq[0] * inv_h - mean_all * mean_all, 0.0)
        rstd_all = _rsqrt(var_all + 1e-12)
        off_all = -mean_all * rstd_all

        rstd_j = []
        off_j = []
        for j in range(P_PER_W):
            jf = jnp.full((L, 1), j, dtype=jnp.int32)
            rstd_j.append(_permute(rstd_all, jf))
            off_j.append(_permute(off_all, jf))

        @plsc.parallel_loop(0, KH, unroll=1)
        def _kb(k):
            sl = pl.ds(k * L, L)
            g, be = _unpack2(gb_v[sl])
            for j in range(P_PER_W):
                e = outb[j, sl]
                outb[j, sl] = (e * rstd_j[j] + off_j[j]) * g + be

    def _gather(b, rows):
        return pltpu.async_copy(word_ref.at[idx_v.at[b]], rows, gsem)

    def _gwait(b, rows):
        pltpu.make_async_copy(word_ref.at[idx_v.at[b]], rows, gsem).wait()

    def _ostart(b, outb):
        pltpu.async_copy(outb, out_ref.at[b, pl.ds(p0, P_PER_W), :], osem)

    def _owait(b, outb):
        pltpu.make_async_copy(
            outb, out_ref.at[b, pl.ds(p0, P_PER_W), :], osem).wait()

    _gather(0, rows2.at[0])

    def _bb(i, _):
        for ph in range(2):
            b = 2 * i + ph
            cur = rows2.at[ph]
            outb = outb2.at[ph]

            @pl.when(b + 1 < BATCH)
            def _():
                _gather(b + 1, rows2.at[(ph + 1) % 2])

            _gwait(b, cur)

            @pl.when(b >= 2)
            def _():
                _owait(b - 2, outb)

            _compute(b, cur, outb)
            _ostart(b, outb)
        return 0
    lax.fori_loop(0, BATCH // 2, _bb, 0)

    _owait(BATCH - 2, outb2.at[0])
    _owait(BATCH - 1, outb2.at[1])


def kernel(input_ids, token_type_ids, word_emb, pos_emb, type_emb,
           ln_gamma, ln_beta):
    ids_r = input_ids.astype(jnp.int32).reshape(BATCH, NW, P_PER_W)
    ids_r = ids_r.transpose(1, 0, 2)
    tt_r = token_type_ids.astype(jnp.int32).reshape(BATCH, NW, P_PER_W)
    tt_r = tt_r.transpose(1, 0, 2)

    base = pos_emb[None, :, :] + type_emb[:, None, :]
    base = base.astype(jnp.bfloat16).reshape(2, SEQ, KH2, 2, L)
    base = base.transpose(0, 1, 2, 4, 3).reshape(2, SEQ, HIDDEN // 2, 2)
    base = lax.bitcast_convert_type(base, jnp.int32)

    gb = jnp.stack([ln_gamma.reshape(KH, L), ln_beta.reshape(KH, L)],
                   axis=-1).astype(jnp.bfloat16).reshape(HIDDEN, 2)
    gb = lax.bitcast_convert_type(gb, jnp.int32)

    mesh = plsc.VectorSubcoreMesh(core_axis_name="c", subcore_axis_name="s")
    f = pl.kernel(
        _body,
        out_type=jax.ShapeDtypeStruct((BATCH, SEQ, HIDDEN), jnp.float32),
        mesh=mesh,
        compiler_params=pltpu.CompilerParams(needs_layout_passes=False),
        scratch_types=[
            pltpu.VMEM((BATCH, P_PER_W), jnp.int32),
            pltpu.VMEM((BATCH, P_PER_W), jnp.int32),
            pltpu.VMEM((2, P_PER_W, HIDDEN // 2), jnp.int32),
            pltpu.VMEM((HIDDEN,), jnp.int32),
            pltpu.VMEM((L, P_PER_W), jnp.float32),
            pltpu.VMEM((L, P_PER_W), jnp.float32),
            pltpu.VMEM((2, P_PER_W, HIDDEN), jnp.float32),
            pltpu.VMEM((2, P_PER_W, HIDDEN), jnp.float32),
            pltpu.SemaphoreType.DMA,
            pltpu.SemaphoreType.DMA,
        ],
    )
    return f(ids_r, tt_r, word_emb, base, gb)

# --- scband reference (transcript-rebuilt; emitter-appended) ---
"""Pipeline reference for scband-bert-embeddings-36103495090556 (READ-ONLY COPY).

The authoritative reference and input builder live on the scoring server;
editing this copy changes nothing except your own understanding.
"""

import jax, jax.numpy as jnp
import numpy as np

VOCAB = 30522
HIDDEN = 768
MAX_POS = 512
TYPE_VOCAB = 2
BATCH = 128
SEQ = 512


def setup_inputs(seed: int = 0) -> dict:
    key = jax.random.key(seed)
    k1, k2, k3, k4, k5 = jax.random.split(key, 5)
    input_ids = jax.random.randint(k1, (BATCH, SEQ), 0, VOCAB, dtype=jnp.int64 if jax.config.jax_enable_x64 else jnp.int32)
    token_type_ids = jax.random.randint(k2, (BATCH, SEQ), 0, TYPE_VOCAB, dtype=input_ids.dtype)
    word_emb = jax.random.normal(k3, (VOCAB, HIDDEN), dtype=jnp.float32) * 0.02
    pos_emb = jax.random.normal(k4, (MAX_POS, HIDDEN), dtype=jnp.float32) * 0.02
    type_emb = jax.random.normal(k5, (TYPE_VOCAB, HIDDEN), dtype=jnp.float32) * 0.02
    ln_gamma = jnp.ones((HIDDEN,), dtype=jnp.float32)
    ln_beta = jnp.zeros((HIDDEN,), dtype=jnp.float32)
    return {
        "input_ids": input_ids,
        "token_type_ids": token_type_ids,
        "word_emb": word_emb,
        "pos_emb": pos_emb,
        "type_emb": type_emb,
        "ln_gamma": ln_gamma,
        "ln_beta": ln_beta,
    }


def reference(input_ids, token_type_ids, word_emb, pos_emb, type_emb, ln_gamma, ln_beta):
    seq_length = input_ids.shape[1]
    position_ids = jnp.arange(seq_length, dtype=input_ids.dtype)
    position_ids = jnp.broadcast_to(position_ids[None, :], input_ids.shape)
    words = jnp.take(word_emb, input_ids, axis=0)
    pos = jnp.take(pos_emb, position_ids, axis=0)
    toktype = jnp.take(type_emb, token_type_ids, axis=0)
    embeddings = words + pos + toktype
    # LayerNorm with eps=1e-12
    mean = jnp.mean(embeddings, axis=-1, keepdims=True)
    var = jnp.mean(jnp.square(embeddings - mean), axis=-1, keepdims=True)
    normed = (embeddings - mean) / jnp.sqrt(var + 1e-12)
    out = normed * ln_gamma + ln_beta
    # dropout is identity in eval / deterministic reference
    return out

if __name__ == "__main__":
    import jax
    _d = setup_inputs()
    print(jax.jit(kernel)(*tuple(_d.values())))

</pallas_src>

<mosaic_0001>
#map = affine_map<(d0, d1) -> (0, 0, 0)>
#map1 = affine_map<(d0, d1) -> (0, 0)>
#map2 = affine_map<(d0, d1) -> (0)>
module attributes {stable_mosaic.version = 14 : i64} {
  func.func @_body(%arg0: i32, %arg1: i32, %arg2: memref<32x128x16xi32, #tpu.memory_space<hbm>>, %arg3: memref<32x128x16xi32, #tpu.memory_space<hbm>>, %arg4: memref<30522x768xf32, #tpu.memory_space<hbm>>, %arg5: memref<2x512x384xi32, #tpu.memory_space<hbm>>, %arg6: memref<768xi32, #tpu.memory_space<hbm>>, %arg7: memref<128x512x768xf32, #tpu.memory_space<hbm>>, %arg8: memref<128x16xi32, #tpu.memory_space<vmem>>, %arg9: memref<128x16xi32, #tpu.memory_space<vmem>>, %arg10: memref<2x16x384xi32, #tpu.memory_space<vmem>>, %arg11: memref<768xi32, #tpu.memory_space<vmem>>, %arg12: memref<16x16xf32, #tpu.memory_space<vmem>>, %arg13: memref<16x16xf32, #tpu.memory_space<vmem>>, %arg14: memref<2x16x768xf32, #tpu.memory_space<vmem>>, %arg15: memref<2x16x768xf32, #tpu.memory_space<vmem>>, %arg16: memref<!tpu.dma_semaphore, #tpu.memory_space<semaphore_mem>>, %arg17: memref<!tpu.dma_semaphore, #tpu.memory_space<semaphore_mem>>) attributes {dimension_semantics = [#tpu.dimension_semantics<core_parallel>, #tpu.dimension_semantics<subcore_parallel>], iteration_bounds = array<i64: 2, 16>, scalar_prefetch = 0 : i64, scratch_operands = 10 : i64, tpu.core_type = #tpu.core_type<sc_vector_subcore>, window_params = [{transform_indices = #map}, {transform_indices = #map}, {transform_indices = #map1}, {transform_indices = #map}, {transform_indices = #map2}, {transform_indices = #map}]} {
    %mul3A = arith.constant 2 : i32
    %mul3A_0 = arith.muli %arg1, %mul3A : i32
    %add3A = arith.addi %mul3A_0, %arg0 : i32
    %mul3A_1 = arith.constant 16 : i32
    %mul3A_2 = arith.muli %add3A, %mul3A_1 : i32
    %run_scoped3A = arith.constant 0 : i32
    %run_scoped3A_3 = arith.constant 0 : i32
    "tpu.region"() ({
      %run_scoped3A_56 = tpu.sem_alloc : memref<!tpu.dma_semaphore, #tpu.memory_space<semaphore_mem>>
      %dma_start3A_57 = arith.constant 0 : i32
      %dma_start3A_58 = arith.constant 0 : i32
      %dma_start3A_59 = tpu.memref_slice %arg10[%run_scoped3A_3, %dma_start3A_57, %dma_start3A_58] : memref<2x16x384xi32, #tpu.memory_space<vmem>> -> memref<1x16x384xi32, #tpu.memory_space<vmem>>
      %dma_start3A_60 = tpu.memref_squeeze %dma_start3A_59 : memref<1x16x384xi32, #tpu.memory_space<vmem>> -> memref<16x384xi32, #tpu.memory_space<vmem>>
      %dma_start3A_61 = arith.constant 0 : i32
      %dma_start3A_62 = tpu.memref_slice %arg5[%run_scoped3A, %mul3A_2, %dma_start3A_61] : memref<2x512x384xi32, #tpu.memory_space<hbm>> -> memref<1x16x384xi32, #tpu.memory_space<hbm>>
      %dma_start3A_63 = tpu.memref_squeeze %dma_start3A_62 : memref<1x16x384xi32, #tpu.memory_space<hbm>> -> memref<16x384xi32, #tpu.memory_space<hbm>>
      %dma_start3A_64 = arith.constant 0 : i32
      %dma_start3A_65 = arith.constant 0 : i32
      %dma_start3A_66 = tpu.memref_slice %arg10[%run_scoped3A_3, %dma_start3A_64, %dma_start3A_65] : memref<2x16x384xi32, #tpu.memory_space<vmem>> -> memref<1x16x384xi32, #tpu.memory_space<vmem>>
      %dma_start3A_67 = tpu.memref_squeeze %dma_start3A_66 : memref<1x16x384xi32, #tpu.memory_space<vmem>> -> memref<16x384xi32, #tpu.memory_space<vmem>>
      %dma_start3A_68 = arith.constant 0 : i32
      %dma_start3A_69 = tpu.memref_slice %arg5[%run_scoped3A, %mul3A_2, %dma_start3A_68] : memref<2x512x384xi32, #tpu.memory_space<hbm>> -> memref<1x16x384xi32, #tpu.memory_space<hbm>>
      %dma_start3A_70 = tpu.memref_squeeze %dma_start3A_69 : memref<1x16x384xi32, #tpu.memory_space<hbm>> -> memref<16x384xi32, #tpu.memory_space<hbm>>
      tpu.enqueue_dma source(%dma_start3A_70 : memref<16x384xi32, #tpu.memory_space<hbm>>) target(%dma_start3A_67 : memref<16x384xi32, #tpu.memory_space<vmem>>) target_semaphore(%run_scoped3A_56 : memref<!tpu.dma_semaphore, #tpu.memory_space<semaphore_mem>>)
      %dma_wait3A_71 = arith.constant 0 : i32
      %dma_wait3A_72 = arith.constant 0 : i32
      %dma_wait3A_73 = tpu.memref_slice %arg10[%run_scoped3A_3, %dma_wait3A_71, %dma_wait3A_72] : memref<2x16x384xi32, #tpu.memory_space<vmem>> -> memref<1x16x384xi32, #tpu.memory_space<vmem>>
      %dma_wait3A_74 = tpu.memref_squeeze %dma_wait3A_73 : memref<1x16x384xi32, #tpu.memory_space<vmem>> -> memref<16x384xi32, #tpu.memory_space<vmem>>
      %dma_wait3A_75 = arith.constant 0 : i32
      %dma_wait3A_76 = tpu.memref_slice %arg5[%run_scoped3A, %mul3A_2, %dma_wait3A_75] : memref<2x512x384xi32, #tpu.memory_space<hbm>> -> memref<1x16x384xi32, #tpu.memory_space<hbm>>
      %dma_wait3A_77 = tpu.memref_squeeze %dma_wait3A_76 : memref<1x16x384xi32, #tpu.memory_space<hbm>> -> memref<16x384xi32, #tpu.memory_space<hbm>>
      %dma_wait3A_78 = arith.constant 0 : i32
      %dma_wait3A_79 = arith.constant 0 : i32
      %dma_wait3A_80 = tpu.memref_slice %arg10[%run_scoped3A_3, %dma_wait3A_78, %dma_wait3A_79] : memref<2x16x384xi32, #tpu.memory_space<vmem>> -> memref<1x16x384xi32, #tpu.memory_space<vmem>>
      %dma_wait3A_81 = tpu.memref_squeeze %dma_wait3A_80 : memref<1x16x384xi32, #tpu.memory_space<vmem>> -> memref<16x384xi32, #tpu.memory_space<vmem>>
      %dma_wait3A_82 = arith.constant 0 : i32
      %dma_wait3A_83 = tpu.memref_slice %arg5[%run_scoped3A, %mul3A_2, %dma_wait3A_82] : memref<2x512x384xi32, #tpu.memory_space<hbm>> -> memref<1x16x384xi32, #tpu.memory_space<hbm>>
      %dma_wait3A_84 = tpu.memref_squeeze %dma_wait3A_83 : memref<1x16x384xi32, #tpu.memory_space<hbm>> -> memref<16x384xi32, #tpu.memory_space<hbm>>
      tpu.wait_dma2 semaphore(%run_scoped3A_56 : memref<!tpu.dma_semaphore, #tpu.memory_space<semaphore_mem>>) src(%dma_wait3A_84 : memref<16x384xi32, #tpu.memory_space<hbm>>) dst(%dma_wait3A_81 : memref<16x384xi32, #tpu.memory_space<vmem>>)
      tpu.yield
    }) : () -> ()
    %run_scoped3A_4 = arith.constant 1 : i32
    %run_scoped3A_5 = arith.constant 1 : i32
    "tpu.region"() ({
      %run_scoped3A_56 = tpu.sem_alloc : memref<!tpu.dma_semaphore, #tpu.memory_space<semaphore_mem>>
      %dma_start3A_57 = arith.constant 0 : i32
      %dma_start3A_58 = arith.constant 0 : i32
      %dma_start3A_59 = tpu.memref_slice %arg10[%run_scoped3A_5, %dma_start3A_57, %dma_start3A_58] : memref<2x16x384xi32, #tpu.memory_space<vmem>> -> memref<1x16x384xi32, #tpu.memory_space<vmem>>
      %dma_start3A_60 = tpu.memref_squeeze %dma_start3A_59 : memref<1x16x384xi32, #tpu.memory_space<vmem>> -> memref<16x384xi32, #tpu.memory_space<vmem>>
      %dma_start3A_61 = arith.constant 0 : i32
      %dma_start3A_62 = tpu.memref_slice %arg5[%run_scoped3A_4, %mul3A_2, %dma_start3A_61] : memref<2x512x384xi32, #tpu.memory_space<hbm>> -> memref<1x16x384xi32, #tpu.memory_space<hbm>>
      %dma_start3A_63 = tpu.memref_squeeze %dma_start3A_62 : memref<1x16x384xi32, #tpu.memory_space<hbm>> -> memref<16x384xi32, #tpu.memory_space<hbm>>
      %dma_start3A_64 = arith.constant 0 : i32
      %dma_start3A_65 = arith.constant 0 : i32
      %dma_start3A_66 = tpu.memref_slice %arg10[%run_scoped3A_5, %dma_start3A_64, %dma_start3A_65] : memref<2x16x384xi32, #tpu.memory_space<vmem>> -> memref<1x16x384xi32, #tpu.memory_space<vmem>>
      %dma_start3A_67 = tpu.memref_squeeze %dma_start3A_66 : memref<1x16x384xi32, #tpu.memory_space<vmem>> -> memref<16x384xi32, #tpu.memory_space<vmem>>
      %dma_start3A_68 = arith.constant 0 : i32
      %dma_start3A_69 = tpu.memref_slice %arg5[%run_scoped3A_4, %mul3A_2, %dma_start3A_68] : memref<2x512x384xi32, #tpu.memory_space<hbm>> -> memref<1x16x384xi32, #tpu.memory_space<hbm>>
      %dma_start3A_70 = tpu.memref_squeeze %dma_start3A_69 : memref<1x16x384xi32, #tpu.memory_space<hbm>> -> memref<16x384xi32, #tpu.memory_space<hbm>>
      tpu.enqueue_dma source(%dma_start3A_70 : memref<16x384xi32, #tpu.memory_space<hbm>>) target(%dma_start3A_67 : memref<16x384xi32, #tpu.memory_space<vmem>>) target_semaphore(%run_scoped3A_56 : memref<!tpu.dma_semaphore, #tpu.memory_space<semaphore_mem>>)
      %dma_wait3A_71 = arith.constant 0 : i32
      %dma_wait3A_72 = arith.constant 0 : i32
      %dma_wait3A_73 = tpu.memref_slice %arg10[%run_scoped3A_5, %dma_wait3A_71, %dma_wait3A_72] : memref<2x16x384xi32, #tpu.memory_space<vmem>> -> memref<1x16x384xi32, #tpu.memory_space<vmem>>
      %dma_wait3A_74 = tpu.memref_squeeze %dma_wait3A_73 : memref<1x16x384xi32, #tpu.memory_space<vmem>> -> memref<16x384xi32, #tpu.memory_space<vmem>>
      %dma_wait3A_75 = arith.constant 0 : i32
      %dma_wait3A_76 = tpu.memref_slice %arg5[%run_scoped3A_4, %mul3A_2, %dma_wait3A_75] : memref<2x512x384xi32, #tpu.memory_space<hbm>> -> memref<1x16x384xi32, #tpu.memory_space<hbm>>
      %dma_wait3A_77 = tpu.memref_squeeze %dma_wait3A_76 : memref<1x16x384xi32, #tpu.memory_space<hbm>> -> memref<16x384xi32, #tpu.memory_space<hbm>>
      %dma_wait3A_78 = arith.constant 0 : i32
      %dma_wait3A_79 = arith.constant 0 : i32
      %dma_wait3A_80 = tpu.memref_slice %arg10[%run_scoped3A_5, %dma_wait3A_78, %dma_wait3A_79] : memref<2x16x384xi32, #tpu.memory_space<vmem>> -> memref<1x16x384xi32, #tpu.memory_space<vmem>>
      %dma_wait3A_81 = tpu.memref_squeeze %dma_wait3A_80 : memref<1x16x384xi32, #tpu.memory_space<vmem>> -> memref<16x384xi32, #tpu.memory_space<vmem>>
      %dma_wait3A_82 = arith.constant 0 : i32
      %dma_wait3A_83 = tpu.memref_slice %arg5[%run_scoped3A_4, %mul3A_2, %dma_wait3A_82] : memref<2x512x384xi32, #tpu.memory_space<hbm>> -> memref<1x16x384xi32, #tpu.memory_space<hbm>>
      %dma_wait3A_84 = tpu.memref_squeeze %dma_wait3A_83 : memref<1x16x384xi32, #tpu.memory_space<hbm>> -> memref<16x384xi32, #tpu.memory_space<hbm>>
      tpu.wait_dma2 semaphore(%run_scoped3A_56 : memref<!tpu.dma_semaphore, #tpu.memory_space<semaphore_mem>>) src(%dma_wait3A_84 : memref<16x384xi32, #tpu.memory_space<hbm>>) dst(%dma_wait3A_81 : memref<16x384xi32, #tpu.memory_space<vmem>>)
      tpu.yield
    }) : () -> ()
    "tpu.region"() ({
      %run_scoped3A_56 = tpu.sem_alloc : memref<!tpu.dma_semaphore, #tpu.memory_space<semaphore_mem>>
      tpu.enqueue_dma source(%arg6 : memref<768xi32, #tpu.memory_space<hbm>>) target(%arg11 : memref<768xi32, #tpu.memory_space<vmem>>) target_semaphore(%run_scoped3A_56 : memref<!tpu.dma_semaphore, #tpu.memory_space<semaphore_mem>>)
      tpu.wait_dma2 semaphore(%run_scoped3A_56 : memref<!tpu.dma_semaphore, #tpu.memory_space<semaphore_mem>>) src(%arg6 : memref<768xi32, #tpu.memory_space<hbm>>) dst(%arg11 : memref<768xi32, #tpu.memory_space<vmem>>)
      tpu.yield
    }) : () -> ()
    "tpu.region"() ({
      %run_scoped3A_56 = tpu.sem_alloc : memref<!tpu.dma_semaphore, #tpu.memory_space<semaphore_mem>>
      %dma_start3A_57 = arith.constant 0 : i32
      %dma_start3A_58 = arith.constant 0 : i32
      %dma_start3A_59 = tpu.memref_slice %arg2[%add3A, %dma_start3A_57, %dma_start3A_58] : memref<32x128x16xi32, #tpu.memory_space<hbm>> -> memref<1x128x16xi32, #tpu.memory_space<hbm>>
      %dma_start3A_60 = tpu.memref_squeeze %dma_start3A_59 : memref<1x128x16xi32, #tpu.memory_space<hbm>> -> memref<128x16xi32, #tpu.memory_space<hbm>>
      %dma_start3A_61 = arith.constant 0 : i32
      %dma_start3A_62 = arith.constant 0 : i32
      %dma_start3A_63 = tpu.memref_slice %arg2[%add3A, %dma_start3A_61, %dma_start3A_62] : memref<32x128x16xi32, #tpu.memory_space<hbm>> -> memref<1x128x16xi32, #tpu.memory_space<hbm>>
      %dma_start3A_64 = tpu.memref_squeeze %dma_start3A_63 : memref<1x128x16xi32, #tpu.memory_space<hbm>> -> memref<128x16xi32, #tpu.memory_space<hbm>>
      tpu.enqueue_dma source(%dma_start3A_64 : memref<128x16xi32, #tpu.memory_space<hbm>>) target(%arg8 : memref<128x16xi32, #tpu.memory_space<vmem>>) target_semaphore(%run_scoped3A_56 : memref<!tpu.dma_semaphore, #tpu.memory_space<semaphore_mem>>)
      %dma_wait3A_65 = arith.constant 0 : i32
      %dma_wait3A_66 = arith.constant 0 : i32
      %dma_wait3A_67 = tpu.memref_slice %arg2[%add3A, %dma_wait3A_65, %dma_wait3A_66] : memref<32x128x16xi32, #tpu.memory_space<hbm>> -> memref<1x128x16xi32, #tpu.memory_space<hbm>>
      %dma_wait3A_68 = tpu.memref_squeeze %dma_wait3A_67 : memref<1x128x16xi32, #tpu.memory_space<hbm>> -> memref<128x16xi32, #tpu.memory_space<hbm>>
      %dma_wait3A_69 = arith.constant 0 : i32
      %dma_wait3A_70 = arith.constant 0 : i32
      %dma_wait3A_71 = tpu.memref_slice %arg2[%add3A, %dma_wait3A_69, %dma_wait3A_70] : memref<32x128x16xi32, #tpu.memory_space<hbm>> -> memref<1x128x16xi32, #tpu.memory_space<hbm>>
      %dma_wait3A_72 = tpu.memref_squeeze %dma_wait3A_71 : memref<1x128x16xi32, #tpu.memory_space<hbm>> -> memref<128x16xi32, #tpu.memory_space<hbm>>
      tpu.wait_dma2 semaphore(%run_scoped3A_56 : memref<!tpu.dma_semaphore, #tpu.memory_space<semaphore_mem>>) src(%dma_wait3A_72 : memref<128x16xi32, #tpu.memory_space<hbm>>) dst(%arg8 : memref<128x16xi32, #tpu.memory_space<vmem>>)
      tpu.yield
    }) : () -> ()
    "tpu.region"() ({
      %run_scoped3A_56 = tpu.sem_alloc : memref<!tpu.dma_semaphore, #tpu.memory_space<semaphore_mem>>
      %dma_start3A_57 = arith.constant 0 : i32
      %dma_start3A_58 = arith.constant 0 : i32
      %dma_start3A_59 = tpu.memref_slice %arg3[%add3A, %dma_start3A_57, %dma_start3A_58] : memref<32x128x16xi32, #tpu.memory_space<hbm>> -> memref<1x128x16xi32, #tpu.memory_space<hbm>>
      %dma_start3A_60 = tpu.memref_squeeze %dma_start3A_59 : memref<1x128x16xi32, #tpu.memory_space<hbm>> -> memref<128x16xi32, #tpu.memory_space<hbm>>
      %dma_start3A_61 = arith.constant 0 : i32
      %dma_start3A_62 = arith.constant 0 : i32
      %dma_start3A_63 = tpu.memref_slice %arg3[%add3A, %dma_start3A_61, %dma_start3A_62] : memref<32x128x16xi32, #tpu.memory_space<hbm>> -> memref<1x128x16xi32, #tpu.memory_space<hbm>>
      %dma_start3A_64 = tpu.memref_squeeze %dma_start3A_63 : memref<1x128x16xi32, #tpu.memory_space<hbm>> -> memref<128x16xi32, #tpu.memory_space<hbm>>
      tpu.enqueue_dma source(%dma_start3A_64 : memref<128x16xi32, #tpu.memory_space<hbm>>) target(%arg9 : memref<128x16xi32, #tpu.memory_space<vmem>>) target_semaphore(%run_scoped3A_56 : memref<!tpu.dma_semaphore, #tpu.memory_space<semaphore_mem>>)
      %dma_wait3A_65 = arith.constant 0 : i32
      %dma_wait3A_66 = arith.constant 0 : i32
      %dma_wait3A_67 = tpu.memref_slice %arg3[%add3A, %dma_wait3A_65, %dma_wait3A_66] : memref<32x128x16xi32, #tpu.memory_space<hbm>> -> memref<1x128x16xi32, #tpu.memory_space<hbm>>
      %dma_wait3A_68 = tpu.memref_squeeze %dma_wait3A_67 : memref<1x128x16xi32, #tpu.memory_space<hbm>> -> memref<128x16xi32, #tpu.memory_space<hbm>>
      %dma_wait3A_69 = arith.constant 0 : i32
      %dma_wait3A_70 = arith.constant 0 : i32
      %dma_wait3A_71 = tpu.memref_slice %arg3[%add3A, %dma_wait3A_69, %dma_wait3A_70] : memref<32x128x16xi32, #tpu.memory_space<hbm>> -> memref<1x128x16xi32, #tpu.memory_space<hbm>>
      %dma_wait3A_72 = tpu.memref_squeeze %dma_wait3A_71 : memref<1x128x16xi32, #tpu.memory_space<hbm>> -> memref<128x16xi32, #tpu.memory_space<hbm>>
      tpu.wait_dma2 semaphore(%run_scoped3A_56 : memref<!tpu.dma_semaphore, #tpu.memory_space<semaphore_mem>>) src(%dma_wait3A_72 : memref<128x16xi32, #tpu.memory_space<hbm>>) dst(%arg9 : memref<128x16xi32, #tpu.memory_space<vmem>>)
      tpu.yield
    }) : () -> ()
    %broadcast_in_dim3A = arith.constant 0.000000e+00 : f32
    %broadcast_in_dim3A_6 = vector.broadcast %broadcast_in_dim3A : f32 to vector<16xf32>
    %iota3A = tpu.iota {dimensions = array<i32: 0>} : vector<16xi32>
    %dma_start3A = arith.constant 0 : i32
    %dma_start3A_7 = arith.constant 0 : i32
    %dma_start3A_8 = arith.constant 0 : i32
    %dma_start3A_9 = arith.constant 0 : i32
    %dma_start3A_10 = tpu.memref_slice %arg14[%dma_start3A_7, %dma_start3A_8, %dma_start3A_9] : memref<2x16x768xf32, #tpu.memory_space<vmem>> -> memref<1x16x768xf32, #tpu.memory_space<vmem>>
    %dma_start3A_11 = tpu.memref_squeeze %dma_start3A_10 : memref<1x16x768xf32, #tpu.memory_space<vmem>> -> memref<16x768xf32, #tpu.memory_space<vmem>>
    %dma_start3A_12 = arith.constant 0 : i32
    %dma_start3A_13 = tpu.memref_slice %arg8[%dma_start3A, %dma_start3A_12] : memref<128x16xi32, #tpu.memory_space<vmem>> -> memref<1x16xi32, #tpu.memory_space<vmem>>
    %dma_start3A_14 = tpu.memref_squeeze %dma_start3A_13 : memref<1x16xi32, #tpu.memory_space<vmem>> -> memref<16xi32, #tpu.memory_space<vmem>>
    %dma_start3A_15 = arith.constant 0 : i32
    %dma_start3A_16 = arith.constant 0 : i32
    %dma_start3A_17 = tpu.memref_slice %arg4[%dma_start3A_15, %dma_start3A_16] : memref<30522x768xf32, #tpu.memory_space<hbm>> -> memref<30522x768xf32, #tpu.memory_space<hbm>>
    tpu.enqueue_indirect_dma source(%dma_start3A_17 : memref<30522x768xf32, #tpu.memory_space<hbm>>) target(%dma_start3A_11 : memref<16x768xf32, #tpu.memory_space<vmem>>) offsets(%dma_start3A_14 : memref<16xi32, #tpu.memory_space<vmem>>) semaphore(%arg16 : memref<!tpu.dma_semaphore, #tpu.memory_space<semaphore_mem>>)
    %scan3A = arith.constant 0.00130208337 : f32
    %scan3A_18 = arith.constant 0 : i32
    %scan3A_19 = arith.constant 0 : i32
    %scan3A_20 = arith.constant 64 : i32
    %scan3A_21 = arith.addi %scan3A_19, %scan3A_20 : i32
    %scan3A_22 = arith.constant 1 : i32
    %scan3A_23 = scf.for %scan3A_56 = %scan3A_19 to %scan3A_21 step %scan3A_22 iter_args(%scan3A_57 = %scan3A_18) -> (i32)  : i32 {
      %mul3A_58 = arith.constant 2 : i32
      %mul3A_59 = arith.muli %mul3A_58, %scan3A_56 : i32
      %add3A_60 = arith.constant 0 : i32
      %add3A_61 = arith.addi %mul3A_59, %add3A_60 : i32
      %add3A_62 = arith.constant 1 : i32
      %add3A_63 = arith.addi %add3A_61, %add3A_62 : i32
      %lt3A = arith.constant 128 : i32
      %lt3A_64 = arith.cmpi slt, %add3A_63, %lt3A : i32
      %convert_element_type3A = arith.extui %lt3A_64 : i1 to i32
      %cond3A = arith.constant 0 : i32
      %cond3A_65 = arith.cmpi ne, %convert_element_type3A, %cond3A : i32
      scf.if %cond3A_65 {
        %add3A_783 = arith.constant 1 : i32
        %add3A_784 = arith.addi %add3A_61, %add3A_783 : i32
        %dma_start3A_785 = arith.constant 1 : i32
        %dma_start3A_786 = arith.constant 0 : i32
        %dma_start3A_787 = arith.constant 0 : i32
        %dma_start3A_788 = tpu.memref_slice %arg14[%dma_start3A_785, %dma_start3A_786, %dma_start3A_787] : memref<2x16x768xf32, #tpu.memory_space<vmem>> -> memref<1x16x768xf32, #tpu.memory_space<vmem>>
        %dma_start3A_789 = tpu.memref_squeeze %dma_start3A_788 : memref<1x16x768xf32, #tpu.memory_space<vmem>> -> memref<16x768xf32, #tpu.memory_space<vmem>>
        %dma_start3A_790 = arith.constant 0 : i32
        %dma_start3A_791 = tpu.memref_slice %arg8[%add3A_784, %dma_start3A_790] : memref<128x16xi32, #tpu.memory_space<vmem>> -> memref<1x16xi32, #tpu.memory_space<vmem>>
        %dma_start3A_792 = tpu.memref_squeeze %dma_start3A_791 : memref<1x16xi32, #tpu.memory_space<vmem>> -> memref<16xi32, #tpu.memory_space<vmem>>
        %dma_start3A_793 = arith.constant 0 : i32
        %dma_start3A_794 = arith.constant 0 : i32
        %dma_start3A_795 = tpu.memref_slice %arg4[%dma_start3A_793, %dma_start3A_794] : memref<30522x768xf32, #tpu.memory_space<hbm>> -> memref<30522x768xf32, #tpu.memory_space<hbm>>
        tpu.enqueue_indirect_dma source(%dma_start3A_795 : memref<30522x768xf32, #tpu.memory_space<hbm>>) target(%dma_start3A_789 : memref<16x768xf32, #tpu.memory_space<vmem>>) offsets(%dma_start3A_792 : memref<16xi32, #tpu.memory_space<vmem>>) semaphore(%arg16 : memref<!tpu.dma_semaphore, #tpu.memory_space<semaphore_mem>>)
      } else {
      }
      %dma_wait3A_66 = arith.constant 0 : i32
      %dma_wait3A_67 = arith.constant 0 : i32
      %dma_wait3A_68 = arith.constant 0 : i32
      %dma_wait3A_69 = tpu.memref_slice %arg14[%dma_wait3A_66, %dma_wait3A_67, %dma_wait3A_68] : memref<2x16x768xf32, #tpu.memory_space<vmem>> -> memref<1x16x768xf32, #tpu.memory_space<vmem>>
      %dma_wait3A_70 = tpu.memref_squeeze %dma_wait3A_69 : memref<1x16x768xf32, #tpu.memory_space<vmem>> -> memref<16x768xf32, #tpu.memory_space<vmem>>
      %dma_wait3A_71 = arith.constant 0 : i32
      %dma_wait3A_72 = tpu.memref_slice %arg8[%add3A_61, %dma_wait3A_71] : memref<128x16xi32, #tpu.memory_space<vmem>> -> memref<1x16xi32, #tpu.memory_space<vmem>>
      %dma_wait3A_73 = tpu.memref_squeeze %dma_wait3A_72 : memref<1x16xi32, #tpu.memory_space<vmem>> -> memref<16xi32, #tpu.memory_space<vmem>>
      %dma_wait3A_74 = arith.constant 0 : i32
      %dma_wait3A_75 = arith.constant 0 : i32
      %dma_wait3A_76 = tpu.memref_slice %arg4[%dma_wait3A_74, %dma_wait3A_75] : memref<30522x768xf32, #tpu.memory_space<hbm>> -> memref<30522x768xf32, #tpu.memory_space<hbm>>
      tpu.wait_indirect_dma semaphore(%arg16 : memref<!tpu.dma_semaphore, #tpu.memory_space<semaphore_mem>>) src(%dma_wait3A_76 : memref<30522x768xf32, #tpu.memory_space<hbm>>) dst(%dma_wait3A_70 : memref<16x768xf32, #tpu.memory_space<vmem>>)
      %ge3A = arith.constant 2 : i32
      %ge3A_77 = arith.cmpi sge, %add3A_61, %ge3A : i32
      %convert_element_type3A_78 = arith.extui %ge3A_77 : i1 to i32
      %cond3A_79 = arith.constant 0 : i32
      %cond3A_80 = arith.constant 0 : i32
      %cond3A_81 = arith.cmpi ne, %convert_element_type3A_78, %cond3A_80 : i32
      scf.if %cond3A_81 {
        %sub3A_783 = arith.constant 2 : i32
        %sub3A_784 = arith.subi %add3A_61, %sub3A_783 : i32
        %dma_wait3A_785 = arith.constant 0 : i32
        %dma_wait3A_786 = arith.constant 0 : i32
        %dma_wait3A_787 = tpu.memref_slice %arg15[%cond3A_79, %dma_wait3A_785, %dma_wait3A_786] : memref<2x16x768xf32, #tpu.memory_space<vmem>> -> memref<1x16x768xf32, #tpu.memory_space<vmem>>
        %dma_wait3A_788 = tpu.memref_squeeze %dma_wait3A_787 : memref<1x16x768xf32, #tpu.memory_space<vmem>> -> memref<16x768xf32, #tpu.memory_space<vmem>>
        %dma_wait3A_789 = arith.constant 0 : i32
        %dma_wait3A_790 = tpu.memref_slice %arg7[%sub3A_784, %mul3A_2, %dma_wait3A_789] : memref<128x512x768xf32, #tpu.memory_space<hbm>> -> memref<1x16x768xf32, #tpu.memory_space<hbm>>
        %dma_wait3A_791 = tpu.memref_squeeze %dma_wait3A_790 : memref<1x16x768xf32, #tpu.memory_space<hbm>> -> memref<16x768xf32, #tpu.memory_space<hbm>>
        %dma_wait3A_792 = arith.constant 0 : i32
        %dma_wait3A_793 = tpu.memref_slice %arg7[%sub3A_784, %mul3A_2, %dma_wait3A_792] : memref<128x512x768xf32, #tpu.memory_space<hbm>> -> memref<1x16x768xf32, #tpu.memory_space<hbm>>
        %dma_wait3A_794 = tpu.memref_squeeze %dma_wait3A_793 : memref<1x16x768xf32, #tpu.memory_space<hbm>> -> memref<16x768xf32, #tpu.memory_space<hbm>>
        %dma_wait3A_795 = arith.constant 0 : i32
        %dma_wait3A_796 = arith.constant 0 : i32
        %dma_wait3A_797 = tpu.memref_slice %arg15[%cond3A_79, %dma_wait3A_795, %dma_wait3A_796] : memref<2x16x768xf32, #tpu.memory_space<vmem>> -> memref<1x16x768xf32, #tpu.memory_space<vmem>>
        %dma_wait3A_798 = tpu.memref_squeeze %dma_wait3A_797 : memref<1x16x768xf32, #tpu.memory_space<vmem>> -> memref<16x768xf32, #tpu.memory_space<vmem>>
        tpu.wait_dma2 semaphore(%arg17 : memref<!tpu.dma_semaphore, #tpu.memory_space<semaphore_mem>>) src(%dma_wait3A_798 : memref<16x768xf32, #tpu.memory_space<vmem>>) dst(%dma_wait3A_794 : memref<16x768xf32, #tpu.memory_space<hbm>>)
      } else {
      }
      %get3A = arith.index_cast %add3A_61 : i32 to index
      %get3A_82 = arith.constant 0 : index
      %get3A_83 = tpu.vector_load %arg9[%get3A, %get3A_82] {strides = array<i32>} : memref<128x16xi32, #tpu.memory_space<vmem>>, vector<16xi32>,
      %broadcast_in_dim3A_84 = arith.constant 0 : i32
      %broadcast_in_dim3A_85 = vector.broadcast %broadcast_in_dim3A_84 : i32 to vector<16x1xi32>
      %gather3A = vector.shape_cast %broadcast_in_dim3A_85 : vector<16x1xi32> to vector<16xi32>
      %gather3A_86 = tpu.dynamic_gather %get3A_83[%gather3A] in [0] : vector<16xi32>, vector<16xi32> -> vector<16xi32>
      %slice3A = vector.extract_strided_slice %gather3A_86 {offsets = [0], sizes = [1], strides = [1]} : vector<16xi32> to vector<1xi32>
      %squeeze3A = vector.extract %slice3A[0] : i32 from vector<1xi32>
      %scan3A_87 = arith.constant 0 : i32
      %scan3A_88 = arith.constant 0 : i32
      %scan3A_89 = arith.constant 0 : i32
      %scan3A_90 = arith.constant 16 : i32
      %scan3A_91 = arith.addi %scan3A_89, %scan3A_90 : i32
      %scan3A_92 = arith.constant 1 : i32
      %scan3A_93 = scf.for %scan3A_783 = %scan3A_89 to %scan3A_91 step %scan3A_92 iter_args(%scan3A_784 = %squeeze3A) -> (i32)  : i32 {
        %add3A_785 = arith.constant 1 : i32
        %add3A_786 = arith.addi %scan3A_783, %add3A_785 : i32
        %min3A = arith.constant 15 : i32
        %min3A_787 = arith.minsi %add3A_786, %min3A : i32
        %broadcast_in_dim3A_788 = vector.broadcast %min3A_787 : i32 to vector<16x1xi32>
        %gather3A_789 = vector.shape_cast %broadcast_in_dim3A_788 : vector<16x1xi32> to vector<16xi32>
        %gather3A_790 = tpu.dynamic_gather %get3A_83[%gather3A_789] in [0] : vector<16xi32>, vector<16xi32> -> vector<16xi32>
        %slice3A_791 = vector.extract_strided_slice %gather3A_790 {offsets = [0], sizes = [1], strides = [1]} : vector<16xi32> to vector<1xi32>
        %squeeze3A_792 = vector.extract %slice3A_791[0] : i32 from vector<1xi32>
        %get3A_793 = arith.constant 0 : i32
        %get3A_794 = arith.constant 0 : i32
        %get3A_795 = tpu.memref_slice %arg14[%scan3A_87, %get3A_793, %get3A_794] : memref<2x16x768xf32, #tpu.memory_space<vmem>> -> memref<1x16x768xf32, #tpu.memory_space<vmem>>
        %get3A_796 = tpu.memref_squeeze %get3A_795 : memref<1x16x768xf32, #tpu.memory_space<vmem>> -> memref<16x768xf32, #tpu.memory_space<vmem>>
        %get3A_797 = arith.index_cast %scan3A_783 : i32 to index
        %get3A_798 = arith.constant 0 : index
        %get3A_799 = tpu.vector_load %get3A_796[%get3A_797, %get3A_798] {strides = array<i32>} : memref<16x768xf32, #tpu.memory_space<vmem>>, vector<16xf32>,
        %get3A_800 = arith.constant 0 : i32
        %get3A_801 = arith.constant 0 : i32
        %get3A_802 = tpu.memref_slice %arg14[%scan3A_87, %get3A_800, %get3A_801] : memref<2x16x768xf32, #tpu.memory_space<vmem>> -> memref<1x16x768xf32, #tpu.memory_space<vmem>>
        %get3A_803 = tpu.memref_squeeze %get3A_802 : memref<1x16x768xf32, #tpu.memory_space<vmem>> -> memref<16x768xf32, #tpu.memory_space<vmem>>
        %get3A_804 = arith.index_cast %scan3A_783 : i32 to index
        %get3A_805 = arith.constant 16 : index
        %get3A_806 = tpu.vector_load %get3A_803[%get3A_804, %get3A_805] {strides = array<i32>} : memref<16x768xf32, #tpu.memory_space<vmem>>, vector<16xf32>,
        %get3A_807 = arith.index_cast %scan3A_784 : i32 to index
        %get3A_808 = arith.index_cast %scan3A_783 : i32 to index
        %get3A_809 = arith.constant 0 : index
        %get3A_810 = tpu.vector_load %arg10[%get3A_807, %get3A_808, %get3A_809] {strides = array<i32>} : memref<2x16x384xi32, #tpu.memory_space<vmem>>, vector<16xi32>,
        %get3A_811 = arith.constant 0 : i32
        %get3A_812 = arith.constant 0 : i32
        %get3A_813 = tpu.memref_slice %arg14[%scan3A_87, %get3A_811, %get3A_812] : memref<2x16x768xf32, #tpu.memory_space<vmem>> -> memref<1x16x768xf32, #tpu.memory_space<vmem>>
        %get3A_814 = tpu.memref_squeeze %get3A_813 : memref<1x16x768xf32, #tpu.memory_space<vmem>> -> memref<16x768xf32, #tpu.memory_space<vmem>>
        %get3A_815 = arith.index_cast %scan3A_783 : i32 to index
        %get3A_816 = arith.constant 32 : index
        %get3A_817 = tpu.vector_load %get3A_814[%get3A_815, %get3A_816] {strides = array<i32>} : memref<16x768xf32, #tpu.memory_space<vmem>>, vector<16xf32>,
        %get3A_818 = arith.constant 0 : i32
        %get3A_819 = arith.constant 0 : i32
        %get3A_820 = tpu.memref_slice %arg14[%scan3A_87, %get3A_818, %get3A_819] : memref<2x16x768xf32, #tpu.memory_space<vmem>> -> memref<1x16x768xf32, #tpu.memory_space<vmem>>
        %get3A_821 = tpu.memref_squeeze %get3A_820 : memref<1x16x768xf32, #tpu.memory_space<vmem>> -> memref<16x768xf32, #tpu.memory_space<vmem>>
        %get3A_822 = arith.index_cast %scan3A_783 : i32 to index
        %get3A_823 = arith.constant 48 : index
        %get3A_824 = tpu.vector_load %get3A_821[%get3A_822, %get3A_823] {strides = array<i32>} : memref<16x768xf32, #tpu.memory_space<vmem>>, vector<16xf32>,
        %get3A_825 = arith.index_cast %scan3A_784 : i32 to index
        %get3A_826 = arith.index_cast %scan3A_783 : i32 to index
        %get3A_827 = arith.constant 16 : index
        %get3A_828 = tpu.vector_load %arg10[%get3A_825, %get3A_826, %get3A_827] {strides = array<i32>} : memref<2x16x384xi32, #tpu.memory_space<vmem>>, vector<16xi32>,
        %get3A_829 = arith.constant 0 : i32
        %get3A_830 = arith.constant 0 : i32
        %get3A_831 = tpu.memref_slice %arg14[%scan3A_87, %get3A_829, %get3A_830] : memref<2x16x768xf32, #tpu.memory_space<vmem>> -> memref<1x16x768xf32, #tpu.memory_space<vmem>>
        %get3A_832 = tpu.memref_squeeze %get3A_831 : memref<1x16x768xf32, #tpu.memory_space<vmem>> -> memref<16x768xf32, #tpu.memory_space<vmem>>
        %get3A_833 = arith.index_cast %scan3A_783 : i32 to index
        %get3A_834 = arith.constant 64 : index
        %get3A_835 = tpu.vector_load %get3A_832[%get3A_833, %get3A_834] {strides = array<i32>} : memref<16x768xf32, #tpu.memory_space<vmem>>, vector<16xf32>,
        %get3A_836 = arith.constant 0 : i32
        %get3A_837 = arith.constant 0 : i32
        %get3A_838 = tpu.memref_slice %arg14[%scan3A_87, %get3A_836, %get3A_837] : memref<2x16x768xf32, #tpu.memory_space<vmem>> -> memref<1x16x768xf32, #tpu.memory_space<vmem>>
        %get3A_839 = tpu.memref_squeeze %get3A_838 : memref<1x16x768xf32, #tpu.memory_space<vmem>> -> memref<16x768xf32, #tpu.memory_space<vmem>>
        %get3A_840 = arith.index_cast %scan3A_783 : i32 to index
        %get3A_841 = arith.constant 80 : index
        %get3A_842 = tpu.vector_load %get3A_839[%get3A_840, %get3A_841] {strides = array<i32>} : memref<16x768xf32, #tpu.memory_space<vmem>>, vector<16xf32>,
        %get3A_843 = arith.index_cast %scan3A_784 : i32 to index
        %get3A_844 = arith.index_cast %scan3A_783 : i32 to index
        %get3A_845 = arith.constant 32 : index
        %get3A_846 = tpu.vector_load %arg10[%get3A_843, %get3A_844, %get3A_845] {strides = array<i32>} : memref<2x16x384xi32, #tpu.memory_space<vmem>>, vector<16xi32>,
        %bitcast3A_847 = vector.bitcast %get3A_810 : vector<16xi32> to vector<32xbf16>
        %unpack3A = tpu.unpack_subelements %bitcast3A_847, 0 {pack_format = #tpu.pack_format<interleaved>} : vector<32xbf16> -> vector<16xf32>
        %unpack3A_848 = tpu.unpack_subelements %bitcast3A_847, 1 {pack_format = #tpu.pack_format<interleaved>} : vector<32xbf16> -> vector<16xf32>
        %add3A_849 = arith.addf %get3A_799, %unpack3A : vector<16xf32>
        %add3A_850 = arith.addf %get3A_806, %unpack3A_848 : vector<16xf32>
        %swap3A = arith.constant 0 : i32
        %swap3A_851 = arith.constant 0 : i32
        %swap3A_852 = tpu.memref_slice %arg15[%scan3A_88, %swap3A, %swap3A_851] : memref<2x16x768xf32, #tpu.memory_space<vmem>> -> memref<1x16x768xf32, #tpu.memory_space<vmem>>
        %swap3A_853 = tpu.memref_squeeze %swap3A_852 : memref<1x16x768xf32, #tpu.memory_space<vmem>> -> memref<16x768xf32, #tpu.memory_space<vmem>>
        %swap3A_854 = arith.index_cast %scan3A_783 : i32 to index
        %swap3A_855 = arith.constant 0 : index
        %swap3A_856 = tpu.vector_load %swap3A_853[%swap3A_854, %swap3A_855] {strides = array<i32>} : memref<16x768xf32, #tpu.memory_space<vmem>>, vector<16xf32>,
        tpu.vector_store %swap3A_853[%swap3A_854, %swap3A_855], %add3A_849 {strides = array<i32>} : memref<16x768xf32, #tpu.memory_space<vmem>>, vector<16xf32>,
        %swap3A_857 = arith.constant 0 : i32
        %swap3A_858 = arith.constant 0 : i32
        %swap3A_859 = tpu.memref_slice %arg15[%scan3A_88, %swap3A_857, %swap3A_858] : memref<2x16x768xf32, #tpu.memory_space<vmem>> -> memref<1x16x768xf32, #tpu.memory_space<vmem>>
        %swap3A_860 = tpu.memref_squeeze %swap3A_859 : memref<1x16x768xf32, #tpu.memory_space<vmem>> -> memref<16x768xf32, #tpu.memory_space<vmem>>
        %swap3A_861 = arith.index_cast %scan3A_783 : i32 to index
        %swap3A_862 = arith.constant 16 : index
        %swap3A_863 = tpu.vector_load %swap3A_860[%swap3A_861, %swap3A_862] {strides = array<i32>} : memref<16x768xf32, #tpu.memory_space<vmem>>, vector<16xf32>,
        tpu.vector_store %swap3A_860[%swap3A_861, %swap3A_862], %add3A_850 {strides = array<i32>} : memref<16x768xf32, #tpu.memory_space<vmem>>, vector<16xf32>,
        %add3A_864 = arith.addf %broadcast_in_dim3A_6, %add3A_849 : vector<16xf32>
        %mul3A_865 = arith.mulf %add3A_849, %add3A_849 : vector<16xf32>
        %add3A_866 = arith.addf %broadcast_in_dim3A_6, %mul3A_865 : vector<16xf32>
        %add3A_867 = arith.addf %broadcast_in_dim3A_6, %add3A_850 : vector<16xf32>
        %mul3A_868 = arith.mulf %add3A_850, %add3A_850 : vector<16xf32>
        %add3A_869 = arith.addf %broadcast_in_dim3A_6, %mul3A_868 : vector<16xf32>
        %get3A_870 = arith.constant 0 : i32
        %get3A_871 = arith.constant 0 : i32
        %get3A_872 = tpu.memref_slice %arg14[%scan3A_87, %get3A_870, %get3A_871] : memref<2x16x768xf32, #tpu.memory_space<vmem>> -> memref<1x16x768xf32, #tpu.memory_space<vmem>>
        %get3A_873 = tpu.memref_squeeze %get3A_872 : memref<1x16x768xf32, #tpu.memory_space<vmem>> -> memref<16x768xf32, #tpu.memory_space<vmem>>
        %get3A_874 = arith.index_cast %scan3A_783 : i32 to index
        %get3A_875 = arith.constant 96 : index
        %get3A_876 = tpu.vector_load %get3A_873[%get3A_874, %get3A_875] {strides = array<i32>} : memref<16x768xf32, #tpu.memory_space<vmem>>, vector<16xf32>,
        %get3A_877 = arith.constant 0 : i32
        %get3A_878 = arith.constant 0 : i32
        %get3A_879 = tpu.memref_slice %arg14[%scan3A_87, %get3A_877, %get3A_878] : memref<2x16x768xf32, #tpu.memory_space<vmem>> -> memref<1x16x768xf32, #tpu.memory_space<vmem>>
        %get3A_880 = tpu.memref_squeeze %get3A_879 : memref<1x16x768xf32, #tpu.memory_space<vmem>> -> memref<16x768xf32, #tpu.memory_space<vmem>>
        %get3A_881 = arith.index_cast %scan3A_783 : i32 to index
        %get3A_882 = arith.constant 112 : index
        %get3A_883 = tpu.vector_load %get3A_880[%get3A_881, %get3A_882] {strides = array<i32>} : memref<16x768xf32, #tpu.memory_space<vmem>>, vector<16xf32>,
        %get3A_884 = arith.index_cast %scan3A_784 : i32 to index
        %get3A_885 = arith.index_cast %scan3A_783 : i32 to index
        %get3A_886 = arith.constant 48 : index
        %get3A_887 = tpu.vector_load %arg10[%get3A_884, %get3A_885, %get3A_886] {strides = array<i32>} : memref<2x16x384xi32, #tpu.memory_space<vmem>>, vector<16xi32>,
        %bitcast3A_888 = vector.bitcast %get3A_828 : vector<16xi32> to vector<32xbf16>
        %unpack3A_889 = tpu.unpack_subelements %bitcast3A_888, 0 {pack_format = #tpu.pack_format<interleaved>} : vector<32xbf16> -> vector<16xf32>
        %unpack3A_890 = tpu.unpack_subelements %bitcast3A_888, 1 {pack_format = #tpu.pack_format<interleaved>} : vector<32xbf16> -> vector<16xf32>
        %add3A_891 = arith.addf %get3A_817, %unpack3A_889 : vector<16xf32>
        %add3A_892 = arith.addf %get3A_824, %unpack3A_890 : vector<16xf32>
        %swap3A_893 = arith.constant 0 : i32
        %swap3A_894 = arith.constant 0 : i32
        %swap3A_895 = tpu.memref_slice %arg15[%scan3A_88, %swap3A_893, %swap3A_894] : memref<2x16x768xf32, #tpu.memory_space<vmem>> -> memref<1x16x768xf32, #tpu.memory_space<vmem>>
        %swap3A_896 = tpu.memref_squeeze %swap3A_895 : memref<1x16x768xf32, #tpu.memory_space<vmem>> -> memref<16x768xf32, #tpu.memory_space<vmem>>
        %swap3A_897 = arith.index_cast %scan3A_783 : i32 to index
        %swap3A_898 = arith.constant 32 : index
        %swap3A_899 = tpu.vector_load %swap3A_896[%swap3A_897, %swap3A_898] {strides = array<i32>} : memref<16x768xf32, #tpu.memory_space<vmem>>, vector<16xf32>,
        tpu.vector_store %swap3A_896[%swap3A_897, %swap3A_898], %add3A_891 {strides = array<i32>} : memref<16x768xf32, #tpu.memory_space<vmem>>, vector<16xf32>,
        %swap3A_900 = arith.constant 0 : i32
        %swap3A_901 = arith.constant 0 : i32
        %swap3A_902 = tpu.memref_slice %arg15[%scan3A_88, %swap3A_900, %swap3A_901] : memref<2x16x768xf32, #tpu.memory_space<vmem>> -> memref<1x16x768xf32, #tpu.memory_space<vmem>>
        %swap3A_903 = tpu.memref_squeeze %swap3A_902 : memref<1x16x768xf32, #tpu.memory_space<vmem>> -> memref<16x768xf32, #tpu.memory_space<vmem>>
        %swap3A_904 = arith.index_cast %scan3A_783 : i32 to index
        %swap3A_905 = arith.constant 48 : index
        %swap3A_906 = tpu.vector_load %swap3A_903[%swap3A_904, %swap3A_905] {strides = array<i32>} : memref<16x768xf32, #tpu.memory_space<vmem>>, vector<16xf32>,
        tpu.vector_store %swap3A_903[%swap3A_904, %swap3A_905], %add3A_892 {strides = array<i32>} : memref<16x768xf32, #tpu.memory_space<vmem>>, vector<16xf32>,
        %add3A_907 = arith.addf %broadcast_in_dim3A_6, %add3A_891 : vector<16xf32>
        %mul3A_908 = arith.mulf %add3A_891, %add3A_891 : vector<16xf32>
        %add3A_909 = arith.addf %broadcast_in_dim3A_6, %mul3A_908 : vector<16xf32>
        %add3A_910 = arith.addf %broadcast_in_dim3A_6, %add3A_892 : vector<16xf32>
        %mul3A_911 = arith.mulf %add3A_892, %add3A_892 : vector<16xf32>
        %add3A_912 = arith.addf %broadcast_in_dim3A_6, %mul3A_911 : vector<16xf32>
        %get3A_913 = arith.constant 0 : i32
        %get3A_914 = arith.constant 0 : i32
        %get3A_915 = tpu.memref_slice %arg14[%scan3A_87, %get3A_913, %get3A_914] : memref<2x16x768xf32, #tpu.memory_space<vmem>> -> memref<1x16x768xf32, #tpu.memory_space<vmem>>
        %get3A_916 = tpu.memref_squeeze %get3A_915 : memref<1x16x768xf32, #tpu.memory_space<vmem>> -> memref<16x768xf32, #tpu.memory_space<vmem>>
        %get3A_917 = arith.index_cast %scan3A_783 : i32 to index
        %get3A_918 = arith.constant 128 : index
        %get3A_919 = tpu.vector_load %get3A_916[%get3A_917, %get3A_918] {strides = array<i32>} : memref<16x768xf32, #tpu.memory_space<vmem>>, vector<16xf32>,
        %get3A_920 = arith.constant 0 : i32
        %get3A_921 = arith.constant 0 : i32
        %get3A_922 = tpu.memref_slice %arg14[%scan3A_87, %get3A_920, %get3A_921] : memref<2x16x768xf32, #tpu.memory_space<vmem>> -> memref<1x16x768xf32, #tpu.memory_space<vmem>>
        %get3A_923 = tpu.memref_squeeze %get3A_922 : memref<1x16x768xf32, #tpu.memory_space<vmem>> -> memref<16x768xf32, #tpu.memory_space<vmem>>
        %get3A_924 = arith.index_cast %scan3A_783 : i32 to index
        %get3A_925 = arith.constant 144 : index
        %get3A_926 = tpu.vector_load %get3A_923[%get3A_924, %get3A_925] {strides = array<i32>} : memref<16x768xf32, #tpu.memory_space<vmem>>, vector<16xf32>,
        %get3A_927 = arith.index_cast %scan3A_784 : i32 to index
        %get3A_928 = arith.index_cast %scan3A_783 : i32 to index
        %get3A_929 = arith.constant 64 : index
        %get3A_930 = tpu.vector_load %arg10[%get3A_927, %get3A_928, %get3A_929] {strides = array<i32>} : memref<2x16x384xi32, #tpu.memory_space<vmem>>, vector<16xi32>,
        %bitcast3A_931 = vector.bitcast %get3A_846 : vector<16xi32> to vector<32xbf16>
        %unpack3A_932 = tpu.unpack_subelements %bitcast3A_931, 0 {pack_format = #tpu.pack_format<interleaved>} : vector<32xbf16> -> vector<16xf32>
        %unpack3A_933 = tpu.unpack_subelements %bitcast3A_931, 1 {pack_format = #tpu.pack_format<interleaved>} : vector<32xbf16> -> vector<16xf32>
        %add3A_934 = arith.addf %get3A_835, %unpack3A_932 : vector<16xf32>
        %add3A_935 = arith.addf %get3A_842, %unpack3A_933 : vector<16xf32>
        %swap3A_936 = arith.constant 0 : i32
        %swap3A_937 = arith.constant 0 : i32
        %swap3A_938 = tpu.memref_slice %arg15[%scan3A_88, %swap3A_936, %swap3A_937] : memref<2x16x768xf32, #tpu.memory_space<vmem>> -> memref<1x16x768xf32, #tpu.memory_space<vmem>>
        %swap3A_939 = tpu.memref_squeeze %swap3A_938 : memref<1x16x768xf32, #tpu.memory_space<vmem>> -> memref<16x768xf32, #tpu.memory_space<vmem>>
        %swap3A_940 = arith.index_cast %scan3A_783 : i32 to index
        %swap3A_941 = arith.constant 64 : index
        %swap3A_942 = tpu.vector_load %swap3A_939[%swap3A_940, %swap3A_941] {strides = array<i32>} : memref<16x768xf32, #tpu.memory_space<vmem>>, vector<16xf32>,
        tpu.vector_store %swap3A_939[%swap3A_940, %swap3A_941], %add3A_934 {strides = array<i32>} : memref<16x768xf32, #tpu.memory_space<vmem>>, vector<16xf32>,
        %swap3A_943 = arith.constant 0 : i32
        %swap3A_944 = arith.constant 0 : i32
        %swap3A_945 = tpu.memref_slice %arg15[%scan3A_88, %swap3A_943, %swap3A_944] : memref<2x16x768xf32, #tpu.memory_space<vmem>> -> memref<1x16x768xf32, #tpu.memory_space<vmem>>
        %swap3A_946 = tpu.memref_squeeze %swap3A_945 : memref<1x16x768xf32, #tpu.memory_space<vmem>> -> memref<16x768xf32, #tpu.memory_space<vmem>>
        %swap3A_947 = arith.index_cast %scan3A_783 : i32 to index
        %swap3A_948 = arith.constant 80 : index
        %swap3A_949 = tpu.vector_load %swap3A_946[%swap3A_947, %swap3A_948] {strides = array<i32>} : memref<16x768xf32, #tpu.memory_space<vmem>>, vector<16xf32>,
        tpu.vector_store %swap3A_946[%swap3A_947, %swap3A_948], %add3A_935 {strides = array<i32>} : memref<16x768xf32, #tpu.memory_space<vmem>>, vector<16xf32>,
        %add3A_950 = arith.addf %add3A_864, %add3A_934 : vector<16xf32>
        %mul3A_951 = arith.mulf %add3A_934, %add3A_934 : vector<16xf32>
        %add3A_952 = arith.addf %add3A_866, %mul3A_951 : vector<16xf32>
        %add3A_953 = arith.addf %add3A_867, %add3A_935 : vector<16xf32>
        %mul3A_954 = arith.mulf %add3A_935, %add3A_935 : vector<16xf32>
        %add3A_955 = arith.addf %add3A_869, %mul3A_954 : vector<16xf32>
        %get3A_956 = arith.constant 0 : i32
        %get3A_957 = arith.constant 0 : i32
        %get3A_958 = tpu.memref_slice %arg14[%scan3A_87, %get3A_956, %get3A_957] : memref<2x16x768xf32, #tpu.memory_space<vmem>> -> memref<1x16x768xf32, #tpu.memory_space<vmem>>
        %get3A_959 = tpu.memref_squeeze %get3A_958 : memref<1x16x768xf32, #tpu.memory_space<vmem>> -> memref<16x768xf32, #tpu.memory_space<vmem>>
        %get3A_960 = arith.index_cast %scan3A_783 : i32 to index
        %get3A_961 = arith.constant 160 : index
        %get3A_962 = tpu.vector_load %get3A_959[%get3A_960, %get3A_961] {strides = array<i32>} : memref<16x768xf32, #tpu.memory_space<vmem>>, vector<16xf32>,
        %get3A_963 = arith.constant 0 : i32
        %get3A_964 = arith.constant 0 : i32
        %get3A_965 = tpu.memref_slice %arg14[%scan3A_87, %get3A_963, %get3A_964] : memref<2x16x768xf32, #tpu.memory_space<vmem>> -> memref<1x16x768xf32, #tpu.memory_space<vmem>>
        %get3A_966 = tpu.memref_squeeze %get3A_965 : memref<1x16x768xf32, #tpu.memory_space<vmem>> -> memref<16x768xf32, #tpu.memory_space<vmem>>
        %get3A_967 = arith.index_cast %scan3A_783 : i32 to index
        %get3A_968 = arith.constant 176 : index
        %get3A_969 = tpu.vector_load %get3A_966[%get3A_967, %get3A_968] {strides = array<i32>} : memref<16x768xf32, #tpu.memory_space<vmem>>, vector<16xf32>,
        %get3A_970 = arith.index_cast %scan3A_784 : i32 to index
        %get3A_971 = arith.index_cast %scan3A_783 : i32 to index
        %get3A_972 = arith.constant 80 : index
        %get3A_973 = tpu.vector_load %arg10[%get3A_970, %get3A_971, %get3A_972] {strides = array<i32>} : memref<2x16x384xi32, #tpu.memory_space<vmem>>, vector<16xi32>,
        %bitcast3A_974 = vector.bitcast %get3A_887 : vector<16xi32> to vector<32xbf16>
        %unpack3A_975 = tpu.unpack_subelements %bitcast3A_974, 0 {pack_format = #tpu.pack_format<interleaved>} : vector<32xbf16> -> vector<16xf32>
        %unpack3A_976 = tpu.unpack_subelements %bitcast3A_974, 1 {pack_format = #tpu.pack_format<interleaved>} : vector<32xbf16> -> vector<16xf32>
        %add3A_977 = arith.addf %get3A_876, %unpack3A_975 : vector<16xf32>
        %add3A_978 = arith.addf %get3A_883, %unpack3A_976 : vector<16xf32>
        %swap3A_979 = arith.constant 0 : i32
        %swap3A_980 = arith.constant 0 : i32
        %swap3A_981 = tpu.memref_slice %arg15[%scan3A_88, %swap3A_979, %swap3A_980] : memref<2x16x768xf32, #tpu.memory_space<vmem>> -> memref<1x16x768xf32, #tpu.memory_space<vmem>>
        %swap3A_982 = tpu.memref_squeeze %swap3A_981 : memref<1x16x768xf32, #tpu.memory_space<vmem>> -> memref<16x768xf32, #tpu.memory_space<vmem>>
        %swap3A_983 = arith.index_cast %scan3A_783 : i32 to index
        %swap3A_984 = arith.constant 96 : index
        %swap3A_985 = tpu.vector_load %swap3A_982[%swap3A_983, %swap3A_984] {strides = array<i32>} : memref<16x768xf32, #tpu.memory_space<vmem>>, vector<16xf32>,
        tpu.vector_store %swap3A_982[%swap3A_983, %swap3A_984], %add3A_977 {strides = array<i32>} : memref<16x768xf32, #tpu.memory_space<vmem>>, vector<16xf32>,
        %swap3A_986 = arith.constant 0 : i32
        %swap3A_987 = arith.constant 0 : i32
        %swap3A_988 = tpu.memref_slice %arg15[%scan3A_88, %swap3A_986, %swap3A_987] : memref<2x16x768xf32, #tpu.memory_space<vmem>> -> memref<1x16x768xf32, #tpu.memory_space<vmem>>
        %swap3A_989 = tpu.memref_squeeze %swap3A_988 : memref<1x16x768xf32, #tpu.memory_space<vmem>> -> memref<16x768xf32, #tpu.memory_space<vmem>>
        %swap3A_990 = arith.index_cast %scan3A_783 : i32 to index
        %swap3A_991 = arith.constant 112 : index
        %swap3A_992 = tpu.vector_load %swap3A_989[%swap3A_990, %swap3A_991] {strides = array<i32>} : memref<16x768xf32, #tpu.memory_space<vmem>>, vector<16xf32>,
        tpu.vector_store %swap3A_989[%swap3A_990, %swap3A_991], %add3A_978 {strides = array<i32>} : memref<16x768xf32, #tpu.memory_space<vmem>>, vector<16xf32>,
        %add3A_993 = arith.addf %add3A_907, %add3A_977 : vector<16xf32>
        %mul3A_994 = arith.mulf %add3A_977, %add3A_977 : vector<16xf32>
        %add3A_995 = arith.addf %add3A_909, %mul3A_994 : vector<16xf32>
        %add3A_996 = arith.addf %add3A_910, %add3A_978 : vector<16xf32>
        %mul3A_997 = arith.mulf %add3A_978, %add3A_978 : vector<16xf32>
        %add3A_998 = arith.addf %add3A_912, %mul3A_997 : vector<16xf32>
        %get3A_999 = arith.constant 0 : i32
        %get3A_1000 = arith.constant 0 : i32
        %get3A_1001 = tpu.memref_slice %arg14[%scan3A_87, %get3A_999, %get3A_1000] : memref<2x16x768xf32, #tpu.memory_space<vmem>> -> memref<1x16x768xf32, #tpu.memory_space<vmem>>
        %get3A_1002 = tpu.memref_squeeze %get3A_1001 : memref<1x16x768xf32, #tpu.memory_space<vmem>> -> memref<16x768xf32, #tpu.memory_space<vmem>>
        %get3A_1003 = arith.index_cast %scan3A_783 : i32 to index
        %get3A_1004 = arith.constant 192 : index
        %get3A_1005 = tpu.vector_load %get3A_1002[%get3A_1003, %get3A_1004] {strides = array<i32>} : memref<16x768xf32, #tpu.memory_space<vmem>>, vector<16xf32>,
        %get3A_1006 = arith.constant 0 : i32
        %get3A_1007 = arith.constant 0 : i32
        %get3A_1008 = tpu.memref_slice %arg14[%scan3A_87, %get3A_1006, %get3A_1007] : memref<2x16x768xf32, #tpu.memory_space<vmem>> -> memref<1x16x768xf32, #tpu.memory_space<vmem>>
        %get3A_1009 = tpu.memref_squeeze %get3A_1008 : memref<1x16x768xf32, #tpu.memory_space<vmem>> -> memref<16x768xf32, #tpu.memory_space<vmem>>
        %get3A_1010 = arith.index_cast %scan3A_783 : i32 to index
        %get3A_1011 = arith.constant 208 : index
        %get3A_1012 = tpu.vector_load %get3A_1009[%get3A_1010, %get3A_1011] {strides = array<i32>} : memref<16x768xf32, #tpu.memory_space<vmem>>, vector<16xf32>,
        %get3A_1013 = arith.index_cast %scan3A_784 : i32 to index
        %get3A_1014 = arith.index_cast %scan3A_783 : i32 to index
        %get3A_1015 = arith.constant 96 : index
        %get3A_1016 = tpu.vector_load %arg10[%get3A_1013, %get3A_1014, %get3A_1015] {strides = array<i32>} : memref<2x16x384xi32, #tpu.memory_space<vmem>>, vector<16xi32>,
        %bitcast3A_1017 = vector.bitcast %get3A_930 : vector<16xi32> to vector<32xbf16>
        %unpack3A_1018 = tpu.unpack_subelements %bitcast3A_1017, 0 {pack_format = #tpu.pack_format<interleaved>} : vector<32xbf16> -> vector<16xf32>
        %unpack3A_1019 = tpu.unpack_subelements %bitcast3A_1017, 1 {pack_format = #tpu.pack_format<interleaved>} : vector<32xbf16> -> vector<16xf32>
        %add3A_1020 = arith.addf %get3A_919, %unpack3A_1018 : vector<16xf32>
        %add3A_1021 = arith.addf %get3A_926, %unpack3A_1019 : vector<16xf32>
        %swap3A_1022 = arith.constant 0 : i32
        %swap3A_1023 = arith.constant 0 : i32
        %swap3A_1024 = tpu.memref_slice %arg15[%scan3A_88, %swap3A_1022, %swap3A_1023] : memref<2x16x768xf32, #tpu.memory_space<vmem>> -> memref<1x16x768xf32, #tpu.memory_space<vmem>>
        %swap3A_1025 = tpu.memref_squeeze %swap3A_1024 : memref<1x16x768xf32, #tpu.memory_space<vmem>> -> memref<16x768xf32, #tpu.memory_space<vmem>>
        %swap3A_1026 = arith.index_cast %scan3A_783 : i32 to index
        %swap3A_1027 = arith.constant 128 : index
        %swap3A_1028 = tpu.vector_load %swap3A_1025[%swap3A_1026, %swap3A_1027] {strides = array<i32>} : memref<16x768xf32, #tpu.memory_space<vmem>>, vector<16xf32>,
        tpu.vector_store %swap3A_1025[%swap3A_1026, %swap3A_1027], %add3A_1020 {strides = array<i32>} : memref<16x768xf32, #tpu.memory_space<vmem>>, vector<16xf32>,
        %swap3A_1029 = arith.constant 0 : i32
        %swap3A_1030 = arith.constant 0 : i32
        %swap3A_1031 = tpu.memref_slice %arg15[%scan3A_88, %swap3A_1029, %swap3A_1030] : memref<2x16x768xf32, #tpu.memory_space<vmem>> -> memref<1x16x768xf32, #tpu.memory_space<vmem>>
        %swap3A_1032 = tpu.memref_squeeze %swap3A_1031 : memref<1x16x768xf32, #tpu.memory_space<vmem>> -> memref<16x768xf32, #tpu.memory_space<vmem>>
        %swap3A_1033 = arith.index_cast %scan3A_783 : i32 to index
        %swap3A_1034 = arith.constant 144 : index
        %swap3A_1035 = tpu.vector_load %swap3A_1032[%swap3A_1033, %swap3A_1034] {strides = array<i32>} : memref<16x768xf32, #tpu.memory_space<vmem>>, vector<16xf32>,
        tpu.vector_store %swap3A_1032[%swap3A_1033, %swap3A_1034], %add3A_1021 {strides = array<i32>} : memref<16x768xf32, #tpu.memory_space<vmem>>, vector<16xf32>,
        %add3A_1036 = arith.addf %add3A_950, %add3A_1020 : vector<16xf32>
        %mul3A_1037 = arith.mulf %add3A_1020, %add3A_1020 : vector<16xf32>
        %add3A_1038 = arith.addf %add3A_952, %mul3A_1037 : vector<16xf32>
        %add3A_1039 = arith.addf %add3A_953, %add3A_1021 : vector<16xf32>
        %mul3A_1040 = arith.mulf %add3A_1021, %add3A_1021 : vector<16xf32>
        %add3A_1041 = arith.addf %add3A_955, %mul3A_1040 : vector<16xf32>
        %get3A_1042 = arith.constant 0 : i32
        %get3A_1043 = arith.constant 0 : i32
        %get3A_1044 = tpu.memref_slice %arg14[%scan3A_87, %get3A_1042, %get3A_1043] : memref<2x16x768xf32, #tpu.memory_space<vmem>> -> memref<1x16x768xf32, #tpu.memory_space<vmem>>
        %get3A_1045 = tpu.memref_squeeze %get3A_1044 : memref<1x16x768xf32, #tpu.memory_space<vmem>> -> memref<16x768xf32, #tpu.memory_space<vmem>>
        %get3A_1046 = arith.index_cast %scan3A_783 : i32 to index
        %get3A_1047 = arith.constant 224 : index
        %get3A_1048 = tpu.vector_load %get3A_1045[%get3A_1046, %get3A_1047] {strides = array<i32>} : memref<16x768xf32, #tpu.memory_space<vmem>>, vector<16xf32>,
        %get3A_1049 = arith.constant 0 : i32
        %get3A_1050 = arith.constant 0 : i32
        %get3A_1051 = tpu.memref_slice %arg14[%scan3A_87, %get3A_1049, %get3A_1050] : memref<2x16x768xf32, #tpu.memory_space<vmem>> -> memref<1x16x768xf32, #tpu.memory_space<vmem>>
        %get3A_1052 = tpu.memref_squeeze %get3A_1051 : memref<1x16x768xf32, #tpu.memory_space<vmem>> -> memref<16x768xf32, #tpu.memory_space<vmem>>
        %get3A_1053 = arith.index_cast %scan3A_783 : i32 to index
        %get3A_1054 = arith.constant 240 : index
        %get3A_1055 = tpu.vector_load %get3A_1052[%get3A_1053, %get3A_1054] {strides = array<i32>} : memref<16x768xf32, #tpu.memory_space<vmem>>, vector<16xf32>,
        %get3A_1056 = arith.index_cast %scan3A_784 : i32 to index
        %get3A_1057 = arith.index_cast %scan3A_783 : i32 to index
        %get3A_1058 = arith.constant 112 : index
        %get3A_1059 = tpu.vector_load %arg10[%get3A_1056, %get3A_1057, %get3A_1058] {strides = array<i32>} : memref<2x16x384xi32, #tpu.memory_space<vmem>>, vector<16xi32>,
        %bitcast3A_1060 = vector.bitcast %get3A_973 : vector<16xi32> to vector<32xbf16>
        %unpack3A_1061 = tpu.unpack_subelements %bitcast3A_1060, 0 {pack_format = #tpu.pack_format<interleaved>} : vector<32xbf16> -> vector<16xf32>
        %unpack3A_1062 = tpu.unpack_subelements %bitcast3A_1060, 1 {pack_format = #tpu.pack_format<interleaved>} : vector<32xbf16> -> vector<16xf32>
        %add3A_1063 = arith.addf %get3A_962, %unpack3A_1061 : vector<16xf32>
        %add3A_1064 = arith.addf %get3A_969, %unpack3A_1062 : vector<16xf32>
        %swap3A_1065 = arith.constant 0 : i32
        %swap3A_1066 = arith.constant 0 : i32
        %swap3A_1067 = tpu.memref_slice %arg15[%scan3A_88, %swap3A_1065, %swap3A_1066] : memref<2x16x768xf32, #tpu.memory_space<vmem>> -> memref<1x16x768xf32, #tpu.memory_space<vmem>>
        %swap3A_1068 = tpu.memref_squeeze %swap3A_1067 : memref<1x16x768xf32, #tpu.memory_space<vmem>> -> memref<16x768xf32, #tpu.memory_space<vmem>>
        %swap3A_1069 = arith.index_cast %scan3A_783 : i32 to index
        %swap3A_1070 = arith.constant 160 : index
        %swap3A_1071 = tpu.vector_load %swap3A_1068[%swap3A_1069, %swap3A_1070] {strides = array<i32>} : memref<16x768xf32, #tpu.memory_space<vmem>>, vector<16xf32>,
        tpu.vector_store %swap3A_1068[%swap3A_1069, %swap3A_1070], %add3A_1063 {strides = array<i32>} : memref<16x768xf32, #tpu.memory_space<vmem>>, vector<16xf32>,
        %swap3A_1072 = arith.constant 0 : i32
        %swap3A_1073 = arith.constant 0 : i32
        %swap3A_1074 = tpu.memref_slice %arg15[%scan3A_88, %swap3A_1072, %swap3A_1073] : memref<2x16x768xf32, #tpu.memory_space<vmem>> -> memref<1x16x768xf32, #tpu.memory_space<vmem>>
        %swap3A_1075 = tpu.memref_squeeze %swap3A_1074 : memref<1x16x768xf32, #tpu.memory_space<vmem>> -> memref<16x768xf32, #tpu.memory_space<vmem>>
        %swap3A_1076 = arith.index_cast %scan3A_783 : i32 to index
        %swap3A_1077 = arith.constant 176 : index
        %swap3A_1078 = tpu.vector_load %swap3A_1075[%swap3A_1076, %swap3A_1077] {strides = array<i32>} : memref<16x768xf32, #tpu.memory_space<vmem>>, vector<16xf32>,
        tpu.vector_store %swap3A_1075[%swap3A_1076, %swap3A_1077], %add3A_1064 {strides = array<i32>} : memref<16x768xf32, #tpu.memory_space<vmem>>, vector<16xf32>,
        %add3A_1079 = arith.addf %add3A_993, %add3A_1063 : vector<16xf32>
        %mul3A_1080 = arith.mulf %add3A_1063, %add3A_1063 : vector<16xf32>
        %add3A_1081 = arith.addf %add3A_995, %mul3A_1080 : vector<16xf32>
        %add3A_1082 = arith.addf %add3A_996, %add3A_1064 : vector<16xf32>
        %mul3A_1083 = arith.mulf %add3A_1064, %add3A_1064 : vector<16xf32>
        %add3A_1084 = arith.addf %add3A_998, %mul3A_1083 : vector<16xf32>
        %get3A_1085 = arith.constant 0 : i32
        %get3A_1086 = arith.constant 0 : i32
        %get3A_1087 = tpu.memref_slice %arg14[%scan3A_87, %get3A_1085, %get3A_1086] : memref<2x16x768xf32, #tpu.memory_space<vmem>> -> memref<1x16x768xf32, #tpu.memory_space<vmem>>
        %get3A_1088 = tpu.memref_squeeze %get3A_1087 : memref<1x16x768xf32, #tpu.memory_space<vmem>> -> memref<16x768xf32, #tpu.memory_space<vmem>>
        %get3A_1089 = arith.index_cast %scan3A_783 : i32 to index
        %get3A_1090 = arith.constant 256 : index
        %get3A_1091 = tpu.vector_load %get3A_1088[%get3A_1089, %get3A_1090] {strides = array<i32>} : memref<16x768xf32, #tpu.memory_space<vmem>>, vector<16xf32>,
        %get3A_1092 = arith.constant 0 : i32
        %get3A_1093 = arith.constant 0 : i32
        %get3A_1094 = tpu.memref_slice %arg14[%scan3A_87, %get3A_1092, %get3A_1093] : memref<2x16x768xf32, #tpu.memory_space<vmem>> -> memref<1x16x768xf32, #tpu.memory_space<vmem>>
        %get3A_1095 = tpu.memref_squeeze %get3A_1094 : memref<1x16x768xf32, #tpu.memory_space<vmem>> -> memref<16x768xf32, #tpu.memory_space<vmem>>
        %get3A_1096 = arith.index_cast %scan3A_783 : i32 to index
        %get3A_1097 = arith.constant 272 : index
        %get3A_1098 = tpu.vector_load %get3A_1095[%get3A_1096, %get3A_1097] {strides = array<i32>} : memref<16x768xf32, #tpu.memory_space<vmem>>, vector<16xf32>,
        %get3A_1099 = arith.index_cast %scan3A_784 : i32 to index
        %get3A_1100 = arith.index_cast %scan3A_783 : i32 to index
        %get3A_1101 = arith.constant 128 : index
        %get3A_1102 = tpu.vector_load %arg10[%get3A_1099, %get3A_1100, %get3A_1101] {strides = array<i32>} : memref<2x16x384xi32, #tpu.memory_space<vmem>>, vector<16xi32>,
        %bitcast3A_1103 = vector.bitcast %get3A_1016 : vector<16xi32> to vector<32xbf16>
        %unpack3A_1104 = tpu.unpack_subelements %bitcast3A_1103, 0 {pack_format = #tpu.pack_format<interleaved>} : vector<32xbf16> -> vector<16xf32>
        %unpack3A_1105 = tpu.unpack_subelements %bitcast3A_1103, 1 {pack_format = #tpu.pack_format<interleaved>} : vector<32xbf16> -> vector<16xf32>
        %add3A_1106 = arith.addf %get3A_1005, %unpack3A_1104 : vector<16xf32>
        %add3A_1107 = arith.addf %get3A_1012, %unpack3A_1105 : vector<16xf32>
        %swap3A_1108 = arith.constant 0 : i32
        %swap3A_1109 = arith.constant 0 : i32
        %swap3A_1110 = tpu.memref_slice %arg15[%scan3A_88, %swap3A_1108, %swap3A_1109] : memref<2x16x768xf32, #tpu.memory_space<vmem>> -> memref<1x16x768xf32, #tpu.memory_space<vmem>>
        %swap3A_1111 = tpu.memref_squeeze %swap3A_1110 : memref<1x16x768xf32, #tpu.memory_space<vmem>> -> memref<16x768xf32, #tpu.memory_space<vmem>>
        %swap3A_1112 = arith.index_cast %scan3A_783 : i32 to index
        %swap3A_1113 = arith.constant 192 : index
        %swap3A_1114 = tpu.vector_load %swap3A_1111[%swap3A_1112, %swap3A_1113] {strides = array<i32>} : memref<16x768xf32, #tpu.memory_space<vmem>>, vector<16xf32>,
        tpu.vector_store %swap3A_1111[%swap3A_1112, %swap3A_1113], %add3A_1106 {strides = array<i32>} : memref<16x768xf32, #tpu.memory_space<vmem>>, vector<16xf32>,
        %swap3A_1115 = arith.constant 0 : i32
        %swap3A_1116 = arith.constant 0 : i32
        %swap3A_1117 = tpu.memref_slice %arg15[%scan3A_88, %swap3A_1115, %swap3A_1116] : memref<2x16x768xf32, #tpu.memory_space<vmem>> -> memref<1x16x768xf32, #tpu.memory_space<vmem>>
        %swap3A_1118 = tpu.memref_squeeze %swap3A_1117 : memref<1x16x768xf32, #tpu.memory_space<vmem>> -> memref<16x768xf32, #tpu.memory_space<vmem>>
        %swap3A_1119 = arith.index_cast %scan3A_783 : i32 to index
        %swap3A_1120 = arith.constant 208 : index
        %swap3A_1121 = tpu.vector_load %swap3A_1118[%swap3A_1119, %swap3A_1120] {strides = array<i32>} : memref<16x768xf32, #tpu.memory_space<vmem>>, vector<16xf32>,
        tpu.vector_store %swap3A_1118[%swap3A_1119, %swap3A_1120], %add3A_1107 {strides = array<i32>} : memref<16x768xf32, #tpu.memory_space<vmem>>, vector<16xf32>,
        %add3A_1122 = arith.addf %add3A_1036, %add3A_1106 : vector<16xf32>
        %mul3A_1123 = arith.mulf %add3A_1106, %add3A_1106 : vector<16xf32>
        %add3A_1124 = arith.addf %add3A_1038, %mul3A_1123 : vector<16xf32>
        %add3A_1125 = arith.addf %add3A_1039, %add3A_1107 : vector<16xf32>
        %mul3A_1126 = arith.mulf %add3A_1107, %add3A_1107 : vector<16xf32>
        %add3A_1127 = arith.addf %add3A_1041, %mul3A_1126 : vector<16xf32>
        %get3A_1128 = arith.constant 0 : i32
        %get3A_1129 = arith.constant 0 : i32
        %get3A_1130 = tpu.memref_slice %arg14[%scan3A_87, %get3A_1128, %get3A_1129] : memref<2x16x768xf32, #tpu.memory_space<vmem>> -> memref<1x16x768xf32, #tpu.memory_space<vmem>>
        %get3A_1131 = tpu.memref_squeeze %get3A_1130 : memref<1x16x768xf32, #tpu.memory_space<vmem>> -> memref<16x768xf32, #tpu.memory_space<vmem>>
        %get3A_1132 = arith.index_cast %scan3A_783 : i32 to index
        %get3A_1133 = arith.constant 288 : index
        %get3A_1134 = tpu.vector_load %get3A_1131[%get3A_1132, %get3A_1133] {strides = array<i32>} : memref<16x768xf32, #tpu.memory_space<vmem>>, vector<16xf32>,
        %get3A_1135 = arith.constant 0 : i32
        %get3A_1136 = arith.constant 0 : i32
        %get3A_1137 = tpu.memref_slice %arg14[%scan3A_87, %get3A_1135, %get3A_1136] : memref<2x16x768xf32, #tpu.memory_space<vmem>> -> memref<1x16x768xf32, #tpu.memory_space<vmem>>
        %get3A_1138 = tpu.memref_squeeze %get3A_1137 : memref<1x16x768xf32, #tpu.memory_space<vmem>> -> memref<16x768xf32, #tpu.memory_space<vmem>>
        %get3A_1139 = arith.index_cast %scan3A_783 : i32 to index
        %get3A_1140 = arith.constant 304 : index
        %get3A_1141 = tpu.vector_load %get3A_1138[%get3A_1139, %get3A_1140] {strides = array<i32>} : memref<16x768xf32, #tpu.memory_space<vmem>>, vector<16xf32>,
        %get3A_1142 = arith.index_cast %scan3A_784 : i32 to index
        %get3A_1143 = arith.index_cast %scan3A_783 : i32 to index
        %get3A_1144 = arith.constant 144 : index
        %get3A_1145 = tpu.vector_load %arg10[%get3A_1142, %get3A_1143, %get3A_1144] {strides = array<i32>} : memref<2x16x384xi32, #tpu.memory_space<vmem>>, vector<16xi32>,
        %bitcast3A_1146 = vector.bitcast %get3A_1059 : vector<16xi32> to vector<32xbf16>
        %unpack3A_1147 = tpu.unpack_subelements %bitcast3A_1146, 0 {pack_format = #tpu.pack_format<interleaved>} : vector<32xbf16> -> vector<16xf32>
        %unpack3A_1148 = tpu.unpack_subelements %bitcast3A_1146, 1 {pack_format = #tpu.pack_format<interleaved>} : vector<32xbf16> -> vector<16xf32>
        %add3A_1149 = arith.addf %get3A_1048, %unpack3A_1147 : vector<16xf32>
        %add3A_1150 = arith.addf %get3A_1055, %unpack3A_1148 : vector<16xf32>
        %swap3A_1151 = arith.constant 0 : i32
        %swap3A_1152 = arith.constant 0 : i32
        %swap3A_1153 = tpu.memref_slice %arg15[%scan3A_88, %swap3A_1151, %swap3A_1152] : memref<2x16x768xf32, #tpu.memory_space<vmem>> -> memref<1x16x768xf32, #tpu.memory_space<vmem>>
        %swap3A_1154 = tpu.memref_squeeze %swap3A_1153 : memref<1x16x768xf32, #tpu.memory_space<vmem>> -> memref<16x768xf32, #tpu.memory_space<vmem>>
        %swap3A_1155 = arith.index_cast %scan3A_783 : i32 to index
        %swap3A_1156 = arith.constant 224 : index
        %swap3A_1157 = tpu.vector_load %swap3A_1154[%swap3A_1155, %swap3A_1156] {strides = array<i32>} : memref<16x768xf32, #tpu.memory_space<vmem>>, vector<16xf32>,
        tpu.vector_store %swap3A_1154[%swap3A_1155, %swap3A_1156], %add3A_1149 {strides = array<i32>} : memref<16x768xf32, #tpu.memory_space<vmem>>, vector<16xf32>,
        %swap3A_1158 = arith.constant 0 : i32
        %swap3A_1159 = arith.constant 0 : i32
        %swap3A_1160 = tpu.memref_slice %arg15[%scan3A_88, %swap3A_1158, %swap3A_1159] : memref<2x16x768xf32, #tpu.memory_space<vmem>> -> memref<1x16x768xf32, #tpu.memory_space<vmem>>
        %swap3A_1161 = tpu.memref_squeeze %swap3A_1160 : memref<1x16x768xf32, #tpu.memory_space<vmem>> -> memref<16x768xf32, #tpu.memory_space<vmem>>
        %swap3A_1162 = arith.index_cast %scan3A_783 : i32 to index
        %swap3A_1163 = arith.constant 240 : index
        %swap3A_1164 = tpu.vector_load %swap3A_1161[%swap3A_1162, %swap3A_1163] {strides = array<i32>} : memref<16x768xf32, #tpu.memory_space<vmem>>, vector<16xf32>,
        tpu.vector_store %swap3A_1161[%swap3A_1162, %swap3A_1163], %add3A_1150 {strides = array<i32>} : memref<16x768xf32, #tpu.memory_space<vmem>>, vector<16xf32>,
        %add3A_1165 = arith.addf %add3A_1079, %add3A_1149 : vector<16xf32>
        %mul3A_1166 = arith.mulf %add3A_1149, %add3A_1149 : vector<16xf32>
        %add3A_1167 = arith.addf %add3A_1081, %mul3A_1166 : vector<16xf32>
        %add3A_1168 = arith.addf %add3A_1082, %add3A_1150 : vector<16xf32>
        %mul3A_1169 = arith.mulf %add3A_1150, %add3A_1150 : vector<16xf32>
        %add3A_1170 = arith.addf %add3A_1084, %mul3A_1169 : vector<16xf32>
        %get3A_1171 = arith.constant 0 : i32
        %get3A_1172 = arith.constant 0 : i32
        %get3A_1173 = tpu.memref_slice %arg14[%scan3A_87, %get3A_1171, %get3A_1172] : memref<2x16x768xf32, #tpu.memory_space<vmem>> -> memref<1x16x768xf32, #tpu.memory_space<vmem>>
        %get3A_1174 = tpu.memref_squeeze %get3A_1173 : memref<1x16x768xf32, #tpu.memory_space<vmem>> -> memref<16x768xf32, #tpu.memory_space<vmem>>
        %get3A_1175 = arith.index_cast %scan3A_783 : i32 to index
        %get3A_1176 = arith.constant 320 : index
        %get3A_1177 = tpu.vector_load %get3A_1174[%get3A_1175, %get3A_1176] {strides = array<i32>} : memref<16x768xf32, #tpu.memory_space<vmem>>, vector<16xf32>,
        %get3A_1178 = arith.constant 0 : i32
        %get3A_1179 = arith.constant 0 : i32
        %get3A_1180 = tpu.memref_slice %arg14[%scan3A_87, %get3A_1178, %get3A_1179] : memref<2x16x768xf32, #tpu.memory_space<vmem>> -> memref<1x16x768xf32, #tpu.memory_space<vmem>>
        %get3A_1181 = tpu.memref_squeeze %get3A_1180 : memref<1x16x768xf32, #tpu.memory_space<vmem>> -> memref<16x768xf32, #tpu.memory_space<vmem>>
        %get3A_1182 = arith.index_cast %scan3A_783 : i32 to index
        %get3A_1183 = arith.constant 336 : index
        %get3A_1184 = tpu.vector_load %get3A_1181[%get3A_1182, %get3A_1183] {strides = array<i32>} : memref<16x768xf32, #tpu.memory_space<vmem>>, vector<16xf32>,
        %get3A_1185 = arith.index_cast %scan3A_784 : i32 to index
        %get3A_1186 = arith.index_cast %scan3A_783 : i32 to index
        %get3A_1187 = arith.constant 160 : index
        %get3A_1188 = tpu.vector_load %arg10[%get3A_1185, %get3A_1186, %get3A_1187] {strides = array<i32>} : memref<2x16x384xi32, #tpu.memory_space<vmem>>, vector<16xi32>,
        %bitcast3A_1189 = vector.bitcast %get3A_1102 : vector<16xi32> to vector<32xbf16>
        %unpack3A_1190 = tpu.unpack_subelements %bitcast3A_1189, 0 {pack_format = #tpu.pack_format<interleaved>} : vector<32xbf16> -> vector<16xf32>
        %unpack3A_1191 = tpu.unpack_subelements %bitcast3A_1189, 1 {pack_format = #tpu.pack_format<interleaved>} : vector<32xbf16> -> vector<16xf32>
        %add3A_1192 = arith.addf %get3A_1091, %unpack3A_1190 : vector<16xf32>
        %add3A_1193 = arith.addf %get3A_1098, %unpack3A_1191 : vector<16xf32>
        %swap3A_1194 = arith.constant 0 : i32
        %swap3A_1195 = arith.constant 0 : i32
        %swap3A_1196 = tpu.memref_slice %arg15[%scan3A_88, %swap3A_1194, %swap3A_1195] : memref<2x16x768xf32, #tpu.memory_space<vmem>> -> memref<1x16x768xf32, #tpu.memory_space<vmem>>
        %swap3A_1197 = tpu.memref_squeeze %swap3A_1196 : memref<1x16x768xf32, #tpu.memory_space<vmem>> -> memref<16x768xf32, #tpu.memory_space<vmem>>
        %swap3A_1198 = arith.index_cast %scan3A_783 : i32 to index
        %swap3A_1199 = arith.constant 256 : index
        %swap3A_1200 = tpu.vector_load %swap3A_1197[%swap3A_1198, %swap3A_1199] {strides = array<i32>} : memref<16x768xf32, #tpu.memory_space<vmem>>, vector<16xf32>,
        tpu.vector_store %swap3A_1197[%swap3A_1198, %swap3A_1199], %add3A_1192 {strides = array<i32>} : memref<16x768xf32, #tpu.memory_space<vmem>>, vector<16xf32>,
        %swap3A_1201 = arith.constant 0 : i32
        %swap3A_1202 = arith.constant 0 : i32
        %swap3A_1203 = tpu.memref_slice %arg15[%scan3A_88, %swap3A_1201, %swap3A_1202] : memref<2x16x768xf32, #tpu.memory_space<vmem>> -> memref<1x16x768xf32, #tpu.memory_space<vmem>>
        %swap3A_1204 = tpu.memref_squeeze %swap3A_1203 : memref<1x16x768xf32, #tpu.memory_space<vmem>> -> memref<16x768xf32, #tpu.memory_space<vmem>>
        %swap3A_1205 = arith.index_cast %scan3A_783 : i32 to index
        %swap3A_1206 = arith.constant 272 : index
        %swap3A_1207 = tpu.vector_load %swap3A_1204[%swap3A_1205, %swap3A_1206] {strides = array<i32>} : memref<16x768xf32, #tpu.memory_space<vmem>>, vector<16xf32>,
        tpu.vector_store %swap3A_1204[%swap3A_1205, %swap3A_1206], %add3A_1193 {strides = array<i32>} : memref<16x768xf32, #tpu.memory_space<vmem>>, vector<16xf32>,
        %add3A_1208 = arith.addf %add3A_1122, %add3A_1192 : vector<16xf32>
        %mul3A_1209 = arith.mulf %add3A_1192, %add3A_1192 : vector<16xf32>
        %add3A_1210 = arith.addf %add3A_1124, %mul3A_1209 : vector<16xf32>
        %add3A_1211 = arith.addf %add3A_1125, %add3A_1193 : vector<16xf32>
        %mul3A_1212 = arith.mulf %add3A_1193, %add3A_1193 : vector<16xf32>
        %add3A_1213 = arith.addf %add3A_1127, %mul3A_1212 : vector<16xf32>
        %get3A_1214 = arith.constant 0 : i32
        %get3A_1215 = arith.constant 0 : i32
        %get3A_1216 = tpu.memref_slice %arg14[%scan3A_87, %get3A_1214, %get3A_1215] : memref<2x16x768xf32, #tpu.memory_space<vmem>> -> memref<1x16x768xf32, #tpu.memory_space<vmem>>
        %get3A_1217 = tpu.memref_squeeze %get3A_1216 : memref<1x16x768xf32, #tpu.memory_space<vmem>> -> memref<16x768xf32, #tpu.memory_space<vmem>>
        %get3A_1218 = arith.index_cast %scan3A_783 : i32 to index
        %get3A_1219 = arith.constant 352 : index
        %get3A_1220 = tpu.vector_load %get3A_1217[%get3A_1218, %get3A_1219] {strides = array<i32>} : memref<16x768xf32, #tpu.memory_space<vmem>>, vector<16xf32>,
        %get3A_1221 = arith.constant 0 : i32
        %get3A_1222 = arith.constant 0 : i32
        %get3A_1223 = tpu.memref_slice %arg14[%scan3A_87, %get3A_1221, %get3A_1222] : memref<2x16x768xf32, #tpu.memory_space<vmem>> -> memref<1x16x768xf32, #tpu.memory_space<vmem>>
        %get3A_1224 = tpu.memref_squeeze %get3A_1223 : memref<1x16x768xf32, #tpu.memory_space<vmem>> -> memref<16x768xf32, #tpu.memory_space<vmem>>
        %get3A_1225 = arith.index_cast %scan3A_783 : i32 to index
        %get3A_1226 = arith.constant 368 : index
        %get3A_1227 = tpu.vector_load %get3A_1224[%get3A_1225, %get3A_1226] {strides = array<i32>} : memref<16x768xf32, #tpu.memory_space<vmem>>, vector<16xf32>,
        %get3A_1228 = arith.index_cast %scan3A_784 : i32 to index
        %get3A_1229 = arith.index_cast %scan3A_783 : i32 to index
        %get3A_1230 = arith.constant 176 : index
        %get3A_1231 = tpu.vector_load %arg10[%get3A_1228, %get3A_1229, %get3A_1230] {strides = array<i32>} : memref<2x16x384xi32, #tpu.memory_space<vmem>>, vector<16xi32>,
        %bitcast3A_1232 = vector.bitcast %get3A_1145 : vector<16xi32> to vector<32xbf16>
        %unpack3A_1233 = tpu.unpack_subelements %bitcast3A_1232, 0 {pack_format = #tpu.pack_format<interleaved>} : vector<32xbf16> -> vector<16xf32>
        %unpack3A_1234 = tpu.unpack_subelements %bitcast3A_1232, 1 {pack_format = #tpu.pack_format<interleaved>} : vector<32xbf16> -> vector<16xf32>
        %add3A_1235 = arith.addf %get3A_1134, %unpack3A_1233 : vector<16xf32>
        %add3A_1236 = arith.addf %get3A_1141, %unpack3A_1234 : vector<16xf32>
        %swap3A_1237 = arith.constant 0 : i32
        %swap3A_1238 = arith.constant 0 : i32
        %swap3A_1239 = tpu.memref_slice %arg15[%scan3A_88, %swap3A_1237, %swap3A_1238] : memref<2x16x768xf32, #tpu.memory_space<vmem>> -> memref<1x16x768xf32, #tpu.memory_space<vmem>>
        %swap3A_1240 = tpu.memref_squeeze %swap3A_1239 : memref<1x16x768xf32, #tpu.memory_space<vmem>> -> memref<16x768xf32, #tpu.memory_space<vmem>>
        %swap3A_1241 = arith.index_cast %scan3A_783 : i32 to index
        %swap3A_1242 = arith.constant 288 : index
        %swap3A_1243 = tpu.vector_load %swap3A_1240[%swap3A_1241, %swap3A_1242] {strides = array<i32>} : memref<16x768xf32, #tpu.memory_space<vmem>>, vector<16xf32>,
        tpu.vector_store %swap3A_1240[%swap3A_1241, %swap3A_1242], %add3A_1235 {strides = array<i32>} : memref<16x768xf32, #tpu.memory_space<vmem>>, vector<16xf32>,
        %swap3A_1244 = arith.constant 0 : i32
        %swap3A_1245 = arith.constant 0 : i32
        %swap3A_1246 = tpu.memref_slice %arg15[%scan3A_88, %swap3A_1244, %swap3A_1245] : memref<2x16x768xf32, #tpu.memory_space<vmem>> -> memref<1x16x768xf32, #tpu.memory_space<vmem>>
        %swap3A_1247 = tpu.memref_squeeze %swap3A_1246 : memref<1x16x768xf32, #tpu.memory_space<vmem>> -> memref<16x768xf32, #tpu.memory_space<vmem>>
        %swap3A_1248 = arith.index_cast %scan3A_783 : i32 to index
        %swap3A_1249 = arith.constant 304 : index
        %swap3A_1250 = tpu.vector_load %swap3A_1247[%swap3A_1248, %swap3A_1249] {strides = array<i32>} : memref<16x768xf32, #tpu.memory_space<vmem>>, vector<16xf32>,
        tpu.vector_store %swap3A_1247[%swap3A_1248, %swap3A_1249], %add3A_1236 {strides = array<i32>} : memref<16x768xf32, #tpu.memory_space<vmem>>, vector<16xf32>,
        %add3A_1251 = arith.addf %add3A_1165, %add3A_1235 : vector<16xf32>
        %mul3A_1252 = arith.mulf %add3A_1235, %add3A_1235 : vector<16xf32>
        %add3A_1253 = arith.addf %add3A_1167, %mul3A_1252 : vector<16xf32>
        %add3A_1254 = arith.addf %add3A_1168, %add3A_1236 : vector<16xf32>
        %mul3A_1255 = arith.mulf %add3A_1236, %add3A_1236 : vector<16xf32>
        %add3A_1256 = arith.addf %add3A_1170, %mul3A_1255 : vector<16xf32>
        %get3A_1257 = arith.constant 0 : i32
        %get3A_1258 = arith.constant 0 : i32
        %get3A_1259 = tpu.memref_slice %arg14[%scan3A_87, %get3A_1257, %get3A_1258] : memref<2x16x768xf32, #tpu.memory_space<vmem>> -> memref<1x16x768xf32, #tpu.memory_space<vmem>>
        %get3A_1260 = tpu.memref_squeeze %get3A_1259 : memref<1x16x768xf32, #tpu.memory_space<vmem>> -> memref<16x768xf32, #tpu.memory_space<vmem>>
        %get3A_1261 = arith.index_cast %scan3A_783 : i32 to index
        %get3A_1262 = arith.constant 384 : index
        %get3A_1263 = tpu.vector_load %get3A_1260[%get3A_1261, %get3A_1262] {strides = array<i32>} : memref<16x768xf32, #tpu.memory_space<vmem>>, vector<16xf32>,
        %get3A_1264 = arith.constant 0 : i32
        %get3A_1265 = arith.constant 0 : i32
        %get3A_1266 = tpu.memref_slice %arg14[%scan3A_87, %get3A_1264, %get3A_1265] : memref<2x16x768xf32, #tpu.memory_space<vmem>> -> memref<1x16x768xf32, #tpu.memory_space<vmem>>
        %get3A_1267 = tpu.memref_squeeze %get3A_1266 : memref<1x16x768xf32, #tpu.memory_space<vmem>> -> memref<16x768xf32, #tpu.memory_space<vmem>>
        %get3A_1268 = arith.index_cast %scan3A_783 : i32 to index
        %get3A_1269 = arith.constant 400 : index
        %get3A_1270 = tpu.vector_load %get3A_1267[%get3A_1268, %get3A_1269] {strides = array<i32>} : memref<16x768xf32, #tpu.memory_space<vmem>>, vector<16xf32>,
        %get3A_1271 = arith.index_cast %scan3A_784 : i32 to index
        %get3A_1272 = arith.index_cast %scan3A_783 : i32 to index
        %get3A_1273 = arith.constant 192 : index
        %get3A_1274 = tpu.vector_load %arg10[%get3A_1271, %get3A_1272, %get3A_1273] {strides = array<i32>} : memref<2x16x384xi32, #tpu.memory_space<vmem>>, vector<16xi32>,
        %bitcast3A_1275 = vector.bitcast %get3A_1188 : vector<16xi32> to vector<32xbf16>
        %unpack3A_1276 = tpu.unpack_subelements %bitcast3A_1275, 0 {pack_format = #tpu.pack_format<interleaved>} : vector<32xbf16> -> vector<16xf32>
        %unpack3A_1277 = tpu.unpack_subelements %bitcast3A_1275, 1 {pack_format = #tpu.pack_format<interleaved>} : vector<32xbf16> -> vector<16xf32>
        %add3A_1278 = arith.addf %get3A_1177, %unpack3A_1276 : vector<16xf32>
        %add3A_1279 = arith.addf %get3A_1184, %unpack3A_1277 : vector<16xf32>
        %swap3A_1280 = arith.constant 0 : i32
        %swap3A_1281 = arith.constant 0 : i32
        %swap3A_1282 = tpu.memref_slice %arg15[%scan3A_88, %swap3A_1280, %swap3A_1281] : memref<2x16x768xf32, #tpu.memory_space<vmem>> -> memref<1x16x768xf32, #tpu.memory_space<vmem>>
        %swap3A_1283 = tpu.memref_squeeze %swap3A_1282 : memref<1x16x768xf32, #tpu.memory_space<vmem>> -> memref<16x768xf32, #tpu.memory_space<vmem>>
        %swap3A_1284 = arith.index_cast %scan3A_783 : i32 to index
        %swap3A_1285 = arith.constant 320 : index
        %swap3A_1286 = tpu.vector_load %swap3A_1283[%swap3A_1284, %swap3A_1285] {strides = array<i32>} : memref<16x768xf32, #tpu.memory_space<vmem>>, vector<16xf32>,
        tpu.vector_store %swap3A_1283[%swap3A_1284, %swap3A_1285], %add3A_1278 {strides = array<i32>} : memref<16x768xf32, #tpu.memory_space<vmem>>, vector<16xf32>,
        %swap3A_1287 = arith.constant 0 : i32
        %swap3A_1288 = arith.constant 0 : i32
        %swap3A_1289 = tpu.memref_slice %arg15[%scan3A_88, %swap3A_1287, %swap3A_1288] : memref<2x16x768xf32, #tpu.memory_space<vmem>> -> memref<1x16x768xf32, #tpu.memory_space<vmem>>
        %swap3A_1290 = tpu.memref_squeeze %swap3A_1289 : memref<1x16x768xf32, #tpu.memory_space<vmem>> -> memref<16x768xf32, #tpu.memory_space<vmem>>
        %swap3A_1291 = arith.index_cast %scan3A_783 : i32 to index
        %swap3A_1292 = arith.constant 336 : index
        %swap3A_1293 = tpu.vector_load %swap3A_1290[%swap3A_1291, %swap3A_1292] {strides = array<i32>} : memref<16x768xf32, #tpu.memory_space<vmem>>, vector<16xf32>,
        tpu.vector_store %swap3A_1290[%swap3A_1291, %swap3A_1292], %add3A_1279 {strides = array<i32>} : memref<16x768xf32, #tpu.memory_space<vmem>>, vector<16xf32>,
        %add3A_1294 = arith.addf %add3A_1208, %add3A_1278 : vector<16xf32>
        %mul3A_1295 = arith.mulf %add3A_1278, %add3A_1278 : vector<16xf32>
        %add3A_1296 = arith.addf %add3A_1210, %mul3A_1295 : vector<16xf32>
        %add3A_1297 = arith.addf %add3A_1211, %add3A_1279 : vector<16xf32>
        %mul3A_1298 = arith.mulf %add3A_1279, %add3A_1279 : vector<16xf32>
        %add3A_1299 = arith.addf %add3A_1213, %mul3A_1298 : vector<16xf32>
        %get3A_1300 = arith.constant 0 : i32
        %get3A_1301 = arith.constant 0 : i32
        %get3A_1302 = tpu.memref_slice %arg14[%scan3A_87, %get3A_1300, %get3A_1301] : memref<2x16x768xf32, #tpu.memory_space<vmem>> -> memref<1x16x768xf32, #tpu.memory_space<vmem>>
        %get3A_1303 = tpu.memref_squeeze %get3A_1302 : memref<1x16x768xf32, #tpu.memory_space<vmem>> -> memref<16x768xf32, #tpu.memory_space<vmem>>
        %get3A_1304 = arith.index_cast %scan3A_783 : i32 to index
        %get3A_1305 = arith.constant 416 : index
        %get3A_1306 = tpu.vector_load %get3A_1303[%get3A_1304, %get3A_1305] {strides = array<i32>} : memref<16x768xf32, #tpu.memory_space<vmem>>, vector<16xf32>,
        %get3A_1307 = arith.constant 0 : i32
        %get3A_1308 = arith.constant 0 : i32
        %get3A_1309 = tpu.memref_slice %arg14[%scan3A_87, %get3A_1307, %get3A_1308] : memref<2x16x768xf32, #tpu.memory_space<vmem>> -> memref<1x16x768xf32, #tpu.memory_space<vmem>>
        %get3A_1310 = tpu.memref_squeeze %get3A_1309 : memref<1x16x768xf32, #tpu.memory_space<vmem>> -> memref<16x768xf32, #tpu.memory_space<vmem>>
        %get3A_1311 = arith.index_cast %scan3A_783 : i32 to index
        %get3A_1312 = arith.constant 432 : index
        %get3A_1313 = tpu.vector_load %get3A_1310[%get3A_1311, %get3A_1312] {strides = array<i32>} : memref<16x768xf32, #tpu.memory_space<vmem>>, vector<16xf32>,
        %get3A_1314 = arith.index_cast %scan3A_784 : i32 to index
        %get3A_1315 = arith.index_cast %scan3A_783 : i32 to index
        %get3A_1316 = arith.constant 208 : index
        %get3A_1317 = tpu.vector_load %arg10[%get3A_1314, %get3A_1315, %get3A_1316] {strides = array<i32>} : memref<2x16x384xi32, #tpu.memory_space<vmem>>, vector<16xi32>,
        %bitcast3A_1318 = vector.bitcast %get3A_1231 : vector<16xi32> to vector<32xbf16>
        %unpack3A_1319 = tpu.unpack_subelements %bitcast3A_1318, 0 {pack_format = #tpu.pack_format<interleaved>} : vector<32xbf16> -> vector<16xf32>
        %unpack3A_1320 = tpu.unpack_subelements %bitcast3A_1318, 1 {pack_format = #tpu.pack_format<interleaved>} : vector<32xbf16> -> vector<16xf32>
        %add3A_1321 = arith.addf %get3A_1220, %unpack3A_1319 : vector<16xf32>
        %add3A_1322 = arith.addf %get3A_1227, %unpack3A_1320 : vector<16xf32>
        %swap3A_1323 = arith.constant 0 : i32
        %swap3A_1324 = arith.constant 0 : i32
        %swap3A_1325 = tpu.memref_slice %arg15[%scan3A_88, %swap3A_1323, %swap3A_1324] : memref<2x16x768xf32, #tpu.memory_space<vmem>> -> memref<1x16x768xf32, #tpu.memory_space<vmem>>
        %swap3A_1326 = tpu.memref_squeeze %swap3A_1325 : memref<1x16x768xf32, #tpu.memory_space<vmem>> -> memref<16x768xf32, #tpu.memory_space<vmem>>
        %swap3A_1327 = arith.index_cast %scan3A_783 : i32 to index
        %swap3A_1328 = arith.constant 352 : index
        %swap3A_1329 = tpu.vector_load %swap3A_1326[%swap3A_1327, %swap3A_1328] {strides = array<i32>} : memref<16x768xf32, #tpu.memory_space<vmem>>, vector<16xf32>,
        tpu.vector_store %swap3A_1326[%swap3A_1327, %swap3A_1328], %add3A_1321 {strides = array<i32>} : memref<16x768xf32, #tpu.memory_space<vmem>>, vector<16xf32>,
        %swap3A_1330 = arith.constant 0 : i32
        %swap3A_1331 = arith.constant 0 : i32
        %swap3A_1332 = tpu.memref_slice %arg15[%scan3A_88, %swap3A_1330, %swap3A_1331] : memref<2x16x768xf32, #tpu.memory_space<vmem>> -> memref<1x16x768xf32, #tpu.memory_space<vmem>>
        %swap3A_1333 = tpu.memref_squeeze %swap3A_1332 : memref<1x16x768xf32, #tpu.memory_space<vmem>> -> memref<16x768xf32, #tpu.memory_space<vmem>>
        %swap3A_1334 = arith.index_cast %scan3A_783 : i32 to index
        %swap3A_1335 = arith.constant 368 : index
        %swap3A_1336 = tpu.vector_load %swap3A_1333[%swap3A_1334, %swap3A_1335] {strides = array<i32>} : memref<16x768xf32, #tpu.memory_space<vmem>>, vector<16xf32>,
        tpu.vector_store %swap3A_1333[%swap3A_1334, %swap3A_1335], %add3A_1322 {strides = array<i32>} : memref<16x768xf32, #tpu.memory_space<vmem>>, vector<16xf32>,
        %add3A_1337 = arith.addf %add3A_1251, %add3A_1321 : vector<16xf32>
        %mul3A_1338 = arith.mulf %add3A_1321, %add3A_1321 : vector<16xf32>
        %add3A_1339 = arith.addf %add3A_1253, %mul3A_1338 : vector<16xf32>
        %add3A_1340 = arith.addf %add3A_1254, %add3A_1322 : vector<16xf32>
        %mul3A_1341 = arith.mulf %add3A_1322, %add3A_1322 : vector<16xf32>
        %add3A_1342 = arith.addf %add3A_1256, %mul3A_1341 : vector<16xf32>
        %get3A_1343 = arith.constant 0 : i32
        %get3A_1344 = arith.constant 0 : i32
        %get3A_1345 = tpu.memref_slice %arg14[%scan3A_87, %get3A_1343, %get3A_1344] : memref<2x16x768xf32, #tpu.memory_space<vmem>> -> memref<1x16x768xf32, #tpu.memory_space<vmem>>
        %get3A_1346 = tpu.memref_squeeze %get3A_1345 : memref<1x16x768xf32, #tpu.memory_space<vmem>> -> memref<16x768xf32, #tpu.memory_space<vmem>>
        %get3A_1347 = arith.index_cast %scan3A_783 : i32 to index
        %get3A_1348 = arith.constant 448 : index
        %get3A_1349 = tpu.vector_load %get3A_1346[%get3A_1347, %get3A_1348] {strides = array<i32>} : memref<16x768xf32, #tpu.memory_space<vmem>>, vector<16xf32>,
        %get3A_1350 = arith.constant 0 : i32
        %get3A_1351 = arith.constant 0 : i32
        %get3A_1352 = tpu.memref_slice %arg14[%scan3A_87, %get3A_1350, %get3A_1351] : memref<2x16x768xf32, #tpu.memory_space<vmem>> -> memref<1x16x768xf32, #tpu.memory_space<vmem>>
        %get3A_1353 = tpu.memref_squeeze %get3A_1352 : memref<1x16x768xf32, #tpu.memory_space<vmem>> -> memref<16x768xf32, #tpu.memory_space<vmem>>
        %get3A_1354 = arith.index_cast %scan3A_783 : i32 to index
        %get3A_1355 = arith.constant 464 : index
        %get3A_1356 = tpu.vector_load %get3A_1353[%get3A_1354, %get3A_1355] {strides = array<i32>} : memref<16x768xf32, #tpu.memory_space<vmem>>, vector<16xf32>,
        %get3A_1357 = arith.index_cast %scan3A_784 : i32 to index
        %get3A_1358 = arith.index_cast %scan3A_783 : i32 to index
        %get3A_1359 = arith.constant 224 : index
        %get3A_1360 = tpu.vector_load %arg10[%get3A_1357, %get3A_1358, %get3A_1359] {strides = array<i32>} : memref<2x16x384xi32, #tpu.memory_space<vmem>>, vector<16xi32>,
        %bitcast3A_1361 = vector.bitcast %get3A_1274 : vector<16xi32> to vector<32xbf16>
        %unpack3A_1362 = tpu.unpack_subelements %bitcast3A_1361, 0 {pack_format = #tpu.pack_format<interleaved>} : vector<32xbf16> -> vector<16xf32>
        %unpack3A_1363 = tpu.unpack_subelements %bitcast3A_1361, 1 {pack_format = #tpu.pack_format<interleaved>} : vector<32xbf16> -> vector<16xf32>
        %add3A_1364 = arith.addf %get3A_1263, %unpack3A_1362 : vector<16xf32>
        %add3A_1365 = arith.addf %get3A_1270, %unpack3A_1363 : vector<16xf32>
        %swap3A_1366 = arith.constant 0 : i32
        %swap3A_1367 = arith.constant 0 : i32
        %swap3A_1368 = tpu.memref_slice %arg15[%scan3A_88, %swap3A_1366, %swap3A_1367] : memref<2x16x768xf32, #tpu.memory_space<vmem>> -> memref<1x16x768xf32, #tpu.memory_space<vmem>>
        %swap3A_1369 = tpu.memref_squeeze %swap3A_1368 : memref<1x16x768xf32, #tpu.memory_space<vmem>> -> memref<16x768xf32, #tpu.memory_space<vmem>>
        %swap3A_1370 = arith.index_cast %scan3A_783 : i32 to index
        %swap3A_1371 = arith.constant 384 : index
        %swap3A_1372 = tpu.vector_load %swap3A_1369[%swap3A_1370, %swap3A_1371] {strides = array<i32>} : memref<16x768xf32, #tpu.memory_space<vmem>>, vector<16xf32>,
        tpu.vector_store %swap3A_1369[%swap3A_1370, %swap3A_1371], %add3A_1364 {strides = array<i32>} : memref<16x768xf32, #tpu.memory_space<vmem>>, vector<16xf32>,
        %swap3A_1373 = arith.constant 0 : i32
        %swap3A_1374 = arith.constant 0 : i32
        %swap3A_1375 = tpu.memref_slice %arg15[%scan3A_88, %swap3A_1373, %swap3A_1374] : memref<2x16x768xf32, #tpu.memory_space<vmem>> -> memref<1x16x768xf32, #tpu.memory_space<vmem>>
        %swap3A_1376 = tpu.memref_squeeze %swap3A_1375 : memref<1x16x768xf32, #tpu.memory_space<vmem>> -> memref<16x768xf32, #tpu.memory_space<vmem>>
        %swap3A_1377 = arith.index_cast %scan3A_783 : i32 to index
        %swap3A_1378 = arith.constant 400 : index
        %swap3A_1379 = tpu.vector_load %swap3A_1376[%swap3A_1377, %swap3A_1378] {strides = array<i32>} : memref<16x768xf32, #tpu.memory_space<vmem>>, vector<16xf32>,
        tpu.vector_store %swap3A_1376[%swap3A_1377, %swap3A_1378], %add3A_1365 {strides = array<i32>} : memref<16x768xf32, #tpu.memory_space<vmem>>, vector<16xf32>,
        %add3A_1380 = arith.addf %add3A_1294, %add3A_1364 : vector<16xf32>
        %mul3A_1381 = arith.mulf %add3A_1364, %add3A_1364 : vector<16xf32>
        %add3A_1382 = arith.addf %add3A_1296, %mul3A_1381 : vector<16xf32>
        %add3A_1383 = arith.addf %add3A_1297, %add3A_1365 : vector<16xf32>
        %mul3A_1384 = arith.mulf %add3A_1365, %add3A_1365 : vector<16xf32>
        %add3A_1385 = arith.addf %add3A_1299, %mul3A_1384 : vector<16xf32>
        %get3A_1386 = arith.constant 0 : i32
        %get3A_1387 = arith.constant 0 : i32
        %get3A_1388 = tpu.memref_slice %arg14[%scan3A_87, %get3A_1386, %get3A_1387] : memref<2x16x768xf32, #tpu.memory_space<vmem>> -> memref<1x16x768xf32, #tpu.memory_space<vmem>>
        %get3A_1389 = tpu.memref_squeeze %get3A_1388 : memref<1x16x768xf32, #tpu.memory_space<vmem>> -> memref<16x768xf32, #tpu.memory_space<vmem>>
        %get3A_1390 = arith.index_cast %scan3A_783 : i32 to index
        %get3A_1391 = arith.constant 480 : index
        %get3A_1392 = tpu.vector_load %get3A_1389[%get3A_1390, %get3A_1391] {strides = array<i32>} : memref<16x768xf32, #tpu.memory_space<vmem>>, vector<16xf32>,
        %get3A_1393 = arith.constant 0 : i32
        %get3A_1394 = arith.constant 0 : i32
        %get3A_1395 = tpu.memref_slice %arg14[%scan3A_87, %get3A_1393, %get3A_1394] : memref<2x16x768xf32, #tpu.memory_space<vmem>> -> memref<1x16x768xf32, #tpu.memory_space<vmem>>
        %get3A_1396 = tpu.memref_squeeze %get3A_1395 : memref<1x16x768xf32, #tpu.memory_space<vmem>> -> memref<16x768xf32, #tpu.memory_space<vmem>>
        %get3A_1397 = arith.index_cast %scan3A_783 : i32 to index
        %get3A_1398 = arith.constant 496 : index
        %get3A_1399 = tpu.vector_load %get3A_1396[%get3A_1397, %get3A_1398] {strides = array<i32>} : memref<16x768xf32, #tpu.memory_space<vmem>>, vector<16xf32>,
        %get3A_1400 = arith.index_cast %scan3A_784 : i32 to index
        %get3A_1401 = arith.index_cast %scan3A_783 : i32 to index
        %get3A_1402 = arith.constant 240 : index
        %get3A_1403 = tpu.vector_load %arg10[%get3A_1400, %get3A_1401, %get3A_1402] {strides = array<i32>} : memref<2x16x384xi32, #tpu.memory_space<vmem>>, vector<16xi32>,
        %bitcast3A_1404 = vector.bitcast %get3A_1317 : vector<16xi32> to vector<32xbf16>
        %unpack3A_1405 = tpu.unpack_subelements %bitcast3A_1404, 0 {pack_format = #tpu.pack_format<interleaved>} : vector<32xbf16> -> vector<16xf32>
        %unpack3A_1406 = tpu.unpack_subelements %bitcast3A_1404, 1 {pack_format = #tpu.pack_format<interleaved>} : vector<32xbf16> -> vector<16xf32>
        %add3A_1407 = arith.addf %get3A_1306, %unpack3A_1405 : vector<16xf32>
        %add3A_1408 = arith.addf %get3A_1313, %unpack3A_1406 : vector<16xf32>
        %swap3A_1409 = arith.constant 0 : i32
        %swap3A_1410 = arith.constant 0 : i32
        %swap3A_1411 = tpu.memref_slice %arg15[%scan3A_88, %swap3A_1409, %swap3A_1410] : memref<2x16x768xf32, #tpu.memory_space<vmem>> -> memref<1x16x768xf32, #tpu.memory_space<vmem>>
        %swap3A_1412 = tpu.memref_squeeze %swap3A_1411 : memref<1x16x768xf32, #tpu.memory_space<vmem>> -> memref<16x768xf32, #tpu.memory_space<vmem>>
        %swap3A_1413 = arith.index_cast %scan3A_783 : i32 to index
        %swap3A_1414 = arith.constant 416 : index
        %swap3A_1415 = tpu.vector_load %swap3A_1412[%swap3A_1413, %swap3A_1414] {strides = array<i32>} : memref<16x768xf32, #tpu.memory_space<vmem>>, vector<16xf32>,
        tpu.vector_store %swap3A_1412[%swap3A_1413, %swap3A_1414], %add3A_1407 {strides = array<i32>} : memref<16x768xf32, #tpu.memory_space<vmem>>, vector<16xf32>,
        %swap3A_1416 = arith.constant 0 : i32
        %swap3A_1417 = arith.constant 0 : i32
        %swap3A_1418 = tpu.memref_slice %arg15[%scan3A_88, %swap3A_1416, %swap3A_1417] : memref<2x16x768xf32, #tpu.memory_space<vmem>> -> memref<1x16x768xf32, #tpu.memory_space<vmem>>
        %swap3A_1419 = tpu.memref_squeeze %swap3A_1418 : memref<1x16x768xf32, #tpu.memory_space<vmem>> -> memref<16x768xf32, #tpu.memory_space<vmem>>
        %swap3A_1420 = arith.index_cast %scan3A_783 : i32 to index
        %swap3A_1421 = arith.constant 432 : index
        %swap3A_1422 = tpu.vector_load %swap3A_1419[%swap3A_1420, %swap3A_1421] {strides = array<i32>} : memref<16x768xf32, #tpu.memory_space<vmem>>, vector<16xf32>,
        tpu.vector_store %swap3A_1419[%swap3A_1420, %swap3A_1421], %add3A_1408 {strides = array<i32>} : memref<16x768xf32, #tpu.memory_space<vmem>>, vector<16xf32>,
        %add3A_1423 = arith.addf %add3A_1337, %add3A_1407 : vector<16xf32>
        %mul3A_1424 = arith.mulf %add3A_1407, %add3A_1407 : vector<16xf32>
        %add3A_1425 = arith.addf %add3A_1339, %mul3A_1424 : vector<16xf32>
        %add3A_1426 = arith.addf %add3A_1340, %add3A_1408 : vector<16xf32>
        %mul3A_1427 = arith.mulf %add3A_1408, %add3A_1408 : vector<16xf32>
        %add3A_1428 = arith.addf %add3A_1342, %mul3A_1427 : vector<16xf32>
        %get3A_1429 = arith.constant 0 : i32
        %get3A_1430 = arith.constant 0 : i32
        %get3A_1431 = tpu.memref_slice %arg14[%scan3A_87, %get3A_1429, %get3A_1430] : memref<2x16x768xf32, #tpu.memory_space<vmem>> -> memref<1x16x768xf32, #tpu.memory_space<vmem>>
        %get3A_1432 = tpu.memref_squeeze %get3A_1431 : memref<1x16x768xf32, #tpu.memory_space<vmem>> -> memref<16x768xf32, #tpu.memory_space<vmem>>
        %get3A_1433 = arith.index_cast %scan3A_783 : i32 to index
        %get3A_1434 = arith.constant 512 : index
        %get3A_1435 = tpu.vector_load %get3A_1432[%get3A_1433, %get3A_1434] {strides = array<i32>} : memref<16x768xf32, #tpu.memory_space<vmem>>, vector<16xf32>,
        %get3A_1436 = arith.constant 0 : i32
        %get3A_1437 = arith.constant 0 : i32
        %get3A_1438 = tpu.memref_slice %arg14[%scan3A_87, %get3A_1436, %get3A_1437] : memref<2x16x768xf32, #tpu.memory_space<vmem>> -> memref<1x16x768xf32, #tpu.memory_space<vmem>>
        %get3A_1439 = tpu.memref_squeeze %get3A_1438 : memref<1x16x768xf32, #tpu.memory_space<vmem>> -> memref<16x768xf32, #tpu.memory_space<vmem>>
        %get3A_1440 = arith.index_cast %scan3A_783 : i32 to index
        %get3A_1441 = arith.constant 528 : index
        %get3A_1442 = tpu.vector_load %get3A_1439[%get3A_1440, %get3A_1441] {strides = array<i32>} : memref<16x768xf32, #tpu.memory_space<vmem>>, vector<16xf32>,
        %get3A_1443 = arith.index_cast %scan3A_784 : i32 to index
        %get3A_1444 = arith.index_cast %scan3A_783 : i32 to index
        %get3A_1445 = arith.constant 256 : index
        %get3A_1446 = tpu.vector_load %arg10[%get3A_1443, %get3A_1444, %get3A_1445] {strides = array<i32>} : memref<2x16x384xi32, #tpu.memory_space<vmem>>, vector<16xi32>,
        %bitcast3A_1447 = vector.bitcast %get3A_1360 : vector<16xi32> to vector<32xbf16>
        %unpack3A_1448 = tpu.unpack_subelements %bitcast3A_1447, 0 {pack_format = #tpu.pack_format<interleaved>} : vector<32xbf16> -> vector<16xf32>
        %unpack3A_1449 = tpu.unpack_subelements %bitcast3A_1447, 1 {pack_format = #tpu.pack_format<interleaved>} : vector<32xbf16> -> vector<16xf32>
        %add3A_1450 = arith.addf %get3A_1349, %unpack3A_1448 : vector<16xf32>
        %add3A_1451 = arith.addf %get3A_1356, %unpack3A_1449 : vector<16xf32>
        %swap3A_1452 = arith.constant 0 : i32
        %swap3A_1453 = arith.constant 0 : i32
        %swap3A_1454 = tpu.memref_slice %arg15[%scan3A_88, %swap3A_1452, %swap3A_1453] : memref<2x16x768xf32, #tpu.memory_space<vmem>> -> memref<1x16x768xf32, #tpu.memory_space<vmem>>
        %swap3A_1455 = tpu.memref_squeeze %swap3A_1454 : memref<1x16x768xf32, #tpu.memory_space<vmem>> -> memref<16x768xf32, #tpu.memory_space<vmem>>
        %swap3A_1456 = arith.index_cast %scan3A_783 : i32 to index
        %swap3A_1457 = arith.constant 448 : index
        %swap3A_1458 = tpu.vector_load %swap3A_1455[%swap3A_1456, %swap3A_1457] {strides = array<i32>} : memref<16x768xf32, #tpu.memory_space<vmem>>, vector<16xf32>,
        tpu.vector_store %swap3A_1455[%swap3A_1456, %swap3A_1457], %add3A_1450 {strides = array<i32>} : memref<16x768xf32, #tpu.memory_space<vmem>>, vector<16xf32>,
        %swap3A_1459 = arith.constant 0 : i32
        %swap3A_1460 = arith.constant 0 : i32
        %swap3A_1461 = tpu.memref_slice %arg15[%scan3A_88, %swap3A_1459, %swap3A_1460] : memref<2x16x768xf32, #tpu.memory_space<vmem>> -> memref<1x16x768xf32, #tpu.memory_space<vmem>>
        %swap3A_1462 = tpu.memref_squeeze %swap3A_1461 : memref<1x16x768xf32, #tpu.memory_space<vmem>> -> memref<16x768xf32, #tpu.memory_space<vmem>>
        %swap3A_1463 = arith.index_cast %scan3A_783 : i32 to index
        %swap3A_1464 = arith.constant 464 : index
        %swap3A_1465 = tpu.vector_load %swap3A_1462[%swap3A_1463, %swap3A_1464] {strides = array<i32>} : memref<16x768xf32, #tpu.memory_space<vmem>>, vector<16xf32>,
        tpu.vector_store %swap3A_1462[%swap3A_1463, %swap3A_1464], %add3A_1451 {strides = array<i32>} : memref<16x768xf32, #tpu.memory_space<vmem>>, vector<16xf32>,
        %add3A_1466 = arith.addf %add3A_1380, %add3A_1450 : vector<16xf32>
        %mul3A_1467 = arith.mulf %add3A_1450, %add3A_1450 : vector<16xf32>
        %add3A_1468 = arith.addf %add3A_1382, %mul3A_1467 : vector<16xf32>
        %add3A_1469 = arith.addf %add3A_1383, %add3A_1451 : vector<16xf32>
        %mul3A_1470 = arith.mulf %add3A_1451, %add3A_1451 : vector<16xf32>
        %add3A_1471 = arith.addf %add3A_1385, %mul3A_1470 : vector<16xf32>
        %get3A_1472 = arith.constant 0 : i32
        %get3A_1473 = arith.constant 0 : i32
        %get3A_1474 = tpu.memref_slice %arg14[%scan3A_87, %get3A_1472, %get3A_1473] : memref<2x16x768xf32, #tpu.memory_space<vmem>> -> memref<1x16x768xf32, #tpu.memory_space<vmem>>
        %get3A_1475 = tpu.memref_squeeze %get3A_1474 : memref<1x16x768xf32, #tpu.memory_space<vmem>> -> memref<16x768xf32, #tpu.memory_space<vmem>>
        %get3A_1476 = arith.index_cast %scan3A_783 : i32 to index
        %get3A_1477 = arith.constant 544 : index
        %get3A_1478 = tpu.vector_load %get3A_1475[%get3A_1476, %get3A_1477] {strides = array<i32>} : memref<16x768xf32, #tpu.memory_space<vmem>>, vector<16xf32>,
        %get3A_1479 = arith.constant 0 : i32
        %get3A_1480 = arith.constant 0 : i32
        %get3A_1481 = tpu.memref_slice %arg14[%scan3A_87, %get3A_1479, %get3A_1480] : memref<2x16x768xf32, #tpu.memory_space<vmem>> -> memref<1x16x768xf32, #tpu.memory_space<vmem>>
        %get3A_1482 = tpu.memref_squeeze %get3A_1481 : memref<1x16x768xf32, #tpu.memory_space<vmem>> -> memref<16x768xf32, #tpu.memory_space<vmem>>
        %get3A_1483 = arith.index_cast %scan3A_783 : i32 to index
        %get3A_1484 = arith.constant 560 : index
        %get3A_1485 = tpu.vector_load %get3A_1482[%get3A_1483, %get3A_1484] {strides = array<i32>} : memref<16x768xf32, #tpu.memory_space<vmem>>, vector<16xf32>,
        %get3A_1486 = arith.index_cast %scan3A_784 : i32 to index
        %get3A_1487 = arith.index_cast %scan3A_783 : i32 to index
        %get3A_1488 = arith.constant 272 : index
        %get3A_1489 = tpu.vector_load %arg10[%get3A_1486, %get3A_1487, %get3A_1488] {strides = array<i32>} : memref<2x16x384xi32, #tpu.memory_space<vmem>>, vector<16xi32>,
        %bitcast3A_1490 = vector.bitcast %get3A_1403 : vector<16xi32> to vector<32xbf16>
        %unpack3A_1491 = tpu.unpack_subelements %bitcast3A_1490, 0 {pack_format = #tpu.pack_format<interleaved>} : vector<32xbf16> -> vector<16xf32>
        %unpack3A_1492 = tpu.unpack_subelements %bitcast3A_1490, 1 {pack_format = #tpu.pack_format<interleaved>} : vector<32xbf16> -> vector<16xf32>
        %add3A_1493 = arith.addf %get3A_1392, %unpack3A_1491 : vector<16xf32>
        %add3A_1494 = arith.addf %get3A_1399, %unpack3A_1492 : vector<16xf32>
        %swap3A_1495 = arith.constant 0 : i32
        %swap3A_1496 = arith.constant 0 : i32
        %swap3A_1497 = tpu.memref_slice %arg15[%scan3A_88, %swap3A_1495, %swap3A_1496] : memref<2x16x768xf32, #tpu.memory_space<vmem>> -> memref<1x16x768xf32, #tpu.memory_space<vmem>>
        %swap3A_1498 = tpu.memref_squeeze %swap3A_1497 : memref<1x16x768xf32, #tpu.memory_space<vmem>> -> memref<16x768xf32, #tpu.memory_space<vmem>>
        %swap3A_1499 = arith.index_cast %scan3A_783 : i32 to index
        %swap3A_1500 = arith.constant 480 : index
        %swap3A_1501 = tpu.vector_load %swap3A_1498[%swap3A_1499, %swap3A_1500] {strides = array<i32>} : memref<16x768xf32, #tpu.memory_space<vmem>>, vector<16xf32>,
        tpu.vector_store %swap3A_1498[%swap3A_1499, %swap3A_1500], %add3A_1493 {strides = array<i32>} : memref<16x768xf32, #tpu.memory_space<vmem>>, vector<16xf32>,
        %swap3A_1502 = arith.constant 0 : i32
        %swap3A_1503 = arith.constant 0 : i32
        %swap3A_1504 = tpu.memref_slice %arg15[%scan3A_88, %swap3A_1502, %swap3A_1503] : memref<2x16x768xf32, #tpu.memory_space<vmem>> -> memref<1x16x768xf32, #tpu.memory_space<vmem>>
        %swap3A_1505 = tpu.memref_squeeze %swap3A_1504 : memref<1x16x768xf32, #tpu.memory_space<vmem>> -> memref<16x768xf32, #tpu.memory_space<vmem>>
        %swap3A_1506 = arith.index_cast %scan3A_783 : i32 to index
        %swap3A_1507 = arith.constant 496 : index
        %swap3A_1508 = tpu.vector_load %swap3A_1505[%swap3A_1506, %swap3A_1507] {strides = array<i32>} : memref<16x768xf32, #tpu.memory_space<vmem>>, vector<16xf32>,
        tpu.vector_store %swap3A_1505[%swap3A_1506, %swap3A_1507], %add3A_1494 {strides = array<i32>} : memref<16x768xf32, #tpu.memory_space<vmem>>, vector<16xf32>,
        %add3A_1509 = arith.addf %add3A_1423, %add3A_1493 : vector<16xf32>
        %mul3A_1510 = arith.mulf %add3A_1493, %add3A_1493 : vector<16xf32>
        %add3A_1511 = arith.addf %add3A_1425, %mul3A_1510 : vector<16xf32>
        %add3A_1512 = arith.addf %add3A_1426, %add3A_1494 : vector<16xf32>
        %mul3A_1513 = arith.mulf %add3A_1494, %add3A_1494 : vector<16xf32>
        %add3A_1514 = arith.addf %add3A_1428, %mul3A_1513 : vector<16xf32>
        %get3A_1515 = arith.constant 0 : i32
        %get3A_1516 = arith.constant 0 : i32
        %get3A_1517 = tpu.memref_slice %arg14[%scan3A_87, %get3A_1515, %get3A_1516] : memref<2x16x768xf32, #tpu.memory_space<vmem>> -> memref<1x16x768xf32, #tpu.memory_space<vmem>>
        %get3A_1518 = tpu.memref_squeeze %get3A_1517 : memref<1x16x768xf32, #tpu.memory_space<vmem>> -> memref<16x768xf32, #tpu.memory_space<vmem>>
        %get3A_1519 = arith.index_cast %scan3A_783 : i32 to index
        %get3A_1520 = arith.constant 576 : index
        %get3A_1521 = tpu.vector_load %get3A_1518[%get3A_1519, %get3A_1520] {strides = array<i32>} : memref<16x768xf32, #tpu.memory_space<vmem>>, vector<16xf32>,
        %get3A_1522 = arith.constant 0 : i32
        %get3A_1523 = arith.constant 0 : i32
        %get3A_1524 = tpu.memref_slice %arg14[%scan3A_87, %get3A_1522, %get3A_1523] : memref<2x16x768xf32, #tpu.memory_space<vmem>> -> memref<1x16x768xf32, #tpu.memory_space<vmem>>
        %get3A_1525 = tpu.memref_squeeze %get3A_1524 : memref<1x16x768xf32, #tpu.memory_space<vmem>> -> memref<16x768xf32, #tpu.memory_space<vmem>>
        %get3A_1526 = arith.index_cast %scan3A_783 : i32 to index
        %get3A_1527 = arith.constant 592 : index
        %get3A_1528 = tpu.vector_load %get3A_1525[%get3A_1526, %get3A_1527] {strides = array<i32>} : memref<16x768xf32, #tpu.memory_space<vmem>>, vector<16xf32>,
        %get3A_1529 = arith.index_cast %scan3A_784 : i32 to index
        %get3A_1530 = arith.index_cast %scan3A_783 : i32 to index
        %get3A_1531 = arith.constant 288 : index
        %get3A_1532 = tpu.vector_load %arg10[%get3A_1529, %get3A_1530, %get3A_1531] {strides = array<i32>} : memref<2x16x384xi32, #tpu.memory_space<vmem>>, vector<16xi32>,
        %bitcast3A_1533 = vector.bitcast %get3A_1446 : vector<16xi32> to vector<32xbf16>
        %unpack3A_1534 = tpu.unpack_subelements %bitcast3A_1533, 0 {pack_format = #tpu.pack_format<interleaved>} : vector<32xbf16> -> vector<16xf32>
        %unpack3A_1535 = tpu.unpack_subelements %bitcast3A_1533, 1 {pack_format = #tpu.pack_format<interleaved>} : vector<32xbf16> -> vector<16xf32>
        %add3A_1536 = arith.addf %get3A_1435, %unpack3A_1534 : vector<16xf32>
        %add3A_1537 = arith.addf %get3A_1442, %unpack3A_1535 : vector<16xf32>
        %swap3A_1538 = arith.constant 0 : i32
        %swap3A_1539 = arith.constant 0 : i32
        %swap3A_1540 = tpu.memref_slice %arg15[%scan3A_88, %swap3A_1538, %swap3A_1539] : memref<2x16x768xf32, #tpu.memory_space<vmem>> -> memref<1x16x768xf32, #tpu.memory_space<vmem>>
        %swap3A_1541 = tpu.memref_squeeze %swap3A_1540 : memref<1x16x768xf32, #tpu.memory_space<vmem>> -> memref<16x768xf32, #tpu.memory_space<vmem>>
        %swap3A_1542 = arith.index_cast %scan3A_783 : i32 to index
        %swap3A_1543 = arith.constant 512 : index
        %swap3A_1544 = tpu.vector_load %swap3A_1541[%swap3A_1542, %swap3A_1543] {strides = array<i32>} : memref<16x768xf32, #tpu.memory_space<vmem>>, vector<16xf32>,
        tpu.vector_store %swap3A_1541[%swap3A_1542, %swap3A_1543], %add3A_1536 {strides = array<i32>} : memref<16x768xf32, #tpu.memory_space<vmem>>, vector<16xf32>,
        %swap3A_1545 = arith.constant 0 : i32
        %swap3A_1546 = arith.constant 0 : i32
        %swap3A_1547 = tpu.memref_slice %arg15[%scan3A_88, %swap3A_1545, %swap3A_1546] : memref<2x16x768xf32, #tpu.memory_space<vmem>> -> memref<1x16x768xf32, #tpu.memory_space<vmem>>
        %swap3A_1548 = tpu.memref_squeeze %swap3A_1547 : memref<1x16x768xf32, #tpu.memory_space<vmem>> -> memref<16x768xf32, #tpu.memory_space<vmem>>
        %swap3A_1549 = arith.index_cast %scan3A_783 : i32 to index
        %swap3A_1550 = arith.constant 528 : index
        %swap3A_1551 = tpu.vector_load %swap3A_1548[%swap3A_1549, %swap3A_1550] {strides = array<i32>} : memref<16x768xf32, #tpu.memory_space<vmem>>, vector<16xf32>,
        tpu.vector_store %swap3A_1548[%swap3A_1549, %swap3A_1550], %add3A_1537 {strides = array<i32>} : memref<16x768xf32, #tpu.memory_space<vmem>>, vector<16xf32>,
        %add3A_1552 = arith.addf %add3A_1466, %add3A_1536 : vector<16xf32>
        %mul3A_1553 = arith.mulf %add3A_1536, %add3A_1536 : vector<16xf32>
        %add3A_1554 = arith.addf %add3A_1468, %mul3A_1553 : vector<16xf32>
        %add3A_1555 = arith.addf %add3A_1469, %add3A_1537 : vector<16xf32>
        %mul3A_1556 = arith.mulf %add3A_1537, %add3A_1537 : vector<16xf32>
        %add3A_1557 = arith.addf %add3A_1471, %mul3A_1556 : vector<16xf32>
        %get3A_1558 = arith.constant 0 : i32
        %get3A_1559 = arith.constant 0 : i32
        %get3A_1560 = tpu.memref_slice %arg14[%scan3A_87, %get3A_1558, %get3A_1559] : memref<2x16x768xf32, #tpu.memory_space<vmem>> -> memref<1x16x768xf32, #tpu.memory_space<vmem>>
        %get3A_1561 = tpu.memref_squeeze %get3A_1560 : memref<1x16x768xf32, #tpu.memory_space<vmem>> -> memref<16x768xf32, #tpu.memory_space<vmem>>
        %get3A_1562 = arith.index_cast %scan3A_783 : i32 to index
        %get3A_1563 = arith.constant 608 : index
        %get3A_1564 = tpu.vector_load %get3A_1561[%get3A_1562, %get3A_1563] {strides = array<i32>} : memref<16x768xf32, #tpu.memory_space<vmem>>, vector<16xf32>,
        %get3A_1565 = arith.constant 0 : i32
        %get3A_1566 = arith.constant 0 : i32
        %get3A_1567 = tpu.memref_slice %arg14[%scan3A_87, %get3A_1565, %get3A_1566] : memref<2x16x768xf32, #tpu.memory_space<vmem>> -> memref<1x16x768xf32, #tpu.memory_space<vmem>>
        %get3A_1568 = tpu.memref_squeeze %get3A_1567 : memref<1x16x768xf32, #tpu.memory_space<vmem>> -> memref<16x768xf32, #tpu.memory_space<vmem>>
        %get3A_1569 = arith.index_cast %scan3A_783 : i32 to index
        %get3A_1570 = arith.constant 624 : index
        %get3A_1571 = tpu.vector_load %get3A_1568[%get3A_1569, %get3A_1570] {strides = array<i32>} : memref<16x768xf32, #tpu.memory_space<vmem>>, vector<16xf32>,
        %get3A_1572 = arith.index_cast %scan3A_784 : i32 to index
        %get3A_1573 = arith.index_cast %scan3A_783 : i32 to index
        %get3A_1574 = arith.constant 304 : index
        %get3A_1575 = tpu.vector_load %arg10[%get3A_1572, %get3A_1573, %get3A_1574] {strides = array<i32>} : memref<2x16x384xi32, #tpu.memory_space<vmem>>, vector<16xi32>,
        %bitcast3A_1576 = vector.bitcast %get3A_1489 : vector<16xi32> to vector<32xbf16>
        %unpack3A_1577 = tpu.unpack_subelements %bitcast3A_1576, 0 {pack_format = #tpu.pack_format<interleaved>} : vector<32xbf16> -> vector<16xf32>
        %unpack3A_1578 = tpu.unpack_subelements %bitcast3A_1576, 1 {pack_format = #tpu.pack_format<interleaved>} : vector<32xbf16> -> vector<16xf32>
        %add3A_1579 = arith.addf %get3A_1478, %unpack3A_1577 : vector<16xf32>
        %add3A_1580 = arith.addf %get3A_1485, %unpack3A_1578 : vector<16xf32>
        %swap3A_1581 = arith.constant 0 : i32
        %swap3A_1582 = arith.constant 0 : i32
        %swap3A_1583 = tpu.memref_slice %arg15[%scan3A_88, %swap3A_1581, %swap3A_1582] : memref<2x16x768xf32, #tpu.memory_space<vmem>> -> memref<1x16x768xf32, #tpu.memory_space<vmem>>
        %swap3A_1584 = tpu.memref_squeeze %swap3A_1583 : memref<1x16x768xf32, #tpu.memory_space<vmem>> -> memref<16x768xf32, #tpu.memory_space<vmem>>
        %swap3A_1585 = arith.index_cast %scan3A_783 : i32 to index
        %swap3A_1586 = arith.constant 544 : index
        %swap3A_1587 = tpu.vector_load %swap3A_1584[%swap3A_1585, %swap3A_1586] {strides = array<i32>} : memref<16x768xf32, #tpu.memory_space<vmem>>, vector<16xf32>,
        tpu.vector_store %swap3A_1584[%swap3A_1585, %swap3A_1586], %add3A_1579 {strides = array<i32>} : memref<16x768xf32, #tpu.memory_space<vmem>>, vector<16xf32>,
        %swap3A_1588 = arith.constant 0 : i32
        %swap3A_1589 = arith.constant 0 : i32
        %swap3A_1590 = tpu.memref_slice %arg15[%scan3A_88, %swap3A_1588, %swap3A_1589] : memref<2x16x768xf32, #tpu.memory_space<vmem>> -> memref<1x16x768xf32, #tpu.memory_space<vmem>>
        %swap3A_1591 = tpu.memref_squeeze %swap3A_1590 : memref<1x16x768xf32, #tpu.memory_space<vmem>> -> memref<16x768xf32, #tpu.memory_space<vmem>>
        %swap3A_1592 = arith.index_cast %scan3A_783 : i32 to index
        %swap3A_1593 = arith.constant 560 : index
        %swap3A_1594 = tpu.vector_load %swap3A_1591[%swap3A_1592, %swap3A_1593] {strides = array<i32>} : memref<16x768xf32, #tpu.memory_space<vmem>>, vector<16xf32>,
        tpu.vector_store %swap3A_1591[%swap3A_1592, %swap3A_1593], %add3A_1580 {strides = array<i32>} : memref<16x768xf32, #tpu.memory_space<vmem>>, vector<16xf32>,
        %add3A_1595 = arith.addf %add3A_1509, %add3A_1579 : vector<16xf32>
        %mul3A_1596 = arith.mulf %add3A_1579, %add3A_1579 : vector<16xf32>
        %add3A_1597 = arith.addf %add3A_1511, %mul3A_1596 : vector<16xf32>
        %add3A_1598 = arith.addf %add3A_1512, %add3A_1580 : vector<16xf32>
        %mul3A_1599 = arith.mulf %add3A_1580, %add3A_1580 : vector<16xf32>
        %add3A_1600 = arith.addf %add3A_1514, %mul3A_1599 : vector<16xf32>
        %get3A_1601 = arith.constant 0 : i32
        %get3A_1602 = arith.constant 0 : i32
        %get3A_1603 = tpu.memref_slice %arg14[%scan3A_87, %get3A_1601, %get3A_1602] : memref<2x16x768xf32, #tpu.memory_space<vmem>> -> memref<1x16x768xf32, #tpu.memory_space<vmem>>
        %get3A_1604 = tpu.memref_squeeze %get3A_1603 : memref<1x16x768xf32, #tpu.memory_space<vmem>> -> memref<16x768xf32, #tpu.memory_space<vmem>>
        %get3A_1605 = arith.index_cast %scan3A_783 : i32 to index
        %get3A_1606 = arith.constant 640 : index
        %get3A_1607 = tpu.vector_load %get3A_1604[%get3A_1605, %get3A_1606] {strides = array<i32>} : memref<16x768xf32, #tpu.memory_space<vmem>>, vector<16xf32>,
        %get3A_1608 = arith.constant 0 : i32
        %get3A_1609 = arith.constant 0 : i32
        %get3A_1610 = tpu.memref_slice %arg14[%scan3A_87, %get3A_1608, %get3A_1609] : memref<2x16x768xf32, #tpu.memory_space<vmem>> -> memref<1x16x768xf32, #tpu.memory_space<vmem>>
        %get3A_1611 = tpu.memref_squeeze %get3A_1610 : memref<1x16x768xf32, #tpu.memory_space<vmem>> -> memref<16x768xf32, #tpu.memory_space<vmem>>
        %get3A_1612 = arith.index_cast %scan3A_783 : i32 to index
        %get3A_1613 = arith.constant 656 : index
        %get3A_1614 = tpu.vector_load %get3A_1611[%get3A_1612, %get3A_1613] {strides = array<i32>} : memref<16x768xf32, #tpu.memory_space<vmem>>, vector<16xf32>,
        %get3A_1615 = arith.index_cast %scan3A_784 : i32 to index
        %get3A_1616 = arith.index_cast %scan3A_783 : i32 to index
        %get3A_1617 = arith.constant 320 : index
        %get3A_1618 = tpu.vector_load %arg10[%get3A_1615, %get3A_1616, %get3A_1617] {strides = array<i32>} : memref<2x16x384xi32, #tpu.memory_space<vmem>>, vector<16xi32>,
        %bitcast3A_1619 = vector.bitcast %get3A_1532 : vector<16xi32> to vector<32xbf16>
        %unpack3A_1620 = tpu.unpack_subelements %bitcast3A_1619, 0 {pack_format = #tpu.pack_format<interleaved>} : vector<32xbf16> -> vector<16xf32>
        %unpack3A_1621 = tpu.unpack_subelements %bitcast3A_1619, 1 {pack_format = #tpu.pack_format<interleaved>} : vector<32xbf16> -> vector<16xf32>
        %add3A_1622 = arith.addf %get3A_1521, %unpack3A_1620 : vector<16xf32>
        %add3A_1623 = arith.addf %get3A_1528, %unpack3A_1621 : vector<16xf32>
        %swap3A_1624 = arith.constant 0 : i32
        %swap3A_1625 = arith.constant 0 : i32
        %swap3A_1626 = tpu.memref_slice %arg15[%scan3A_88, %swap3A_1624, %swap3A_1625] : memref<2x16x768xf32, #tpu.memory_space<vmem>> -> memref<1x16x768xf32, #tpu.memory_space<vmem>>
        %swap3A_1627 = tpu.memref_squeeze %swap3A_1626 : memref<1x16x768xf32, #tpu.memory_space<vmem>> -> memref<16x768xf32, #tpu.memory_space<vmem>>
        %swap3A_1628 = arith.index_cast %scan3A_783 : i32 to index
        %swap3A_1629 = arith.constant 576 : index
        %swap3A_1630 = tpu.vector_load %swap3A_1627[%swap3A_1628, %swap3A_1629] {strides = array<i32>} : memref<16x768xf32, #tpu.memory_space<vmem>>, vector<16xf32>,
        tpu.vector_store %swap3A_1627[%swap3A_1628, %swap3A_1629], %add3A_1622 {strides = array<i32>} : memref<16x768xf32, #tpu.memory_space<vmem>>, vector<16xf32>,
        %swap3A_1631 = arith.constant 0 : i32
        %swap3A_1632 = arith.constant 0 : i32
        %swap3A_1633 = tpu.memref_slice %arg15[%scan3A_88, %swap3A_1631, %swap3A_1632] : memref<2x16x768xf32, #tpu.memory_space<vmem>> -> memref<1x16x768xf32, #tpu.memory_space<vmem>>
        %swap3A_1634 = tpu.memref_squeeze %swap3A_1633 : memref<1x16x768xf32, #tpu.memory_space<vmem>> -> memref<16x768xf32, #tpu.memory_space<vmem>>
        %swap3A_1635 = arith.index_cast %scan3A_783 : i32 to index
        %swap3A_1636 = arith.constant 592 : index
        %swap3A_1637 = tpu.vector_load %swap3A_1634[%swap3A_1635, %swap3A_1636] {strides = array<i32>} : memref<16x768xf32, #tpu.memory_space<vmem>>, vector<16xf32>,
        tpu.vector_store %swap3A_1634[%swap3A_1635, %swap3A_1636], %add3A_1623 {strides = array<i32>} : memref<16x768xf32, #tpu.memory_space<vmem>>, vector<16xf32>,
        %add3A_1638 = arith.addf %add3A_1552, %add3A_1622 : vector<16xf32>
        %mul3A_1639 = arith.mulf %add3A_1622, %add3A_1622 : vector<16xf32>
        %add3A_1640 = arith.addf %add3A_1554, %mul3A_1639 : vector<16xf32>
        %add3A_1641 = arith.addf %add3A_1555, %add3A_1623 : vector<16xf32>
        %mul3A_1642 = arith.mulf %add3A_1623, %add3A_1623 : vector<16xf32>
        %add3A_1643 = arith.addf %add3A_1557, %mul3A_1642 : vector<16xf32>
        %get3A_1644 = arith.constant 0 : i32
        %get3A_1645 = arith.constant 0 : i32
        %get3A_1646 = tpu.memref_slice %arg14[%scan3A_87, %get3A_1644, %get3A_1645] : memref<2x16x768xf32, #tpu.memory_space<vmem>> -> memref<1x16x768xf32, #tpu.memory_space<vmem>>
        %get3A_1647 = tpu.memref_squeeze %get3A_1646 : memref<1x16x768xf32, #tpu.memory_space<vmem>> -> memref<16x768xf32, #tpu.memory_space<vmem>>
        %get3A_1648 = arith.index_cast %scan3A_783 : i32 to index
        %get3A_1649 = arith.constant 672 : index
        %get3A_1650 = tpu.vector_load %get3A_1647[%get3A_1648, %get3A_1649] {strides = array<i32>} : memref<16x768xf32, #tpu.memory_space<vmem>>, vector<16xf32>,
        %get3A_1651 = arith.constant 0 : i32
        %get3A_1652 = arith.constant 0 : i32
        %get3A_1653 = tpu.memref_slice %arg14[%scan3A_87, %get3A_1651, %get3A_1652] : memref<2x16x768xf32, #tpu.memory_space<vmem>> -> memref<1x16x768xf32, #tpu.memory_space<vmem>>
        %get3A_1654 = tpu.memref_squeeze %get3A_1653 : memref<1x16x768xf32, #tpu.memory_space<vmem>> -> memref<16x768xf32, #tpu.memory_space<vmem>>
        %get3A_1655 = arith.index_cast %scan3A_783 : i32 to index
        %get3A_1656 = arith.constant 688 : index
        %get3A_1657 = tpu.vector_load %get3A_1654[%get3A_1655, %get3A_1656] {strides = array<i32>} : memref<16x768xf32, #tpu.memory_space<vmem>>, vector<16xf32>,
        %get3A_1658 = arith.index_cast %scan3A_784 : i32 to index
        %get3A_1659 = arith.index_cast %scan3A_783 : i32 to index
        %get3A_1660 = arith.constant 336 : index
        %get3A_1661 = tpu.vector_load %arg10[%get3A_1658, %get3A_1659, %get3A_1660] {strides = array<i32>} : memref<2x16x384xi32, #tpu.memory_space<vmem>>, vector<16xi32>,
        %bitcast3A_1662 = vector.bitcast %get3A_1575 : vector<16xi32> to vector<32xbf16>
        %unpack3A_1663 = tpu.unpack_subelements %bitcast3A_1662, 0 {pack_format = #tpu.pack_format<interleaved>} : vector<32xbf16> -> vector<16xf32>
        %unpack3A_1664 = tpu.unpack_subelements %bitcast3A_1662, 1 {pack_format = #tpu.pack_format<interleaved>} : vector<32xbf16> -> vector<16xf32>
        %add3A_1665 = arith.addf %get3A_1564, %unpack3A_1663 : vector<16xf32>
        %add3A_1666 = arith.addf %get3A_1571, %unpack3A_1664 : vector<16xf32>
        %swap3A_1667 = arith.constant 0 : i32
        %swap3A_1668 = arith.constant 0 : i32
        %swap3A_1669 = tpu.memref_slice %arg15[%scan3A_88, %swap3A_1667, %swap3A_1668] : memref<2x16x768xf32, #tpu.memory_space<vmem>> -> memref<1x16x768xf32, #tpu.memory_space<vmem>>
        %swap3A_1670 = tpu.memref_squeeze %swap3A_1669 : memref<1x16x768xf32, #tpu.memory_space<vmem>> -> memref<16x768xf32, #tpu.memory_space<vmem>>
        %swap3A_1671 = arith.index_cast %scan3A_783 : i32 to index
        %swap3A_1672 = arith.constant 608 : index
        %swap3A_1673 = tpu.vector_load %swap3A_1670[%swap3A_1671, %swap3A_1672] {strides = array<i32>} : memref<16x768xf32, #tpu.memory_space<vmem>>, vector<16xf32>,
        tpu.vector_store %swap3A_1670[%swap3A_1671, %swap3A_1672], %add3A_1665 {strides = array<i32>} : memref<16x768xf32, #tpu.memory_space<vmem>>, vector<16xf32>,
        %swap3A_1674 = arith.constant 0 : i32
        %swap3A_1675 = arith.constant 0 : i32
        %swap3A_1676 = tpu.memref_slice %arg15[%scan3A_88, %swap3A_1674, %swap3A_1675] : memref<2x16x768xf32, #tpu.memory_space<vmem>> -> memref<1x16x768xf32, #tpu.memory_space<vmem>>
        %swap3A_1677 = tpu.memref_squeeze %swap3A_1676 : memref<1x16x768xf32, #tpu.memory_space<vmem>> -> memref<16x768xf32, #tpu.memory_space<vmem>>
        %swap3A_1678 = arith.index_cast %scan3A_783 : i32 to index
        %swap3A_1679 = arith.constant 624 : index
        %swap3A_1680 = tpu.vector_load %swap3A_1677[%swap3A_1678, %swap3A_1679] {strides = array<i32>} : memref<16x768xf32, #tpu.memory_space<vmem>>, vector<16xf32>,
        tpu.vector_store %swap3A_1677[%swap3A_1678, %swap3A_1679], %add3A_1666 {strides = array<i32>} : memref<16x768xf32, #tpu.memory_space<vmem>>, vector<16xf32>,
        %add3A_1681 = arith.addf %add3A_1595, %add3A_1665 : vector<16xf32>
        %mul3A_1682 = arith.mulf %add3A_1665, %add3A_1665 : vector<16xf32>
        %add3A_1683 = arith.addf %add3A_1597, %mul3A_1682 : vector<16xf32>
        %add3A_1684 = arith.addf %add3A_1598, %add3A_1666 : vector<16xf32>
        %mul3A_1685 = arith.mulf %add3A_1666, %add3A_1666 : vector<16xf32>
        %add3A_1686 = arith.addf %add3A_1600, %mul3A_1685 : vector<16xf32>
        %get3A_1687 = arith.constant 0 : i32
        %get3A_1688 = arith.constant 0 : i32
        %get3A_1689 = tpu.memref_slice %arg14[%scan3A_87, %get3A_1687, %get3A_1688] : memref<2x16x768xf32, #tpu.memory_space<vmem>> -> memref<1x16x768xf32, #tpu.memory_space<vmem>>
        %get3A_1690 = tpu.memref_squeeze %get3A_1689 : memref<1x16x768xf32, #tpu.memory_space<vmem>> -> memref<16x768xf32, #tpu.memory_space<vmem>>
        %get3A_1691 = arith.index_cast %scan3A_783 : i32 to index
        %get3A_1692 = arith.constant 704 : index
        %get3A_1693 = tpu.vector_load %get3A_1690[%get3A_1691, %get3A_1692] {strides = array<i32>} : memref<16x768xf32, #tpu.memory_space<vmem>>, vector<16xf32>,
        %get3A_1694 = arith.constant 0 : i32
        %get3A_1695 = arith.constant 0 : i32
        %get3A_1696 = tpu.memref_slice %arg14[%scan3A_87, %get3A_1694, %get3A_1695] : memref<2x16x768xf32, #tpu.memory_space<vmem>> -> memref<1x16x768xf32, #tpu.memory_space<vmem>>
        %get3A_1697 = tpu.memref_squeeze %get3A_1696 : memref<1x16x768xf32, #tpu.memory_space<vmem>> -> memref<16x768xf32, #tpu.memory_space<vmem>>
        %get3A_1698 = arith.index_cast %scan3A_783 : i32 to index
        %get3A_1699 = arith.constant 720 : index
        %get3A_1700 = tpu.vector_load %get3A_1697[%get3A_1698, %get3A_1699] {strides = array<i32>} : memref<16x768xf32, #tpu.memory_space<vmem>>, vector<16xf32>,
        %get3A_1701 = arith.index_cast %scan3A_784 : i32 to index
        %get3A_1702 = arith.index_cast %scan3A_783 : i32 to index
        %get3A_1703 = arith.constant 352 : index
        %get3A_1704 = tpu.vector_load %arg10[%get3A_1701, %get3A_1702, %get3A_1703] {strides = array<i32>} : memref<2x16x384xi32, #tpu.memory_space<vmem>>, vector<16xi32>,
        %bitcast3A_1705 = vector.bitcast %get3A_1618 : vector<16xi32> to vector<32xbf16>
        %unpack3A_1706 = tpu.unpack_subelements %bitcast3A_1705, 0 {pack_format = #tpu.pack_format<interleaved>} : vector<32xbf16> -> vector<16xf32>
        %unpack3A_1707 = tpu.unpack_subelements %bitcast3A_1705, 1 {pack_format = #tpu.pack_format<interleaved>} : vector<32xbf16> -> vector<16xf32>
        %add3A_1708 = arith.addf %get3A_1607, %unpack3A_1706 : vector<16xf32>
        %add3A_1709 = arith.addf %get3A_1614, %unpack3A_1707 : vector<16xf32>
        %swap3A_1710 = arith.constant 0 : i32
        %swap3A_1711 = arith.constant 0 : i32
        %swap3A_1712 = tpu.memref_slice %arg15[%scan3A_88, %swap3A_1710, %swap3A_1711] : memref<2x16x768xf32, #tpu.memory_space<vmem>> -> memref<1x16x768xf32, #tpu.memory_space<vmem>>
        %swap3A_1713 = tpu.memref_squeeze %swap3A_1712 : memref<1x16x768xf32, #tpu.memory_space<vmem>> -> memref<16x768xf32, #tpu.memory_space<vmem>>
        %swap3A_1714 = arith.index_cast %scan3A_783 : i32 to index
        %swap3A_1715 = arith.constant 640 : index
        %swap3A_1716 = tpu.vector_load %swap3A_1713[%swap3A_1714, %swap3A_1715] {strides = array<i32>} : memref<16x768xf32, #tpu.memory_space<vmem>>, vector<16xf32>,
        tpu.vector_store %swap3A_1713[%swap3A_1714, %swap3A_1715], %add3A_1708 {strides = array<i32>} : memref<16x768xf32, #tpu.memory_space<vmem>>, vector<16xf32>,
        %swap3A_1717 = arith.constant 0 : i32
        %swap3A_1718 = arith.constant 0 : i32
        %swap3A_1719 = tpu.memref_slice %arg15[%scan3A_88, %swap3A_1717, %swap3A_1718] : memref<2x16x768xf32, #tpu.memory_space<vmem>> -> memref<1x16x768xf32, #tpu.memory_space<vmem>>
        %swap3A_1720 = tpu.memref_squeeze %swap3A_1719 : memref<1x16x768xf32, #tpu.memory_space<vmem>> -> memref<16x768xf32, #tpu.memory_space<vmem>>
        %swap3A_1721 = arith.index_cast %scan3A_783 : i32 to index
        %swap3A_1722 = arith.constant 656 : index
        %swap3A_1723 = tpu.vector_load %swap3A_1720[%swap3A_1721, %swap3A_1722] {strides = array<i32>} : memref<16x768xf32, #tpu.memory_space<vmem>>, vector<16xf32>,
        tpu.vector_store %swap3A_1720[%swap3A_1721, %swap3A_1722], %add3A_1709 {strides = array<i32>} : memref<16x768xf32, #tpu.memory_space<vmem>>, vector<16xf32>,
        %add3A_1724 = arith.addf %add3A_1638, %add3A_1708 : vector<16xf32>
        %mul3A_1725 = arith.mulf %add3A_1708, %add3A_1708 : vector<16xf32>
        %add3A_1726 = arith.addf %add3A_1640, %mul3A_1725 : vector<16xf32>
        %add3A_1727 = arith.addf %add3A_1641, %add3A_1709 : vector<16xf32>
        %mul3A_1728 = arith.mulf %add3A_1709, %add3A_1709 : vector<16xf32>
        %add3A_1729 = arith.addf %add3A_1643, %mul3A_1728 : vector<16xf32>
        %get3A_1730 = arith.constant 0 : i32
        %get3A_1731 = arith.constant 0 : i32
        %get3A_1732 = tpu.memref_slice %arg14[%scan3A_87, %get3A_1730, %get3A_1731] : memref<2x16x768xf32, #tpu.memory_space<vmem>> -> memref<1x16x768xf32, #tpu.memory_space<vmem>>
        %get3A_1733 = tpu.memref_squeeze %get3A_1732 : memref<1x16x768xf32, #tpu.memory_space<vmem>> -> memref<16x768xf32, #tpu.memory_space<vmem>>
        %get3A_1734 = arith.index_cast %scan3A_783 : i32 to index
        %get3A_1735 = arith.constant 736 : index
        %get3A_1736 = tpu.vector_load %get3A_1733[%get3A_1734, %get3A_1735] {strides = array<i32>} : memref<16x768xf32, #tpu.memory_space<vmem>>, vector<16xf32>,
        %get3A_1737 = arith.constant 0 : i32
        %get3A_1738 = arith.constant 0 : i32
        %get3A_1739 = tpu.memref_slice %arg14[%scan3A_87, %get3A_1737, %get3A_1738] : memref<2x16x768xf32, #tpu.memory_space<vmem>> -> memref<1x16x768xf32, #tpu.memory_space<vmem>>
        %get3A_1740 = tpu.memref_squeeze %get3A_1739 : memref<1x16x768xf32, #tpu.memory_space<vmem>> -> memref<16x768xf32, #tpu.memory_space<vmem>>
        %get3A_1741 = arith.index_cast %scan3A_783 : i32 to index
        %get3A_1742 = arith.constant 752 : index
        %get3A_1743 = tpu.vector_load %get3A_1740[%get3A_1741, %get3A_1742] {strides = array<i32>} : memref<16x768xf32, #tpu.memory_space<vmem>>, vector<16xf32>,
        %get3A_1744 = arith.index_cast %scan3A_784 : i32 to index
        %get3A_1745 = arith.index_cast %scan3A_783 : i32 to index
        %get3A_1746 = arith.constant 368 : index
        %get3A_1747 = tpu.vector_load %arg10[%get3A_1744, %get3A_1745, %get3A_1746] {strides = array<i32>} : memref<2x16x384xi32, #tpu.memory_space<vmem>>, vector<16xi32>,
        %bitcast3A_1748 = vector.bitcast %get3A_1661 : vector<16xi32> to vector<32xbf16>
        %unpack3A_1749 = tpu.unpack_subelements %bitcast3A_1748, 0 {pack_format = #tpu.pack_format<interleaved>} : vector<32xbf16> -> vector<16xf32>
        %unpack3A_1750 = tpu.unpack_subelements %bitcast3A_1748, 1 {pack_format = #tpu.pack_format<interleaved>} : vector<32xbf16> -> vector<16xf32>
        %add3A_1751 = arith.addf %get3A_1650, %unpack3A_1749 : vector<16xf32>
        %add3A_1752 = arith.addf %get3A_1657, %unpack3A_1750 : vector<16xf32>
        %swap3A_1753 = arith.constant 0 : i32
        %swap3A_1754 = arith.constant 0 : i32
        %swap3A_1755 = tpu.memref_slice %arg15[%scan3A_88, %swap3A_1753, %swap3A_1754] : memref<2x16x768xf32, #tpu.memory_space<vmem>> -> memref<1x16x768xf32, #tpu.memory_space<vmem>>
        %swap3A_1756 = tpu.memref_squeeze %swap3A_1755 : memref<1x16x768xf32, #tpu.memory_space<vmem>> -> memref<16x768xf32, #tpu.memory_space<vmem>>
        %swap3A_1757 = arith.index_cast %scan3A_783 : i32 to index
        %swap3A_1758 = arith.constant 672 : index
        %swap3A_1759 = tpu.vector_load %swap3A_1756[%swap3A_1757, %swap3A_1758] {strides = array<i32>} : memref<16x768xf32, #tpu.memory_space<vmem>>, vector<16xf32>,
        tpu.vector_store %swap3A_1756[%swap3A_1757, %swap3A_1758], %add3A_1751 {strides = array<i32>} : memref<16x768xf32, #tpu.memory_space<vmem>>, vector<16xf32>,
        %swap3A_1760 = arith.constant 0 : i32
        %swap3A_1761 = arith.constant 0 : i32
        %swap3A_1762 = tpu.memref_slice %arg15[%scan3A_88, %swap3A_1760, %swap3A_1761] : memref<2x16x768xf32, #tpu.memory_space<vmem>> -> memref<1x16x768xf32, #tpu.memory_space<vmem>>
        %swap3A_1763 = tpu.memref_squeeze %swap3A_1762 : memref<1x16x768xf32, #tpu.memory_space<vmem>> -> memref<16x768xf32, #tpu.memory_space<vmem>>
        %swap3A_1764 = arith.index_cast %scan3A_783 : i32 to index
        %swap3A_1765 = arith.constant 688 : index
        %swap3A_1766 = tpu.vector_load %swap3A_1763[%swap3A_1764, %swap3A_1765] {strides = array<i32>} : memref<16x768xf32, #tpu.memory_space<vmem>>, vector<16xf32>,
        tpu.vector_store %swap3A_1763[%swap3A_1764, %swap3A_1765], %add3A_1752 {strides = array<i32>} : memref<16x768xf32, #tpu.memory_space<vmem>>, vector<16xf32>,
        %add3A_1767 = arith.addf %add3A_1681, %add3A_1751 : vector<16xf32>
        %mul3A_1768 = arith.mulf %add3A_1751, %add3A_1751 : vector<16xf32>
        %add3A_1769 = arith.addf %add3A_1683, %mul3A_1768 : vector<16xf32>
        %add3A_1770 = arith.addf %add3A_1684, %add3A_1752 : vector<16xf32>
        %mul3A_1771 = arith.mulf %add3A_1752, %add3A_1752 : vector<16xf32>
        %add3A_1772 = arith.addf %add3A_1686, %mul3A_1771 : vector<16xf32>
        %bitcast3A_1773 = vector.bitcast %get3A_1704 : vector<16xi32> to vector<32xbf16>
        %unpack3A_1774 = tpu.unpack_subelements %bitcast3A_1773, 0 {pack_format = #tpu.pack_format<interleaved>} : vector<32xbf16> -> vector<16xf32>
        %unpack3A_1775 = tpu.unpack_subelements %bitcast3A_1773, 1 {pack_format = #tpu.pack_format<interleaved>} : vector<32xbf16> -> vector<16xf32>
        %add3A_1776 = arith.addf %get3A_1693, %unpack3A_1774 : vector<16xf32>
        %add3A_1777 = arith.addf %get3A_1700, %unpack3A_1775 : vector<16xf32>
        %swap3A_1778 = arith.constant 0 : i32
        %swap3A_1779 = arith.constant 0 : i32
        %swap3A_1780 = tpu.memref_slice %arg15[%scan3A_88, %swap3A_1778, %swap3A_1779] : memref<2x16x768xf32, #tpu.memory_space<vmem>> -> memref<1x16x768xf32, #tpu.memory_space<vmem>>
        %swap3A_1781 = tpu.memref_squeeze %swap3A_1780 : memref<1x16x768xf32, #tpu.memory_space<vmem>> -> memref<16x768xf32, #tpu.memory_space<vmem>>
        %swap3A_1782 = arith.index_cast %scan3A_783 : i32 to index
        %swap3A_1783 = arith.constant 704 : index
        %swap3A_1784 = tpu.vector_load %swap3A_1781[%swap3A_1782, %swap3A_1783] {strides = array<i32>} : memref<16x768xf32, #tpu.memory_space<vmem>>, vector<16xf32>,
        tpu.vector_store %swap3A_1781[%swap3A_1782, %swap3A_1783], %add3A_1776 {strides = array<i32>} : memref<16x768xf32, #tpu.memory_space<vmem>>, vector<16xf32>,
        %swap3A_1785 = arith.constant 0 : i32
        %swap3A_1786 = arith.constant 0 : i32
        %swap3A_1787 = tpu.memref_slice %arg15[%scan3A_88, %swap3A_1785, %swap3A_1786] : memref<2x16x768xf32, #tpu.memory_space<vmem>> -> memref<1x16x768xf32, #tpu.memory_space<vmem>>
        %swap3A_1788 = tpu.memref_squeeze %swap3A_1787 : memref<1x16x768xf32, #tpu.memory_space<vmem>> -> memref<16x768xf32, #tpu.memory_space<vmem>>
        %swap3A_1789 = arith.index_cast %scan3A_783 : i32 to index
        %swap3A_1790 = arith.constant 720 : index
        %swap3A_1791 = tpu.vector_load %swap3A_1788[%swap3A_1789, %swap3A_1790] {strides = array<i32>} : memref<16x768xf32, #tpu.memory_space<vmem>>, vector<16xf32>,
        tpu.vector_store %swap3A_1788[%swap3A_1789, %swap3A_1790], %add3A_1777 {strides = array<i32>} : memref<16x768xf32, #tpu.memory_space<vmem>>, vector<16xf32>,
        %add3A_1792 = arith.addf %add3A_1724, %add3A_1776 : vector<16xf32>
        %mul3A_1793 = arith.mulf %add3A_1776, %add3A_1776 : vector<16xf32>
        %add3A_1794 = arith.addf %add3A_1726, %mul3A_1793 : vector<16xf32>
        %add3A_1795 = arith.addf %add3A_1727, %add3A_1777 : vector<16xf32>
        %mul3A_1796 = arith.mulf %add3A_1777, %add3A_1777 : vector<16xf32>
        %add3A_1797 = arith.addf %add3A_1729, %mul3A_1796 : vector<16xf32>
        %bitcast3A_1798 = vector.bitcast %get3A_1747 : vector<16xi32> to vector<32xbf16>
        %unpack3A_1799 = tpu.unpack_subelements %bitcast3A_1798, 0 {pack_format = #tpu.pack_format<interleaved>} : vector<32xbf16> -> vector<16xf32>
        %unpack3A_1800 = tpu.unpack_subelements %bitcast3A_1798, 1 {pack_format = #tpu.pack_format<interleaved>} : vector<32xbf16> -> vector<16xf32>
        %add3A_1801 = arith.addf %get3A_1736, %unpack3A_1799 : vector<16xf32>
        %add3A_1802 = arith.addf %get3A_1743, %unpack3A_1800 : vector<16xf32>
        %swap3A_1803 = arith.constant 0 : i32
        %swap3A_1804 = arith.constant 0 : i32
        %swap3A_1805 = tpu.memref_slice %arg15[%scan3A_88, %swap3A_1803, %swap3A_1804] : memref<2x16x768xf32, #tpu.memory_space<vmem>> -> memref<1x16x768xf32, #tpu.memory_space<vmem>>
        %swap3A_1806 = tpu.memref_squeeze %swap3A_1805 : memref<1x16x768xf32, #tpu.memory_space<vmem>> -> memref<16x768xf32, #tpu.memory_space<vmem>>
        %swap3A_1807 = arith.index_cast %scan3A_783 : i32 to index
        %swap3A_1808 = arith.constant 736 : index
        %swap3A_1809 = tpu.vector_load %swap3A_1806[%swap3A_1807, %swap3A_1808] {strides = array<i32>} : memref<16x768xf32, #tpu.memory_space<vmem>>, vector<16xf32>,
        tpu.vector_store %swap3A_1806[%swap3A_1807, %swap3A_1808], %add3A_1801 {strides = array<i32>} : memref<16x768xf32, #tpu.memory_space<vmem>>, vector<16xf32>,
        %swap3A_1810 = arith.constant 0 : i32
        %swap3A_1811 = arith.constant 0 : i32
        %swap3A_1812 = tpu.memref_slice %arg15[%scan3A_88, %swap3A_1810, %swap3A_1811] : memref<2x16x768xf32, #tpu.memory_space<vmem>> -> memref<1x16x768xf32, #tpu.memory_space<vmem>>
        %swap3A_1813 = tpu.memref_squeeze %swap3A_1812 : memref<1x16x768xf32, #tpu.memory_space<vmem>> -> memref<16x768xf32, #tpu.memory_space<vmem>>
        %swap3A_1814 = arith.index_cast %scan3A_783 : i32 to index
        %swap3A_1815 = arith.constant 752 : index
        %swap3A_1816 = tpu.vector_load %swap3A_1813[%swap3A_1814, %swap3A_1815] {strides = array<i32>} : memref<16x768xf32, #tpu.memory_space<vmem>>, vector<16xf32>,
        tpu.vector_store %swap3A_1813[%swap3A_1814, %swap3A_1815], %add3A_1802 {strides = array<i32>} : memref<16x768xf32, #tpu.memory_space<vmem>>, vector<16xf32>,
        %add3A_1817 = arith.addf %add3A_1767, %add3A_1801 : vector<16xf32>
        %mul3A_1818 = arith.mulf %add3A_1801, %add3A_1801 : vector<16xf32>
        %add3A_1819 = arith.addf %add3A_1769, %mul3A_1818 : vector<16xf32>
        %add3A_1820 = arith.addf %add3A_1770, %add3A_1802 : vector<16xf32>
        %mul3A_1821 = arith.mulf %add3A_1802, %add3A_1802 : vector<16xf32>
        %add3A_1822 = arith.addf %add3A_1772, %mul3A_1821 : vector<16xf32>
        %add3A_1823 = arith.addf %add3A_1792, %add3A_1795 : vector<16xf32>
        %add3A_1824 = arith.addf %add3A_1817, %add3A_1820 : vector<16xf32>
        %add3A_1825 = arith.addf %add3A_1823, %add3A_1824 : vector<16xf32>
        %add3A_1826 = arith.addf %add3A_1794, %add3A_1797 : vector<16xf32>
        %add3A_1827 = arith.addf %add3A_1819, %add3A_1822 : vector<16xf32>
        %add3A_1828 = arith.addf %add3A_1826, %add3A_1827 : vector<16xf32>
        %broadcast_in_dim3A_1829 = vector.broadcast %scan3A_783 : i32 to vector<16xi32>
        tpu.vector_store_idx %arg12[%iota3A, %broadcast_in_dim3A_1829], %add3A_1825 : memref<16x16xf32, #tpu.memory_space<vmem>>[vector<16xi32>, vector<16xi32>], vector<16xf32>,
        tpu.vector_store_idx %arg13[%iota3A, %broadcast_in_dim3A_1829], %add3A_1828 : memref<16x16xf32, #tpu.memory_space<vmem>>[vector<16xi32>, vector<16xi32>], vector<16xf32>,
        scf.yield %squeeze3A_792 : i32
      }
      %scan3A_94 = arith.constant 16 : i32
      %get3A_95 = arith.constant 0 : i32
      %get3A_96 = arith.index_cast %get3A_95 : i32 to index
      %get3A_97 = arith.constant 0 : index
      %get3A_98 = tpu.vector_load %arg12[%get3A_96, %get3A_97] {strides = array<i32>} : memref<16x16xf32, #tpu.memory_space<vmem>>, vector<16xf32>,
      %get3A_99 = arith.constant 1 : i32
      %get3A_100 = arith.index_cast %get3A_99 : i32 to index
      %get3A_101 = arith.constant 0 : index
      %get3A_102 = tpu.vector_load %arg12[%get3A_100, %get3A_101] {strides = array<i32>} : memref<16x16xf32, #tpu.memory_space<vmem>>, vector<16xf32>,
      %get3A_103 = arith.constant 2 : i32
      %get3A_104 = arith.index_cast %get3A_103 : i32 to index
      %get3A_105 = arith.constant 0 : index
      %get3A_106 = tpu.vector_load %arg12[%get3A_104, %get3A_105] {strides = array<i32>} : memref<16x16xf32, #tpu.memory_space<vmem>>, vector<16xf32>,
      %get3A_107 = arith.constant 3 : i32
      %get3A_108 = arith.index_cast %get3A_107 : i32 to index
      %get3A_109 = arith.constant 0 : index
      %get3A_110 = tpu.vector_load %arg12[%get3A_108, %get3A_109] {strides = array<i32>} : memref<16x16xf32, #tpu.memory_space<vmem>>, vector<16xf32>,
      %get3A_111 = arith.constant 4 : i32
      %get3A_112 = arith.index_cast %get3A_111 : i32 to index
      %get3A_113 = arith.constant 0 : index
      %get3A_114 = tpu.vector_load %arg12[%get3A_112, %get3A_113] {strides = array<i32>} : memref<16x16xf32, #tpu.memory_space<vmem>>, vector<16xf32>,
      %get3A_115 = arith.constant 5 : i32
      %get3A_116 = arith.index_cast %get3A_115 : i32 to index
      %get3A_117 = arith.constant 0 : index
      %get3A_118 = tpu.vector_load %arg12[%get3A_116, %get3A_117] {strides = array<i32>} : memref<16x16xf32, #tpu.memory_space<vmem>>, vector<16xf32>,
      %get3A_119 = arith.constant 6 : i32
      %get3A_120 = arith.index_cast %get3A_119 : i32 to index
      %get3A_121 = arith.constant 0 : index
      %get3A_122 = tpu.vector_load %arg12[%get3A_120, %get3A_121] {strides = array<i32>} : memref<16x16xf32, #tpu.memory_space<vmem>>, vector<16xf32>,
      %get3A_123 = arith.constant 7 : i32
      %get3A_124 = arith.index_cast %get3A_123 : i32 to index
      %get3A_125 = arith.constant 0 : index
      %get3A_126 = tpu.vector_load %arg12[%get3A_124, %get3A_125] {strides = array<i32>} : memref<16x16xf32, #tpu.memory_space<vmem>>, vector<16xf32>,
      %get3A_127 = arith.constant 8 : i32
      %get3A_128 = arith.index_cast %get3A_127 : i32 to index
      %get3A_129 = arith.constant 0 : index
      %get3A_130 = tpu.vector_load %arg12[%get3A_128, %get3A_129] {strides = array<i32>} : memref<16x16xf32, #tpu.memory_space<vmem>>, vector<16xf32>,
      %get3A_131 = arith.constant 9 : i32
      %get3A_132 = arith.index_cast %get3A_131 : i32 to index
      %get3A_133 = arith.constant 0 : index
      %get3A_134 = tpu.vector_load %arg12[%get3A_132, %get3A_133] {strides = array<i32>} : memref<16x16xf32, #tpu.memory_space<vmem>>, vector<16xf32>,
      %get3A_135 = arith.constant 10 : i32
      %get3A_136 = arith.index_cast %get3A_135 : i32 to index
      %get3A_137 = arith.constant 0 : index
      %get3A_138 = tpu.vector_load %arg12[%get3A_136, %get3A_137] {strides = array<i32>} : memref<16x16xf32, #tpu.memory_space<vmem>>, vector<16xf32>,
      %get3A_139 = arith.constant 11 : i32
      %get3A_140 = arith.index_cast %get3A_139 : i32 to index
      %get3A_141 = arith.constant 0 : index
      %get3A_142 = tpu.vector_load %arg12[%get3A_140, %get3A_141] {strides = array<i32>} : memref<16x16xf32, #tpu.memory_space<vmem>>, vector<16xf32>,
      %get3A_143 = arith.constant 12 : i32
      %get3A_144 = arith.index_cast %get3A_143 : i32 to index
      %get3A_145 = arith.constant 0 : index
      %get3A_146 = tpu.vector_load %arg12[%get3A_144, %get3A_145] {strides = array<i32>} : memref<16x16xf32, #tpu.memory_space<vmem>>, vector<16xf32>,
      %get3A_147 = arith.constant 13 : i32
      %get3A_148 = arith.index_cast %get3A_147 : i32 to index
      %get3A_149 = arith.constant 0 : index
      %get3A_150 = tpu.vector_load %arg12[%get3A_148, %get3A_149] {strides = array<i32>} : memref<16x16xf32, #tpu.memory_space<vmem>>, vector<16xf32>,
      %get3A_151 = arith.constant 14 : i32
      %get3A_152 = arith.index_cast %get3A_151 : i32 to index
      %get3A_153 = arith.constant 0 : index
      %get3A_154 = tpu.vector_load %arg12[%get3A_152, %get3A_153] {strides = array<i32>} : memref<16x16xf32, #tpu.memory_space<vmem>>, vector<16xf32>,
      %get3A_155 = arith.constant 15 : i32
      %get3A_156 = arith.index_cast %get3A_155 : i32 to index
      %get3A_157 = arith.constant 0 : index
      %get3A_158 = tpu.vector_load %arg12[%get3A_156, %get3A_157] {strides = array<i32>} : memref<16x16xf32, #tpu.memory_space<vmem>>, vector<16xf32>,
      %get3A_159 = arith.constant 0 : i32
      %get3A_160 = arith.index_cast %get3A_159 : i32 to index
      %get3A_161 = arith.constant 0 : index
      %get3A_162 = tpu.vector_load %arg13[%get3A_160, %get3A_161] {strides = array<i32>} : memref<16x16xf32, #tpu.memory_space<vmem>>, vector<16xf32>,
      %get3A_163 = arith.constant 1 : i32
      %get3A_164 = arith.index_cast %get3A_163 : i32 to index
      %get3A_165 = arith.constant 0 : index
      %get3A_166 = tpu.vector_load %arg13[%get3A_164, %get3A_165] {strides = array<i32>} : memref<16x16xf32, #tpu.memory_space<vmem>>, vector<16xf32>,
      %get3A_167 = arith.constant 2 : i32
      %get3A_168 = arith.index_cast %get3A_167 : i32 to index
      %get3A_169 = arith.constant 0 : index
      %get3A_170 = tpu.vector_load %arg13[%get3A_168, %get3A_169] {strides = array<i32>} : memref<16x16xf32, #tpu.memory_space<vmem>>, vector<16xf32>,
      %get3A_171 = arith.constant 3 : i32
      %get3A_172 = arith.index_cast %get3A_171 : i32 to index
      %get3A_173 = arith.constant 0 : index
      %get3A_174 = tpu.vector_load %arg13[%get3A_172, %get3A_173] {strides = array<i32>} : memref<16x16xf32, #tpu.memory_space<vmem>>, vector<16xf32>,
      %get3A_175 = arith.constant 4 : i32
      %get3A_176 = arith.index_cast %get3A_175 : i32 to index
      %get3A_177 = arith.constant 0 : index
      %get3A_178 = tpu.vector_load %arg13[%get3A_176, %get3A_177] {strides = array<i32>} : memref<16x16xf32, #tpu.memory_space<vmem>>, vector<16xf32>,
      %get3A_179 = arith.constant 5 : i32
      %get3A_180 = arith.index_cast %get3A_179 : i32 to index
      %get3A_181 = arith.constant 0 : index
      %get3A_182 = tpu.vector_load %arg13[%get3A_180, %get3A_181] {strides = array<i32>} : memref<16x16xf32, #tpu.memory_space<vmem>>, vector<16xf32>,
      %get3A_183 = arith.constant 6 : i32
      %get3A_184 = arith.index_cast %get3A_183 : i32 to index
      %get3A_185 = arith.constant 0 : index
      %get3A_186 = tpu.vector_load %arg13[%get3A_184, %get3A_185] {strides = array<i32>} : memref<16x16xf32, #tpu.memory_space<vmem>>, vector<16xf32>,
      %get3A_187 = arith.constant 7 : i32
      %get3A_188 = arith.index_cast %get3A_187 : i32 to index
      %get3A_189 = arith.constant 0 : index
      %get3A_190 = tpu.vector_load %arg13[%get3A_188, %get3A_189] {strides = array<i32>} : memref<16x16xf32, #tpu.memory_space<vmem>>, vector<16xf32>,
      %get3A_191 = arith.constant 8 : i32
      %get3A_192 = arith.index_cast %get3A_191 : i32 to index
      %get3A_193 = arith.constant 0 : index
      %get3A_194 = tpu.vector_load %arg13[%get3A_192, %get3A_193] {strides = array<i32>} : memref<16x16xf32, #tpu.memory_space<vmem>>, vector<16xf32>,
      %get3A_195 = arith.constant 9 : i32
      %get3A_196 = arith.index_cast %get3A_195 : i32 to index
      %get3A_197 = arith.constant 0 : index
      %get3A_198 = tpu.vector_load %arg13[%get3A_196, %get3A_197] {strides = array<i32>} : memref<16x16xf32, #tpu.memory_space<vmem>>, vector<16xf32>,
      %get3A_199 = arith.constant 10 : i32
      %get3A_200 = arith.index_cast %get3A_199 : i32 to index
      %get3A_201 = arith.constant 0 : index
      %get3A_202 = tpu.vector_load %arg13[%get3A_200, %get3A_201] {strides = array<i32>} : memref<16x16xf32, #tpu.memory_space<vmem>>, vector<16xf32>,
      %get3A_203 = arith.constant 11 : i32
      %get3A_204 = arith.index_cast %get3A_203 : i32 to index
      %get3A_205 = arith.constant 0 : index
      %get3A_206 = tpu.vector_load %arg13[%get3A_204, %get3A_205] {strides = array<i32>} : memref<16x16xf32, #tpu.memory_space<vmem>>, vector<16xf32>,
      %get3A_207 = arith.constant 12 : i32
      %get3A_208 = arith.index_cast %get3A_207 : i32 to index
      %get3A_209 = arith.constant 0 : index
      %get3A_210 = tpu.vector_load %arg13[%get3A_208, %get3A_209] {strides = array<i32>} : memref<16x16xf32, #tpu.memory_space<vmem>>, vector<16xf32>,
      %get3A_211 = arith.constant 13 : i32
      %get3A_212 = arith.index_cast %get3A_211 : i32 to index
      %get3A_213 = arith.constant 0 : index
      %get3A_214 = tpu.vector_load %arg13[%get3A_212, %get3A_213] {strides = array<i32>} : memref<16x16xf32, #tpu.memory_space<vmem>>, vector<16xf32>,
      %get3A_215 = arith.constant 14 : i32
      %get3A_216 = arith.index_cast %get3A_215 : i32 to index
      %get3A_217 = arith.constant 0 : index
      %get3A_218 = tpu.vector_load %arg13[%get3A_216, %get3A_217] {strides = array<i32>} : memref<16x16xf32, #tpu.memory_space<vmem>>, vector<16xf32>,
      %get3A_219 = arith.constant 15 : i32
      %get3A_220 = arith.index_cast %get3A_219 : i32 to index
      %get3A_221 = arith.constant 0 : index
      %get3A_222 = tpu.vector_load %arg13[%get3A_220, %get3A_221] {strides = array<i32>} : memref<16x16xf32, #tpu.memory_space<vmem>>, vector<16xf32>,
      %add3A_223 = arith.addf %get3A_98, %get3A_102 : vector<16xf32>
      %add3A_224 = arith.addf %get3A_106, %get3A_110 : vector<16xf32>
      %add3A_225 = arith.addf %get3A_114, %get3A_118 : vector<16xf32>
      %add3A_226 = arith.addf %get3A_122, %get3A_126 : vector<16xf32>
      %add3A_227 = arith.addf %get3A_130, %get3A_134 : vector<16xf32>
      %add3A_228 = arith.addf %get3A_138, %get3A_142 : vector<16xf32>
      %add3A_229 = arith.addf %get3A_146, %get3A_150 : vector<16xf32>
      %add3A_230 = arith.addf %get3A_154, %get3A_158 : vector<16xf32>
      %add3A_231 = arith.addf %get3A_162, %get3A_166 : vector<16xf32>
      %add3A_232 = arith.addf %get3A_170, %get3A_174 : vector<16xf32>
      %add3A_233 = arith.addf %get3A_178, %get3A_182 : vector<16xf32>
      %add3A_234 = arith.addf %get3A_186, %get3A_190 : vector<16xf32>
      %add3A_235 = arith.addf %get3A_194, %get3A_198 : vector<16xf32>
      %add3A_236 = arith.addf %get3A_202, %get3A_206 : vector<16xf32>
      %add3A_237 = arith.addf %get3A_210, %get3A_214 : vector<16xf32>
      %add3A_238 = arith.addf %get3A_218, %get3A_222 : vector<16xf32>
      %add3A_239 = arith.addf %add3A_223, %add3A_224 : vector<16xf32>
      %add3A_240 = arith.addf %add3A_225, %add3A_226 : vector<16xf32>
      %add3A_241 = arith.addf %add3A_227, %add3A_228 : vector<16xf32>
      %add3A_242 = arith.addf %add3A_229, %add3A_230 : vector<16xf32>
      %add3A_243 = arith.addf %add3A_231, %add3A_232 : vector<16xf32>
      %add3A_244 = arith.addf %add3A_233, %add3A_234 : vector<16xf32>
      %add3A_245 = arith.addf %add3A_235, %add3A_236 : vector<16xf32>
      %add3A_246 = arith.addf %add3A_237, %add3A_238 : vector<16xf32>
      %add3A_247 = arith.addf %add3A_239, %add3A_240 : vector<16xf32>
      %add3A_248 = arith.addf %add3A_241, %add3A_242 : vector<16xf32>
      %add3A_249 = arith.addf %add3A_243, %add3A_244 : vector<16xf32>
      %add3A_250 = arith.addf %add3A_245, %add3A_246 : vector<16xf32>
      %add3A_251 = arith.addf %add3A_247, %add3A_248 : vector<16xf32>
      %add3A_252 = arith.addf %add3A_249, %add3A_250 : vector<16xf32>
      %mul3A_253 = vector.broadcast %scan3A : f32 to vector<16xf32>
      %mul3A_254 = arith.mulf %add3A_251, %mul3A_253 : vector<16xf32>
      %mul3A_255 = vector.broadcast %scan3A : f32 to vector<16xf32>
      %mul3A_256 = arith.mulf %add3A_252, %mul3A_255 : vector<16xf32>
      %mul3A_257 = arith.mulf %mul3A_254, %mul3A_254 : vector<16xf32>
      %sub3A = arith.subf %mul3A_256, %mul3A_257 : vector<16xf32>
      %max3A = arith.constant 0.000000e+00 : f32
      %max3A_258 = vector.broadcast %max3A : f32 to vector<16xf32>
      %max3A_259 = arith.maximumf %sub3A, %max3A_258 : vector<16xf32>
      %add3A_260 = arith.constant 9.99999996E-13 : f32
      %add3A_261 = vector.broadcast %add3A_260 : f32 to vector<16xf32>
      %add3A_262 = arith.addf %max3A_259, %add3A_261 : vector<16xf32>
      %bitcast3A = vector.bitcast %add3A_262 : vector<16xf32> to vector<16xi32>
      %shift_right_arithmetic3A = arith.constant 1 : i32
      %shift_right_arithmetic3A_263 = vector.broadcast %shift_right_arithmetic3A : i32 to vector<16xi32>
      %shift_right_arithmetic3A_264 = arith.shrsi %bitcast3A, %shift_right_arithmetic3A_263 : vector<16xi32>
      %sub3A_265 = arith.constant 1597463007 : i32
      %sub3A_266 = vector.broadcast %sub3A_265 : i32 to vector<16xi32>
      %sub3A_267 = arith.subi %sub3A_266, %shift_right_arithmetic3A_264 : vector<16xi32>
      %bitcast3A_268 = vector.bitcast %sub3A_267 : vector<16xi32> to vector<16xf32>
      %mul3A_269 = arith.constant 5.000000e-01 : f32
      %mul3A_270 = vector.broadcast %mul3A_269 : f32 to vector<16xf32>
      %mul3A_271 = arith.mulf %mul3A_270, %add3A_262 : vector<16xf32>
      %mul3A_272 = arith.mulf %mul3A_271, %bitcast3A_268 : vector<16xf32>
      %mul3A_273 = arith.mulf %mul3A_272, %bitcast3A_268 : vector<16xf32>
      %sub3A_274 = arith.constant 1.500000e+00 : f32
      %sub3A_275 = vector.broadcast %sub3A_274 : f32 to vector<16xf32>
      %sub3A_276 = arith.subf %sub3A_275, %mul3A_273 : vector<16xf32>
      %mul3A_277 = arith.mulf %bitcast3A_268, %sub3A_276 : vector<16xf32>
      %mul3A_278 = arith.constant 5.000000e-01 : f32
      %mul3A_279 = vector.broadcast %mul3A_278 : f32 to vector<16xf32>
      %mul3A_280 = arith.mulf %mul3A_279, %add3A_262 : vector<16xf32>
      %mul3A_281 = arith.mulf %mul3A_280, %mul3A_277 : vector<16xf32>
      %mul3A_282 = arith.mulf %mul3A_281, %mul3A_277 : vector<16xf32>
      %sub3A_283 = arith.constant 1.500000e+00 : f32
      %sub3A_284 = vector.broadcast %sub3A_283 : f32 to vector<16xf32>
      %sub3A_285 = arith.subf %sub3A_284, %mul3A_282 : vector<16xf32>
      %mul3A_286 = arith.mulf %mul3A_277, %sub3A_285 : vector<16xf32>
      %mul3A_287 = arith.constant 5.000000e-01 : f32
      %mul3A_288 = vector.broadcast %mul3A_287 : f32 to vector<16xf32>
      %mul3A_289 = arith.mulf %mul3A_288, %add3A_262 : vector<16xf32>
      %mul3A_290 = arith.mulf %mul3A_289, %mul3A_286 : vector<16xf32>
      %mul3A_291 = arith.mulf %mul3A_290, %mul3A_286 : vector<16xf32>
      %sub3A_292 = arith.constant 1.500000e+00 : f32
      %sub3A_293 = vector.broadcast %sub3A_292 : f32 to vector<16xf32>
      %sub3A_294 = arith.subf %sub3A_293, %mul3A_291 : vector<16xf32>
      %mul3A_295 = arith.mulf %mul3A_286, %sub3A_294 : vector<16xf32>
      %neg3A = arith.constant 0.000000e+00 : f32
      %neg3A_296 = vector.broadcast %neg3A : f32 to vector<16xf32>
      %neg3A_297 = arith.subf %neg3A_296, %mul3A_254 : vector<16xf32>
      %mul3A_298 = arith.mulf %neg3A_297, %mul3A_295 : vector<16xf32>
      %broadcast_in_dim3A_299 = arith.constant 0 : i32
      %broadcast_in_dim3A_300 = vector.broadcast %broadcast_in_dim3A_299 : i32 to vector<16x1xi32>
      %gather3A_301 = vector.shape_cast %broadcast_in_dim3A_300 : vector<16x1xi32> to vector<16xi32>
      %gather3A_302 = tpu.dynamic_gather %mul3A_295[%gather3A_301] in [0] : vector<16xf32>, vector<16xi32> -> vector<16xf32>
      %gather3A_303 = vector.shape_cast %broadcast_in_dim3A_300 : vector<16x1xi32> to vector<16xi32>
      %gather3A_304 = tpu.dynamic_gather %mul3A_298[%gather3A_303] in [0] : vector<16xf32>, vector<16xi32> -> vector<16xf32>
      %broadcast_in_dim3A_305 = arith.constant 1 : i32
      %broadcast_in_dim3A_306 = vector.broadcast %broadcast_in_dim3A_305 : i32 to vector<16x1xi32>
      %gather3A_307 = vector.shape_cast %broadcast_in_dim3A_306 : vector<16x1xi32> to vector<16xi32>
      %gather3A_308 = tpu.dynamic_gather %mul3A_295[%gather3A_307] in [0] : vector<16xf32>, vector<16xi32> -> vector<16xf32>
      %gather3A_309 = vector.shape_cast %broadcast_in_dim3A_306 : vector<16x1xi32> to vector<16xi32>
      %gather3A_310 = tpu.dynamic_gather %mul3A_298[%gather3A_309] in [0] : vector<16xf32>, vector<16xi32> -> vector<16xf32>
      %broadcast_in_dim3A_311 = arith.constant 2 : i32
      %broadcast_in_dim3A_312 = vector.broadcast %broadcast_in_dim3A_311 : i32 to vector<16x1xi32>
      %gather3A_313 = vector.shape_cast %broadcast_in_dim3A_312 : vector<16x1xi32> to vector<16xi32>
      %gather3A_314 = tpu.dynamic_gather %mul3A_295[%gather3A_313] in [0] : vector<16xf32>, vector<16xi32> -> vector<16xf32>
      %gather3A_315 = vector.shape_cast %broadcast_in_dim3A_312 : vector<16x1xi32> to vector<16xi32>
      %gather3A_316 = tpu.dynamic_gather %mul3A_298[%gather3A_315] in [0] : vector<16xf32>, vector<16xi32> -> vector<16xf32>
      %broadcast_in_dim3A_317 = arith.constant 3 : i32
      %broadcast_in_dim3A_318 = vector.broadcast %broadcast_in_dim3A_317 : i32 to vector<16x1xi32>
      %gather3A_319 = vector.shape_cast %broadcast_in_dim3A_318 : vector<16x1xi32> to vector<16xi32>
      %gather3A_320 = tpu.dynamic_gather %mul3A_295[%gather3A_319] in [0] : vector<16xf32>, vector<16xi32> -> vector<16xf32>
      %gather3A_321 = vector.shape_cast %broadcast_in_dim3A_318 : vector<16x1xi32> to vector<16xi32>
      %gather3A_322 = tpu.dynamic_gather %mul3A_298[%gather3A_321] in [0] : vector<16xf32>, vector<16xi32> -> vector<16xf32>
      %broadcast_in_dim3A_323 = arith.constant 4 : i32
      %broadcast_in_dim3A_324 = vector.broadcast %broadcast_in_dim3A_323 : i32 to vector<16x1xi32>
      %gather3A_325 = vector.shape_cast %broadcast_in_dim3A_324 : vector<16x1xi32> to vector<16xi32>
      %gather3A_326 = tpu.dynamic_gather %mul3A_295[%gather3A_325] in [0] : vector<16xf32>, vector<16xi32> -> vector<16xf32>
      %gather3A_327 = vector.shape_cast %broadcast_in_dim3A_324 : vector<16x1xi32> to vector<16xi32>
      %gather3A_328 = tpu.dynamic_gather %mul3A_298[%gather3A_327] in [0] : vector<16xf32>, vector<16xi32> -> vector<16xf32>
      %broadcast_in_dim3A_329 = arith.constant 5 : i32
      %broadcast_in_dim3A_330 = vector.broadcast %broadcast_in_dim3A_329 : i32 to vector<16x1xi32>
      %gather3A_331 = vector.shape_cast %broadcast_in_dim3A_330 : vector<16x1xi32> to vector<16xi32>
      %gather3A_332 = tpu.dynamic_gather %mul3A_295[%gather3A_331] in [0] : vector<16xf32>, vector<16xi32> -> vector<16xf32>
      %gather3A_333 = vector.shape_cast %broadcast_in_dim3A_330 : vector<16x1xi32> to vector<16xi32>
      %gather3A_334 = tpu.dynamic_gather %mul3A_298[%gather3A_333] in [0] : vector<16xf32>, vector<16xi32> -> vector<16xf32>
      %broadcast_in_dim3A_335 = arith.constant 6 : i32
      %broadcast_in_dim3A_336 = vector.broadcast %broadcast_in_dim3A_335 : i32 to vector<16x1xi32>
      %gather3A_337 = vector.shape_cast %broadcast_in_dim3A_336 : vector<16x1xi32> to vector<16xi32>
      %gather3A_338 = tpu.dynamic_gather %mul3A_295[%gather3A_337] in [0] : vector<16xf32>, vector<16xi32> -> vector<16xf32>
      %gather3A_339 = vector.shape_cast %broadcast_in_dim3A_336 : vector<16x1xi32> to vector<16xi32>
      %gather3A_340 = tpu.dynamic_gather %mul3A_298[%gather3A_339] in [0] : vector<16xf32>, vector<16xi32> -> vector<16xf32>
      %broadcast_in_dim3A_341 = arith.constant 7 : i32
      %broadcast_in_dim3A_342 = vector.broadcast %broadcast_in_dim3A_341 : i32 to vector<16x1xi32>
      %gather3A_343 = vector.shape_cast %broadcast_in_dim3A_342 : vector<16x1xi32> to vector<16xi32>
      %gather3A_344 = tpu.dynamic_gather %mul3A_295[%gather3A_343] in [0] : vector<16xf32>, vector<16xi32> -> vector<16xf32>
      %gather3A_345 = vector.shape_cast %broadcast_in_dim3A_342 : vector<16x1xi32> to vector<16xi32>
      %gather3A_346 = tpu.dynamic_gather %mul3A_298[%gather3A_345] in [0] : vector<16xf32>, vector<16xi32> -> vector<16xf32>
      %broadcast_in_dim3A_347 = arith.constant 8 : i32
      %broadcast_in_dim3A_348 = vector.broadcast %broadcast_in_dim3A_347 : i32 to vector<16x1xi32>
      %gather3A_349 = vector.shape_cast %broadcast_in_dim3A_348 : vector<16x1xi32> to vector<16xi32>
      %gather3A_350 = tpu.dynamic_gather %mul3A_295[%gather3A_349] in [0] : vector<16xf32>, vector<16xi32> -> vector<16xf32>
      %gather3A_351 = vector.shape_cast %broadcast_in_dim3A_348 : vector<16x1xi32> to vector<16xi32>
      %gather3A_352 = tpu.dynamic_gather %mul3A_298[%gather3A_351] in [0] : vector<16xf32>, vector<16xi32> -> vector<16xf32>
      %broadcast_in_dim3A_353 = arith.constant 9 : i32
      %broadcast_in_dim3A_354 = vector.broadcast %broadcast_in_dim3A_353 : i32 to vector<16x1xi32>
      %gather3A_355 = vector.shape_cast %broadcast_in_dim3A_354 : vector<16x1xi32> to vector<16xi32>
      %gather3A_356 = tpu.dynamic_gather %mul3A_295[%gather3A_355] in [0] : vector<16xf32>, vector<16xi32> -> vector<16xf32>
      %gather3A_357 = vector.shape_cast %broadcast_in_dim3A_354 : vector<16x1xi32> to vector<16xi32>
      %gather3A_358 = tpu.dynamic_gather %mul3A_298[%gather3A_357] in [0] : vector<16xf32>, vector<16xi32> -> vector<16xf32>
      %broadcast_in_dim3A_359 = arith.constant 10 : i32
      %broadcast_in_dim3A_360 = vector.broadcast %broadcast_in_dim3A_359 : i32 to vector<16x1xi32>
      %gather3A_361 = vector.shape_cast %broadcast_in_dim3A_360 : vector<16x1xi32> to vector<16xi32>
      %gather3A_362 = tpu.dynamic_gather %mul3A_295[%gather3A_361] in [0] : vector<16xf32>, vector<16xi32> -> vector<16xf32>
      %gather3A_363 = vector.shape_cast %broadcast_in_dim3A_360 : vector<16x1xi32> to vector<16xi32>
      %gather3A_364 = tpu.dynamic_gather %mul3A_298[%gather3A_363] in [0] : vector<16xf32>, vector<16xi32> -> vector<16xf32>
      %broadcast_in_dim3A_365 = arith.constant 11 : i32
      %broadcast_in_dim3A_366 = vector.broadcast %broadcast_in_dim3A_365 : i32 to vector<16x1xi32>
      %gather3A_367 = vector.shape_cast %broadcast_in_dim3A_366 : vector<16x1xi32> to vector<16xi32>
      %gather3A_368 = tpu.dynamic_gather %mul3A_295[%gather3A_367] in [0] : vector<16xf32>, vector<16xi32> -> vector<16xf32>
      %gather3A_369 = vector.shape_cast %broadcast_in_dim3A_366 : vector<16x1xi32> to vector<16xi32>
      %gather3A_370 = tpu.dynamic_gather %mul3A_298[%gather3A_369] in [0] : vector<16xf32>, vector<16xi32> -> vector<16xf32>
      %broadcast_in_dim3A_371 = arith.constant 12 : i32
      %broadcast_in_dim3A_372 = vector.broadcast %broadcast_in_dim3A_371 : i32 to vector<16x1xi32>
      %gather3A_373 = vector.shape_cast %broadcast_in_dim3A_372 : vector<16x1xi32> to vector<16xi32>
      %gather3A_374 = tpu.dynamic_gather %mul3A_295[%gather3A_373] in [0] : vector<16xf32>, vector<16xi32> -> vector<16xf32>
      %gather3A_375 = vector.shape_cast %broadcast_in_dim3A_372 : vector<16x1xi32> to vector<16xi32>
      %gather3A_376 = tpu.dynamic_gather %mul3A_298[%gather3A_375] in [0] : vector<16xf32>, vector<16xi32> -> vector<16xf32>
      %broadcast_in_dim3A_377 = arith.constant 13 : i32
      %broadcast_in_dim3A_378 = vector.broadcast %broadcast_in_dim3A_377 : i32 to vector<16x1xi32>
      %gather3A_379 = vector.shape_cast %broadcast_in_dim3A_378 : vector<16x1xi32> to vector<16xi32>
      %gather3A_380 = tpu.dynamic_gather %mul3A_295[%gather3A_379] in [0] : vector<16xf32>, vector<16xi32> -> vector<16xf32>
      %gather3A_381 = vector.shape_cast %broadcast_in_dim3A_378 : vector<16x1xi32> to vector<16xi32>
      %gather3A_382 = tpu.dynamic_gather %mul3A_298[%gather3A_381] in [0] : vector<16xf32>, vector<16xi32> -> vector<16xf32>
      %broadcast_in_dim3A_383 = arith.constant 14 : i32
      %broadcast_in_dim3A_384 = vector.broadcast %broadcast_in_dim3A_383 : i32 to vector<16x1xi32>
      %gather3A_385 = vector.shape_cast %broadcast_in_dim3A_384 : vector<16x1xi32> to vector<16xi32>
      %gather3A_386 = tpu.dynamic_gather %mul3A_295[%gather3A_385] in [0] : vector<16xf32>, vector<16xi32> -> vector<16xf32>
      %gather3A_387 = vector.shape_cast %broadcast_in_dim3A_384 : vector<16x1xi32> to vector<16xi32>
      %gather3A_388 = tpu.dynamic_gather %mul3A_298[%gather3A_387] in [0] : vector<16xf32>, vector<16xi32> -> vector<16xf32>
      %broadcast_in_dim3A_389 = arith.constant 15 : i32
      %broadcast_in_dim3A_390 = vector.broadcast %broadcast_in_dim3A_389 : i32 to vector<16x1xi32>
      %gather3A_391 = vector.shape_cast %broadcast_in_dim3A_390 : vector<16x1xi32> to vector<16xi32>
      %gather3A_392 = tpu.dynamic_gather %mul3A_295[%gather3A_391] in [0] : vector<16xf32>, vector<16xi32> -> vector<16xf32>
      %gather3A_393 = vector.shape_cast %broadcast_in_dim3A_390 : vector<16x1xi32> to vector<16xi32>
      %gather3A_394 = tpu.dynamic_gather %mul3A_298[%gather3A_393] in [0] : vector<16xf32>, vector<16xi32> -> vector<16xf32>
      %parallel_loop3A = arith.constant 0 : i32
      %parallel_loop3A_395 = arith.constant 48 : i32
      %parallel_loop3A_396 = arith.constant 1 : i32
      %parallel_loop3A_397 = arith.constant 0 : i32
      scf.for %parallel_loop3A_783 = %parallel_loop3A to %parallel_loop3A_395 step %parallel_loop3A_396  : i32 {
        %parallel_loop3A_784 = arith.constant 16 : i32
        %parallel_loop3A_785 = arith.muli %parallel_loop3A_783, %parallel_loop3A_784 : i32
        %parallel_loop3A_786 = arith.index_cast %parallel_loop3A_785 : i32 to index
        %parallel_loop3A_787 = tpu.vector_load %arg11[%parallel_loop3A_786] {strides = array<i32>} : memref<768xi32, #tpu.memory_space<vmem>>, vector<16xi32>,
        %parallel_loop3A_788 = vector.bitcast %parallel_loop3A_787 : vector<16xi32> to vector<32xbf16>
        %parallel_loop3A_789 = tpu.unpack_subelements %parallel_loop3A_788, 0 {pack_format = #tpu.pack_format<interleaved>} : vector<32xbf16> -> vector<16xf32>
        %parallel_loop3A_790 = tpu.unpack_subelements %parallel_loop3A_788, 1 {pack_format = #tpu.pack_format<interleaved>} : vector<32xbf16> -> vector<16xf32>
        %parallel_loop3A_791 = arith.constant 0 : i32
        %parallel_loop3A_792 = arith.constant 0 : i32
        %parallel_loop3A_793 = arith.constant 0 : i32
        %parallel_loop3A_794 = tpu.memref_slice %arg15[%parallel_loop3A_397, %parallel_loop3A_792, %parallel_loop3A_793] : memref<2x16x768xf32, #tpu.memory_space<vmem>> -> memref<1x16x768xf32, #tpu.memory_space<vmem>>
        %parallel_loop3A_795 = tpu.memref_squeeze %parallel_loop3A_794 : memref<1x16x768xf32, #tpu.memory_space<vmem>> -> memref<16x768xf32, #tpu.memory_space<vmem>>
        %parallel_loop3A_796 = arith.index_cast %parallel_loop3A_791 : i32 to index
        %parallel_loop3A_797 = arith.index_cast %parallel_loop3A_785 : i32 to index
        %parallel_loop3A_798 = tpu.vector_load %parallel_loop3A_795[%parallel_loop3A_796, %parallel_loop3A_797] {strides = array<i32>} : memref<16x768xf32, #tpu.memory_space<vmem>>, vector<16xf32>,
        %parallel_loop3A_799 = arith.mulf %parallel_loop3A_798, %gather3A_302 : vector<16xf32>
        %parallel_loop3A_800 = arith.addf %parallel_loop3A_799, %gather3A_304 : vector<16xf32>
        %parallel_loop3A_801 = arith.mulf %parallel_loop3A_800, %parallel_loop3A_789 : vector<16xf32>
        %parallel_loop3A_802 = arith.addf %parallel_loop3A_801, %parallel_loop3A_790 : vector<16xf32>
        %parallel_loop3A_803 = arith.constant 0 : i32
        %parallel_loop3A_804 = arith.constant 0 : i32
        %parallel_loop3A_805 = arith.constant 0 : i32
        %parallel_loop3A_806 = tpu.memref_slice %arg15[%parallel_loop3A_397, %parallel_loop3A_804, %parallel_loop3A_805] : memref<2x16x768xf32, #tpu.memory_space<vmem>> -> memref<1x16x768xf32, #tpu.memory_space<vmem>>
        %parallel_loop3A_807 = tpu.memref_squeeze %parallel_loop3A_806 : memref<1x16x768xf32, #tpu.memory_space<vmem>> -> memref<16x768xf32, #tpu.memory_space<vmem>>
        %parallel_loop3A_808 = arith.index_cast %parallel_loop3A_803 : i32 to index
        %parallel_loop3A_809 = arith.index_cast %parallel_loop3A_785 : i32 to index
        %parallel_loop3A_810 = tpu.vector_load %parallel_loop3A_807[%parallel_loop3A_808, %parallel_loop3A_809] {strides = array<i32>} : memref<16x768xf32, #tpu.memory_space<vmem>>, vector<16xf32>,
        tpu.vector_store %parallel_loop3A_807[%parallel_loop3A_808, %parallel_loop3A_809], %parallel_loop3A_802 {strides = array<i32>} : memref<16x768xf32, #tpu.memory_space<vmem>>, vector<16xf32>,
        %parallel_loop3A_811 = arith.constant 1 : i32
        %parallel_loop3A_812 = arith.constant 0 : i32
        %parallel_loop3A_813 = arith.constant 0 : i32
        %parallel_loop3A_814 = tpu.memref_slice %arg15[%parallel_loop3A_397, %parallel_loop3A_812, %parallel_loop3A_813] : memref<2x16x768xf32, #tpu.memory_space<vmem>> -> memref<1x16x768xf32, #tpu.memory_space<vmem>>
        %parallel_loop3A_815 = tpu.memref_squeeze %parallel_loop3A_814 : memref<1x16x768xf32, #tpu.memory_space<vmem>> -> memref<16x768xf32, #tpu.memory_space<vmem>>
        %parallel_loop3A_816 = arith.index_cast %parallel_loop3A_811 : i32 to index
        %parallel_loop3A_817 = arith.index_cast %parallel_loop3A_785 : i32 to index
        %parallel_loop3A_818 = tpu.vector_load %parallel_loop3A_815[%parallel_loop3A_816, %parallel_loop3A_817] {strides = array<i32>} : memref<16x768xf32, #tpu.memory_space<vmem>>, vector<16xf32>,
        %parallel_loop3A_819 = arith.mulf %parallel_loop3A_818, %gather3A_308 : vector<16xf32>
        %parallel_loop3A_820 = arith.addf %parallel_loop3A_819, %gather3A_310 : vector<16xf32>
        %parallel_loop3A_821 = arith.mulf %parallel_loop3A_820, %parallel_loop3A_789 : vector<16xf32>
        %parallel_loop3A_822 = arith.addf %parallel_loop3A_821, %parallel_loop3A_790 : vector<16xf32>
        %parallel_loop3A_823 = arith.constant 1 : i32
        %parallel_loop3A_824 = arith.constant 0 : i32
        %parallel_loop3A_825 = arith.constant 0 : i32
        %parallel_loop3A_826 = tpu.memref_slice %arg15[%parallel_loop3A_397, %parallel_loop3A_824, %parallel_loop3A_825] : memref<2x16x768xf32, #tpu.memory_space<vmem>> -> memref<1x16x768xf32, #tpu.memory_space<vmem>>
        %parallel_loop3A_827 = tpu.memref_squeeze %parallel_loop3A_826 : memref<1x16x768xf32, #tpu.memory_space<vmem>> -> memref<16x768xf32, #tpu.memory_space<vmem>>
        %parallel_loop3A_828 = arith.index_cast %parallel_loop3A_823 : i32 to index
        %parallel_loop3A_829 = arith.index_cast %parallel_loop3A_785 : i32 to index
        %parallel_loop3A_830 = tpu.vector_load %parallel_loop3A_827[%parallel_loop3A_828, %parallel_loop3A_829] {strides = array<i32>} : memref<16x768xf32, #tpu.memory_space<vmem>>, vector<16xf32>,
        tpu.vector_store %parallel_loop3A_827[%parallel_loop3A_828, %parallel_loop3A_829], %parallel_loop3A_822 {strides = array<i32>} : memref<16x768xf32, #tpu.memory_space<vmem>>, vector<16xf32>,
        %parallel_loop3A_831 = arith.constant 2 : i32
        %parallel_loop3A_832 = arith.constant 0 : i32
        %parallel_loop3A_833 = arith.constant 0 : i32
        %parallel_loop3A_834 = tpu.memref_slice %arg15[%parallel_loop3A_397, %parallel_loop3A_832, %parallel_loop3A_833] : memref<2x16x768xf32, #tpu.memory_space<vmem>> -> memref<1x16x768xf32, #tpu.memory_space<vmem>>
        %parallel_loop3A_835 = tpu.memref_squeeze %parallel_loop3A_834 : memref<1x16x768xf32, #tpu.memory_space<vmem>> -> memref<16x768xf32, #tpu.memory_space<vmem>>
        %parallel_loop3A_836 = arith.index_cast %parallel_loop3A_831 : i32 to index
        %parallel_loop3A_837 = arith.index_cast %parallel_loop3A_785 : i32 to index
        %parallel_loop3A_838 = tpu.vector_load %parallel_loop3A_835[%parallel_loop3A_836, %parallel_loop3A_837] {strides = array<i32>} : memref<16x768xf32, #tpu.memory_space<vmem>>, vector<16xf32>,
        %parallel_loop3A_839 = arith.mulf %parallel_loop3A_838, %gather3A_314 : vector<16xf32>
        %parallel_loop3A_840 = arith.addf %parallel_loop3A_839, %gather3A_316 : vector<16xf32>
        %parallel_loop3A_841 = arith.mulf %parallel_loop3A_840, %parallel_loop3A_789 : vector<16xf32>
        %parallel_loop3A_842 = arith.addf %parallel_loop3A_841, %parallel_loop3A_790 : vector<16xf32>
        %parallel_loop3A_843 = arith.constant 2 : i32
        %parallel_loop3A_844 = arith.constant 0 : i32
        %parallel_loop3A_845 = arith.constant 0 : i32
        %parallel_loop3A_846 = tpu.memref_slice %arg15[%parallel_loop3A_397, %parallel_loop3A_844, %parallel_loop3A_845] : memref<2x16x768xf32, #tpu.memory_space<vmem>> -> memref<1x16x768xf32, #tpu.memory_space<vmem>>
        %parallel_loop3A_847 = tpu.memref_squeeze %parallel_loop3A_846 : memref<1x16x768xf32, #tpu.memory_space<vmem>> -> memref<16x768xf32, #tpu.memory_space<vmem>>
        %parallel_loop3A_848 = arith.index_cast %parallel_loop3A_843 : i32 to index
        %parallel_loop3A_849 = arith.index_cast %parallel_loop3A_785 : i32 to index
        %parallel_loop3A_850 = tpu.vector_load %parallel_loop3A_847[%parallel_loop3A_848, %parallel_loop3A_849] {strides = array<i32>} : memref<16x768xf32, #tpu.memory_space<vmem>>, vector<16xf32>,
        tpu.vector_store %parallel_loop3A_847[%parallel_loop3A_848, %parallel_loop3A_849], %parallel_loop3A_842 {strides = array<i32>} : memref<16x768xf32, #tpu.memory_space<vmem>>, vector<16xf32>,
        %parallel_loop3A_851 = arith.constant 3 : i32
        %parallel_loop3A_852 = arith.constant 0 : i32
        %parallel_loop3A_853 = arith.constant 0 : i32
        %parallel_loop3A_854 = tpu.memref_slice %arg15[%parallel_loop3A_397, %parallel_loop3A_852, %parallel_loop3A_853] : memref<2x16x768xf32, #tpu.memory_space<vmem>> -> memref<1x16x768xf32, #tpu.memory_space<vmem>>
        %parallel_loop3A_855 = tpu.memref_squeeze %parallel_loop3A_854 : memref<1x16x768xf32, #tpu.memory_space<vmem>> -> memref<16x768xf32, #tpu.memory_space<vmem>>
        %parallel_loop3A_856 = arith.index_cast %parallel_loop3A_851 : i32 to index
        %parallel_loop3A_857 = arith.index_cast %parallel_loop3A_785 : i32 to index
        %parallel_loop3A_858 = tpu.vector_load %parallel_loop3A_855[%parallel_loop3A_856, %parallel_loop3A_857] {strides = array<i32>} : memref<16x768xf32, #tpu.memory_space<vmem>>, vector<16xf32>,
        %parallel_loop3A_859 = arith.mulf %parallel_loop3A_858, %gather3A_320 : vector<16xf32>
        %parallel_loop3A_860 = arith.addf %parallel_loop3A_859, %gather3A_322 : vector<16xf32>
        %parallel_loop3A_861 = arith.mulf %parallel_loop3A_860, %parallel_loop3A_789 : vector<16xf32>
        %parallel_loop3A_862 = arith.addf %parallel_loop3A_861, %parallel_loop3A_790 : vector<16xf32>
        %parallel_loop3A_863 = arith.constant 3 : i32
        %parallel_loop3A_864 = arith.constant 0 : i32
        %parallel_loop3A_865 = arith.constant 0 : i32
        %parallel_loop3A_866 = tpu.memref_slice %arg15[%parallel_loop3A_397, %parallel_loop3A_864, %parallel_loop3A_865] : memref<2x16x768xf32, #tpu.memory_space<vmem>> -> memref<1x16x768xf32, #tpu.memory_space<vmem>>
        %parallel_loop3A_867 = tpu.memref_squeeze %parallel_loop3A_866 : memref<1x16x768xf32, #tpu.memory_space<vmem>> -> memref<16x768xf32, #tpu.memory_space<vmem>>
        %parallel_loop3A_868 = arith.index_cast %parallel_loop3A_863 : i32 to index
        %parallel_loop3A_869 = arith.index_cast %parallel_loop3A_785 : i32 to index
        %parallel_loop3A_870 = tpu.vector_load %parallel_loop3A_867[%parallel_loop3A_868, %parallel_loop3A_869] {strides = array<i32>} : memref<16x768xf32, #tpu.memory_space<vmem>>, vector<16xf32>,
        tpu.vector_store %parallel_loop3A_867[%parallel_loop3A_868, %parallel_loop3A_869], %parallel_loop3A_862 {strides = array<i32>} : memref<16x768xf32, #tpu.memory_space<vmem>>, vector<16xf32>,
        %parallel_loop3A_871 = arith.constant 4 : i32
        %parallel_loop3A_872 = arith.constant 0 : i32
        %parallel_loop3A_873 = arith.constant 0 : i32
        %parallel_loop3A_874 = tpu.memref_slice %arg15[%parallel_loop3A_397, %parallel_loop3A_872, %parallel_loop3A_873] : memref<2x16x768xf32, #tpu.memory_space<vmem>> -> memref<1x16x768xf32, #tpu.memory_space<vmem>>
        %parallel_loop3A_875 = tpu.memref_squeeze %parallel_loop3A_874 : memref<1x16x768xf32, #tpu.memory_space<vmem>> -> memref<16x768xf32, #tpu.memory_space<vmem>>
        %parallel_loop3A_876 = arith.index_cast %parallel_loop3A_871 : i32 to index
        %parallel_loop3A_877 = arith.index_cast %parallel_loop3A_785 : i32 to index
        %parallel_loop3A_878 = tpu.vector_load %parallel_loop3A_875[%parallel_loop3A_876, %parallel_loop3A_877] {strides = array<i32>} : memref<16x768xf32, #tpu.memory_space<vmem>>, vector<16xf32>,
        %parallel_loop3A_879 = arith.mulf %parallel_loop3A_878, %gather3A_326 : vector<16xf32>
        %parallel_loop3A_880 = arith.addf %parallel_loop3A_879, %gather3A_328 : vector<16xf32>
        %parallel_loop3A_881 = arith.mulf %parallel_loop3A_880, %parallel_loop3A_789 : vector<16xf32>
        %parallel_loop3A_882 = arith.addf %parallel_loop3A_881, %parallel_loop3A_790 : vector<16xf32>
        %parallel_loop3A_883 = arith.constant 4 : i32
        %parallel_loop3A_884 = arith.constant 0 : i32
        %parallel_loop3A_885 = arith.constant 0 : i32
        %parallel_loop3A_886 = tpu.memref_slice %arg15[%parallel_loop3A_397, %parallel_loop3A_884, %parallel_loop3A_885] : memref<2x16x768xf32, #tpu.memory_space<vmem>> -> memref<1x16x768xf32, #tpu.memory_space<vmem>>
        %parallel_loop3A_887 = tpu.memref_squeeze %parallel_loop3A_886 : memref<1x16x768xf32, #tpu.memory_space<vmem>> -> memref<16x768xf32, #tpu.memory_space<vmem>>
        %parallel_loop3A_888 = arith.index_cast %parallel_loop3A_883 : i32 to index
        %parallel_loop3A_889 = arith.index_cast %parallel_loop3A_785 : i32 to index
        %parallel_loop3A_890 = tpu.vector_load %parallel_loop3A_887[%parallel_loop3A_888, %parallel_loop3A_889] {strides = array<i32>} : memref<16x768xf32, #tpu.memory_space<vmem>>, vector<16xf32>,
        tpu.vector_store %parallel_loop3A_887[%parallel_loop3A_888, %parallel_loop3A_889], %parallel_loop3A_882 {strides = array<i32>} : memref<16x768xf32, #tpu.memory_space<vmem>>, vector<16xf32>,
        %parallel_loop3A_891 = arith.constant 5 : i32
        %parallel_loop3A_892 = arith.constant 0 : i32
        %parallel_loop3A_893 = arith.constant 0 : i32
        %parallel_loop3A_894 = tpu.memref_slice %arg15[%parallel_loop3A_397, %parallel_loop3A_892, %parallel_loop3A_893] : memref<2x16x768xf32, #tpu.memory_space<vmem>> -> memref<1x16x768xf32, #tpu.memory_space<vmem>>
        %parallel_loop3A_895 = tpu.memref_squeeze %parallel_loop3A_894 : memref<1x16x768xf32, #tpu.memory_space<vmem>> -> memref<16x768xf32, #tpu.memory_space<vmem>>
        %parallel_loop3A_896 = arith.index_cast %parallel_loop3A_891 : i32 to index
        %parallel_loop3A_897 = arith.index_cast %parallel_loop3A_785 : i32 to index
        %parallel_loop3A_898 = tpu.vector_load %parallel_loop3A_895[%parallel_loop3A_896, %parallel_loop3A_897] {strides = array<i32>} : memref<16x768xf32, #tpu.memory_space<vmem>>, vector<16xf32>,
        %parallel_loop3A_899 = arith.mulf %parallel_loop3A_898, %gather3A_332 : vector<16xf32>
        %parallel_loop3A_900 = arith.addf %parallel_loop3A_899, %gather3A_334 : vector<16xf32>
        %parallel_loop3A_901 = arith.mulf %parallel_loop3A_900, %parallel_loop3A_789 : vector<16xf32>
        %parallel_loop3A_902 = arith.addf %parallel_loop3A_901, %parallel_loop3A_790 : vector<16xf32>
        %parallel_loop3A_903 = arith.constant 5 : i32
        %parallel_loop3A_904 = arith.constant 0 : i32
        %parallel_loop3A_905 = arith.constant 0 : i32
        %parallel_loop3A_906 = tpu.memref_slice %arg15[%parallel_loop3A_397, %parallel_loop3A_904, %parallel_loop3A_905] : memref<2x16x768xf32, #tpu.memory_space<vmem>> -> memref<1x16x768xf32, #tpu.memory_space<vmem>>
        %parallel_loop3A_907 = tpu.memref_squeeze %parallel_loop3A_906 : memref<1x16x768xf32, #tpu.memory_space<vmem>> -> memref<16x768xf32, #tpu.memory_space<vmem>>
        %parallel_loop3A_908 = arith.index_cast %parallel_loop3A_903 : i32 to index
        %parallel_loop3A_909 = arith.index_cast %parallel_loop3A_785 : i32 to index
        %parallel_loop3A_910 = tpu.vector_load %parallel_loop3A_907[%parallel_loop3A_908, %parallel_loop3A_909] {strides = array<i32>} : memref<16x768xf32, #tpu.memory_space<vmem>>, vector<16xf32>,
        tpu.vector_store %parallel_loop3A_907[%parallel_loop3A_908, %parallel_loop3A_909], %parallel_loop3A_902 {strides = array<i32>} : memref<16x768xf32, #tpu.memory_space<vmem>>, vector<16xf32>,
        %parallel_loop3A_911 = arith.constant 6 : i32
        %parallel_loop3A_912 = arith.constant 0 : i32
        %parallel_loop3A_913 = arith.constant 0 : i32
        %parallel_loop3A_914 = tpu.memref_slice %arg15[%parallel_loop3A_397, %parallel_loop3A_912, %parallel_loop3A_913] : memref<2x16x768xf32, #tpu.memory_space<vmem>> -> memref<1x16x768xf32, #tpu.memory_space<vmem>>
        %parallel_loop3A_915 = tpu.memref_squeeze %parallel_loop3A_914 : memref<1x16x768xf32, #tpu.memory_space<vmem>> -> memref<16x768xf32, #tpu.memory_space<vmem>>
        %parallel_loop3A_916 = arith.index_cast %parallel_loop3A_911 : i32 to index
        %parallel_loop3A_917 = arith.index_cast %parallel_loop3A_785 : i32 to index
        %parallel_loop3A_918 = tpu.vector_load %parallel_loop3A_915[%parallel_loop3A_916, %parallel_loop3A_917] {strides = array<i32>} : memref<16x768xf32, #tpu.memory_space<vmem>>, vector<16xf32>,
        %parallel_loop3A_919 = arith.mulf %parallel_loop3A_918, %gather3A_338 : vector<16xf32>
        %parallel_loop3A_920 = arith.addf %parallel_loop3A_919, %gather3A_340 : vector<16xf32>
        %parallel_loop3A_921 = arith.mulf %parallel_loop3A_920, %parallel_loop3A_789 : vector<16xf32>
        %parallel_loop3A_922 = arith.addf %parallel_loop3A_921, %parallel_loop3A_790 : vector<16xf32>
        %parallel_loop3A_923 = arith.constant 6 : i32
        %parallel_loop3A_924 = arith.constant 0 : i32
        %parallel_loop3A_925 = arith.constant 0 : i32
        %parallel_loop3A_926 = tpu.memref_slice %arg15[%parallel_loop3A_397, %parallel_loop3A_924, %parallel_loop3A_925] : memref<2x16x768xf32, #tpu.memory_space<vmem>> -> memref<1x16x768xf32, #tpu.memory_space<vmem>>
        %parallel_loop3A_927 = tpu.memref_squeeze %parallel_loop3A_926 : memref<1x16x768xf32, #tpu.memory_space<vmem>> -> memref<16x768xf32, #tpu.memory_space<vmem>>
        %parallel_loop3A_928 = arith.index_cast %parallel_loop3A_923 : i32 to index
        %parallel_loop3A_929 = arith.index_cast %parallel_loop3A_785 : i32 to index
        %parallel_loop3A_930 = tpu.vector_load %parallel_loop3A_927[%parallel_loop3A_928, %parallel_loop3A_929] {strides = array<i32>} : memref<16x768xf32, #tpu.memory_space<vmem>>, vector<16xf32>,
        tpu.vector_store %parallel_loop3A_927[%parallel_loop3A_928, %parallel_loop3A_929], %parallel_loop3A_922 {strides = array<i32>} : memref<16x768xf32, #tpu.memory_space<vmem>>, vector<16xf32>,
        %parallel_loop3A_931 = arith.constant 7 : i32
        %parallel_loop3A_932 = arith.constant 0 : i32
        %parallel_loop3A_933 = arith.constant 0 : i32
        %parallel_loop3A_934 = tpu.memref_slice %arg15[%parallel_loop3A_397, %parallel_loop3A_932, %parallel_loop3A_933] : memref<2x16x768xf32, #tpu.memory_space<vmem>> -> memref<1x16x768xf32, #tpu.memory_space<vmem>>
        %parallel_loop3A_935 = tpu.memref_squeeze %parallel_loop3A_934 : memref<1x16x768xf32, #tpu.memory_space<vmem>> -> memref<16x768xf32, #tpu.memory_space<vmem>>
        %parallel_loop3A_936 = arith.index_cast %parallel_loop3A_931 : i32 to index
        %parallel_loop3A_937 = arith.index_cast %parallel_loop3A_785 : i32 to index
        %parallel_loop3A_938 = tpu.vector_load %parallel_loop3A_935[%parallel_loop3A_936, %parallel_loop3A_937] {strides = array<i32>} : memref<16x768xf32, #tpu.memory_space<vmem>>, vector<16xf32>,
        %parallel_loop3A_939 = arith.mulf %parallel_loop3A_938, %gather3A_344 : vector<16xf32>
        %parallel_loop3A_940 = arith.addf %parallel_loop3A_939, %gather3A_346 : vector<16xf32>
        %parallel_loop3A_941 = arith.mulf %parallel_loop3A_940, %parallel_loop3A_789 : vector<16xf32>
        %parallel_loop3A_942 = arith.addf %parallel_loop3A_941, %parallel_loop3A_790 : vector<16xf32>
        %parallel_loop3A_943 = arith.constant 7 : i32
        %parallel_loop3A_944 = arith.constant 0 : i32
        %parallel_loop3A_945 = arith.constant 0 : i32
        %parallel_loop3A_946 = tpu.memref_slice %arg15[%parallel_loop3A_397, %parallel_loop3A_944, %parallel_loop3A_945] : memref<2x16x768xf32, #tpu.memory_space<vmem>> -> memref<1x16x768xf32, #tpu.memory_space<vmem>>
        %parallel_loop3A_947 = tpu.memref_squeeze %parallel_loop3A_946 : memref<1x16x768xf32, #tpu.memory_space<vmem>> -> memref<16x768xf32, #tpu.memory_space<vmem>>
        %parallel_loop3A_948 = arith.index_cast %parallel_loop3A_943 : i32 to index
        %parallel_loop3A_949 = arith.index_cast %parallel_loop3A_785 : i32 to index
        %parallel_loop3A_950 = tpu.vector_load %parallel_loop3A_947[%parallel_loop3A_948, %parallel_loop3A_949] {strides = array<i32>} : memref<16x768xf32, #tpu.memory_space<vmem>>, vector<16xf32>,
        tpu.vector_store %parallel_loop3A_947[%parallel_loop3A_948, %parallel_loop3A_949], %parallel_loop3A_942 {strides = array<i32>} : memref<16x768xf32, #tpu.memory_space<vmem>>, vector<16xf32>,
        %parallel_loop3A_951 = arith.constant 8 : i32
        %parallel_loop3A_952 = arith.constant 0 : i32
        %parallel_loop3A_953 = arith.constant 0 : i32
        %parallel_loop3A_954 = tpu.memref_slice %arg15[%parallel_loop3A_397, %parallel_loop3A_952, %parallel_loop3A_953] : memref<2x16x768xf32, #tpu.memory_space<vmem>> -> memref<1x16x768xf32, #tpu.memory_space<vmem>>
        %parallel_loop3A_955 = tpu.memref_squeeze %parallel_loop3A_954 : memref<1x16x768xf32, #tpu.memory_space<vmem>> -> memref<16x768xf32, #tpu.memory_space<vmem>>
        %parallel_loop3A_956 = arith.index_cast %parallel_loop3A_951 : i32 to index
        %parallel_loop3A_957 = arith.index_cast %parallel_loop3A_785 : i32 to index
        %parallel_loop3A_958 = tpu.vector_load %parallel_loop3A_955[%parallel_loop3A_956, %parallel_loop3A_957] {strides = array<i32>} : memref<16x768xf32, #tpu.memory_space<vmem>>, vector<16xf32>,
        %parallel_loop3A_959 = arith.mulf %parallel_loop3A_958, %gather3A_350 : vector<16xf32>
        %parallel_loop3A_960 = arith.addf %parallel_loop3A_959, %gather3A_352 : vector<16xf32>
        %parallel_loop3A_961 = arith.mulf %parallel_loop3A_960, %parallel_loop3A_789 : vector<16xf32>
        %parallel_loop3A_962 = arith.addf %parallel_loop3A_961, %parallel_loop3A_790 : vector<16xf32>
        %parallel_loop3A_963 = arith.constant 8 : i32
        %parallel_loop3A_964 = arith.constant 0 : i32
        %parallel_loop3A_965 = arith.constant 0 : i32
        %parallel_loop3A_966 = tpu.memref_slice %arg15[%parallel_loop3A_397, %parallel_loop3A_964, %parallel_loop3A_965] : memref<2x16x768xf32, #tpu.memory_space<vmem>> -> memref<1x16x768xf32, #tpu.memory_space<vmem>>
        %parallel_loop3A_967 = tpu.memref_squeeze %parallel_loop3A_966 : memref<1x16x768xf32, #tpu.memory_space<vmem>> -> memref<16x768xf32, #tpu.memory_space<vmem>>
        %parallel_loop3A_968 = arith.index_cast %parallel_loop3A_963 : i32 to index
        %parallel_loop3A_969 = arith.index_cast %parallel_loop3A_785 : i32 to index
        %parallel_loop3A_970 = tpu.vector_load %parallel_loop3A_967[%parallel_loop3A_968, %parallel_loop3A_969] {strides = array<i32>} : memref<16x768xf32, #tpu.memory_space<vmem>>, vector<16xf32>,
        tpu.vector_store %parallel_loop3A_967[%parallel_loop3A_968, %parallel_loop3A_969], %parallel_loop3A_962 {strides = array<i32>} : memref<16x768xf32, #tpu.memory_space<vmem>>, vector<16xf32>,
        %parallel_loop3A_971 = arith.constant 9 : i32
        %parallel_loop3A_972 = arith.constant 0 : i32
        %parallel_loop3A_973 = arith.constant 0 : i32
        %parallel_loop3A_974 = tpu.memref_slice %arg15[%parallel_loop3A_397, %parallel_loop3A_972, %parallel_loop3A_973] : memref<2x16x768xf32, #tpu.memory_space<vmem>> -> memref<1x16x768xf32, #tpu.memory_space<vmem>>
        %parallel_loop3A_975 = tpu.memref_squeeze %parallel_loop3A_974 : memref<1x16x768xf32, #tpu.memory_space<vmem>> -> memref<16x768xf32, #tpu.memory_space<vmem>>
        %parallel_loop3A_976 = arith.index_cast %parallel_loop3A_971 : i32 to index
        %parallel_loop3A_977 = arith.index_cast %parallel_loop3A_785 : i32 to index
        %parallel_loop3A_978 = tpu.vector_load %parallel_loop3A_975[%parallel_loop3A_976, %parallel_loop3A_977] {strides = array<i32>} : memref<16x768xf32, #tpu.memory_space<vmem>>, vector<16xf32>,
        %parallel_loop3A_979 = arith.mulf %parallel_loop3A_978, %gather3A_356 : vector<16xf32>
        %parallel_loop3A_980 = arith.addf %parallel_loop3A_979, %gather3A_358 : vector<16xf32>
        %parallel_loop3A_981 = arith.mulf %parallel_loop3A_980, %parallel_loop3A_789 : vector<16xf32>
        %parallel_loop3A_982 = arith.addf %parallel_loop3A_981, %parallel_loop3A_790 : vector<16xf32>
        %parallel_loop3A_983 = arith.constant 9 : i32
        %parallel_loop3A_984 = arith.constant 0 : i32
        %parallel_loop3A_985 = arith.constant 0 : i32
        %parallel_loop3A_986 = tpu.memref_slice %arg15[%parallel_loop3A_397, %parallel_loop3A_984, %parallel_loop3A_985] : memref<2x16x768xf32, #tpu.memory_space<vmem>> -> memref<1x16x768xf32, #tpu.memory_space<vmem>>
        %parallel_loop3A_987 = tpu.memref_squeeze %parallel_loop3A_986 : memref<1x16x768xf32, #tpu.memory_space<vmem>> -> memref<16x768xf32, #tpu.memory_space<vmem>>
        %parallel_loop3A_988 = arith.index_cast %parallel_loop3A_983 : i32 to index
        %parallel_loop3A_989 = arith.index_cast %parallel_loop3A_785 : i32 to index
        %parallel_loop3A_990 = tpu.vector_load %parallel_loop3A_987[%parallel_loop3A_988, %parallel_loop3A_989] {strides = array<i32>} : memref<16x768xf32, #tpu.memory_space<vmem>>, vector<16xf32>,
        tpu.vector_store %parallel_loop3A_987[%parallel_loop3A_988, %parallel_loop3A_989], %parallel_loop3A_982 {strides = array<i32>} : memref<16x768xf32, #tpu.memory_space<vmem>>, vector<16xf32>,
        %parallel_loop3A_991 = arith.constant 10 : i32
        %parallel_loop3A_992 = arith.constant 0 : i32
        %parallel_loop3A_993 = arith.constant 0 : i32
        %parallel_loop3A_994 = tpu.memref_slice %arg15[%parallel_loop3A_397, %parallel_loop3A_992, %parallel_loop3A_993] : memref<2x16x768xf32, #tpu.memory_space<vmem>> -> memref<1x16x768xf32, #tpu.memory_space<vmem>>
        %parallel_loop3A_995 = tpu.memref_squeeze %parallel_loop3A_994 : memref<1x16x768xf32, #tpu.memory_space<vmem>> -> memref<16x768xf32, #tpu.memory_space<vmem>>
        %parallel_loop3A_996 = arith.index_cast %parallel_loop3A_991 : i32 to index
        %parallel_loop3A_997 = arith.index_cast %parallel_loop3A_785 : i32 to index
        %parallel_loop3A_998 = tpu.vector_load %parallel_loop3A_995[%parallel_loop3A_996, %parallel_loop3A_997] {strides = array<i32>} : memref<16x768xf32, #tpu.memory_space<vmem>>, vector<16xf32>,
        %parallel_loop3A_999 = arith.mulf %parallel_loop3A_998, %gather3A_362 : vector<16xf32>
        %parallel_loop3A_1000 = arith.addf %parallel_loop3A_999, %gather3A_364 : vector<16xf32>
        %parallel_loop3A_1001 = arith.mulf %parallel_loop3A_1000, %parallel_loop3A_789 : vector<16xf32>
        %parallel_loop3A_1002 = arith.addf %parallel_loop3A_1001, %parallel_loop3A_790 : vector<16xf32>
        %parallel_loop3A_1003 = arith.constant 10 : i32
        %parallel_loop3A_1004 = arith.constant 0 : i32
        %parallel_loop3A_1005 = arith.constant 0 : i32
        %parallel_loop3A_1006 = tpu.memref_slice %arg15[%parallel_loop3A_397, %parallel_loop3A_1004, %parallel_loop3A_1005] : memref<2x16x768xf32, #tpu.memory_space<vmem>> -> memref<1x16x768xf32, #tpu.memory_space<vmem>>
        %parallel_loop3A_1007 = tpu.memref_squeeze %parallel_loop3A_1006 : memref<1x16x768xf32, #tpu.memory_space<vmem>> -> memref<16x768xf32, #tpu.memory_space<vmem>>
        %parallel_loop3A_1008 = arith.index_cast %parallel_loop3A_1003 : i32 to index
        %parallel_loop3A_1009 = arith.index_cast %parallel_loop3A_785 : i32 to index
        %parallel_loop3A_1010 = tpu.vector_load %parallel_loop3A_1007[%parallel_loop3A_1008, %parallel_loop3A_1009] {strides = array<i32>} : memref<16x768xf32, #tpu.memory_space<vmem>>, vector<16xf32>,
        tpu.vector_store %parallel_loop3A_1007[%parallel_loop3A_1008, %parallel_loop3A_1009], %parallel_loop3A_1002 {strides = array<i32>} : memref<16x768xf32, #tpu.memory_space<vmem>>, vector<16xf32>,
        %parallel_loop3A_1011 = arith.constant 11 : i32
        %parallel_loop3A_1012 = arith.constant 0 : i32
        %parallel_loop3A_1013 = arith.constant 0 : i32
        %parallel_loop3A_1014 = tpu.memref_slice %arg15[%parallel_loop3A_397, %parallel_loop3A_1012, %parallel_loop3A_1013] : memref<2x16x768xf32, #tpu.memory_space<vmem>> -> memref<1x16x768xf32, #tpu.memory_space<vmem>>
        %parallel_loop3A_1015 = tpu.memref_squeeze %parallel_loop3A_1014 : memref<1x16x768xf32, #tpu.memory_space<vmem>> -> memref<16x768xf32, #tpu.memory_space<vmem>>
        %parallel_loop3A_1016 = arith.index_cast %parallel_loop3A_1011 : i32 to index
        %parallel_loop3A_1017 = arith.index_cast %parallel_loop3A_785 : i32 to index
        %parallel_loop3A_1018 = tpu.vector_load %parallel_loop3A_1015[%parallel_loop3A_1016, %parallel_loop3A_1017] {strides = array<i32>} : memref<16x768xf32, #tpu.memory_space<vmem>>, vector<16xf32>,
        %parallel_loop3A_1019 = arith.mulf %parallel_loop3A_1018, %gather3A_368 : vector<16xf32>
        %parallel_loop3A_1020 = arith.addf %parallel_loop3A_1019, %gather3A_370 : vector<16xf32>
        %parallel_loop3A_1021 = arith.mulf %parallel_loop3A_1020, %parallel_loop3A_789 : vector<16xf32>
        %parallel_loop3A_1022 = arith.addf %parallel_loop3A_1021, %parallel_loop3A_790 : vector<16xf32>
        %parallel_loop3A_1023 = arith.constant 11 : i32
        %parallel_loop3A_1024 = arith.constant 0 : i32
        %parallel_loop3A_1025 = arith.constant 0 : i32
        %parallel_loop3A_1026 = tpu.memref_slice %arg15[%parallel_loop3A_397, %parallel_loop3A_1024, %parallel_loop3A_1025] : memref<2x16x768xf32, #tpu.memory_space<vmem>> -> memref<1x16x768xf32, #tpu.memory_space<vmem>>
        %parallel_loop3A_1027 = tpu.memref_squeeze %parallel_loop3A_1026 : memref<1x16x768xf32, #tpu.memory_space<vmem>> -> memref<16x768xf32, #tpu.memory_space<vmem>>
        %parallel_loop3A_1028 = arith.index_cast %parallel_loop3A_1023 : i32 to index
        %parallel_loop3A_1029 = arith.index_cast %parallel_loop3A_785 : i32 to index
        %parallel_loop3A_1030 = tpu.vector_load %parallel_loop3A_1027[%parallel_loop3A_1028, %parallel_loop3A_1029] {strides = array<i32>} : memref<16x768xf32, #tpu.memory_space<vmem>>, vector<16xf32>,
        tpu.vector_store %parallel_loop3A_1027[%parallel_loop3A_1028, %parallel_loop3A_1029], %parallel_loop3A_1022 {strides = array<i32>} : memref<16x768xf32, #tpu.memory_space<vmem>>, vector<16xf32>,
        %parallel_loop3A_1031 = arith.constant 12 : i32
        %parallel_loop3A_1032 = arith.constant 0 : i32
        %parallel_loop3A_1033 = arith.constant 0 : i32
        %parallel_loop3A_1034 = tpu.memref_slice %arg15[%parallel_loop3A_397, %parallel_loop3A_1032, %parallel_loop3A_1033] : memref<2x16x768xf32, #tpu.memory_space<vmem>> -> memref<1x16x768xf32, #tpu.memory_space<vmem>>
        %parallel_loop3A_1035 = tpu.memref_squeeze %parallel_loop3A_1034 : memref<1x16x768xf32, #tpu.memory_space<vmem>> -> memref<16x768xf32, #tpu.memory_space<vmem>>
        %parallel_loop3A_1036 = arith.index_cast %parallel_loop3A_1031 : i32 to index
        %parallel_loop3A_1037 = arith.index_cast %parallel_loop3A_785 : i32 to index
        %parallel_loop3A_1038 = tpu.vector_load %parallel_loop3A_1035[%parallel_loop3A_1036, %parallel_loop3A_1037] {strides = array<i32>} : memref<16x768xf32, #tpu.memory_space<vmem>>, vector<16xf32>,
        %parallel_loop3A_1039 = arith.mulf %parallel_loop3A_1038, %gather3A_374 : vector<16xf32>
        %parallel_loop3A_1040 = arith.addf %parallel_loop3A_1039, %gather3A_376 : vector<16xf32>
        %parallel_loop3A_1041 = arith.mulf %parallel_loop3A_1040, %parallel_loop3A_789 : vector<16xf32>
        %parallel_loop3A_1042 = arith.addf %parallel_loop3A_1041, %parallel_loop3A_790 : vector<16xf32>
        %parallel_loop3A_1043 = arith.constant 12 : i32
        %parallel_loop3A_1044 = arith.constant 0 : i32
        %parallel_loop3A_1045 = arith.constant 0 : i32
        %parallel_loop3A_1046 = tpu.memref_slice %arg15[%parallel_loop3A_397, %parallel_loop3A_1044, %parallel_loop3A_1045] : memref<2x16x768xf32, #tpu.memory_space<vmem>> -> memref<1x16x768xf32, #tpu.memory_space<vmem>>
        %parallel_loop3A_1047 = tpu.memref_squeeze %parallel_loop3A_1046 : memref<1x16x768xf32, #tpu.memory_space<vmem>> -> memref<16x768xf32, #tpu.memory_space<vmem>>
        %parallel_loop3A_1048 = arith.index_cast %parallel_loop3A_1043 : i32 to index
        %parallel_loop3A_1049 = arith.index_cast %parallel_loop3A_785 : i32 to index
        %parallel_loop3A_1050 = tpu.vector_load %parallel_loop3A_1047[%parallel_loop3A_1048, %parallel_loop3A_1049] {strides = array<i32>} : memref<16x768xf32, #tpu.memory_space<vmem>>, vector<16xf32>,
        tpu.vector_store %parallel_loop3A_1047[%parallel_loop3A_1048, %parallel_loop3A_1049], %parallel_loop3A_1042 {strides = array<i32>} : memref<16x768xf32, #tpu.memory_space<vmem>>, vector<16xf32>,
        %parallel_loop3A_1051 = arith.constant 13 : i32
        %parallel_loop3A_1052 = arith.constant 0 : i32
        %parallel_loop3A_1053 = arith.constant 0 : i32
        %parallel_loop3A_1054 = tpu.memref_slice %arg15[%parallel_loop3A_397, %parallel_loop3A_1052, %parallel_loop3A_1053] : memref<2x16x768xf32, #tpu.memory_space<vmem>> -> memref<1x16x768xf32, #tpu.memory_space<vmem>>
        %parallel_loop3A_1055 = tpu.memref_squeeze %parallel_loop3A_1054 : memref<1x16x768xf32, #tpu.memory_space<vmem>> -> memref<16x768xf32, #tpu.memory_space<vmem>>
        %parallel_loop3A_1056 = arith.index_cast %parallel_loop3A_1051 : i32 to index
        %parallel_loop3A_1057 = arith.index_cast %parallel_loop3A_785 : i32 to index
        %parallel_loop3A_1058 = tpu.vector_load %parallel_loop3A_1055[%parallel_loop3A_1056, %parallel_loop3A_1057] {strides = array<i32>} : memref<16x768xf32, #tpu.memory_space<vmem>>, vector<16xf32>,
        %parallel_loop3A_1059 = arith.mulf %parallel_loop3A_1058, %gather3A_380 : vector<16xf32>
        %parallel_loop3A_1060 = arith.addf %parallel_loop3A_1059, %gather3A_382 : vector<16xf32>
        %parallel_loop3A_1061 = arith.mulf %parallel_loop3A_1060, %parallel_loop3A_789 : vector<16xf32>
        %parallel_loop3A_1062 = arith.addf %parallel_loop3A_1061, %parallel_loop3A_790 : vector<16xf32>
        %parallel_loop3A_1063 = arith.constant 13 : i32
        %parallel_loop3A_1064 = arith.constant 0 : i32
        %parallel_loop3A_1065 = arith.constant 0 : i32
        %parallel_loop3A_1066 = tpu.memref_slice %arg15[%parallel_loop3A_397, %parallel_loop3A_1064, %parallel_loop3A_1065] : memref<2x16x768xf32, #tpu.memory_space<vmem>> -> memref<1x16x768xf32, #tpu.memory_space<vmem>>
        %parallel_loop3A_1067 = tpu.memref_squeeze %parallel_loop3A_1066 : memref<1x16x768xf32, #tpu.memory_space<vmem>> -> memref<16x768xf32, #tpu.memory_space<vmem>>
        %parallel_loop3A_1068 = arith.index_cast %parallel_loop3A_1063 : i32 to index
        %parallel_loop3A_1069 = arith.index_cast %parallel_loop3A_785 : i32 to index
        %parallel_loop3A_1070 = tpu.vector_load %parallel_loop3A_1067[%parallel_loop3A_1068, %parallel_loop3A_1069] {strides = array<i32>} : memref<16x768xf32, #tpu.memory_space<vmem>>, vector<16xf32>,
        tpu.vector_store %parallel_loop3A_1067[%parallel_loop3A_1068, %parallel_loop3A_1069], %parallel_loop3A_1062 {strides = array<i32>} : memref<16x768xf32, #tpu.memory_space<vmem>>, vector<16xf32>,
        %parallel_loop3A_1071 = arith.constant 14 : i32
        %parallel_loop3A_1072 = arith.constant 0 : i32
        %parallel_loop3A_1073 = arith.constant 0 : i32
        %parallel_loop3A_1074 = tpu.memref_slice %arg15[%parallel_loop3A_397, %parallel_loop3A_1072, %parallel_loop3A_1073] : memref<2x16x768xf32, #tpu.memory_space<vmem>> -> memref<1x16x768xf32, #tpu.memory_space<vmem>>
        %parallel_loop3A_1075 = tpu.memref_squeeze %parallel_loop3A_1074 : memref<1x16x768xf32, #tpu.memory_space<vmem>> -> memref<16x768xf32, #tpu.memory_space<vmem>>
        %parallel_loop3A_1076 = arith.index_cast %parallel_loop3A_1071 : i32 to index
        %parallel_loop3A_1077 = arith.index_cast %parallel_loop3A_785 : i32 to index
        %parallel_loop3A_1078 = tpu.vector_load %parallel_loop3A_1075[%parallel_loop3A_1076, %parallel_loop3A_1077] {strides = array<i32>} : memref<16x768xf32, #tpu.memory_space<vmem>>, vector<16xf32>,
        %parallel_loop3A_1079 = arith.mulf %parallel_loop3A_1078, %gather3A_386 : vector<16xf32>
        %parallel_loop3A_1080 = arith.addf %parallel_loop3A_1079, %gather3A_388 : vector<16xf32>
        %parallel_loop3A_1081 = arith.mulf %parallel_loop3A_1080, %parallel_loop3A_789 : vector<16xf32>
        %parallel_loop3A_1082 = arith.addf %parallel_loop3A_1081, %parallel_loop3A_790 : vector<16xf32>
        %parallel_loop3A_1083 = arith.constant 14 : i32
        %parallel_loop3A_1084 = arith.constant 0 : i32
        %parallel_loop3A_1085 = arith.constant 0 : i32
        %parallel_loop3A_1086 = tpu.memref_slice %arg15[%parallel_loop3A_397, %parallel_loop3A_1084, %parallel_loop3A_1085] : memref<2x16x768xf32, #tpu.memory_space<vmem>> -> memref<1x16x768xf32, #tpu.memory_space<vmem>>
        %parallel_loop3A_1087 = tpu.memref_squeeze %parallel_loop3A_1086 : memref<1x16x768xf32, #tpu.memory_space<vmem>> -> memref<16x768xf32, #tpu.memory_space<vmem>>
        %parallel_loop3A_1088 = arith.index_cast %parallel_loop3A_1083 : i32 to index
        %parallel_loop3A_1089 = arith.index_cast %parallel_loop3A_785 : i32 to index
        %parallel_loop3A_1090 = tpu.vector_load %parallel_loop3A_1087[%parallel_loop3A_1088, %parallel_loop3A_1089] {strides = array<i32>} : memref<16x768xf32, #tpu.memory_space<vmem>>, vector<16xf32>,
        tpu.vector_store %parallel_loop3A_1087[%parallel_loop3A_1088, %parallel_loop3A_1089], %parallel_loop3A_1082 {strides = array<i32>} : memref<16x768xf32, #tpu.memory_space<vmem>>, vector<16xf32>,
        %parallel_loop3A_1091 = arith.constant 15 : i32
        %parallel_loop3A_1092 = arith.constant 0 : i32
        %parallel_loop3A_1093 = arith.constant 0 : i32
        %parallel_loop3A_1094 = tpu.memref_slice %arg15[%parallel_loop3A_397, %parallel_loop3A_1092, %parallel_loop3A_1093] : memref<2x16x768xf32, #tpu.memory_space<vmem>> -> memref<1x16x768xf32, #tpu.memory_space<vmem>>
        %parallel_loop3A_1095 = tpu.memref_squeeze %parallel_loop3A_1094 : memref<1x16x768xf32, #tpu.memory_space<vmem>> -> memref<16x768xf32, #tpu.memory_space<vmem>>
        %parallel_loop3A_1096 = arith.index_cast %parallel_loop3A_1091 : i32 to index
        %parallel_loop3A_1097 = arith.index_cast %parallel_loop3A_785 : i32 to index
        %parallel_loop3A_1098 = tpu.vector_load %parallel_loop3A_1095[%parallel_loop3A_1096, %parallel_loop3A_1097] {strides = array<i32>} : memref<16x768xf32, #tpu.memory_space<vmem>>, vector<16xf32>,
        %parallel_loop3A_1099 = arith.mulf %parallel_loop3A_1098, %gather3A_392 : vector<16xf32>
        %parallel_loop3A_1100 = arith.addf %parallel_loop3A_1099, %gather3A_394 : vector<16xf32>
        %parallel_loop3A_1101 = arith.mulf %parallel_loop3A_1100, %parallel_loop3A_789 : vector<16xf32>
        %parallel_loop3A_1102 = arith.addf %parallel_loop3A_1101, %parallel_loop3A_790 : vector<16xf32>
        %parallel_loop3A_1103 = arith.constant 15 : i32
        %parallel_loop3A_1104 = arith.constant 0 : i32
        %parallel_loop3A_1105 = arith.constant 0 : i32
        %parallel_loop3A_1106 = tpu.memref_slice %arg15[%parallel_loop3A_397, %parallel_loop3A_1104, %parallel_loop3A_1105] : memref<2x16x768xf32, #tpu.memory_space<vmem>> -> memref<1x16x768xf32, #tpu.memory_space<vmem>>
        %parallel_loop3A_1107 = tpu.memref_squeeze %parallel_loop3A_1106 : memref<1x16x768xf32, #tpu.memory_space<vmem>> -> memref<16x768xf32, #tpu.memory_space<vmem>>
        %parallel_loop3A_1108 = arith.index_cast %parallel_loop3A_1103 : i32 to index
        %parallel_loop3A_1109 = arith.index_cast %parallel_loop3A_785 : i32 to index
        %parallel_loop3A_1110 = tpu.vector_load %parallel_loop3A_1107[%parallel_loop3A_1108, %parallel_loop3A_1109] {strides = array<i32>} : memref<16x768xf32, #tpu.memory_space<vmem>>, vector<16xf32>,
        tpu.vector_store %parallel_loop3A_1107[%parallel_loop3A_1108, %parallel_loop3A_1109], %parallel_loop3A_1102 {strides = array<i32>} : memref<16x768xf32, #tpu.memory_space<vmem>>, vector<16xf32>,
      } {sc.loop_unroll_factor = 1 : i64, sc.parallel_access}
      %dma_start3A_398 = arith.constant 0 : i32
      %dma_start3A_399 = arith.constant 0 : i32
      %dma_start3A_400 = arith.constant 0 : i32
      %dma_start3A_401 = tpu.memref_slice %arg15[%dma_start3A_398, %dma_start3A_399, %dma_start3A_400] : memref<2x16x768xf32, #tpu.memory_space<vmem>> -> memref<1x16x768xf32, #tpu.memory_space<vmem>>
      %dma_start3A_402 = tpu.memref_squeeze %dma_start3A_401 : memref<1x16x768xf32, #tpu.memory_space<vmem>> -> memref<16x768xf32, #tpu.memory_space<vmem>>
      %dma_start3A_403 = arith.constant 0 : i32
      %dma_start3A_404 = tpu.memref_slice %arg7[%add3A_61, %mul3A_2, %dma_start3A_403] : memref<128x512x768xf32, #tpu.memory_space<hbm>> -> memref<1x16x768xf32, #tpu.memory_space<hbm>>
      %dma_start3A_405 = tpu.memref_squeeze %dma_start3A_404 : memref<1x16x768xf32, #tpu.memory_space<hbm>> -> memref<16x768xf32, #tpu.memory_space<hbm>>
      %dma_start3A_406 = arith.constant 0 : i32
      %dma_start3A_407 = tpu.memref_slice %arg7[%add3A_61, %mul3A_2, %dma_start3A_406] : memref<128x512x768xf32, #tpu.memory_space<hbm>> -> memref<1x16x768xf32, #tpu.memory_space<hbm>>
      %dma_start3A_408 = tpu.memref_squeeze %dma_start3A_407 : memref<1x16x768xf32, #tpu.memory_space<hbm>> -> memref<16x768xf32, #tpu.memory_space<hbm>>
      %dma_start3A_409 = arith.constant 0 : i32
      %dma_start3A_410 = arith.constant 0 : i32
      %dma_start3A_411 = tpu.memref_slice %arg15[%dma_start3A_398, %dma_start3A_409, %dma_start3A_410] : memref<2x16x768xf32, #tpu.memory_space<vmem>> -> memref<1x16x768xf32, #tpu.memory_space<vmem>>
      %dma_start3A_412 = tpu.memref_squeeze %dma_start3A_411 : memref<1x16x768xf32, #tpu.memory_space<vmem>> -> memref<16x768xf32, #tpu.memory_space<vmem>>
      tpu.enqueue_dma source(%dma_start3A_412 : memref<16x768xf32, #tpu.memory_space<vmem>>) target(%dma_start3A_408 : memref<16x768xf32, #tpu.memory_space<hbm>>) target_semaphore(%arg17 : memref<!tpu.dma_semaphore, #tpu.memory_space<semaphore_mem>>)
      %mul3A_413 = arith.constant 2 : i32
      %mul3A_414 = arith.muli %mul3A_413, %scan3A_56 : i32
      %add3A_415 = arith.constant 1 : i32
      %add3A_416 = arith.addi %mul3A_414, %add3A_415 : i32
      %add3A_417 = arith.constant 1 : i32
      %add3A_418 = arith.addi %add3A_416, %add3A_417 : i32
      %lt3A_419 = arith.constant 128 : i32
      %lt3A_420 = arith.cmpi slt, %add3A_418, %lt3A_419 : i32
      %convert_element_type3A_421 = arith.extui %lt3A_420 : i1 to i32
      %cond3A_422 = arith.constant 0 : i32
      %cond3A_423 = arith.cmpi ne, %convert_element_type3A_421, %cond3A_422 : i32
      scf.if %cond3A_423 {
        %add3A_783 = arith.constant 1 : i32
        %add3A_784 = arith.addi %add3A_416, %add3A_783 : i32
        %dma_start3A_785 = arith.constant 0 : i32
        %dma_start3A_786 = arith.constant 0 : i32
        %dma_start3A_787 = arith.constant 0 : i32
        %dma_start3A_788 = tpu.memref_slice %arg14[%dma_start3A_785, %dma_start3A_786, %dma_start3A_787] : memref<2x16x768xf32, #tpu.memory_space<vmem>> -> memref<1x16x768xf32, #tpu.memory_space<vmem>>
        %dma_start3A_789 = tpu.memref_squeeze %dma_start3A_788 : memref<1x16x768xf32, #tpu.memory_space<vmem>> -> memref<16x768xf32, #tpu.memory_space<vmem>>
        %dma_start3A_790 = arith.constant 0 : i32
        %dma_start3A_791 = tpu.memref_slice %arg8[%add3A_784, %dma_start3A_790] : memref<128x16xi32, #tpu.memory_space<vmem>> -> memref<1x16xi32, #tpu.memory_space<vmem>>
        %dma_start3A_792 = tpu.memref_squeeze %dma_start3A_791 : memref<1x16xi32, #tpu.memory_space<vmem>> -> memref<16xi32, #tpu.memory_space<vmem>>
        %dma_start3A_793 = arith.constant 0 : i32
        %dma_start3A_794 = arith.constant 0 : i32
        %dma_start3A_795 = tpu.memref_slice %arg4[%dma_start3A_793, %dma_start3A_794] : memref<30522x768xf32, #tpu.memory_space<hbm>> -> memref<30522x768xf32, #tpu.memory_space<hbm>>
        tpu.enqueue_indirect_dma source(%dma_start3A_795 : memref<30522x768xf32, #tpu.memory_space<hbm>>) target(%dma_start3A_789 : memref<16x768xf32, #tpu.memory_space<vmem>>) offsets(%dma_start3A_792 : memref<16xi32, #tpu.memory_space<vmem>>) semaphore(%arg16 : memref<!tpu.dma_semaphore, #tpu.memory_space<semaphore_mem>>)
      } else {
      }
      %dma_wait3A_424 = arith.constant 1 : i32
      %dma_wait3A_425 = arith.constant 0 : i32
      %dma_wait3A_426 = arith.constant 0 : i32
      %dma_wait3A_427 = tpu.memref_slice %arg14[%dma_wait3A_424, %dma_wait3A_425, %dma_wait3A_426] : memref<2x16x768xf32, #tpu.memory_space<vmem>> -> memref<1x16x768xf32, #tpu.memory_space<vmem>>
      %dma_wait3A_428 = tpu.memref_squeeze %dma_wait3A_427 : memref<1x16x768xf32, #tpu.memory_space<vmem>> -> memref<16x768xf32, #tpu.memory_space<vmem>>
      %dma_wait3A_429 = arith.constant 0 : i32
      %dma_wait3A_430 = tpu.memref_slice %arg8[%add3A_416, %dma_wait3A_429] : memref<128x16xi32, #tpu.memory_space<vmem>> -> memref<1x16xi32, #tpu.memory_space<vmem>>
      %dma_wait3A_431 = tpu.memref_squeeze %dma_wait3A_430 : memref<1x16xi32, #tpu.memory_space<vmem>> -> memref<16xi32, #tpu.memory_space<vmem>>
      %dma_wait3A_432 = arith.constant 0 : i32
      %dma_wait3A_433 = arith.constant 0 : i32
      %dma_wait3A_434 = tpu.memref_slice %arg4[%dma_wait3A_432, %dma_wait3A_433] : memref<30522x768xf32, #tpu.memory_space<hbm>> -> memref<30522x768xf32, #tpu.memory_space<hbm>>
      tpu.wait_indirect_dma semaphore(%arg16 : memref<!tpu.dma_semaphore, #tpu.memory_space<semaphore_mem>>) src(%dma_wait3A_434 : memref<30522x768xf32, #tpu.memory_space<hbm>>) dst(%dma_wait3A_428 : memref<16x768xf32, #tpu.memory_space<vmem>>)
      %ge3A_435 = arith.constant 2 : i32
      %ge3A_436 = arith.cmpi sge, %add3A_416, %ge3A_435 : i32
      %convert_element_type3A_437 = arith.extui %ge3A_436 : i1 to i32
      %cond3A_438 = arith.constant 1 : i32
      %cond3A_439 = arith.constant 0 : i32
      %cond3A_440 = arith.cmpi ne, %convert_element_type3A_437, %cond3A_439 : i32
      scf.if %cond3A_440 {
        %sub3A_783 = arith.constant 2 : i32
        %sub3A_784 = arith.subi %add3A_416, %sub3A_783 : i32
        %dma_wait3A_785 = arith.constant 0 : i32
        %dma_wait3A_786 = arith.constant 0 : i32
        %dma_wait3A_787 = tpu.memref_slice %arg15[%cond3A_438, %dma_wait3A_785, %dma_wait3A_786] : memref<2x16x768xf32, #tpu.memory_space<vmem>> -> memref<1x16x768xf32, #tpu.memory_space<vmem>>
        %dma_wait3A_788 = tpu.memref_squeeze %dma_wait3A_787 : memref<1x16x768xf32, #tpu.memory_space<vmem>> -> memref<16x768xf32, #tpu.memory_space<vmem>>
        %dma_wait3A_789 = arith.constant 0 : i32
        %dma_wait3A_790 = tpu.memref_slice %arg7[%sub3A_784, %mul3A_2, %dma_wait3A_789] : memref<128x512x768xf32, #tpu.memory_space<hbm>> -> memref<1x16x768xf32, #tpu.memory_space<hbm>>
        %dma_wait3A_791 = tpu.memref_squeeze %dma_wait3A_790 : memref<1x16x768xf32, #tpu.memory_space<hbm>> -> memref<16x768xf32, #tpu.memory_space<hbm>>
        %dma_wait3A_792 = arith.constant 0 : i32
        %dma_wait3A_793 = tpu.memref_slice %arg7[%sub3A_784, %mul3A_2, %dma_wait3A_792] : memref<128x512x768xf32, #tpu.memory_space<hbm>> -> memref<1x16x768xf32, #tpu.memory_space<hbm>>
        %dma_wait3A_794 = tpu.memref_squeeze %dma_wait3A_793 : memref<1x16x768xf32, #tpu.memory_space<hbm>> -> memref<16x768xf32, #tpu.memory_space<hbm>>
        %dma_wait3A_795 = arith.constant 0 : i32
        %dma_wait3A_796 = arith.constant 0 : i32
        %dma_wait3A_797 = tpu.memref_slice %arg15[%cond3A_438, %dma_wait3A_795, %dma_wait3A_796] : memref<2x16x768xf32, #tpu.memory_space<vmem>> -> memref<1x16x768xf32, #tpu.memory_space<vmem>>
        %dma_wait3A_798 = tpu.memref_squeeze %dma_wait3A_797 : memref<1x16x768xf32, #tpu.memory_space<vmem>> -> memref<16x768xf32, #tpu.memory_space<vmem>>
        tpu.wait_dma2 semaphore(%arg17 : memref<!tpu.dma_semaphore, #tpu.memory_space<semaphore_mem>>) src(%dma_wait3A_798 : memref<16x768xf32, #tpu.memory_space<vmem>>) dst(%dma_wait3A_794 : memref<16x768xf32, #tpu.memory_space<hbm>>)
      } else {
      }
      %get3A_441 = arith.index_cast %add3A_416 : i32 to index
      %get3A_442 = arith.constant 0 : index
      %get3A_443 = tpu.vector_load %arg9[%get3A_441, %get3A_442] {strides = array<i32>} : memref<128x16xi32, #tpu.memory_space<vmem>>, vector<16xi32>,
      %broadcast_in_dim3A_444 = arith.constant 0 : i32
      %broadcast_in_dim3A_445 = vector.broadcast %broadcast_in_dim3A_444 : i32 to vector<16x1xi32>
      %gather3A_446 = vector.shape_cast %broadcast_in_dim3A_445 : vector<16x1xi32> to vector<16xi32>
      %gather3A_447 = tpu.dynamic_gather %get3A_443[%gather3A_446] in [0] : vector<16xi32>, vector<16xi32> -> vector<16xi32>
      %slice3A_448 = vector.extract_strided_slice %gather3A_447 {offsets = [0], sizes = [1], strides = [1]} : vector<16xi32> to vector<1xi32>
      %squeeze3A_449 = vector.extract %slice3A_448[0] : i32 from vector<1xi32>
      %scan3A_450 = arith.constant 1 : i32
      %scan3A_451 = arith.constant 1 : i32
      %scan3A_452 = arith.constant 0 : i32
      %scan3A_453 = arith.constant 16 : i32
      %scan3A_454 = arith.addi %scan3A_452, %scan3A_453 : i32
      %scan3A_455 = arith.constant 1 : i32
      %scan3A_456 = scf.for %scan3A_783 = %scan3A_452 to %scan3A_454 step %scan3A_455 iter_args(%scan3A_784 = %squeeze3A_449) -> (i32)  : i32 {
        %add3A_785 = arith.constant 1 : i32
        %add3A_786 = arith.addi %scan3A_783, %add3A_785 : i32
        %min3A = arith.constant 15 : i32
        %min3A_787 = arith.minsi %add3A_786, %min3A : i32
        %broadcast_in_dim3A_788 = vector.broadcast %min3A_787 : i32 to vector<16x1xi32>
        %gather3A_789 = vector.shape_cast %broadcast_in_dim3A_788 : vector<16x1xi32> to vector<16xi32>
        %gather3A_790 = tpu.dynamic_gather %get3A_443[%gather3A_789] in [0] : vector<16xi32>, vector<16xi32> -> vector<16xi32>
        %slice3A_791 = vector.extract_strided_slice %gather3A_790 {offsets = [0], sizes = [1], strides = [1]} : vector<16xi32> to vector<1xi32>
        %squeeze3A_792 = vector.extract %slice3A_791[0] : i32 from vector<1xi32>
        %get3A_793 = arith.constant 0 : i32
        %get3A_794 = arith.constant 0 : i32
        %get3A_795 = tpu.memref_slice %arg14[%scan3A_450, %get3A_793, %get3A_794] : memref<2x16x768xf32, #tpu.memory_space<vmem>> -> memref<1x16x768xf32, #tpu.memory_space<vmem>>
        %get3A_796 = tpu.memref_squeeze %get3A_795 : memref<1x16x768xf32, #tpu.memory_space<vmem>> -> memref<16x768xf32, #tpu.memory_space<vmem>>
        %get3A_797 = arith.index_cast %scan3A_783 : i32 to index
        %get3A_798 = arith.constant 0 : index
        %get3A_799 = tpu.vector_load %get3A_796[%get3A_797, %get3A_798] {strides = array<i32>} : memref<16x768xf32, #tpu.memory_space<vmem>>, vector<16xf32>,
        %get3A_800 = arith.constant 0 : i32
        %get3A_801 = arith.constant 0 : i32
        %get3A_802 = tpu.memref_slice %arg14[%scan3A_450, %get3A_800, %get3A_801] : memref<2x16x768xf32, #tpu.memory_space<vmem>> -> memref<1x16x768xf32, #tpu.memory_space<vmem>>
        %get3A_803 = tpu.memref_squeeze %get3A_802 : memref<1x16x768xf32, #tpu.memory_space<vmem>> -> memref<16x768xf32, #tpu.memory_space<vmem>>
        %get3A_804 = arith.index_cast %scan3A_783 : i32 to index
        %get3A_805 = arith.constant 16 : index
        %get3A_806 = tpu.vector_load %get3A_803[%get3A_804, %get3A_805] {strides = array<i32>} : memref<16x768xf32, #tpu.memory_space<vmem>>, vector<16xf32>,
        %get3A_807 = arith.index_cast %scan3A_784 : i32 to index
        %get3A_808 = arith.index_cast %scan3A_783 : i32 to index
        %get3A_809 = arith.constant 0 : index
        %get3A_810 = tpu.vector_load %arg10[%get3A_807, %get3A_808, %get3A_809] {strides = array<i32>} : memref<2x16x384xi32, #tpu.memory_space<vmem>>, vector<16xi32>,
        %get3A_811 = arith.constant 0 : i32
        %get3A_812 = arith.constant 0 : i32
        %get3A_813 = tpu.memref_slice %arg14[%scan3A_450, %get3A_811, %get3A_812] : memref<2x16x768xf32, #tpu.memory_space<vmem>> -> memref<1x16x768xf32, #tpu.memory_space<vmem>>
        %get3A_814 = tpu.memref_squeeze %get3A_813 : memref<1x16x768xf32, #tpu.memory_space<vmem>> -> memref<16x768xf32, #tpu.memory_space<vmem>>
        %get3A_815 = arith.index_cast %scan3A_783 : i32 to index
        %get3A_816 = arith.constant 32 : index
        %get3A_817 = tpu.vector_load %get3A_814[%get3A_815, %get3A_816] {strides = array<i32>} : memref<16x768xf32, #tpu.memory_space<vmem>>, vector<16xf32>,
        %get3A_818 = arith.constant 0 : i32
        %get3A_819 = arith.constant 0 : i32
        %get3A_820 = tpu.memref_slice %arg14[%scan3A_450, %get3A_818, %get3A_819] : memref<2x16x768xf32, #tpu.memory_space<vmem>> -> memref<1x16x768xf32, #tpu.memory_space<vmem>>
        %get3A_821 = tpu.memref_squeeze %get3A_820 : memref<1x16x768xf32, #tpu.memory_space<vmem>> -> memref<16x768xf32, #tpu.memory_space<vmem>>
        %get3A_822 = arith.index_cast %scan3A_783 : i32 to index
        %get3A_823 = arith.constant 48 : index
        %get3A_824 = tpu.vector_load %get3A_821[%get3A_822, %get3A_823] {strides = array<i32>} : memref<16x768xf32, #tpu.memory_space<vmem>>, vector<16xf32>,
        %get3A_825 = arith.index_cast %scan3A_784 : i32 to index
        %get3A_826 = arith.index_cast %scan3A_783 : i32 to index
        %get3A_827 = arith.constant 16 : index
        %get3A_828 = tpu.vector_load %arg10[%get3A_825, %get3A_826, %get3A_827] {strides = array<i32>} : memref<2x16x384xi32, #tpu.memory_space<vmem>>, vector<16xi32>,
        %get3A_829 = arith.constant 0 : i32
        %get3A_830 = arith.constant 0 : i32
        %get3A_831 = tpu.memref_slice %arg14[%scan3A_450, %get3A_829, %get3A_830] : memref<2x16x768xf32, #tpu.memory_space<vmem>> -> memref<1x16x768xf32, #tpu.memory_space<vmem>>
        %get3A_832 = tpu.memref_squeeze %get3A_831 : memref<1x16x768xf32, #tpu.memory_space<vmem>> -> memref<16x768xf32, #tpu.memory_space<vmem>>
        %get3A_833 = arith.index_cast %scan3A_783 : i32 to index
        %get3A_834 = arith.constant 64 : index
        %get3A_835 = tpu.vector_load %get3A_832[%get3A_833, %get3A_834] {strides = array<i32>} : memref<16x768xf32, #tpu.memory_space<vmem>>, vector<16xf32>,
        %get3A_836 = arith.constant 0 : i32
        %get3A_837 = arith.constant 0 : i32
        %get3A_838 = tpu.memref_slice %arg14[%scan3A_450, %get3A_836, %get3A_837] : memref<2x16x768xf32, #tpu.memory_space<vmem>> -> memref<1x16x768xf32, #tpu.memory_space<vmem>>
        %get3A_839 = tpu.memref_squeeze %get3A_838 : memref<1x16x768xf32, #tpu.memory_space<vmem>> -> memref<16x768xf32, #tpu.memory_space<vmem>>
        %get3A_840 = arith.index_cast %scan3A_783 : i32 to index
        %get3A_841 = arith.constant 80 : index
        %get3A_842 = tpu.vector_load %get3A_839[%get3A_840, %get3A_841] {strides = array<i32>} : memref<16x768xf32, #tpu.memory_space<vmem>>, vector<16xf32>,
        %get3A_843 = arith.index_cast %scan3A_784 : i32 to index
        %get3A_844 = arith.index_cast %scan3A_783 : i32 to index
        %get3A_845 = arith.constant 32 : index
        %get3A_846 = tpu.vector_load %arg10[%get3A_843, %get3A_844, %get3A_845] {strides = array<i32>} : memref<2x16x384xi32, #tpu.memory_space<vmem>>, vector<16xi32>,
        %bitcast3A_847 = vector.bitcast %get3A_810 : vector<16xi32> to vector<32xbf16>
        %unpack3A = tpu.unpack_subelements %bitcast3A_847, 0 {pack_format = #tpu.pack_format<interleaved>} : vector<32xbf16> -> vector<16xf32>
        %unpack3A_848 = tpu.unpack_subelements %bitcast3A_847, 1 {pack_format = #tpu.pack_format<interleaved>} : vector<32xbf16> -> vector<16xf32>
        %add3A_849 = arith.addf %get3A_799, %unpack3A : vector<16xf32>
        %add3A_850 = arith.addf %get3A_806, %unpack3A_848 : vector<16xf32>
        %swap3A = arith.constant 0 : i32
        %swap3A_851 = arith.constant 0 : i32
        %swap3A_852 = tpu.memref_slice %arg15[%scan3A_451, %swap3A, %swap3A_851] : memref<2x16x768xf32, #tpu.memory_space<vmem>> -> memref<1x16x768xf32, #tpu.memory_space<vmem>>
        %swap3A_853 = tpu.memref_squeeze %swap3A_852 : memref<1x16x768xf32, #tpu.memory_space<vmem>> -> memref<16x768xf32, #tpu.memory_space<vmem>>
        %swap3A_854 = arith.index_cast %scan3A_783 : i32 to index
        %swap3A_855 = arith.constant 0 : index
        %swap3A_856 = tpu.vector_load %swap3A_853[%swap3A_854, %swap3A_855] {strides = array<i32>} : memref<16x768xf32, #tpu.memory_space<vmem>>, vector<16xf32>,
        tpu.vector_store %swap3A_853[%swap3A_854, %swap3A_855], %add3A_849 {strides = array<i32>} : memref<16x768xf32, #tpu.memory_space<vmem>>, vector<16xf32>,
        %swap3A_857 = arith.constant 0 : i32
        %swap3A_858 = arith.constant 0 : i32
        %swap3A_859 = tpu.memref_slice %arg15[%scan3A_451, %swap3A_857, %swap3A_858] : memref<2x16x768xf32, #tpu.memory_space<vmem>> -> memref<1x16x768xf32, #tpu.memory_space<vmem>>
        %swap3A_860 = tpu.memref_squeeze %swap3A_859 : memref<1x16x768xf32, #tpu.memory_space<vmem>> -> memref<16x768xf32, #tpu.memory_space<vmem>>
        %swap3A_861 = arith.index_cast %scan3A_783 : i32 to index
        %swap3A_862 = arith.constant 16 : index
        %swap3A_863 = tpu.vector_load %swap3A_860[%swap3A_861, %swap3A_862] {strides = array<i32>} : memref<16x768xf32, #tpu.memory_space<vmem>>, vector<16xf32>,
        tpu.vector_store %swap3A_860[%swap3A_861, %swap3A_862], %add3A_850 {strides = array<i32>} : memref<16x768xf32, #tpu.memory_space<vmem>>, vector<16xf32>,
        %add3A_864 = arith.addf %broadcast_in_dim3A_6, %add3A_849 : vector<16xf32>
        %mul3A_865 = arith.mulf %add3A_849, %add3A_849 : vector<16xf32>
        %add3A_866 = arith.addf %broadcast_in_dim3A_6, %mul3A_865 : vector<16xf32>
        %add3A_867 = arith.addf %broadcast_in_dim3A_6, %add3A_850 : vector<16xf32>
        %mul3A_868 = arith.mulf %add3A_850, %add3A_850 : vector<16xf32>
        %add3A_869 = arith.addf %broadcast_in_dim3A_6, %mul3A_868 : vector<16xf32>
        %get3A_870 = arith.constant 0 : i32
        %get3A_871 = arith.constant 0 : i32
        %get3A_872 = tpu.memref_slice %arg14[%scan3A_450, %get3A_870, %get3A_871] : memref<2x16x768xf32, #tpu.memory_space<vmem>> -> memref<1x16x768xf32, #tpu.memory_space<vmem>>
        %get3A_873 = tpu.memref_squeeze %get3A_872 : memref<1x16x768xf32, #tpu.memory_space<vmem>> -> memref<16x768xf32, #tpu.memory_space<vmem>>
        %get3A_874 = arith.index_cast %scan3A_783 : i32 to index
        %get3A_875 = arith.constant 96 : index
        %get3A_876 = tpu.vector_load %get3A_873[%get3A_874, %get3A_875] {strides = array<i32>} : memref<16x768xf32, #tpu.memory_space<vmem>>, vector<16xf32>,
        %get3A_877 = arith.constant 0 : i32
        %get3A_878 = arith.constant 0 : i32
        %get3A_879 = tpu.memref_slice %arg14[%scan3A_450, %get3A_877, %get3A_878] : memref<2x16x768xf32, #tpu.memory_space<vmem>> -> memref<1x16x768xf32, #tpu.memory_space<vmem>>
        %get3A_880 = tpu.memref_squeeze %get3A_879 : memref<1x16x768xf32, #tpu.memory_space<vmem>> -> memref<16x768xf32, #tpu.memory_space<vmem>>
        %get3A_881 = arith.index_cast %scan3A_783 : i32 to index
        %get3A_882 = arith.constant 112 : index
        %get3A_883 = tpu.vector_load %get3A_880[%get3A_881, %get3A_882] {strides = array<i32>} : memref<16x768xf32, #tpu.memory_space<vmem>>, vector<16xf32>,
        %get3A_884 = arith.index_cast %scan3A_784 : i32 to index
        %get3A_885 = arith.index_cast %scan3A_783 : i32 to index
        %get3A_886 = arith.constant 48 : index
        %get3A_887 = tpu.vector_load %arg10[%get3A_884, %get3A_885, %get3A_886] {strides = array<i32>} : memref<2x16x384xi32, #tpu.memory_space<vmem>>, vector<16xi32>,
        %bitcast3A_888 = vector.bitcast %get3A_828 : vector<16xi32> to vector<32xbf16>
        %unpack3A_889 = tpu.unpack_subelements %bitcast3A_888, 0 {pack_format = #tpu.pack_format<interleaved>} : vector<32xbf16> -> vector<16xf32>
        %unpack3A_890 = tpu.unpack_subelements %bitcast3A_888, 1 {pack_format = #tpu.pack_format<interleaved>} : vector<32xbf16> -> vector<16xf32>
        %add3A_891 = arith.addf %get3A_817, %unpack3A_889 : vector<16xf32>
        %add3A_892 = arith.addf %get3A_824, %unpack3A_890 : vector<16xf32>
        %swap3A_893 = arith.constant 0 : i32
        %swap3A_894 = arith.constant 0 : i32
        %swap3A_895 = tpu.memref_slice %arg15[%scan3A_451, %swap3A_893, %swap3A_894] : memref<2x16x768xf32, #tpu.memory_space<vmem>> -> memref<1x16x768xf32, #tpu.memory_space<vmem>>
        %swap3A_896 = tpu.memref_squeeze %swap3A_895 : memref<1x16x768xf32, #tpu.memory_space<vmem>> -> memref<16x768xf32, #tpu.memory_space<vmem>>
        %swap3A_897 = arith.index_cast %scan3A_783 : i32 to index
        %swap3A_898 = arith.constant 32 : index
        %swap3A_899 = tpu.vector_load %swap3A_896[%swap3A_897, %swap3A_898] {strides = array<i32>} : memref<16x768xf32, #tpu.memory_space<vmem>>, vector<16xf32>,
        tpu.vector_store %swap3A_896[%swap3A_897, %swap3A_898], %add3A_891 {strides = array<i32>} : memref<16x768xf32, #tpu.memory_space<vmem>>, vector<16xf32>,
        %swap3A_900 = arith.constant 0 : i32
        %swap3A_901 = arith.constant 0 : i32
        %swap3A_902 = tpu.memref_slice %arg15[%scan3A_451, %swap3A_900, %swap3A_901] : memref<2x16x768xf32, #tpu.memory_space<vmem>> -> memref<1x16x768xf32, #tpu.memory_space<vmem>>
        %swap3A_903 = tpu.memref_squeeze %swap3A_902 : memref<1x16x768xf32, #tpu.memory_space<vmem>> -> memref<16x768xf32, #tpu.memory_space<vmem>>
        %swap3A_904 = arith.index_cast %scan3A_783 : i32 to index
        %swap3A_905 = arith.constant 48 : index
        %swap3A_906 = tpu.vector_load %swap3A_903[%swap3A_904, %swap3A_905] {strides = array<i32>} : memref<16x768xf32, #tpu.memory_space<vmem>>, vector<16xf32>,
        tpu.vector_store %swap3A_903[%swap3A_904, %swap3A_905], %add3A_892 {strides = array<i32>} : memref<16x768xf32, #tpu.memory_space<vmem>>, vector<16xf32>,
        %add3A_907 = arith.addf %broadcast_in_dim3A_6, %add3A_891 : vector<16xf32>
        %mul3A_908 = arith.mulf %add3A_891, %add3A_891 : vector<16xf32>
        %add3A_909 = arith.addf %broadcast_in_dim3A_6, %mul3A_908 : vector<16xf32>
        %add3A_910 = arith.addf %broadcast_in_dim3A_6, %add3A_892 : vector<16xf32>
        %mul3A_911 = arith.mulf %add3A_892, %add3A_892 : vector<16xf32>
        %add3A_912 = arith.addf %broadcast_in_dim3A_6, %mul3A_911 : vector<16xf32>
        %get3A_913 = arith.constant 0 : i32
        %get3A_914 = arith.constant 0 : i32
        %get3A_915 = tpu.memref_slice %arg14[%scan3A_450, %get3A_913, %get3A_914] : memref<2x16x768xf32, #tpu.memory_space<vmem>> -> memref<1x16x768xf32, #tpu.memory_space<vmem>>
        %get3A_916 = tpu.memref_squeeze %get3A_915 : memref<1x16x768xf32, #tpu.memory_space<vmem>> -> memref<16x768xf32, #tpu.memory_space<vmem>>
        %get3A_917 = arith.index_cast %scan3A_783 : i32 to index
        %get3A_918 = arith.constant 128 : index
        %get3A_919 = tpu.vector_load %get3A_916[%get3A_917, %get3A_918] {strides = array<i32>} : memref<16x768xf32, #tpu.memory_space<vmem>>, vector<16xf32>,
        %get3A_920 = arith.constant 0 : i32
        %get3A_921 = arith.constant 0 : i32
        %get3A_922 = tpu.memref_slice %arg14[%scan3A_450, %get3A_920, %get3A_921] : memref<2x16x768xf32, #tpu.memory_space<vmem>> -> memref<1x16x768xf32, #tpu.memory_space<vmem>>
        %get3A_923 = tpu.memref_squeeze %get3A_922 : memref<1x16x768xf32, #tpu.memory_space<vmem>> -> memref<16x768xf32, #tpu.memory_space<vmem>>
        %get3A_924 = arith.index_cast %scan3A_783 : i32 to index
        %get3A_925 = arith.constant 144 : index
        %get3A_926 = tpu.vector_load %get3A_923[%get3A_924, %get3A_925] {strides = array<i32>} : memref<16x768xf32, #tpu.memory_space<vmem>>, vector<16xf32>,
        %get3A_927 = arith.index_cast %scan3A_784 : i32 to index
        %get3A_928 = arith.index_cast %scan3A_783 : i32 to index
        %get3A_929 = arith.constant 64 : index
        %get3A_930 = tpu.vector_load %arg10[%get3A_927, %get3A_928, %get3A_929] {strides = array<i32>} : memref<2x16x384xi32, #tpu.memory_space<vmem>>, vector<16xi32>,
        %bitcast3A_931 = vector.bitcast %get3A_846 : vector<16xi32> to vector<32xbf16>
        %unpack3A_932 = tpu.unpack_subelements %bitcast3A_931, 0 {pack_format = #tpu.pack_format<interleaved>} : vector<32xbf16> -> vector<16xf32>
        %unpack3A_933 = tpu.unpack_subelements %bitcast3A_931, 1 {pack_format = #tpu.pack_format<interleaved>} : vector<32xbf16> -> vector<16xf32>
        %add3A_934 = arith.addf %get3A_835, %unpack3A_932 : vector<16xf32>
        %add3A_935 = arith.addf %get3A_842, %unpack3A_933 : vector<16xf32>
        %swap3A_936 = arith.constant 0 : i32
        %swap3A_937 = arith.constant 0 : i32
        %swap3A_938 = tpu.memref_slice %arg15[%scan3A_451, %swap3A_936, %swap3A_937] : memref<2x16x768xf32, #tpu.memory_space<vmem>> -> memref<1x16x768xf32, #tpu.memory_space<vmem>>
        %swap3A_939 = tpu.memref_squeeze %swap3A_938 : memref<1x16x768xf32, #tpu.memory_space<vmem>> -> memref<16x768xf32, #tpu.memory_space<vmem>>
        %swap3A_940 = arith.index_cast %scan3A_783 : i32 to index
        %swap3A_941 = arith.constant 64 : index
        %swap3A_942 = tpu.vector_load %swap3A_939[%swap3A_940, %swap3A_941] {strides = array<i32>} : memref<16x768xf32, #tpu.memory_space<vmem>>, vector<16xf32>,
        tpu.vector_store %swap3A_939[%swap3A_940, %swap3A_941], %add3A_934 {strides = array<i32>} : memref<16x768xf32, #tpu.memory_space<vmem>>, vector<16xf32>,
        %swap3A_943 = arith.constant 0 : i32
        %swap3A_944 = arith.constant 0 : i32
        %swap3A_945 = tpu.memref_slice %arg15[%scan3A_451, %swap3A_943, %swap3A_944] : memref<2x16x768xf32, #tpu.memory_space<vmem>> -> memref<1x16x768xf32, #tpu.memory_space<vmem>>
        %swap3A_946 = tpu.memref_squeeze %swap3A_945 : memref<1x16x768xf32, #tpu.memory_space<vmem>> -> memref<16x768xf32, #tpu.memory_space<vmem>>
        %swap3A_947 = arith.index_cast %scan3A_783 : i32 to index
        %swap3A_948 = arith.constant 80 : index
        %swap3A_949 = tpu.vector_load %swap3A_946[%swap3A_947, %swap3A_948] {strides = array<i32>} : memref<16x768xf32, #tpu.memory_space<vmem>>, vector<16xf32>,
        tpu.vector_store %swap3A_946[%swap3A_947, %swap3A_948], %add3A_935 {strides = array<i32>} : memref<16x768xf32, #tpu.memory_space<vmem>>, vector<16xf32>,
        %add3A_950 = arith.addf %add3A_864, %add3A_934 : vector<16xf32>
        %mul3A_951 = arith.mulf %add3A_934, %add3A_934 : vector<16xf32>
        %add3A_952 = arith.addf %add3A_866, %mul3A_951 : vector<16xf32>
        %add3A_953 = arith.addf %add3A_867, %add3A_935 : vector<16xf32>
        %mul3A_954 = arith.mulf %add3A_935, %add3A_935 : vector<16xf32>
        %add3A_955 = arith.addf %add3A_869, %mul3A_954 : vector<16xf32>
        %get3A_956 = arith.constant 0 : i32
        %get3A_957 = arith.constant 0 : i32
        %get3A_958 = tpu.memref_slice %arg14[%scan3A_450, %get3A_956, %get3A_957] : memref<2x16x768xf32, #tpu.memory_space<vmem>> -> memref<1x16x768xf32, #tpu.memory_space<vmem>>
        %get3A_959 = tpu.memref_squeeze %get3A_958 : memref<1x16x768xf32, #tpu.memory_space<vmem>> -> memref<16x768xf32, #tpu.memory_space<vmem>>
        %get3A_960 = arith.index_cast %scan3A_783 : i32 to index
        %get3A_961 = arith.constant 160 : index
        %get3A_962 = tpu.vector_load %get3A_959[%get3A_960, %get3A_961] {strides = array<i32>} : memref<16x768xf32, #tpu.memory_space<vmem>>, vector<16xf32>,
        %get3A_963 = arith.constant 0 : i32
        %get3A_964 = arith.constant 0 : i32
        %get3A_965 = tpu.memref_slice %arg14[%scan3A_450, %get3A_963, %get3A_964] : memref<2x16x768xf32, #tpu.memory_space<vmem>> -> memref<1x16x768xf32, #tpu.memory_space<vmem>>
        %get3A_966 = tpu.memref_squeeze %get3A_965 : memref<1x16x768xf32, #tpu.memory_space<vmem>> -> memref<16x768xf32, #tpu.memory_space<vmem>>
        %get3A_967 = arith.index_cast %scan3A_783 : i32 to index
        %get3A_968 = arith.constant 176 : index
        %get3A_969 = tpu.vector_load %get3A_966[%get3A_967, %get3A_968] {strides = array<i32>} : memref<16x768xf32, #tpu.memory_space<vmem>>, vector<16xf32>,
        %get3A_970 = arith.index_cast %scan3A_784 : i32 to index
        %get3A_971 = arith.index_cast %scan3A_783 : i32 to index
        %get3A_972 = arith.constant 80 : index
        %get3A_973 = tpu.vector_load %arg10[%get3A_970, %get3A_971, %get3A_972] {strides = array<i32>} : memref<2x16x384xi32, #tpu.memory_space<vmem>>, vector<16xi32>,
        %bitcast3A_974 = vector.bitcast %get3A_887 : vector<16xi32> to vector<32xbf16>
        %unpack3A_975 = tpu.unpack_subelements %bitcast3A_974, 0 {pack_format = #tpu.pack_format<interleaved>} : vector<32xbf16> -> vector<16xf32>
        %unpack3A_976 = tpu.unpack_subelements %bitcast3A_974, 1 {pack_format = #tpu.pack_format<interleaved>} : vector<32xbf16> -> vector<16xf32>
        %add3A_977 = arith.addf %get3A_876, %unpack3A_975 : vector<16xf32>
        %add3A_978 = arith.addf %get3A_883, %unpack3A_976 : vector<16xf32>
        %swap3A_979 = arith.constant 0 : i32
        %swap3A_980 = arith.constant 0 : i32
        %swap3A_981 = tpu.memref_slice %arg15[%scan3A_451, %swap3A_979, %swap3A_980] : memref<2x16x768xf32, #tpu.memory_space<vmem>> -> memref<1x16x768xf32, #tpu.memory_space<vmem>>
        %swap3A_982 = tpu.memref_squeeze %swap3A_981 : memref<1x16x768xf32, #tpu.memory_space<vmem>> -> memref<16x768xf32, #tpu.memory_space<vmem>>
        %swap3A_983 = arith.index_cast %scan3A_783 : i32 to index
        %swap3A_984 = arith.constant 96 : index
        %swap3A_985 = tpu.vector_load %swap3A_982[%swap3A_983, %swap3A_984] {strides = array<i32>} : memref<16x768xf32, #tpu.memory_space<vmem>>, vector<16xf32>,
        tpu.vector_store %swap3A_982[%swap3A_983, %swap3A_984], %add3A_977 {strides = array<i32>} : memref<16x768xf32, #tpu.memory_space<vmem>>, vector<16xf32>,
        %swap3A_986 = arith.constant 0 : i32
        %swap3A_987 = arith.constant 0 : i32
        %swap3A_988 = tpu.memref_slice %arg15[%scan3A_451, %swap3A_986, %swap3A_987] : memref<2x16x768xf32, #tpu.memory_space<vmem>> -> memref<1x16x768xf32, #tpu.memory_space<vmem>>
        %swap3A_989 = tpu.memref_squeeze %swap3A_988 : memref<1x16x768xf32, #tpu.memory_space<vmem>> -> memref<16x768xf32, #tpu.memory_space<vmem>>
        %swap3A_990 = arith.index_cast %scan3A_783 : i32 to index
        %swap3A_991 = arith.constant 112 : index
        %swap3A_992 = tpu.vector_load %swap3A_989[%swap3A_990, %swap3A_991] {strides = array<i32>} : memref<16x768xf32, #tpu.memory_space<vmem>>, vector<16xf32>,
        tpu.vector_store %swap3A_989[%swap3A_990, %swap3A_991], %add3A_978 {strides = array<i32>} : memref<16x768xf32, #tpu.memory_space<vmem>>, vector<16xf32>,
        %add3A_993 = arith.addf %add3A_907, %add3A_977 : vector<16xf32>
        %mul3A_994 = arith.mulf %add3A_977, %add3A_977 : vector<16xf32>
        %add3A_995 = arith.addf %add3A_909, %mul3A_994 : vector<16xf32>
        %add3A_996 = arith.addf %add3A_910, %add3A_978 : vector<16xf32>
        %mul3A_997 = arith.mulf %add3A_978, %add3A_978 : vector<16xf32>
        %add3A_998 = arith.addf %add3A_912, %mul3A_997 : vector<16xf32>
        %get3A_999 = arith.constant 0 : i32
        %get3A_1000 = arith.constant 0 : i32
        %get3A_1001 = tpu.memref_slice %arg14[%scan3A_450, %get3A_999, %get3A_1000] : memref<2x16x768xf32, #tpu.memory_space<vmem>> -> memref<1x16x768xf32, #tpu.memory_space<vmem>>
        %get3A_1002 = tpu.memref_squeeze %get3A_1001 : memref<1x16x768xf32, #tpu.memory_space<vmem>> -> memref<16x768xf32, #tpu.memory_space<vmem>>
        %get3A_1003 = arith.index_cast %scan3A_783 : i32 to index
        %get3A_1004 = arith.constant 192 : index
        %get3A_1005 = tpu.vector_load %get3A_1002[%get3A_1003, %get3A_1004] {strides = array<i32>} : memref<16x768xf32, #tpu.memory_space<vmem>>, vector<16xf32>,
        %get3A_1006 = arith.constant 0 : i32
        %get3A_1007 = arith.constant 0 : i32
        %get3A_1008 = tpu.memref_slice %arg14[%scan3A_450, %get3A_1006, %get3A_1007] : memref<2x16x768xf32, #tpu.memory_space<vmem>> -> memref<1x16x768xf32, #tpu.memory_space<vmem>>
        %get3A_1009 = tpu.memref_squeeze %get3A_1008 : memref<1x16x768xf32, #tpu.memory_space<vmem>> -> memref<16x768xf32, #tpu.memory_space<vmem>>
        %get3A_1010 = arith.index_cast %scan3A_783 : i32 to index
        %get3A_1011 = arith.constant 208 : index
        %get3A_1012 = tpu.vector_load %get3A_1009[%get3A_1010, %get3A_1011] {strides = array<i32>} : memref<16x768xf32, #tpu.memory_space<vmem>>, vector<16xf32>,
        %get3A_1013 = arith.index_cast %scan3A_784 : i32 to index
        %get3A_1014 = arith.index_cast %scan3A_783 : i32 to index
        %get3A_1015 = arith.constant 96 : index
        %get3A_1016 = tpu.vector_load %arg10[%get3A_1013, %get3A_1014, %get3A_1015] {strides = array<i32>} : memref<2x16x384xi32, #tpu.memory_space<vmem>>, vector<16xi32>,
        %bitcast3A_1017 = vector.bitcast %get3A_930 : vector<16xi32> to vector<32xbf16>
        %unpack3A_1018 = tpu.unpack_subelements %bitcast3A_1017, 0 {pack_format = #tpu.pack_format<interleaved>} : vector<32xbf16> -> vector<16xf32>
        %unpack3A_1019 = tpu.unpack_subelements %bitcast3A_1017, 1 {pack_format = #tpu.pack_format<interleaved>} : vector<32xbf16> -> vector<16xf32>
        %add3A_1020 = arith.addf %get3A_919, %unpack3A_1018 : vector<16xf32>
        %add3A_1021 = arith.addf %get3A_926, %unpack3A_1019 : vector<16xf32>
        %swap3A_1022 = arith.constant 0 : i32
        %swap3A_1023 = arith.constant 0 : i32
        %swap3A_1024 = tpu.memref_slice %arg15[%scan3A_451, %swap3A_1022, %swap3A_1023] : memref<2x16x768xf32, #tpu.memory_space<vmem>> -> memref<1x16x768xf32, #tpu.memory_space<vmem>>
        %swap3A_1025 = tpu.memref_squeeze %swap3A_1024 : memref<1x16x768xf32, #tpu.memory_space<vmem>> -> memref<16x768xf32, #tpu.memory_space<vmem>>
        %swap3A_1026 = arith.index_cast %scan3A_783 : i32 to index
        %swap3A_1027 = arith.constant 128 : index
        %swap3A_1028 = tpu.vector_load %swap3A_1025[%swap3A_1026, %swap3A_1027] {strides = array<i32>} : memref<16x768xf32, #tpu.memory_space<vmem>>, vector<16xf32>,
        tpu.vector_store %swap3A_1025[%swap3A_1026, %swap3A_1027], %add3A_1020 {strides = array<i32>} : memref<16x768xf32, #tpu.memory_space<vmem>>, vector<16xf32>,
        %swap3A_1029 = arith.constant 0 : i32
        %swap3A_1030 = arith.constant 0 : i32
        %swap3A_1031 = tpu.memref_slice %arg15[%scan3A_451, %swap3A_1029, %swap3A_1030] : memref<2x16x768xf32, #tpu.memory_space<vmem>> -> memref<1x16x768xf32, #tpu.memory_space<vmem>>
        %swap3A_1032 = tpu.memref_squeeze %swap3A_1031 : memref<1x16x768xf32, #tpu.memory_space<vmem>> -> memref<16x768xf32, #tpu.memory_space<vmem>>
        %swap3A_1033 = arith.index_cast %scan3A_783 : i32 to index
        %swap3A_1034 = arith.constant 144 : index
        %swap3A_1035 = tpu.vector_load %swap3A_1032[%swap3A_1033, %swap3A_1034] {strides = array<i32>} : memref<16x768xf32, #tpu.memory_space<vmem>>, vector<16xf32>,
        tpu.vector_store %swap3A_1032[%swap3A_1033, %swap3A_1034], %add3A_1021 {strides = array<i32>} : memref<16x768xf32, #tpu.memory_space<vmem>>, vector<16xf32>,
        %add3A_1036 = arith.addf %add3A_950, %add3A_1020 : vector<16xf32>
        %mul3A_1037 = arith.mulf %add3A_1020, %add3A_1020 : vector<16xf32>
        %add3A_1038 = arith.addf %add3A_952, %mul3A_1037 : vector<16xf32>
        %add3A_1039 = arith.addf %add3A_953, %add3A_1021 : vector<16xf32>
        %mul3A_1040 = arith.mulf %add3A_1021, %add3A_1021 : vector<16xf32>
        %add3A_1041 = arith.addf %add3A_955, %mul3A_1040 : vector<16xf32>
        %get3A_1042 = arith.constant 0 : i32
        %get3A_1043 = arith.constant 0 : i32
        %get3A_1044 = tpu.memref_slice %arg14[%scan3A_450, %get3A_1042, %get3A_1043] : memref<2x16x768xf32, #tpu.memory_space<vmem>> -> memref<1x16x768xf32, #tpu.memory_space<vmem>>
        %get3A_1045 = tpu.memref_squeeze %get3A_1044 : memref<1x16x768xf32, #tpu.memory_space<vmem>> -> memref<16x768xf32, #tpu.memory_space<vmem>>
        %get3A_1046 = arith.index_cast %scan3A_783 : i32 to index
        %get3A_1047 = arith.constant 224 : index
        %get3A_1048 = tpu.vector_load %get3A_1045[%get3A_1046, %get3A_1047] {strides = array<i32>} : memref<16x768xf32, #tpu.memory_space<vmem>>, vector<16xf32>,
        %get3A_1049 = arith.constant 0 : i32
        %get3A_1050 = arith.constant 0 : i32
        %get3A_1051 = tpu.memref_slice %arg14[%scan3A_450, %get3A_1049, %get3A_1050] : memref<2x16x768xf32, #tpu.memory_space<vmem>> -> memref<1x16x768xf32, #tpu.memory_space<vmem>>
        %get3A_1052 = tpu.memref_squeeze %get3A_1051 : memref<1x16x768xf32, #tpu.memory_space<vmem>> -> memref<16x768xf32, #tpu.memory_space<vmem>>
        %get3A_1053 = arith.index_cast %scan3A_783 : i32 to index
        %get3A_1054 = arith.constant 240 : index
        %get3A_1055 = tpu.vector_load %get3A_1052[%get3A_1053, %get3A_1054] {strides = array<i32>} : memref<16x768xf32, #tpu.memory_space<vmem>>, vector<16xf32>,
        %get3A_1056 = arith.index_cast %scan3A_784 : i32 to index
        %get3A_1057 = arith.index_cast %scan3A_783 : i32 to index
        %get3A_1058 = arith.constant 112 : index
        %get3A_1059 = tpu.vector_load %arg10[%get3A_1056, %get3A_1057, %get3A_1058] {strides = array<i32>} : memref<2x16x384xi32, #tpu.memory_space<vmem>>, vector<16xi32>,
        %bitcast3A_1060 = vector.bitcast %get3A_973 : vector<16xi32> to vector<32xbf16>
        %unpack3A_1061 = tpu.unpack_subelements %bitcast3A_1060, 0 {pack_format = #tpu.pack_format<interleaved>} : vector<32xbf16> -> vector<16xf32>
        %unpack3A_1062 = tpu.unpack_subelements %bitcast3A_1060, 1 {pack_format = #tpu.pack_format<interleaved>} : vector<32xbf16> -> vector<16xf32>
        %add3A_1063 = arith.addf %get3A_962, %unpack3A_1061 : vector<16xf32>
        %add3A_1064 = arith.addf %get3A_969, %unpack3A_1062 : vector<16xf32>
        %swap3A_1065 = arith.constant 0 : i32
        %swap3A_1066 = arith.constant 0 : i32
        %swap3A_1067 = tpu.memref_slice %arg15[%scan3A_451, %swap3A_1065, %swap3A_1066] : memref<2x16x768xf32, #tpu.memory_space<vmem>> -> memref<1x16x768xf32, #tpu.memory_space<vmem>>
        %swap3A_1068 = tpu.memref_squeeze %swap3A_1067 : memref<1x16x768xf32, #tpu.memory_space<vmem>> -> memref<16x768xf32, #tpu.memory_space<vmem>>
        %swap3A_1069 = arith.index_cast %scan3A_783 : i32 to index
        %swap3A_1070 = arith.constant 160 : index
        %swap3A_1071 = tpu.vector_load %swap3A_1068[%swap3A_1069, %swap3A_1070] {strides = array<i32>} : memref<16x768xf32, #tpu.memory_space<vmem>>, vector<16xf32>,
        tpu.vector_store %swap3A_1068[%swap3A_1069, %swap3A_1070], %add3A_1063 {strides = array<i32>} : memref<16x768xf32, #tpu.memory_space<vmem>>, vector<16xf32>,
        %swap3A_1072 = arith.constant 0 : i32
        %swap3A_1073 = arith.constant 0 : i32
        %swap3A_1074 = tpu.memref_slice %arg15[%scan3A_451, %swap3A_1072, %swap3A_1073] : memref<2x16x768xf32, #tpu.memory_space<vmem>> -> memref<1x16x768xf32, #tpu.memory_space<vmem>>
        %swap3A_1075 = tpu.memref_squeeze %swap3A_1074 : memref<1x16x768xf32, #tpu.memory_space<vmem>> -> memref<16x768xf32, #tpu.memory_space<vmem>>
        %swap3A_1076 = arith.index_cast %scan3A_783 : i32 to index
        %swap3A_1077 = arith.constant 176 : index
        %swap3A_1078 = tpu.vector_load %swap3A_1075[%swap3A_1076, %swap3A_1077] {strides = array<i32>} : memref<16x768xf32, #tpu.memory_space<vmem>>, vector<16xf32>,
        tpu.vector_store %swap3A_1075[%swap3A_1076, %swap3A_1077], %add3A_1064 {strides = array<i32>} : memref<16x768xf32, #tpu.memory_space<vmem>>, vector<16xf32>,
        %add3A_1079 = arith.addf %add3A_993, %add3A_1063 : vector<16xf32>
        %mul3A_1080 = arith.mulf %add3A_1063, %add3A_1063 : vector<16xf32>
        %add3A_1081 = arith.addf %add3A_995, %mul3A_1080 : vector<16xf32>
        %add3A_1082 = arith.addf %add3A_996, %add3A_1064 : vector<16xf32>
        %mul3A_1083 = arith.mulf %add3A_1064, %add3A_1064 : vector<16xf32>
        %add3A_1084 = arith.addf %add3A_998, %mul3A_1083 : vector<16xf32>
        %get3A_1085 = arith.constant 0 : i32
        %get3A_1086 = arith.constant 0 : i32
        %get3A_1087 = tpu.memref_slice %arg14[%scan3A_450, %get3A_1085, %get3A_1086] : memref<2x16x768xf32, #tpu.memory_space<vmem>> -> memref<1x16x768xf32, #tpu.memory_space<vmem>>
        %get3A_1088 = tpu.memref_squeeze %get3A_1087 : memref<1x16x768xf32, #tpu.memory_space<vmem>> -> memref<16x768xf32, #tpu.memory_space<vmem>>
        %get3A_1089 = arith.index_cast %scan3A_783 : i32 to index
        %get3A_1090 = arith.constant 256 : index
        %get3A_1091 = tpu.vector_load %get3A_1088[%get3A_1089, %get3A_1090] {strides = array<i32>} : memref<16x768xf32, #tpu.memory_space<vmem>>, vector<16xf32>,
        %get3A_1092 = arith.constant 0 : i32
        %get3A_1093 = arith.constant 0 : i32
        %get3A_1094 = tpu.memref_slice %arg14[%scan3A_450, %get3A_1092, %get3A_1093] : memref<2x16x768xf32, #tpu.memory_space<vmem>> -> memref<1x16x768xf32, #tpu.memory_space<vmem>>
        %get3A_1095 = tpu.memref_squeeze %get3A_1094 : memref<1x16x768xf32, #tpu.memory_space<vmem>> -> memref<16x768xf32, #tpu.memory_space<vmem>>
        %get3A_1096 = arith.index_cast %scan3A_783 : i32 to index
        %get3A_1097 = arith.constant 272 : index
        %get3A_1098 = tpu.vector_load %get3A_1095[%get3A_1096, %get3A_1097] {strides = array<i32>} : memref<16x768xf32, #tpu.memory_space<vmem>>, vector<16xf32>,
        %get3A_1099 = arith.index_cast %scan3A_784 : i32 to index
        %get3A_1100 = arith.index_cast %scan3A_783 : i32 to index
        %get3A_1101 = arith.constant 128 : index
        %get3A_1102 = tpu.vector_load %arg10[%get3A_1099, %get3A_1100, %get3A_1101] {strides = array<i32>} : memref<2x16x384xi32, #tpu.memory_space<vmem>>, vector<16xi32>,
        %bitcast3A_1103 = vector.bitcast %get3A_1016 : vector<16xi32> to vector<32xbf16>
        %unpack3A_1104 = tpu.unpack_subelements %bitcast3A_1103, 0 {pack_format = #tpu.pack_format<interleaved>} : vector<32xbf16> -> vector<16xf32>
        %unpack3A_1105 = tpu.unpack_subelements %bitcast3A_1103, 1 {pack_format = #tpu.pack_format<interleaved>} : vector<32xbf16> -> vector<16xf32>
        %add3A_1106 = arith.addf %get3A_1005, %unpack3A_1104 : vector<16xf32>
        %add3A_1107 = arith.addf %get3A_1012, %unpack3A_1105 : vector<16xf32>
        %swap3A_1108 = arith.constant 0 : i32
        %swap3A_1109 = arith.constant 0 : i32
        %swap3A_1110 = tpu.memref_slice %arg15[%scan3A_451, %swap3A_1108, %swap3A_1109] : memref<2x16x768xf32, #tpu.memory_space<vmem>> -> memref<1x16x768xf32, #tpu.memory_space<vmem>>
        %swap3A_1111 = tpu.memref_squeeze %swap3A_1110 : memref<1x16x768xf32, #tpu.memory_space<vmem>> -> memref<16x768xf32, #tpu.memory_space<vmem>>
        %swap3A_1112 = arith.index_cast %scan3A_783 : i32 to index
        %swap3A_1113 = arith.constant 192 : index
        %swap3A_1114 = tpu.vector_load %swap3A_1111[%swap3A_1112, %swap3A_1113] {strides = array<i32>} : memref<16x768xf32, #tpu.memory_space<vmem>>, vector<16xf32>,
        tpu.vector_store %swap3A_1111[%swap3A_1112, %swap3A_1113], %add3A_1106 {strides = array<i32>} : memref<16x768xf32, #tpu.memory_space<vmem>>, vector<16xf32>,
        %swap3A_1115 = arith.constant 0 : i32
        %swap3A_1116 = arith.constant 0 : i32
        %swap3A_1117 = tpu.memref_slice %arg15[%scan3A_451, %swap3A_1115, %swap3A_1116] : memref<2x16x768xf32, #tpu.memory_space<vmem>> -> memref<1x16x768xf32, #tpu.memory_space<vmem>>
        %swap3A_1118 = tpu.memref_squeeze %swap3A_1117 : memref<1x16x768xf32, #tpu.memory_space<vmem>> -> memref<16x768xf32, #tpu.memory_space<vmem>>
        %swap3A_1119 = arith.index_cast %scan3A_783 : i32 to index
        %swap3A_1120 = arith.constant 208 : index
        %swap3A_1121 = tpu.vector_load %swap3A_1118[%swap3A_1119, %swap3A_1120] {strides = array<i32>} : memref<16x768xf32, #tpu.memory_space<vmem>>, vector<16xf32>,
        tpu.vector_store %swap3A_1118[%swap3A_1119, %swap3A_1120], %add3A_1107 {strides = array<i32>} : memref<16x768xf32, #tpu.memory_space<vmem>>, vector<16xf32>,
        %add3A_1122 = arith.addf %add3A_1036, %add3A_1106 : vector<16xf32>
        %mul3A_1123 = arith.mulf %add3A_1106, %add3A_1106 : vector<16xf32>
        %add3A_1124 = arith.addf %add3A_1038, %mul3A_1123 : vector<16xf32>
        %add3A_1125 = arith.addf %add3A_1039, %add3A_1107 : vector<16xf32>
        %mul3A_1126 = arith.mulf %add3A_1107, %add3A_1107 : vector<16xf32>
        %add3A_1127 = arith.addf %add3A_1041, %mul3A_1126 : vector<16xf32>
        %get3A_1128 = arith.constant 0 : i32
        %get3A_1129 = arith.constant 0 : i32
        %get3A_1130 = tpu.memref_slice %arg14[%scan3A_450, %get3A_1128, %get3A_1129] : memref<2x16x768xf32, #tpu.memory_space<vmem>> -> memref<1x16x768xf32, #tpu.memory_space<vmem>>
        %get3A_1131 = tpu.memref_squeeze %get3A_1130 : memref<1x16x768xf32, #tpu.memory_space<vmem>> -> memref<16x768xf32, #tpu.memory_space<vmem>>
        %get3A_1132 = arith.index_cast %scan3A_783 : i32 to index
        %get3A_1133 = arith.constant 288 : index
        %get3A_1134 = tpu.vector_load %get3A_1131[%get3A_1132, %get3A_1133] {strides = array<i32>} : memref<16x768xf32, #tpu.memory_space<vmem>>, vector<16xf32>,
        %get3A_1135 = arith.constant 0 : i32
        %get3A_1136 = arith.constant 0 : i32
        %get3A_1137 = tpu.memref_slice %arg14[%scan3A_450, %get3A_1135, %get3A_1136] : memref<2x16x768xf32, #tpu.memory_space<vmem>> -> memref<1x16x768xf32, #tpu.memory_space<vmem>>
        %get3A_1138 = tpu.memref_squeeze %get3A_1137 : memref<1x16x768xf32, #tpu.memory_space<vmem>> -> memref<16x768xf32, #tpu.memory_space<vmem>>
        %get3A_1139 = arith.index_cast %scan3A_783 : i32 to index
        %get3A_1140 = arith.constant 304 : index
        %get3A_1141 = tpu.vector_load %get3A_1138[%get3A_1139, %get3A_1140] {strides = array<i32>} : memref<16x768xf32, #tpu.memory_space<vmem>>, vector<16xf32>,
        %get3A_1142 = arith.index_cast %scan3A_784 : i32 to index
        %get3A_1143 = arith.index_cast %scan3A_783 : i32 to index
        %get3A_1144 = arith.constant 144 : index
        %get3A_1145 = tpu.vector_load %arg10[%get3A_1142, %get3A_1143, %get3A_1144] {strides = array<i32>} : memref<2x16x384xi32, #tpu.memory_space<vmem>>, vector<16xi32>,
        %bitcast3A_1146 = vector.bitcast %get3A_1059 : vector<16xi32> to vector<32xbf16>
        %unpack3A_1147 = tpu.unpack_subelements %bitcast3A_1146, 0 {pack_format = #tpu.pack_format<interleaved>} : vector<32xbf16> -> vector<16xf32>
        %unpack3A_1148 = tpu.unpack_subelements %bitcast3A_1146, 1 {pack_format = #tpu.pack_format<interleaved>} : vector<32xbf16> -> vector<16xf32>
        %add3A_1149 = arith.addf %get3A_1048, %unpack3A_1147 : vector<16xf32>
        %add3A_1150 = arith.addf %get3A_1055, %unpack3A_1148 : vector<16xf32>
        %swap3A_1151 = arith.constant 0 : i32
        %swap3A_1152 = arith.constant 0 : i32
        %swap3A_1153 = tpu.memref_slice %arg15[%scan3A_451, %swap3A_1151, %swap3A_1152] : memref<2x16x768xf32, #tpu.memory_space<vmem>> -> memref<1x16x768xf32, #tpu.memory_space<vmem>>
        %swap3A_1154 = tpu.memref_squeeze %swap3A_1153 : memref<1x16x768xf32, #tpu.memory_space<vmem>> -> memref<16x768xf32, #tpu.memory_space<vmem>>
        %swap3A_1155 = arith.index_cast %scan3A_783 : i32 to index
        %swap3A_1156 = arith.constant 224 : index
        %swap3A_1157 = tpu.vector_load %swap3A_1154[%swap3A_1155, %swap3A_1156] {strides = array<i32>} : memref<16x768xf32, #tpu.memory_space<vmem>>, vector<16xf32>,
        tpu.vector_store %swap3A_1154[%swap3A_1155, %swap3A_1156], %add3A_1149 {strides = array<i32>} : memref<16x768xf32, #tpu.memory_space<vmem>>, vector<16xf32>,
        %swap3A_1158 = arith.constant 0 : i32
        %swap3A_1159 = arith.constant 0 : i32
        %swap3A_1160 = tpu.memref_slice %arg15[%scan3A_451, %swap3A_1158, %swap3A_1159] : memref<2x16x768xf32, #tpu.memory_space<vmem>> -> memref<1x16x768xf32, #tpu.memory_space<vmem>>
        %swap3A_1161 = tpu.memref_squeeze %swap3A_1160 : memref<1x16x768xf32, #tpu.memory_space<vmem>> -> memref<16x768xf32, #tpu.memory_space<vmem>>
        %swap3A_1162 = arith.index_cast %scan3A_783 : i32 to index
        %swap3A_1163 = arith.constant 240 : index
        %swap3A_1164 = tpu.vector_load %swap3A_1161[%swap3A_1162, %swap3A_1163] {strides = array<i32>} : memref<16x768xf32, #tpu.memory_space<vmem>>, vector<16xf32>,
        tpu.vector_store %swap3A_1161[%swap3A_1162, %swap3A_1163], %add3A_1150 {strides = array<i32>} : memref<16x768xf32, #tpu.memory_space<vmem>>, vector<16xf32>,
        %add3A_1165 = arith.addf %add3A_1079, %add3A_1149 : vector<16xf32>
        %mul3A_1166 = arith.mulf %add3A_1149, %add3A_1149 : vector<16xf32>
        %add3A_1167 = arith.addf %add3A_1081, %mul3A_1166 : vector<16xf32>
        %add3A_1168 = arith.addf %add3A_1082, %add3A_1150 : vector<16xf32>
        %mul3A_1169 = arith.mulf %add3A_1150, %add3A_1150 : vector<16xf32>
        %add3A_1170 = arith.addf %add3A_1084, %mul3A_1169 : vector<16xf32>
        %get3A_1171 = arith.constant 0 : i32
        %get3A_1172 = arith.constant 0 : i32
        %get3A_1173 = tpu.memref_slice %arg14[%scan3A_450, %get3A_1171, %get3A_1172] : memref<2x16x768xf32, #tpu.memory_space<vmem>> -> memref<1x16x768xf32, #tpu.memory_space<vmem>>
        %get3A_1174 = tpu.memref_squeeze %get3A_1173 : memref<1x16x768xf32, #tpu.memory_space<vmem>> -> memref<16x768xf32, #tpu.memory_space<vmem>>
        %get3A_1175 = arith.index_cast %scan3A_783 : i32 to index
        %get3A_1176 = arith.constant 320 : index
        %get3A_1177 = tpu.vector_load %get3A_1174[%get3A_1175, %get3A_1176] {strides = array<i32>} : memref<16x768xf32, #tpu.memory_space<vmem>>, vector<16xf32>,
        %get3A_1178 = arith.constant 0 : i32
        %get3A_1179 = arith.constant 0 : i32
        %get3A_1180 = tpu.memref_slice %arg14[%scan3A_450, %get3A_1178, %get3A_1179] : memref<2x16x768xf32, #tpu.memory_space<vmem>> -> memref<1x16x768xf32, #tpu.memory_space<vmem>>
        %get3A_1181 = tpu.memref_squeeze %get3A_1180 : memref<1x16x768xf32, #tpu.memory_space<vmem>> -> memref<16x768xf32, #tpu.memory_space<vmem>>
        %get3A_1182 = arith.index_cast %scan3A_783 : i32 to index
        %get3A_1183 = arith.constant 336 : index
        %get3A_1184 = tpu.vector_load %get3A_1181[%get3A_1182, %get3A_1183] {strides = array<i32>} : memref<16x768xf32, #tpu.memory_space<vmem>>, vector<16xf32>,
        %get3A_1185 = arith.index_cast %scan3A_784 : i32 to index
        %get3A_1186 = arith.index_cast %scan3A_783 : i32 to index
        %get3A_1187 = arith.constant 160 : index
        %get3A_1188 = tpu.vector_load %arg10[%get3A_1185, %get3A_1186, %get3A_1187] {strides = array<i32>} : memref<2x16x384xi32, #tpu.memory_space<vmem>>, vector<16xi32>,
        %bitcast3A_1189 = vector.bitcast %get3A_1102 : vector<16xi32> to vector<32xbf16>
        %unpack3A_1190 = tpu.unpack_subelements %bitcast3A_1189, 0 {pack_format = #tpu.pack_format<interleaved>} : vector<32xbf16> -> vector<16xf32>
        %unpack3A_1191 = tpu.unpack_subelements %bitcast3A_1189, 1 {pack_format = #tpu.pack_format<interleaved>} : vector<32xbf16> -> vector<16xf32>
        %add3A_1192 = arith.addf %get3A_1091, %unpack3A_1190 : vector<16xf32>
        %add3A_1193 = arith.addf %get3A_1098, %unpack3A_1191 : vector<16xf32>
        %swap3A_1194 = arith.constant 0 : i32
        %swap3A_1195 = arith.constant 0 : i32
        %swap3A_1196 = tpu.memref_slice %arg15[%scan3A_451, %swap3A_1194, %swap3A_1195] : memref<2x16x768xf32, #tpu.memory_space<vmem>> -> memref<1x16x768xf32, #tpu.memory_space<vmem>>
        %swap3A_1197 = tpu.memref_squeeze %swap3A_1196 : memref<1x16x768xf32, #tpu.memory_space<vmem>> -> memref<16x768xf32, #tpu.memory_space<vmem>>
        %swap3A_1198 = arith.index_cast %scan3A_783 : i32 to index
        %swap3A_1199 = arith.constant 256 : index
        %swap3A_1200 = tpu.vector_load %swap3A_1197[%swap3A_1198, %swap3A_1199] {strides = array<i32>} : memref<16x768xf32, #tpu.memory_space<vmem>>, vector<16xf32>,
        tpu.vector_store %swap3A_1197[%swap3A_1198, %swap3A_1199], %add3A_1192 {strides = array<i32>} : memref<16x768xf32, #tpu.memory_space<vmem>>, vector<16xf32>,
        %swap3A_1201 = arith.constant 0 : i32
        %swap3A_1202 = arith.constant 0 : i32
        %swap3A_1203 = tpu.memref_slice %arg15[%scan3A_451, %swap3A_1201, %swap3A_1202] : memref<2x16x768xf32, #tpu.memory_space<vmem>> -> memref<1x16x768xf32, #tpu.memory_space<vmem>>
        %swap3A_1204 = tpu.memref_squeeze %swap3A_1203 : memref<1x16x768xf32, #tpu.memory_space<vmem>> -> memref<16x768xf32, #tpu.memory_space<vmem>>
        %swap3A_1205 = arith.index_cast %scan3A_783 : i32 to index
        %swap3A_1206 = arith.constant 272 : index
        %swap3A_1207 = tpu.vector_load %swap3A_1204[%swap3A_1205, %swap3A_1206] {strides = array<i32>} : memref<16x768xf32, #tpu.memory_space<vmem>>, vector<16xf32>,
        tpu.vector_store %swap3A_1204[%swap3A_1205, %swap3A_1206], %add3A_1193 {strides = array<i32>} : memref<16x768xf32, #tpu.memory_space<vmem>>, vector<16xf32>,
        %add3A_1208 = arith.addf %add3A_1122, %add3A_1192 : vector<16xf32>
        %mul3A_1209 = arith.mulf %add3A_1192, %add3A_1192 : vector<16xf32>
        %add3A_1210 = arith.addf %add3A_1124, %mul3A_1209 : vector<16xf32>
        %add3A_1211 = arith.addf %add3A_1125, %add3A_1193 : vector<16xf32>
        %mul3A_1212 = arith.mulf %add3A_1193, %add3A_1193 : vector<16xf32>
        %add3A_1213 = arith.addf %add3A_1127, %mul3A_1212 : vector<16xf32>
        %get3A_1214 = arith.constant 0 : i32
        %get3A_1215 = arith.constant 0 : i32
        %get3A_1216 = tpu.memref_slice %arg14[%scan3A_450, %get3A_1214, %get3A_1215] : memref<2x16x768xf32, #tpu.memory_space<vmem>> -> memref<1x16x768xf32, #tpu.memory_space<vmem>>
        %get3A_1217 = tpu.memref_squeeze %get3A_1216 : memref<1x16x768xf32, #tpu.memory_space<vmem>> -> memref<16x768xf32, #tpu.memory_space<vmem>>
        %get3A_1218 = arith.index_cast %scan3A_783 : i32 to index
        %get3A_1219 = arith.constant 352 : index
        %get3A_1220 = tpu.vector_load %get3A_1217[%get3A_1218, %get3A_1219] {strides = array<i32>} : memref<16x768xf32, #tpu.memory_space<vmem>>, vector<16xf32>,
        %get3A_1221 = arith.constant 0 : i32
        %get3A_1222 = arith.constant 0 : i32
        %get3A_1223 = tpu.memref_slice %arg14[%scan3A_450, %get3A_1221, %get3A_1222] : memref<2x16x768xf32, #tpu.memory_space<vmem>> -> memref<1x16x768xf32, #tpu.memory_space<vmem>>
        %get3A_1224 = tpu.memref_squeeze %get3A_1223 : memref<1x16x768xf32, #tpu.memory_space<vmem>> -> memref<16x768xf32, #tpu.memory_space<vmem>>
        %get3A_1225 = arith.index_cast %scan3A_783 : i32 to index
        %get3A_1226 = arith.constant 368 : index
        %get3A_1227 = tpu.vector_load %get3A_1224[%get3A_1225, %get3A_1226] {strides = array<i32>} : memref<16x768xf32, #tpu.memory_space<vmem>>, vector<16xf32>,
        %get3A_1228 = arith.index_cast %scan3A_784 : i32 to index
        %get3A_1229 = arith.index_cast %scan3A_783 : i32 to index
        %get3A_1230 = arith.constant 176 : index
        %get3A_1231 = tpu.vector_load %arg10[%get3A_1228, %get3A_1229, %get3A_1230] {strides = array<i32>} : memref<2x16x384xi32, #tpu.memory_space<vmem>>, vector<16xi32>,
        %bitcast3A_1232 = vector.bitcast %get3A_1145 : vector<16xi32> to vector<32xbf16>
        %unpack3A_1233 = tpu.unpack_subelements %bitcast3A_1232, 0 {pack_format = #tpu.pack_format<interleaved>} : vector<32xbf16> -> vector<16xf32>
        %unpack3A_1234 = tpu.unpack_subelements %bitcast3A_1232, 1 {pack_format = #tpu.pack_format<interleaved>} : vector<32xbf16> -> vector<16xf32>
        %add3A_1235 = arith.addf %get3A_1134, %unpack3A_1233 : vector<16xf32>
        %add3A_1236 = arith.addf %get3A_1141, %unpack3A_1234 : vector<16xf32>
        %swap3A_1237 = arith.constant 0 : i32
        %swap3A_1238 = arith.constant 0 : i32
        %swap3A_1239 = tpu.memref_slice %arg15[%scan3A_451, %swap3A_1237, %swap3A_1238] : memref<2x16x768xf32, #tpu.memory_space<vmem>> -> memref<1x16x768xf32, #tpu.memory_space<vmem>>
        %swap3A_1240 = tpu.memref_squeeze %swap3A_1239 : memref<1x16x768xf32, #tpu.memory_space<vmem>> -> memref<16x768xf32, #tpu.memory_space<vmem>>
        %swap3A_1241 = arith.index_cast %scan3A_783 : i32 to index
        %swap3A_1242 = arith.constant 288 : index
        %swap3A_1243 = tpu.vector_load %swap3A_1240[%swap3A_1241, %swap3A_1242] {strides = array<i32>} : memref<16x768xf32, #tpu.memory_space<vmem>>, vector<16xf32>,
        tpu.vector_store %swap3A_1240[%swap3A_1241, %swap3A_1242], %add3A_1235 {strides = array<i32>} : memref<16x768xf32, #tpu.memory_space<vmem>>, vector<16xf32>,
        %swap3A_1244 = arith.constant 0 : i32
        %swap3A_1245 = arith.constant 0 : i32
        %swap3A_1246 = tpu.memref_slice %arg15[%scan3A_451, %swap3A_1244, %swap3A_1245] : memref<2x16x768xf32, #tpu.memory_space<vmem>> -> memref<1x16x768xf32, #tpu.memory_space<vmem>>
        %swap3A_1247 = tpu.memref_squeeze %swap3A_1246 : memref<1x16x768xf32, #tpu.memory_space<vmem>> -> memref<16x768xf32, #tpu.memory_space<vmem>>
        %swap3A_1248 = arith.index_cast %scan3A_783 : i32 to index
        %swap3A_1249 = arith.constant 304 : index
        %swap3A_1250 = tpu.vector_load %swap3A_1247[%swap3A_1248, %swap3A_1249] {strides = array<i32>} : memref<16x768xf32, #tpu.memory_space<vmem>>, vector<16xf32>,
        tpu.vector_store %swap3A_1247[%swap3A_1248, %swap3A_1249], %add3A_1236 {strides = array<i32>} : memref<16x768xf32, #tpu.memory_space<vmem>>, vector<16xf32>,
        %add3A_1251 = arith.addf %add3A_1165, %add3A_1235 : vector<16xf32>
        %mul3A_1252 = arith.mulf %add3A_1235, %add3A_1235 : vector<16xf32>
        %add3A_1253 = arith.addf %add3A_1167, %mul3A_1252 : vector<16xf32>
        %add3A_1254 = arith.addf %add3A_1168, %add3A_1236 : vector<16xf32>
        %mul3A_1255 = arith.mulf %add3A_1236, %add3A_1236 : vector<16xf32>
        %add3A_1256 = arith.addf %add3A_1170, %mul3A_1255 : vector<16xf32>
        %get3A_1257 = arith.constant 0 : i32
        %get3A_1258 = arith.constant 0 : i32
        %get3A_1259 = tpu.memref_slice %arg14[%scan3A_450, %get3A_1257, %get3A_1258] : memref<2x16x768xf32, #tpu.memory_space<vmem>> -> memref<1x16x768xf32, #tpu.memory_space<vmem>>
        %get3A_1260 = tpu.memref_squeeze %get3A_1259 : memref<1x16x768xf32, #tpu.memory_space<vmem>> -> memref<16x768xf32, #tpu.memory_space<vmem>>
        %get3A_1261 = arith.index_cast %scan3A_783 : i32 to index
        %get3A_1262 = arith.constant 384 : index
        %get3A_1263 = tpu.vector_load %get3A_1260[%get3A_1261, %get3A_1262] {strides = array<i32>} : memref<16x768xf32, #tpu.memory_space<vmem>>, vector<16xf32>,
        %get3A_1264 = arith.constant 0 : i32
        %get3A_1265 = arith.constant 0 : i32
        %get3A_1266 = tpu.memref_slice %arg14[%scan3A_450, %get3A_1264, %get3A_1265] : memref<2x16x768xf32, #tpu.memory_space<vmem>> -> memref<1x16x768xf32, #tpu.memory_space<vmem>>
        %get3A_1267 = tpu.memref_squeeze %get3A_1266 : memref<1x16x768xf32, #tpu.memory_space<vmem>> -> memref<16x768xf32, #tpu.memory_space<vmem>>
        %get3A_1268 = arith.index_cast %scan3A_783 : i32 to index
        %get3A_1269 = arith.constant 400 : index
        %get3A_1270 = tpu.vector_load %get3A_1267[%get3A_1268, %get3A_1269] {strides = array<i32>} : memref<16x768xf32, #tpu.memory_space<vmem>>, vector<16xf32>,
        %get3A_1271 = arith.index_cast %scan3A_784 : i32 to index
        %get3A_1272 = arith.index_cast %scan3A_783 : i32 to index
        %get3A_1273 = arith.constant 192 : index
        %get3A_1274 = tpu.vector_load %arg10[%get3A_1271, %get3A_1272, %get3A_1273] {strides = array<i32>} : memref<2x16x384xi32, #tpu.memory_space<vmem>>, vector<16xi32>,
        %bitcast3A_1275 = vector.bitcast %get3A_1188 : vector<16xi32> to vector<32xbf16>
        %unpack3A_1276 = tpu.unpack_subelements %bitcast3A_1275, 0 {pack_format = #tpu.pack_format<interleaved>} : vector<32xbf16> -> vector<16xf32>
        %unpack3A_1277 = tpu.unpack_subelements %bitcast3A_1275, 1 {pack_format = #tpu.pack_format<interleaved>} : vector<32xbf16> -> vector<16xf32>
        %add3A_1278 = arith.addf %get3A_1177, %unpack3A_1276 : vector<16xf32>
        %add3A_1279 = arith.addf %get3A_1184, %unpack3A_1277 : vector<16xf32>
        %swap3A_1280 = arith.constant 0 : i32
        %swap3A_1281 = arith.constant 0 : i32
        %swap3A_1282 = tpu.memref_slice %arg15[%scan3A_451, %swap3A_1280, %swap3A_1281] : memref<2x16x768xf32, #tpu.memory_space<vmem>> -> memref<1x16x768xf32, #tpu.memory_space<vmem>>
        %swap3A_1283 = tpu.memref_squeeze %swap3A_1282 : memref<1x16x768xf32, #tpu.memory_space<vmem>> -> memref<16x768xf32, #tpu.memory_space<vmem>>
        %swap3A_1284 = arith.index_cast %scan3A_783 : i32 to index
        %swap3A_1285 = arith.constant 320 : index
        %swap3A_1286 = tpu.vector_load %swap3A_1283[%swap3A_1284, %swap3A_1285] {strides = array<i32>} : memref<16x768xf32, #tpu.memory_space<vmem>>, vector<16xf32>,
        tpu.vector_store %swap3A_1283[%swap3A_1284, %swap3A_1285], %add3A_1278 {strides = array<i32>} : memref<16x768xf32, #tpu.memory_space<vmem>>, vector<16xf32>,
        %swap3A_1287 = arith.constant 0 : i32
        %swap3A_1288 = arith.constant 0 : i32
        %swap3A_1289 = tpu.memref_slice %arg15[%scan3A_451, %swap3A_1287, %swap3A_1288] : memref<2x16x768xf32, #tpu.memory_space<vmem>> -> memref<1x16x768xf32, #tpu.memory_space<vmem>>
        %swap3A_1290 = tpu.memref_squeeze %swap3A_1289 : memref<1x16x768xf32, #tpu.memory_space<vmem>> -> memref<16x768xf32, #tpu.memory_space<vmem>>
        %swap3A_1291 = arith.index_cast %scan3A_783 : i32 to index
        %swap3A_1292 = arith.constant 336 : index
        %swap3A_1293 = tpu.vector_load %swap3A_1290[%swap3A_1291, %swap3A_1292] {strides = array<i32>} : memref<16x768xf32, #tpu.memory_space<vmem>>, vector<16xf32>,
        tpu.vector_store %swap3A_1290[%swap3A_1291, %swap3A_1292], %add3A_1279 {strides = array<i32>} : memref<16x768xf32, #tpu.memory_space<vmem>>, vector<16xf32>,
        %add3A_1294 = arith.addf %add3A_1208, %add3A_1278 : vector<16xf32>
        %mul3A_1295 = arith.mulf %add3A_1278, %add3A_1278 : vector<16xf32>
        %add3A_1296 = arith.addf %add3A_1210, %mul3A_1295 : vector<16xf32>
        %add3A_1297 = arith.addf %add3A_1211, %add3A_1279 : vector<16xf32>
        %mul3A_1298 = arith.mulf %add3A_1279, %add3A_1279 : vector<16xf32>
        %add3A_1299 = arith.addf %add3A_1213, %mul3A_1298 : vector<16xf32>
        %get3A_1300 = arith.constant 0 : i32
        %get3A_1301 = arith.constant 0 : i32
        %get3A_1302 = tpu.memref_slice %arg14[%scan3A_450, %get3A_1300, %get3A_1301] : memref<2x16x768xf32, #tpu.memory_space<vmem>> -> memref<1x16x768xf32, #tpu.memory_space<vmem>>
        %get3A_1303 = tpu.memref_squeeze %get3A_1302 : memref<1x16x768xf32, #tpu.memory_space<vmem>> -> memref<16x768xf32, #tpu.memory_space<vmem>>
        %get3A_1304 = arith.index_cast %scan3A_783 : i32 to index
        %get3A_1305 = arith.constant 416 : index
        %get3A_1306 = tpu.vector_load %get3A_1303[%get3A_1304, %get3A_1305] {strides = array<i32>} : memref<16x768xf32, #tpu.memory_space<vmem>>, vector<16xf32>,
        %get3A_1307 = arith.constant 0 : i32
        %get3A_1308 = arith.constant 0 : i32
        %get3A_1309 = tpu.memref_slice %arg14[%scan3A_450, %get3A_1307, %get3A_1308] : memref<2x16x768xf32, #tpu.memory_space<vmem>> -> memref<1x16x768xf32, #tpu.memory_space<vmem>>
        %get3A_1310 = tpu.memref_squeeze %get3A_1309 : memref<1x16x768xf32, #tpu.memory_space<vmem>> -> memref<16x768xf32, #tpu.memory_space<vmem>>
        %get3A_1311 = arith.index_cast %scan3A_783 : i32 to index
        %get3A_1312 = arith.constant 432 : index
        %get3A_1313 = tpu.vector_load %get3A_1310[%get3A_1311, %get3A_1312] {strides = array<i32>} : memref<16x768xf32, #tpu.memory_space<vmem>>, vector<16xf32>,
        %get3A_1314 = arith.index_cast %scan3A_784 : i32 to index
        %get3A_1315 = arith.index_cast %scan3A_783 : i32 to index
        %get3A_1316 = arith.constant 208 : index
        %get3A_1317 = tpu.vector_load %arg10[%get3A_1314, %get3A_1315, %get3A_1316] {strides = array<i32>} : memref<2x16x384xi32, #tpu.memory_space<vmem>>, vector<16xi32>,
        %bitcast3A_1318 = vector.bitcast %get3A_1231 : vector<16xi32> to vector<32xbf16>
        %unpack3A_1319 = tpu.unpack_subelements %bitcast3A_1318, 0 {pack_format = #tpu.pack_format<interleaved>} : vector<32xbf16> -> vector<16xf32>
        %unpack3A_1320 = tpu.unpack_subelements %bitcast3A_1318, 1 {pack_format = #tpu.pack_format<interleaved>} : vector<32xbf16> -> vector<16xf32>
        %add3A_1321 = arith.addf %get3A_1220, %unpack3A_1319 : vector<16xf32>
        %add3A_1322 = arith.addf %get3A_1227, %unpack3A_1320 : vector<16xf32>
        %swap3A_1323 = arith.constant 0 : i32
        %swap3A_1324 = arith.constant 0 : i32
        %swap3A_1325 = tpu.memref_slice %arg15[%scan3A_451, %swap3A_1323, %swap3A_1324] : memref<2x16x768xf32, #tpu.memory_space<vmem>> -> memref<1x16x768xf32, #tpu.memory_space<vmem>>
        %swap3A_1326 = tpu.memref_squeeze %swap3A_1325 : memref<1x16x768xf32, #tpu.memory_space<vmem>> -> memref<16x768xf32, #tpu.memory_space<vmem>>
        %swap3A_1327 = arith.index_cast %scan3A_783 : i32 to index
        %swap3A_1328 = arith.constant 352 : index
        %swap3A_1329 = tpu.vector_load %swap3A_1326[%swap3A_1327, %swap3A_1328] {strides = array<i32>} : memref<16x768xf32, #tpu.memory_space<vmem>>, vector<16xf32>,
        tpu.vector_store %swap3A_1326[%swap3A_1327, %swap3A_1328], %add3A_1321 {strides = array<i32>} : memref<16x768xf32, #tpu.memory_space<vmem>>, vector<16xf32>,
        %swap3A_1330 = arith.constant 0 : i32
        %swap3A_1331 = arith.constant 0 : i32
        %swap3A_1332 = tpu.memref_slice %arg15[%scan3A_451, %swap3A_1330, %swap3A_1331] : memref<2x16x768xf32, #tpu.memory_space<vmem>> -> memref<1x16x768xf32, #tpu.memory_space<vmem>>
        %swap3A_1333 = tpu.memref_squeeze %swap3A_1332 : memref<1x16x768xf32, #tpu.memory_space<vmem>> -> memref<16x768xf32, #tpu.memory_space<vmem>>
        %swap3A_1334 = arith.index_cast %scan3A_783 : i32 to index
        %swap3A_1335 = arith.constant 368 : index
        %swap3A_1336 = tpu.vector_load %swap3A_1333[%swap3A_1334, %swap3A_1335] {strides = array<i32>} : memref<16x768xf32, #tpu.memory_space<vmem>>, vector<16xf32>,
        tpu.vector_store %swap3A_1333[%swap3A_1334, %swap3A_1335], %add3A_1322 {strides = array<i32>} : memref<16x768xf32, #tpu.memory_space<vmem>>, vector<16xf32>,
        %add3A_1337 = arith.addf %add3A_1251, %add3A_1321 : vector<16xf32>
        %mul3A_1338 = arith.mulf %add3A_1321, %add3A_1321 : vector<16xf32>
        %add3A_1339 = arith.addf %add3A_1253, %mul3A_1338 : vector<16xf32>
        %add3A_1340 = arith.addf %add3A_1254, %add3A_1322 : vector<16xf32>
        %mul3A_1341 = arith.mulf %add3A_1322, %add3A_1322 : vector<16xf32>
        %add3A_1342 = arith.addf %add3A_1256, %mul3A_1341 : vector<16xf32>
        %get3A_1343 = arith.constant 0 : i32
        %get3A_1344 = arith.constant 0 : i32
        %get3A_1345 = tpu.memref_slice %arg14[%scan3A_450, %get3A_1343, %get3A_1344] : memref<2x16x768xf32, #tpu.memory_space<vmem>> -> memref<1x16x768xf32, #tpu.memory_space<vmem>>
        %get3A_1346 = tpu.memref_squeeze %get3A_1345 : memref<1x16x768xf32, #tpu.memory_space<vmem>> -> memref<16x768xf32, #tpu.memory_space<vmem>>
        %get3A_1347 = arith.index_cast %scan3A_783 : i32 to index
        %get3A_1348 = arith.constant 448 : index
        %get3A_1349 = tpu.vector_load %get3A_1346[%get3A_1347, %get3A_1348] {strides = array<i32>} : memref<16x768xf32, #tpu.memory_space<vmem>>, vector<16xf32>,
        %get3A_1350 = arith.constant 0 : i32
        %get3A_1351 = arith.constant 0 : i32
        %get3A_1352 = tpu.memref_slice %arg14[%scan3A_450, %get3A_1350, %get3A_1351] : memref<2x16x768xf32, #tpu.memory_space<vmem>> -> memref<1x16x768xf32, #tpu.memory_space<vmem>>
        %get3A_1353 = tpu.memref_squeeze %get3A_1352 : memref<1x16x768xf32, #tpu.memory_space<vmem>> -> memref<16x768xf32, #tpu.memory_space<vmem>>
        %get3A_1354 = arith.index_cast %scan3A_783 : i32 to index
        %get3A_1355 = arith.constant 464 : index
        %get3A_1356 = tpu.vector_load %get3A_1353[%get3A_1354, %get3A_1355] {strides = array<i32>} : memref<16x768xf32, #tpu.memory_space<vmem>>, vector<16xf32>,
        %get3A_1357 = arith.index_cast %scan3A_784 : i32 to index
        %get3A_1358 = arith.index_cast %scan3A_783 : i32 to index
        %get3A_1359 = arith.constant 224 : index
        %get3A_1360 = tpu.vector_load %arg10[%get3A_1357, %get3A_1358, %get3A_1359] {strides = array<i32>} : memref<2x16x384xi32, #tpu.memory_space<vmem>>, vector<16xi32>,
        %bitcast3A_1361 = vector.bitcast %get3A_1274 : vector<16xi32> to vector<32xbf16>
        %unpack3A_1362 = tpu.unpack_subelements %bitcast3A_1361, 0 {pack_format = #tpu.pack_format<interleaved>} : vector<32xbf16> -> vector<16xf32>
        %unpack3A_1363 = tpu.unpack_subelements %bitcast3A_1361, 1 {pack_format = #tpu.pack_format<interleaved>} : vector<32xbf16> -> vector<16xf32>
        %add3A_1364 = arith.addf %get3A_1263, %unpack3A_1362 : vector<16xf32>
        %add3A_1365 = arith.addf %get3A_1270, %unpack3A_1363 : vector<16xf32>
        %swap3A_1366 = arith.constant 0 : i32
        %swap3A_1367 = arith.constant 0 : i32
        %swap3A_1368 = tpu.memref_slice %arg15[%scan3A_451, %swap3A_1366, %swap3A_1367] : memref<2x16x768xf32, #tpu.memory_space<vmem>> -> memref<1x16x768xf32, #tpu.memory_space<vmem>>
        %swap3A_1369 = tpu.memref_squeeze %swap3A_1368 : memref<1x16x768xf32, #tpu.memory_space<vmem>> -> memref<16x768xf32, #tpu.memory_space<vmem>>
        %swap3A_1370 = arith.index_cast %scan3A_783 : i32 to index
        %swap3A_1371 = arith.constant 384 : index
        %swap3A_1372 = tpu.vector_load %swap3A_1369[%swap3A_1370, %swap3A_1371] {strides = array<i32>} : memref<16x768xf32, #tpu.memory_space<vmem>>, vector<16xf32>,
        tpu.vector_store %swap3A_1369[%swap3A_1370, %swap3A_1371], %add3A_1364 {strides = array<i32>} : memref<16x768xf32, #tpu.memory_space<vmem>>, vector<16xf32>,
        %swap3A_1373 = arith.constant 0 : i32
        %swap3A_1374 = arith.constant 0 : i32
        %swap3A_1375 = tpu.memref_slice %arg15[%scan3A_451, %swap3A_1373, %swap3A_1374] : memref<2x16x768xf32, #tpu.memory_space<vmem>> -> memref<1x16x768xf32, #tpu.memory_space<vmem>>
        %swap3A_1376 = tpu.memref_squeeze %swap3A_1375 : memref<1x16x768xf32, #tpu.memory_space<vmem>> -> memref<16x768xf32, #tpu.memory_space<vmem>>
        %swap3A_1377 = arith.index_cast %scan3A_783 : i32 to index
        %swap3A_1378 = arith.constant 400 : index
        %swap3A_1379 = tpu.vector_load %swap3A_1376[%swap3A_1377, %swap3A_1378] {strides = array<i32>} : memref<16x768xf32, #tpu.memory_space<vmem>>, vector<16xf32>,
        tpu.vector_store %swap3A_1376[%swap3A_1377, %swap3A_1378], %add3A_1365 {strides = array<i32>} : memref<16x768xf32, #tpu.memory_space<vmem>>, vector<16xf32>,
        %add3A_1380 = arith.addf %add3A_1294, %add3A_1364 : vector<16xf32>
        %mul3A_1381 = arith.mulf %add3A_1364, %add3A_1364 : vector<16xf32>
        %add3A_1382 = arith.addf %add3A_1296, %mul3A_1381 : vector<16xf32>
        %add3A_1383 = arith.addf %add3A_1297, %add3A_1365 : vector<16xf32>
        %mul3A_1384 = arith.mulf %add3A_1365, %add3A_1365 : vector<16xf32>
        %add3A_1385 = arith.addf %add3A_1299, %mul3A_1384 : vector<16xf32>
        %get3A_1386 = arith.constant 0 : i32
        %get3A_1387 = arith.constant 0 : i32
        %get3A_1388 = tpu.memref_slice %arg14[%scan3A_450, %get3A_1386, %get3A_1387] : memref<2x16x768xf32, #tpu.memory_space<vmem>> -> memref<1x16x768xf32, #tpu.memory_space<vmem>>
        %get3A_1389 = tpu.memref_squeeze %get3A_1388 : memref<1x16x768xf32, #tpu.memory_space<vmem>> -> memref<16x768xf32, #tpu.memory_space<vmem>>
        %get3A_1390 = arith.index_cast %scan3A_783 : i32 to index
        %get3A_1391 = arith.constant 480 : index
        %get3A_1392 = tpu.vector_load %get3A_1389[%get3A_1390, %get3A_1391] {strides = array<i32>} : memref<16x768xf32, #tpu.memory_space<vmem>>, vector<16xf32>,
        %get3A_1393 = arith.constant 0 : i32
        %get3A_1394 = arith.constant 0 : i32
        %get3A_1395 = tpu.memref_slice %arg14[%scan3A_450, %get3A_1393, %get3A_1394] : memref<2x16x768xf32, #tpu.memory_space<vmem>> -> memref<1x16x768xf32, #tpu.memory_space<vmem>>
        %get3A_1396 = tpu.memref_squeeze %get3A_1395 : memref<1x16x768xf32, #tpu.memory_space<vmem>> -> memref<16x768xf32, #tpu.memory_space<vmem>>
        %get3A_1397 = arith.index_cast %scan3A_783 : i32 to index
        %get3A_1398 = arith.constant 496 : index
        %get3A_1399 = tpu.vector_load %get3A_1396[%get3A_1397, %get3A_1398] {strides = array<i32>} : memref<16x768xf32, #tpu.memory_space<vmem>>, vector<16xf32>,
        %get3A_1400 = arith.index_cast %scan3A_784 : i32 to index
        %get3A_1401 = arith.index_cast %scan3A_783 : i32 to index
        %get3A_1402 = arith.constant 240 : index
        %get3A_1403 = tpu.vector_load %arg10[%get3A_1400, %get3A_1401, %get3A_1402] {strides = array<i32>} : memref<2x16x384xi32, #tpu.memory_space<vmem>>, vector<16xi32>,
        %bitcast3A_1404 = vector.bitcast %get3A_1317 : vector<16xi32> to vector<32xbf16>
        %unpack3A_1405 = tpu.unpack_subelements %bitcast3A_1404, 0 {pack_format = #tpu.pack_format<interleaved>} : vector<32xbf16> -> vector<16xf32>
        %unpack3A_1406 = tpu.unpack_subelements %bitcast3A_1404, 1 {pack_format = #tpu.pack_format<interleaved>} : vector<32xbf16> -> vector<16xf32>
        %add3A_1407 = arith.addf %get3A_1306, %unpack3A_1405 : vector<16xf32>
        %add3A_1408 = arith.addf %get3A_1313, %unpack3A_1406 : vector<16xf32>
        %swap3A_1409 = arith.constant 0 : i32
        %swap3A_1410 = arith.constant 0 : i32
        %swap3A_1411 = tpu.memref_slice %arg15[%scan3A_451, %swap3A_1409, %swap3A_1410] : memref<2x16x768xf32, #tpu.memory_space<vmem>> -> memref<1x16x768xf32, #tpu.memory_space<vmem>>
        %swap3A_1412 = tpu.memref_squeeze %swap3A_1411 : memref<1x16x768xf32, #tpu.memory_space<vmem>> -> memref<16x768xf32, #tpu.memory_space<vmem>>
        %swap3A_1413 = arith.index_cast %scan3A_783 : i32 to index
        %swap3A_1414 = arith.constant 416 : index
        %swap3A_1415 = tpu.vector_load %swap3A_1412[%swap3A_1413, %swap3A_1414] {strides = array<i32>} : memref<16x768xf32, #tpu.memory_space<vmem>>, vector<16xf32>,
        tpu.vector_store %swap3A_1412[%swap3A_1413, %swap3A_1414], %add3A_1407 {strides = array<i32>} : memref<16x768xf32, #tpu.memory_space<vmem>>, vector<16xf32>,
        %swap3A_1416 = arith.constant 0 : i32
        %swap3A_1417 = arith.constant 0 : i32
        %swap3A_1418 = tpu.memref_slice %arg15[%scan3A_451, %swap3A_1416, %swap3A_1417] : memref<2x16x768xf32, #tpu.memory_space<vmem>> -> memref<1x16x768xf32, #tpu.memory_space<vmem>>
        %swap3A_1419 = tpu.memref_squeeze %swap3A_1418 : memref<1x16x768xf32, #tpu.memory_space<vmem>> -> memref<16x768xf32, #tpu.memory_space<vmem>>
        %swap3A_1420 = arith.index_cast %scan3A_783 : i32 to index
        %swap3A_1421 = arith.constant 432 : index
        %swap3A_1422 = tpu.vector_load %swap3A_1419[%swap3A_1420, %swap3A_1421] {strides = array<i32>} : memref<16x768xf32, #tpu.memory_space<vmem>>, vector<16xf32>,
        tpu.vector_store %swap3A_1419[%swap3A_1420, %swap3A_1421], %add3A_1408 {strides = array<i32>} : memref<16x768xf32, #tpu.memory_space<vmem>>, vector<16xf32>,
        %add3A_1423 = arith.addf %add3A_1337, %add3A_1407 : vector<16xf32>
        %mul3A_1424 = arith.mulf %add3A_1407, %add3A_1407 : vector<16xf32>
        %add3A_1425 = arith.addf %add3A_1339, %mul3A_1424 : vector<16xf32>
        %add3A_1426 = arith.addf %add3A_1340, %add3A_1408 : vector<16xf32>
        %mul3A_1427 = arith.mulf %add3A_1408, %add3A_1408 : vector<16xf32>
        %add3A_1428 = arith.addf %add3A_1342, %mul3A_1427 : vector<16xf32>
        %get3A_1429 = arith.constant 0 : i32
        %get3A_1430 = arith.constant 0 : i32
        %get3A_1431 = tpu.memref_slice %arg14[%scan3A_450, %get3A_1429, %get3A_1430] : memref<2x16x768xf32, #tpu.memory_space<vmem>> -> memref<1x16x768xf32, #tpu.memory_space<vmem>>
        %get3A_1432 = tpu.memref_squeeze %get3A_1431 : memref<1x16x768xf32, #tpu.memory_space<vmem>> -> memref<16x768xf32, #tpu.memory_space<vmem>>
        %get3A_1433 = arith.index_cast %scan3A_783 : i32 to index
        %get3A_1434 = arith.constant 512 : index
        %get3A_1435 = tpu.vector_load %get3A_1432[%get3A_1433, %get3A_1434] {strides = array<i32>} : memref<16x768xf32, #tpu.memory_space<vmem>>, vector<16xf32>,
        %get3A_1436 = arith.constant 0 : i32
        %get3A_1437 = arith.constant 0 : i32
        %get3A_1438 = tpu.memref_slice %arg14[%scan3A_450, %get3A_1436, %get3A_1437] : memref<2x16x768xf32, #tpu.memory_space<vmem>> -> memref<1x16x768xf32, #tpu.memory_space<vmem>>
        %get3A_1439 = tpu.memref_squeeze %get3A_1438 : memref<1x16x768xf32, #tpu.memory_space<vmem>> -> memref<16x768xf32, #tpu.memory_space<vmem>>
        %get3A_1440 = arith.index_cast %scan3A_783 : i32 to index
        %get3A_1441 = arith.constant 528 : index
        %get3A_1442 = tpu.vector_load %get3A_1439[%get3A_1440, %get3A_1441] {strides = array<i32>} : memref<16x768xf32, #tpu.memory_space<vmem>>, vector<16xf32>,
        %get3A_1443 = arith.index_cast %scan3A_784 : i32 to index
        %get3A_1444 = arith.index_cast %scan3A_783 : i32 to index
        %get3A_1445 = arith.constant 256 : index
        %get3A_1446 = tpu.vector_load %arg10[%get3A_1443, %get3A_1444, %get3A_1445] {strides = array<i32>} : memref<2x16x384xi32, #tpu.memory_space<vmem>>, vector<16xi32>,
        %bitcast3A_1447 = vector.bitcast %get3A_1360 : vector<16xi32> to vector<32xbf16>
        %unpack3A_1448 = tpu.unpack_subelements %bitcast3A_1447, 0 {pack_format = #tpu.pack_format<interleaved>} : vector<32xbf16> -> vector<16xf32>
        %unpack3A_1449 = tpu.unpack_subelements %bitcast3A_1447, 1 {pack_format = #tpu.pack_format<interleaved>} : vector<32xbf16> -> vector<16xf32>
        %add3A_1450 = arith.addf %get3A_1349, %unpack3A_1448 : vector<16xf32>
        %add3A_1451 = arith.addf %get3A_1356, %unpack3A_1449 : vector<16xf32>
        %swap3A_1452 = arith.constant 0 : i32
        %swap3A_1453 = arith.constant 0 : i32
        %swap3A_1454 = tpu.memref_slice %arg15[%scan3A_451, %swap3A_1452, %swap3A_1453] : memref<2x16x768xf32, #tpu.memory_space<vmem>> -> memref<1x16x768xf32, #tpu.memory_space<vmem>>
        %swap3A_1455 = tpu.memref_squeeze %swap3A_1454 : memref<1x16x768xf32, #tpu.memory_space<vmem>> -> memref<16x768xf32, #tpu.memory_space<vmem>>
        %swap3A_1456 = arith.index_cast %scan3A_783 : i32 to index
        %swap3A_1457 = arith.constant 448 : index
        %swap3A_1458 = tpu.vector_load %swap3A_1455[%swap3A_1456, %swap3A_1457] {strides = array<i32>} : memref<16x768xf32, #tpu.memory_space<vmem>>, vector<16xf32>,
        tpu.vector_store %swap3A_1455[%swap3A_1456, %swap3A_1457], %add3A_1450 {strides = array<i32>} : memref<16x768xf32, #tpu.memory_space<vmem>>, vector<16xf32>,
        %swap3A_1459 = arith.constant 0 : i32
        %swap3A_1460 = arith.constant 0 : i32
        %swap3A_1461 = tpu.memref_slice %arg15[%scan3A_451, %swap3A_1459, %swap3A_1460] : memref<2x16x768xf32, #tpu.memory_space<vmem>> -> memref<1x16x768xf32, #tpu.memory_space<vmem>>
        %swap3A_1462 = tpu.memref_squeeze %swap3A_1461 : memref<1x16x768xf32, #tpu.memory_space<vmem>> -> memref<16x768xf32, #tpu.memory_space<vmem>>
        %swap3A_1463 = arith.index_cast %scan3A_783 : i32 to index
        %swap3A_1464 = arith.constant 464 : index
        %swap3A_1465 = tpu.vector_load %swap3A_1462[%swap3A_1463, %swap3A_1464] {strides = array<i32>} : memref<16x768xf32, #tpu.memory_space<vmem>>, vector<16xf32>,
        tpu.vector_store %swap3A_1462[%swap3A_1463, %swap3A_1464], %add3A_1451 {strides = array<i32>} : memref<16x768xf32, #tpu.memory_space<vmem>>, vector<16xf32>,
        %add3A_1466 = arith.addf %add3A_1380, %add3A_1450 : vector<16xf32>
        %mul3A_1467 = arith.mulf %add3A_1450, %add3A_1450 : vector<16xf32>
        %add3A_1468 = arith.addf %add3A_1382, %mul3A_1467 : vector<16xf32>
        %add3A_1469 = arith.addf %add3A_1383, %add3A_1451 : vector<16xf32>
        %mul3A_1470 = arith.mulf %add3A_1451, %add3A_1451 : vector<16xf32>
        %add3A_1471 = arith.addf %add3A_1385, %mul3A_1470 : vector<16xf32>
        %get3A_1472 = arith.constant 0 : i32
        %get3A_1473 = arith.constant 0 : i32
        %get3A_1474 = tpu.memref_slice %arg14[%scan3A_450, %get3A_1472, %get3A_1473] : memref<2x16x768xf32, #tpu.memory_space<vmem>> -> memref<1x16x768xf32, #tpu.memory_space<vmem>>
        %get3A_1475 = tpu.memref_squeeze %get3A_1474 : memref<1x16x768xf32, #tpu.memory_space<vmem>> -> memref<16x768xf32, #tpu.memory_space<vmem>>
        %get3A_1476 = arith.index_cast %scan3A_783 : i32 to index
        %get3A_1477 = arith.constant 544 : index
        %get3A_1478 = tpu.vector_load %get3A_1475[%get3A_1476, %get3A_1477] {strides = array<i32>} : memref<16x768xf32, #tpu.memory_space<vmem>>, vector<16xf32>,
        %get3A_1479 = arith.constant 0 : i32
        %get3A_1480 = arith.constant 0 : i32
        %get3A_1481 = tpu.memref_slice %arg14[%scan3A_450, %get3A_1479, %get3A_1480] : memref<2x16x768xf32, #tpu.memory_space<vmem>> -> memref<1x16x768xf32, #tpu.memory_space<vmem>>
        %get3A_1482 = tpu.memref_squeeze %get3A_1481 : memref<1x16x768xf32, #tpu.memory_space<vmem>> -> memref<16x768xf32, #tpu.memory_space<vmem>>
        %get3A_1483 = arith.index_cast %scan3A_783 : i32 to index
        %get3A_1484 = arith.constant 560 : index
        %get3A_1485 = tpu.vector_load %get3A_1482[%get3A_1483, %get3A_1484] {strides = array<i32>} : memref<16x768xf32, #tpu.memory_space<vmem>>, vector<16xf32>,
        %get3A_1486 = arith.index_cast %scan3A_784 : i32 to index
        %get3A_1487 = arith.index_cast %scan3A_783 : i32 to index
        %get3A_1488 = arith.constant 272 : index
        %get3A_1489 = tpu.vector_load %arg10[%get3A_1486, %get3A_1487, %get3A_1488] {strides = array<i32>} : memref<2x16x384xi32, #tpu.memory_space<vmem>>, vector<16xi32>,
        %bitcast3A_1490 = vector.bitcast %get3A_1403 : vector<16xi32> to vector<32xbf16>
        %unpack3A_1491 = tpu.unpack_subelements %bitcast3A_1490, 0 {pack_format = #tpu.pack_format<interleaved>} : vector<32xbf16> -> vector<16xf32>
        %unpack3A_1492 = tpu.unpack_subelements %bitcast3A_1490, 1 {pack_format = #tpu.pack_format<interleaved>} : vector<32xbf16> -> vector<16xf32>
        %add3A_1493 = arith.addf %get3A_1392, %unpack3A_1491 : vector<16xf32>
        %add3A_1494 = arith.addf %get3A_1399, %unpack3A_1492 : vector<16xf32>
        %swap3A_1495 = arith.constant 0 : i32
        %swap3A_1496 = arith.constant 0 : i32
        %swap3A_1497 = tpu.memref_slice %arg15[%scan3A_451, %swap3A_1495, %swap3A_1496] : memref<2x16x768xf32, #tpu.memory_space<vmem>> -> memref<1x16x768xf32, #tpu.memory_space<vmem>>
        %swap3A_1498 = tpu.memref_squeeze %swap3A_1497 : memref<1x16x768xf32, #tpu.memory_space<vmem>> -> memref<16x768xf32, #tpu.memory_space<vmem>>
        %swap3A_1499 = arith.index_cast %scan3A_783 : i32 to index
        %swap3A_1500 = arith.constant 480 : index
        %swap3A_1501 = tpu.vector_load %swap3A_1498[%swap3A_1499, %swap3A_1500] {strides = array<i32>} : memref<16x768xf32, #tpu.memory_space<vmem>>, vector<16xf32>,
        tpu.vector_store %swap3A_1498[%swap3A_1499, %swap3A_1500], %add3A_1493 {strides = array<i32>} : memref<16x768xf32, #tpu.memory_space<vmem>>, vector<16xf32>,
        %swap3A_1502 = arith.constant 0 : i32
        %swap3A_1503 = arith.constant 0 : i32
        %swap3A_1504 = tpu.memref_slice %arg15[%scan3A_451, %swap3A_1502, %swap3A_1503] : memref<2x16x768xf32, #tpu.memory_space<vmem>> -> memref<1x16x768xf32, #tpu.memory_space<vmem>>
        %swap3A_1505 = tpu.memref_squeeze %swap3A_1504 : memref<1x16x768xf32, #tpu.memory_space<vmem>> -> memref<16x768xf32, #tpu.memory_space<vmem>>
        %swap3A_1506 = arith.index_cast %scan3A_783 : i32 to index
        %swap3A_1507 = arith.constant 496 : index
        %swap3A_1508 = tpu.vector_load %swap3A_1505[%swap3A_1506, %swap3A_1507] {strides = array<i32>} : memref<16x768xf32, #tpu.memory_space<vmem>>, vector<16xf32>,
        tpu.vector_store %swap3A_1505[%swap3A_1506, %swap3A_1507], %add3A_1494 {strides = array<i32>} : memref<16x768xf32, #tpu.memory_space<vmem>>, vector<16xf32>,
        %add3A_1509 = arith.addf %add3A_1423, %add3A_1493 : vector<16xf32>
        %mul3A_1510 = arith.mulf %add3A_1493, %add3A_1493 : vector<16xf32>
        %add3A_1511 = arith.addf %add3A_1425, %mul3A_1510 : vector<16xf32>
        %add3A_1512 = arith.addf %add3A_1426, %add3A_1494 : vector<16xf32>
        %mul3A_1513 = arith.mulf %add3A_1494, %add3A_1494 : vector<16xf32>
        %add3A_1514 = arith.addf %add3A_1428, %mul3A_1513 : vector<16xf32>
        %get3A_1515 = arith.constant 0 : i32
        %get3A_1516 = arith.constant 0 : i32
        %get3A_1517 = tpu.memref_slice %arg14[%scan3A_450, %get3A_1515, %get3A_1516] : memref<2x16x768xf32, #tpu.memory_space<vmem>> -> memref<1x16x768xf32, #tpu.memory_space<vmem>>
        %get3A_1518 = tpu.memref_squeeze %get3A_1517 : memref<1x16x768xf32, #tpu.memory_space<vmem>> -> memref<16x768xf32, #tpu.memory_space<vmem>>
        %get3A_1519 = arith.index_cast %scan3A_783 : i32 to index
        %get3A_1520 = arith.constant 576 : index
        %get3A_1521 = tpu.vector_load %get3A_1518[%get3A_1519, %get3A_1520] {strides = array<i32>} : memref<16x768xf32, #tpu.memory_space<vmem>>, vector<16xf32>,
        %get3A_1522 = arith.constant 0 : i32
        %get3A_1523 = arith.constant 0 : i32
        %get3A_1524 = tpu.memref_slice %arg14[%scan3A_450, %get3A_1522, %get3A_1523] : memref<2x16x768xf32, #tpu.memory_space<vmem>> -> memref<1x16x768xf32, #tpu.memory_space<vmem>>
        %get3A_1525 = tpu.memref_squeeze %get3A_1524 : memref<1x16x768xf32, #tpu.memory_space<vmem>> -> memref<16x768xf32, #tpu.memory_space<vmem>>
        %get3A_1526 = arith.index_cast %scan3A_783 : i32 to index
        %get3A_1527 = arith.constant 592 : index
        %get3A_1528 = tpu.vector_load %get3A_1525[%get3A_1526, %get3A_1527] {strides = array<i32>} : memref<16x768xf32, #tpu.memory_space<vmem>>, vector<16xf32>,
        %get3A_1529 = arith.index_cast %scan3A_784 : i32 to index
        %get3A_1530 = arith.index_cast %scan3A_783 : i32 to index
        %get3A_1531 = arith.constant 288 : index
        %get3A_1532 = tpu.vector_load %arg10[%get3A_1529, %get3A_1530, %get3A_1531] {strides = array<i32>} : memref<2x16x384xi32, #tpu.memory_space<vmem>>, vector<16xi32>,
        %bitcast3A_1533 = vector.bitcast %get3A_1446 : vector<16xi32> to vector<32xbf16>
        %unpack3A_1534 = tpu.unpack_subelements %bitcast3A_1533, 0 {pack_format = #tpu.pack_format<interleaved>} : vector<32xbf16> -> vector<16xf32>
        %unpack3A_1535 = tpu.unpack_subelements %bitcast3A_1533, 1 {pack_format = #tpu.pack_format<interleaved>} : vector<32xbf16> -> vector<16xf32>
        %add3A_1536 = arith.addf %get3A_1435, %unpack3A_1534 : vector<16xf32>
        %add3A_1537 = arith.addf %get3A_1442, %unpack3A_1535 : vector<16xf32>
        %swap3A_1538 = arith.constant 0 : i32
        %swap3A_1539 = arith.constant 0 : i32
        %swap3A_1540 = tpu.memref_slice %arg15[%scan3A_451, %swap3A_1538, %swap3A_1539] : memref<2x16x768xf32, #tpu.memory_space<vmem>> -> memref<1x16x768xf32, #tpu.memory_space<vmem>>
        %swap3A_1541 = tpu.memref_squeeze %swap3A_1540 : memref<1x16x768xf32, #tpu.memory_space<vmem>> -> memref<16x768xf32, #tpu.memory_space<vmem>>
        %swap3A_1542 = arith.index_cast %scan3A_783 : i32 to index
        %swap3A_1543 = arith.constant 512 : index
        %swap3A_1544 = tpu.vector_load %swap3A_1541[%swap3A_1542, %swap3A_1543] {strides = array<i32>} : memref<16x768xf32, #tpu.memory_space<vmem>>, vector<16xf32>,
        tpu.vector_store %swap3A_1541[%swap3A_1542, %swap3A_1543], %add3A_1536 {strides = array<i32>} : memref<16x768xf32, #tpu.memory_space<vmem>>, vector<16xf32>,
        %swap3A_1545 = arith.constant 0 : i32
        %swap3A_1546 = arith.constant 0 : i32
        %swap3A_1547 = tpu.memref_slice %arg15[%scan3A_451, %swap3A_1545, %swap3A_1546] : memref<2x16x768xf32, #tpu.memory_space<vmem>> -> memref<1x16x768xf32, #tpu.memory_space<vmem>>
        %swap3A_1548 = tpu.memref_squeeze %swap3A_1547 : memref<1x16x768xf32, #tpu.memory_space<vmem>> -> memref<16x768xf32, #tpu.memory_space<vmem>>
        %swap3A_1549 = arith.index_cast %scan3A_783 : i32 to index
        %swap3A_1550 = arith.constant 528 : index
        %swap3A_1551 = tpu.vector_load %swap3A_1548[%swap3A_1549, %swap3A_1550] {strides = array<i32>} : memref<16x768xf32, #tpu.memory_space<vmem>>, vector<16xf32>,
        tpu.vector_store %swap3A_1548[%swap3A_1549, %swap3A_1550], %add3A_1537 {strides = array<i32>} : memref<16x768xf32, #tpu.memory_space<vmem>>, vector<16xf32>,
        %add3A_1552 = arith.addf %add3A_1466, %add3A_1536 : vector<16xf32>
        %mul3A_1553 = arith.mulf %add3A_1536, %add3A_1536 : vector<16xf32>
        %add3A_1554 = arith.addf %add3A_1468, %mul3A_1553 : vector<16xf32>
        %add3A_1555 = arith.addf %add3A_1469, %add3A_1537 : vector<16xf32>
        %mul3A_1556 = arith.mulf %add3A_1537, %add3A_1537 : vector<16xf32>
        %add3A_1557 = arith.addf %add3A_1471, %mul3A_1556 : vector<16xf32>
        %get3A_1558 = arith.constant 0 : i32
        %get3A_1559 = arith.constant 0 : i32
        %get3A_1560 = tpu.memref_slice %arg14[%scan3A_450, %get3A_1558, %get3A_1559] : memref<2x16x768xf32, #tpu.memory_space<vmem>> -> memref<1x16x768xf32, #tpu.memory_space<vmem>>
        %get3A_1561 = tpu.memref_squeeze %get3A_1560 : memref<1x16x768xf32, #tpu.memory_space<vmem>> -> memref<16x768xf32, #tpu.memory_space<vmem>>
        %get3A_1562 = arith.index_cast %scan3A_783 : i32 to index
        %get3A_1563 = arith.constant 608 : index
        %get3A_1564 = tpu.vector_load %get3A_1561[%get3A_1562, %get3A_1563] {strides = array<i32>} : memref<16x768xf32, #tpu.memory_space<vmem>>, vector<16xf32>,
        %get3A_1565 = arith.constant 0 : i32
        %get3A_1566 = arith.constant 0 : i32
        %get3A_1567 = tpu.memref_slice %arg14[%scan3A_450, %get3A_1565, %get3A_1566] : memref<2x16x768xf32, #tpu.memory_space<vmem>> -> memref<1x16x768xf32, #tpu.memory_space<vmem>>
        %get3A_1568 = tpu.memref_squeeze %get3A_1567 : memref<1x16x768xf32, #tpu.memory_space<vmem>> -> memref<16x768xf32, #tpu.memory_space<vmem>>
        %get3A_1569 = arith.index_cast %scan3A_783 : i32 to index
        %get3A_1570 = arith.constant 624 : index
        %get3A_1571 = tpu.vector_load %get3A_1568[%get3A_1569, %get3A_1570] {strides = array<i32>} : memref<16x768xf32, #tpu.memory_space<vmem>>, vector<16xf32>,
        %get3A_1572 = arith.index_cast %scan3A_784 : i32 to index
        %get3A_1573 = arith.index_cast %scan3A_783 : i32 to index
        %get3A_1574 = arith.constant 304 : index
        %get3A_1575 = tpu.vector_load %arg10[%get3A_1572, %get3A_1573, %get3A_1574] {strides = array<i32>} : memref<2x16x384xi32, #tpu.memory_space<vmem>>, vector<16xi32>,
        %bitcast3A_1576 = vector.bitcast %get3A_1489 : vector<16xi32> to vector<32xbf16>
        %unpack3A_1577 = tpu.unpack_subelements %bitcast3A_1576, 0 {pack_format = #tpu.pack_format<interleaved>} : vector<32xbf16> -> vector<16xf32>
        %unpack3A_1578 = tpu.unpack_subelements %bitcast3A_1576, 1 {pack_format = #tpu.pack_format<interleaved>} : vector<32xbf16> -> vector<16xf32>
        %add3A_1579 = arith.addf %get3A_1478, %unpack3A_1577 : vector<16xf32>
        %add3A_1580 = arith.addf %get3A_1485, %unpack3A_1578 : vector<16xf32>
        %swap3A_1581 = arith.constant 0 : i32
        %swap3A_1582 = arith.constant 0 : i32
        %swap3A_1583 = tpu.memref_slice %arg15[%scan3A_451, %swap3A_1581, %swap3A_1582] : memref<2x16x768xf32, #tpu.memory_space<vmem>> -> memref<1x16x768xf32, #tpu.memory_space<vmem>>
        %swap3A_1584 = tpu.memref_squeeze %swap3A_1583 : memref<1x16x768xf32, #tpu.memory_space<vmem>> -> memref<16x768xf32, #tpu.memory_space<vmem>>
        %swap3A_1585 = arith.index_cast %scan3A_783 : i32 to index
        %swap3A_1586 = arith.constant 544 : index
        %swap3A_1587 = tpu.vector_load %swap3A_1584[%swap3A_1585, %swap3A_1586] {strides = array<i32>} : memref<16x768xf32, #tpu.memory_space<vmem>>, vector<16xf32>,
        tpu.vector_store %swap3A_1584[%swap3A_1585, %swap3A_1586], %add3A_1579 {strides = array<i32>} : memref<16x768xf32, #tpu.memory_space<vmem>>, vector<16xf32>,
        %swap3A_1588 = arith.constant 0 : i32
        %swap3A_1589 = arith.constant 0 : i32
        %swap3A_1590 = tpu.memref_slice %arg15[%scan3A_451, %swap3A_1588, %swap3A_1589] : memref<2x16x768xf32, #tpu.memory_space<vmem>> -> memref<1x16x768xf32, #tpu.memory_space<vmem>>
        %swap3A_1591 = tpu.memref_squeeze %swap3A_1590 : memref<1x16x768xf32, #tpu.memory_space<vmem>> -> memref<16x768xf32, #tpu.memory_space<vmem>>
        %swap3A_1592 = arith.index_cast %scan3A_783 : i32 to index
        %swap3A_1593 = arith.constant 560 : index
        %swap3A_1594 = tpu.vector_load %swap3A_1591[%swap3A_1592, %swap3A_1593] {strides = array<i32>} : memref<16x768xf32, #tpu.memory_space<vmem>>, vector<16xf32>,
        tpu.vector_store %swap3A_1591[%swap3A_1592, %swap3A_1593], %add3A_1580 {strides = array<i32>} : memref<16x768xf32, #tpu.memory_space<vmem>>, vector<16xf32>,
        %add3A_1595 = arith.addf %add3A_1509, %add3A_1579 : vector<16xf32>
        %mul3A_1596 = arith.mulf %add3A_1579, %add3A_1579 : vector<16xf32>
        %add3A_1597 = arith.addf %add3A_1511, %mul3A_1596 : vector<16xf32>
        %add3A_1598 = arith.addf %add3A_1512, %add3A_1580 : vector<16xf32>
        %mul3A_1599 = arith.mulf %add3A_1580, %add3A_1580 : vector<16xf32>
        %add3A_1600 = arith.addf %add3A_1514, %mul3A_1599 : vector<16xf32>
        %get3A_1601 = arith.constant 0 : i32
        %get3A_1602 = arith.constant 0 : i32
        %get3A_1603 = tpu.memref_slice %arg14[%scan3A_450, %get3A_1601, %get3A_1602] : memref<2x16x768xf32, #tpu.memory_space<vmem>> -> memref<1x16x768xf32, #tpu.memory_space<vmem>>
        %get3A_1604 = tpu.memref_squeeze %get3A_1603 : memref<1x16x768xf32, #tpu.memory_space<vmem>> -> memref<16x768xf32, #tpu.memory_space<vmem>>
        %get3A_1605 = arith.index_cast %scan3A_783 : i32 to index
        %get3A_1606 = arith.constant 640 : index
        %get3A_1607 = tpu.vector_load %get3A_1604[%get3A_1605, %get3A_1606] {strides = array<i32>} : memref<16x768xf32, #tpu.memory_space<vmem>>, vector<16xf32>,
        %get3A_1608 = arith.constant 0 : i32
        %get3A_1609 = arith.constant 0 : i32
        %get3A_1610 = tpu.memref_slice %arg14[%scan3A_450, %get3A_1608, %get3A_1609] : memref<2x16x768xf32, #tpu.memory_space<vmem>> -> memref<1x16x768xf32, #tpu.memory_space<vmem>>
        %get3A_1611 = tpu.memref_squeeze %get3A_1610 : memref<1x16x768xf32, #tpu.memory_space<vmem>> -> memref<16x768xf32, #tpu.memory_space<vmem>>
        %get3A_1612 = arith.index_cast %scan3A_783 : i32 to index
        %get3A_1613 = arith.constant 656 : index
        %get3A_1614 = tpu.vector_load %get3A_1611[%get3A_1612, %get3A_1613] {strides = array<i32>} : memref<16x768xf32, #tpu.memory_space<vmem>>, vector<16xf32>,
        %get3A_1615 = arith.index_cast %scan3A_784 : i32 to index
        %get3A_1616 = arith.index_cast %scan3A_783 : i32 to index
        %get3A_1617 = arith.constant 320 : index
        %get3A_1618 = tpu.vector_load %arg10[%get3A_1615, %get3A_1616, %get3A_1617] {strides = array<i32>} : memref<2x16x384xi32, #tpu.memory_space<vmem>>, vector<16xi32>,
        %bitcast3A_1619 = vector.bitcast %get3A_1532 : vector<16xi32> to vector<32xbf16>
        %unpack3A_1620 = tpu.unpack_subelements %bitcast3A_1619, 0 {pack_format = #tpu.pack_format<interleaved>} : vector<32xbf16> -> vector<16xf32>
        %unpack3A_1621 = tpu.unpack_subelements %bitcast3A_1619, 1 {pack_format = #tpu.pack_format<interleaved>} : vector<32xbf16> -> vector<16xf32>
        %add3A_1622 = arith.addf %get3A_1521, %unpack3A_1620 : vector<16xf32>
        %add3A_1623 = arith.addf %get3A_1528, %unpack3A_1621 : vector<16xf32>
        %swap3A_1624 = arith.constant 0 : i32
        %swap3A_1625 = arith.constant 0 : i32
        %swap3A_1626 = tpu.memref_slice %arg15[%scan3A_451, %swap3A_1624, %swap3A_1625] : memref<2x16x768xf32, #tpu.memory_space<vmem>> -> memref<1x16x768xf32, #tpu.memory_space<vmem>>
        %swap3A_1627 = tpu.memref_squeeze %swap3A_1626 : memref<1x16x768xf32, #tpu.memory_space<vmem>> -> memref<16x768xf32, #tpu.memory_space<vmem>>
        %swap3A_1628 = arith.index_cast %scan3A_783 : i32 to index
        %swap3A_1629 = arith.constant 576 : index
        %swap3A_1630 = tpu.vector_load %swap3A_1627[%swap3A_1628, %swap3A_1629] {strides = array<i32>} : memref<16x768xf32, #tpu.memory_space<vmem>>, vector<16xf32>,
        tpu.vector_store %swap3A_1627[%swap3A_1628, %swap3A_1629], %add3A_1622 {strides = array<i32>} : memref<16x768xf32, #tpu.memory_space<vmem>>, vector<16xf32>,
        %swap3A_1631 = arith.constant 0 : i32
        %swap3A_1632 = arith.constant 0 : i32
        %swap3A_1633 = tpu.memref_slice %arg15[%scan3A_451, %swap3A_1631, %swap3A_1632] : memref<2x16x768xf32, #tpu.memory_space<vmem>> -> memref<1x16x768xf32, #tpu.memory_space<vmem>>
        %swap3A_1634 = tpu.memref_squeeze %swap3A_1633 : memref<1x16x768xf32, #tpu.memory_space<vmem>> -> memref<16x768xf32, #tpu.memory_space<vmem>>
        %swap3A_1635 = arith.index_cast %scan3A_783 : i32 to index
        %swap3A_1636 = arith.constant 592 : index
        %swap3A_1637 = tpu.vector_load %swap3A_1634[%swap3A_1635, %swap3A_1636] {strides = array<i32>} : memref<16x768xf32, #tpu.memory_space<vmem>>, vector<16xf32>,
        tpu.vector_store %swap3A_1634[%swap3A_1635, %swap3A_1636], %add3A_1623 {strides = array<i32>} : memref<16x768xf32, #tpu.memory_space<vmem>>, vector<16xf32>,
        %add3A_1638 = arith.addf %add3A_1552, %add3A_1622 : vector<16xf32>
        %mul3A_1639 = arith.mulf %add3A_1622, %add3A_1622 : vector<16xf32>
        %add3A_1640 = arith.addf %add3A_1554, %mul3A_1639 : vector<16xf32>
        %add3A_1641 = arith.addf %add3A_1555, %add3A_1623 : vector<16xf32>
        %mul3A_1642 = arith.mulf %add3A_1623, %add3A_1623 : vector<16xf32>
        %add3A_1643 = arith.addf %add3A_1557, %mul3A_1642 : vector<16xf32>
        %get3A_1644 = arith.constant 0 : i32
        %get3A_1645 = arith.constant 0 : i32
        %get3A_1646 = tpu.memref_slice %arg14[%scan3A_450, %get3A_1644, %get3A_1645] : memref<2x16x768xf32, #tpu.memory_space<vmem>> -> memref<1x16x768xf32, #tpu.memory_space<vmem>>
        %get3A_1647 = tpu.memref_squeeze %get3A_1646 : memref<1x16x768xf32, #tpu.memory_space<vmem>> -> memref<16x768xf32, #tpu.memory_space<vmem>>
        %get3A_1648 = arith.index_cast %scan3A_783 : i32 to index
        %get3A_1649 = arith.constant 672 : index
        %get3A_1650 = tpu.vector_load %get3A_1647[%get3A_1648, %get3A_1649] {strides = array<i32>} : memref<16x768xf32, #tpu.memory_space<vmem>>, vector<16xf32>,
        %get3A_1651 = arith.constant 0 : i32
        %get3A_1652 = arith.constant 0 : i32
        %get3A_1653 = tpu.memref_slice %arg14[%scan3A_450, %get3A_1651, %get3A_1652] : memref<2x16x768xf32, #tpu.memory_space<vmem>> -> memref<1x16x768xf32, #tpu.memory_space<vmem>>
        %get3A_1654 = tpu.memref_squeeze %get3A_1653 : memref<1x16x768xf32, #tpu.memory_space<vmem>> -> memref<16x768xf32, #tpu.memory_space<vmem>>
        %get3A_1655 = arith.index_cast %scan3A_783 : i32 to index
        %get3A_1656 = arith.constant 688 : index
        %get3A_1657 = tpu.vector_load %get3A_1654[%get3A_1655, %get3A_1656] {strides = array<i32>} : memref<16x768xf32, #tpu.memory_space<vmem>>, vector<16xf32>,
        %get3A_1658 = arith.index_cast %scan3A_784 : i32 to index
        %get3A_1659 = arith.index_cast %scan3A_783 : i32 to index
        %get3A_1660 = arith.constant 336 : index
        %get3A_1661 = tpu.vector_load %arg10[%get3A_1658, %get3A_1659, %get3A_1660] {strides = array<i32>} : memref<2x16x384xi32, #tpu.memory_space<vmem>>, vector<16xi32>,
        %bitcast3A_1662 = vector.bitcast %get3A_1575 : vector<16xi32> to vector<32xbf16>
        %unpack3A_1663 = tpu.unpack_subelements %bitcast3A_1662, 0 {pack_format = #tpu.pack_format<interleaved>} : vector<32xbf16> -> vector<16xf32>
        %unpack3A_1664 = tpu.unpack_subelements %bitcast3A_1662, 1 {pack_format = #tpu.pack_format<interleaved>} : vector<32xbf16> -> vector<16xf32>
        %add3A_1665 = arith.addf %get3A_1564, %unpack3A_1663 : vector<16xf32>
        %add3A_1666 = arith.addf %get3A_1571, %unpack3A_1664 : vector<16xf32>
        %swap3A_1667 = arith.constant 0 : i32
        %swap3A_1668 = arith.constant 0 : i32
        %swap3A_1669 = tpu.memref_slice %arg15[%scan3A_451, %swap3A_1667, %swap3A_1668] : memref<2x16x768xf32, #tpu.memory_space<vmem>> -> memref<1x16x768xf32, #tpu.memory_space<vmem>>
        %swap3A_1670 = tpu.memref_squeeze %swap3A_1669 : memref<1x16x768xf32, #tpu.memory_space<vmem>> -> memref<16x768xf32, #tpu.memory_space<vmem>>
        %swap3A_1671 = arith.index_cast %scan3A_783 : i32 to index
        %swap3A_1672 = arith.constant 608 : index
        %swap3A_1673 = tpu.vector_load %swap3A_1670[%swap3A_1671, %swap3A_1672] {strides = array<i32>} : memref<16x768xf32, #tpu.memory_space<vmem>>, vector<16xf32>,
        tpu.vector_store %swap3A_1670[%swap3A_1671, %swap3A_1672], %add3A_1665 {strides = array<i32>} : memref<16x768xf32, #tpu.memory_space<vmem>>, vector<16xf32>,
        %swap3A_1674 = arith.constant 0 : i32
        %swap3A_1675 = arith.constant 0 : i32
        %swap3A_1676 = tpu.memref_slice %arg15[%scan3A_451, %swap3A_1674, %swap3A_1675] : memref<2x16x768xf32, #tpu.memory_space<vmem>> -> memref<1x16x768xf32, #tpu.memory_space<vmem>>
        %swap3A_1677 = tpu.memref_squeeze %swap3A_1676 : memref<1x16x768xf32, #tpu.memory_space<vmem>> -> memref<16x768xf32, #tpu.memory_space<vmem>>
        %swap3A_1678 = arith.index_cast %scan3A_783 : i32 to index
        %swap3A_1679 = arith.constant 624 : index
        %swap3A_1680 = tpu.vector_load %swap3A_1677[%swap3A_1678, %swap3A_1679] {strides = array<i32>} : memref<16x768xf32, #tpu.memory_space<vmem>>, vector<16xf32>,
        tpu.vector_store %swap3A_1677[%swap3A_1678, %swap3A_1679], %add3A_1666 {strides = array<i32>} : memref<16x768xf32, #tpu.memory_space<vmem>>, vector<16xf32>,
        %add3A_1681 = arith.addf %add3A_1595, %add3A_1665 : vector<16xf32>
        %mul3A_1682 = arith.mulf %add3A_1665, %add3A_1665 : vector<16xf32>
        %add3A_1683 = arith.addf %add3A_1597, %mul3A_1682 : vector<16xf32>
        %add3A_1684 = arith.addf %add3A_1598, %add3A_1666 : vector<16xf32>
        %mul3A_1685 = arith.mulf %add3A_1666, %add3A_1666 : vector<16xf32>
        %add3A_1686 = arith.addf %add3A_1600, %mul3A_1685 : vector<16xf32>
        %get3A_1687 = arith.constant 0 : i32
        %get3A_1688 = arith.constant 0 : i32
        %get3A_1689 = tpu.memref_slice %arg14[%scan3A_450, %get3A_1687, %get3A_1688] : memref<2x16x768xf32, #tpu.memory_space<vmem>> -> memref<1x16x768xf32, #tpu.memory_space<vmem>>
        %get3A_1690 = tpu.memref_squeeze %get3A_1689 : memref<1x16x768xf32, #tpu.memory_space<vmem>> -> memref<16x768xf32, #tpu.memory_space<vmem>>
        %get3A_1691 = arith.index_cast %scan3A_783 : i32 to index
        %get3A_1692 = arith.constant 704 : index
        %get3A_1693 = tpu.vector_load %get3A_1690[%get3A_1691, %get3A_1692] {strides = array<i32>} : memref<16x768xf32, #tpu.memory_space<vmem>>, vector<16xf32>,
        %get3A_1694 = arith.constant 0 : i32
        %get3A_1695 = arith.constant 0 : i32
        %get3A_1696 = tpu.memref_slice %arg14[%scan3A_450, %get3A_1694, %get3A_1695] : memref<2x16x768xf32, #tpu.memory_space<vmem>> -> memref<1x16x768xf32, #tpu.memory_space<vmem>>
        %get3A_1697 = tpu.memref_squeeze %get3A_1696 : memref<1x16x768xf32, #tpu.memory_space<vmem>> -> memref<16x768xf32, #tpu.memory_space<vmem>>
        %get3A_1698 = arith.index_cast %scan3A_783 : i32 to index
        %get3A_1699 = arith.constant 720 : index
        %get3A_1700 = tpu.vector_load %get3A_1697[%get3A_1698, %get3A_1699] {strides = array<i32>} : memref<16x768xf32, #tpu.memory_space<vmem>>, vector<16xf32>,
        %get3A_1701 = arith.index_cast %scan3A_784 : i32 to index
        %get3A_1702 = arith.index_cast %scan3A_783 : i32 to index
        %get3A_1703 = arith.constant 352 : index
        %get3A_1704 = tpu.vector_load %arg10[%get3A_1701, %get3A_1702, %get3A_1703] {strides = array<i32>} : memref<2x16x384xi32, #tpu.memory_space<vmem>>, vector<16xi32>,
        %bitcast3A_1705 = vector.bitcast %get3A_1618 : vector<16xi32> to vector<32xbf16>
        %unpack3A_1706 = tpu.unpack_subelements %bitcast3A_1705, 0 {pack_format = #tpu.pack_format<interleaved>} : vector<32xbf16> -> vector<16xf32>
        %unpack3A_1707 = tpu.unpack_subelements %bitcast3A_1705, 1 {pack_format = #tpu.pack_format<interleaved>} : vector<32xbf16> -> vector<16xf32>
        %add3A_1708 = arith.addf %get3A_1607, %unpack3A_1706 : vector<16xf32>
        %add3A_1709 = arith.addf %get3A_1614, %unpack3A_1707 : vector<16xf32>
        %swap3A_1710 = arith.constant 0 : i32
        %swap3A_1711 = arith.constant 0 : i32
        %swap3A_1712 = tpu.memref_slice %arg15[%scan3A_451, %swap3A_1710, %swap3A_1711] : memref<2x16x768xf32, #tpu.memory_space<vmem>> -> memref<1x16x768xf32, #tpu.memory_space<vmem>>
        %swap3A_1713 = tpu.memref_squeeze %swap3A_1712 : memref<1x16x768xf32, #tpu.memory_space<vmem>> -> memref<16x768xf32, #tpu.memory_space<vmem>>
        %swap3A_1714 = arith.index_cast %scan3A_783 : i32 to index
        %swap3A_1715 = arith.constant 640 : index
        %swap3A_1716 = tpu.vector_load %swap3A_1713[%swap3A_1714, %swap3A_1715] {strides = array<i32>} : memref<16x768xf32, #tpu.memory_space<vmem>>, vector<16xf32>,
        tpu.vector_store %swap3A_1713[%swap3A_1714, %swap3A_1715], %add3A_1708 {strides = array<i32>} : memref<16x768xf32, #tpu.memory_space<vmem>>, vector<16xf32>,
        %swap3A_1717 = arith.constant 0 : i32
        %swap3A_1718 = arith.constant 0 : i32
        %swap3A_1719 = tpu.memref_slice %arg15[%scan3A_451, %swap3A_1717, %swap3A_1718] : memref<2x16x768xf32, #tpu.memory_space<vmem>> -> memref<1x16x768xf32, #tpu.memory_space<vmem>>
        %swap3A_1720 = tpu.memref_squeeze %swap3A_1719 : memref<1x16x768xf32, #tpu.memory_space<vmem>> -> memref<16x768xf32, #tpu.memory_space<vmem>>
        %swap3A_1721 = arith.index_cast %scan3A_783 : i32 to index
        %swap3A_1722 = arith.constant 656 : index
        %swap3A_1723 = tpu.vector_load %swap3A_1720[%swap3A_1721, %swap3A_1722] {strides = array<i32>} : memref<16x768xf32, #tpu.memory_space<vmem>>, vector<16xf32>,
        tpu.vector_store %swap3A_1720[%swap3A_1721, %swap3A_1722], %add3A_1709 {strides = array<i32>} : memref<16x768xf32, #tpu.memory_space<vmem>>, vector<16xf32>,
        %add3A_1724 = arith.addf %add3A_1638, %add3A_1708 : vector<16xf32>
        %mul3A_1725 = arith.mulf %add3A_1708, %add3A_1708 : vector<16xf32>
        %add3A_1726 = arith.addf %add3A_1640, %mul3A_1725 : vector<16xf32>
        %add3A_1727 = arith.addf %add3A_1641, %add3A_1709 : vector<16xf32>
        %mul3A_1728 = arith.mulf %add3A_1709, %add3A_1709 : vector<16xf32>
        %add3A_1729 = arith.addf %add3A_1643, %mul3A_1728 : vector<16xf32>
        %get3A_1730 = arith.constant 0 : i32
        %get3A_1731 = arith.constant 0 : i32
        %get3A_1732 = tpu.memref_slice %arg14[%scan3A_450, %get3A_1730, %get3A_1731] : memref<2x16x768xf32, #tpu.memory_space<vmem>> -> memref<1x16x768xf32, #tpu.memory_space<vmem>>
        %get3A_1733 = tpu.memref_squeeze %get3A_1732 : memref<1x16x768xf32, #tpu.memory_space<vmem>> -> memref<16x768xf32, #tpu.memory_space<vmem>>
        %get3A_1734 = arith.index_cast %scan3A_783 : i32 to index
        %get3A_1735 = arith.constant 736 : index
        %get3A_1736 = tpu.vector_load %get3A_1733[%get3A_1734, %get3A_1735] {strides = array<i32>} : memref<16x768xf32, #tpu.memory_space<vmem>>, vector<16xf32>,
        %get3A_1737 = arith.constant 0 : i32
        %get3A_1738 = arith.constant 0 : i32
        %get3A_1739 = tpu.memref_slice %arg14[%scan3A_450, %get3A_1737, %get3A_1738] : memref<2x16x768xf32, #tpu.memory_space<vmem>> -> memref<1x16x768xf32, #tpu.memory_space<vmem>>
        %get3A_1740 = tpu.memref_squeeze %get3A_1739 : memref<1x16x768xf32, #tpu.memory_space<vmem>> -> memref<16x768xf32, #tpu.memory_space<vmem>>
        %get3A_1741 = arith.index_cast %scan3A_783 : i32 to index
        %get3A_1742 = arith.constant 752 : index
        %get3A_1743 = tpu.vector_load %get3A_1740[%get3A_1741, %get3A_1742] {strides = array<i32>} : memref<16x768xf32, #tpu.memory_space<vmem>>, vector<16xf32>,
        %get3A_1744 = arith.index_cast %scan3A_784 : i32 to index
        %get3A_1745 = arith.index_cast %scan3A_783 : i32 to index
        %get3A_1746 = arith.constant 368 : index
        %get3A_1747 = tpu.vector_load %arg10[%get3A_1744, %get3A_1745, %get3A_1746] {strides = array<i32>} : memref<2x16x384xi32, #tpu.memory_space<vmem>>, vector<16xi32>,
        %bitcast3A_1748 = vector.bitcast %get3A_1661 : vector<16xi32> to vector<32xbf16>
        %unpack3A_1749 = tpu.unpack_subelements %bitcast3A_1748, 0 {pack_format = #tpu.pack_format<interleaved>} : vector<32xbf16> -> vector<16xf32>
        %unpack3A_1750 = tpu.unpack_subelements %bitcast3A_1748, 1 {pack_format = #tpu.pack_format<interleaved>} : vector<32xbf16> -> vector<16xf32>
        %add3A_1751 = arith.addf %get3A_1650, %unpack3A_1749 : vector<16xf32>
        %add3A_1752 = arith.addf %get3A_1657, %unpack3A_1750 : vector<16xf32>
        %swap3A_1753 = arith.constant 0 : i32
        %swap3A_1754 = arith.constant 0 : i32
        %swap3A_1755 = tpu.memref_slice %arg15[%scan3A_451, %swap3A_1753, %swap3A_1754] : memref<2x16x768xf32, #tpu.memory_space<vmem>> -> memref<1x16x768xf32, #tpu.memory_space<vmem>>
        %swap3A_1756 = tpu.memref_squeeze %swap3A_1755 : memref<1x16x768xf32, #tpu.memory_space<vmem>> -> memref<16x768xf32, #tpu.memory_space<vmem>>
        %swap3A_1757 = arith.index_cast %scan3A_783 : i32 to index
        %swap3A_1758 = arith.constant 672 : index
        %swap3A_1759 = tpu.vector_load %swap3A_1756[%swap3A_1757, %swap3A_1758] {strides = array<i32>} : memref<16x768xf32, #tpu.memory_space<vmem>>, vector<16xf32>,
        tpu.vector_store %swap3A_1756[%swap3A_1757, %swap3A_1758], %add3A_1751 {strides = array<i32>} : memref<16x768xf32, #tpu.memory_space<vmem>>, vector<16xf32>,
        %swap3A_1760 = arith.constant 0 : i32
        %swap3A_1761 = arith.constant 0 : i32
        %swap3A_1762 = tpu.memref_slice %arg15[%scan3A_451, %swap3A_1760, %swap3A_1761] : memref<2x16x768xf32, #tpu.memory_space<vmem>> -> memref<1x16x768xf32, #tpu.memory_space<vmem>>
        %swap3A_1763 = tpu.memref_squeeze %swap3A_1762 : memref<1x16x768xf32, #tpu.memory_space<vmem>> -> memref<16x768xf32, #tpu.memory_space<vmem>>
        %swap3A_1764 = arith.index_cast %scan3A_783 : i32 to index
        %swap3A_1765 = arith.constant 688 : index
        %swap3A_1766 = tpu.vector_load %swap3A_1763[%swap3A_1764, %swap3A_1765] {strides = array<i32>} : memref<16x768xf32, #tpu.memory_space<vmem>>, vector<16xf32>,
        tpu.vector_store %swap3A_1763[%swap3A_1764, %swap3A_1765], %add3A_1752 {strides = array<i32>} : memref<16x768xf32, #tpu.memory_space<vmem>>, vector<16xf32>,
        %add3A_1767 = arith.addf %add3A_1681, %add3A_1751 : vector<16xf32>
        %mul3A_1768 = arith.mulf %add3A_1751, %add3A_1751 : vector<16xf32>
        %add3A_1769 = arith.addf %add3A_1683, %mul3A_1768 : vector<16xf32>
        %add3A_1770 = arith.addf %add3A_1684, %add3A_1752 : vector<16xf32>
        %mul3A_1771 = arith.mulf %add3A_1752, %add3A_1752 : vector<16xf32>
        %add3A_1772 = arith.addf %add3A_1686, %mul3A_1771 : vector<16xf32>
        %bitcast3A_1773 = vector.bitcast %get3A_1704 : vector<16xi32> to vector<32xbf16>
        %unpack3A_1774 = tpu.unpack_subelements %bitcast3A_1773, 0 {pack_format = #tpu.pack_format<interleaved>} : vector<32xbf16> -> vector<16xf32>
        %unpack3A_1775 = tpu.unpack_subelements %bitcast3A_1773, 1 {pack_format = #tpu.pack_format<interleaved>} : vector<32xbf16> -> vector<16xf32>
        %add3A_1776 = arith.addf %get3A_1693, %unpack3A_1774 : vector<16xf32>
        %add3A_1777 = arith.addf %get3A_1700, %unpack3A_1775 : vector<16xf32>
        %swap3A_1778 = arith.constant 0 : i32
        %swap3A_1779 = arith.constant 0 : i32
        %swap3A_1780 = tpu.memref_slice %arg15[%scan3A_451, %swap3A_1778, %swap3A_1779] : memref<2x16x768xf32, #tpu.memory_space<vmem>> -> memref<1x16x768xf32, #tpu.memory_space<vmem>>
        %swap3A_1781 = tpu.memref_squeeze %swap3A_1780 : memref<1x16x768xf32, #tpu.memory_space<vmem>> -> memref<16x768xf32, #tpu.memory_space<vmem>>
        %swap3A_1782 = arith.index_cast %scan3A_783 : i32 to index
        %swap3A_1783 = arith.constant 704 : index
        %swap3A_1784 = tpu.vector_load %swap3A_1781[%swap3A_1782, %swap3A_1783] {strides = array<i32>} : memref<16x768xf32, #tpu.memory_space<vmem>>, vector<16xf32>,
        tpu.vector_store %swap3A_1781[%swap3A_1782, %swap3A_1783], %add3A_1776 {strides = array<i32>} : memref<16x768xf32, #tpu.memory_space<vmem>>, vector<16xf32>,
        %swap3A_1785 = arith.constant 0 : i32
        %swap3A_1786 = arith.constant 0 : i32
        %swap3A_1787 = tpu.memref_slice %arg15[%scan3A_451, %swap3A_1785, %swap3A_1786] : memref<2x16x768xf32, #tpu.memory_space<vmem>> -> memref<1x16x768xf32, #tpu.memory_space<vmem>>
        %swap3A_1788 = tpu.memref_squeeze %swap3A_1787 : memref<1x16x768xf32, #tpu.memory_space<vmem>> -> memref<16x768xf32, #tpu.memory_space<vmem>>
        %swap3A_1789 = arith.index_cast %scan3A_783 : i32 to index
        %swap3A_1790 = arith.constant 720 : index
        %swap3A_1791 = tpu.vector_load %swap3A_1788[%swap3A_1789, %swap3A_1790] {strides = array<i32>} : memref<16x768xf32, #tpu.memory_space<vmem>>, vector<16xf32>,
        tpu.vector_store %swap3A_1788[%swap3A_1789, %swap3A_1790], %add3A_1777 {strides = array<i32>} : memref<16x768xf32, #tpu.memory_space<vmem>>, vector<16xf32>,
        %add3A_1792 = arith.addf %add3A_1724, %add3A_1776 : vector<16xf32>
        %mul3A_1793 = arith.mulf %add3A_1776, %add3A_1776 : vector<16xf32>
        %add3A_1794 = arith.addf %add3A_1726, %mul3A_1793 : vector<16xf32>
        %add3A_1795 = arith.addf %add3A_1727, %add3A_1777 : vector<16xf32>
        %mul3A_1796 = arith.mulf %add3A_1777, %add3A_1777 : vector<16xf32>
        %add3A_1797 = arith.addf %add3A_1729, %mul3A_1796 : vector<16xf32>
        %bitcast3A_1798 = vector.bitcast %get3A_1747 : vector<16xi32> to vector<32xbf16>
        %unpack3A_1799 = tpu.unpack_subelements %bitcast3A_1798, 0 {pack_format = #tpu.pack_format<interleaved>} : vector<32xbf16> -> vector<16xf32>
        %unpack3A_1800 = tpu.unpack_subelements %bitcast3A_1798, 1 {pack_format = #tpu.pack_format<interleaved>} : vector<32xbf16> -> vector<16xf32>
        %add3A_1801 = arith.addf %get3A_1736, %unpack3A_1799 : vector<16xf32>
        %add3A_1802 = arith.addf %get3A_1743, %unpack3A_1800 : vector<16xf32>
        %swap3A_1803 = arith.constant 0 : i32
        %swap3A_1804 = arith.constant 0 : i32
        %swap3A_1805 = tpu.memref_slice %arg15[%scan3A_451, %swap3A_1803, %swap3A_1804] : memref<2x16x768xf32, #tpu.memory_space<vmem>> -> memref<1x16x768xf32, #tpu.memory_space<vmem>>
        %swap3A_1806 = tpu.memref_squeeze %swap3A_1805 : memref<1x16x768xf32, #tpu.memory_space<vmem>> -> memref<16x768xf32, #tpu.memory_space<vmem>>
        %swap3A_1807 = arith.index_cast %scan3A_783 : i32 to index
        %swap3A_1808 = arith.constant 736 : index
        %swap3A_1809 = tpu.vector_load %swap3A_1806[%swap3A_1807, %swap3A_1808] {strides = array<i32>} : memref<16x768xf32, #tpu.memory_space<vmem>>, vector<16xf32>,
        tpu.vector_store %swap3A_1806[%swap3A_1807, %swap3A_1808], %add3A_1801 {strides = array<i32>} : memref<16x768xf32, #tpu.memory_space<vmem>>, vector<16xf32>,
        %swap3A_1810 = arith.constant 0 : i32
        %swap3A_1811 = arith.constant 0 : i32
        %swap3A_1812 = tpu.memref_slice %arg15[%scan3A_451, %swap3A_1810, %swap3A_1811] : memref<2x16x768xf32, #tpu.memory_space<vmem>> -> memref<1x16x768xf32, #tpu.memory_space<vmem>>
        %swap3A_1813 = tpu.memref_squeeze %swap3A_1812 : memref<1x16x768xf32, #tpu.memory_space<vmem>> -> memref<16x768xf32, #tpu.memory_space<vmem>>
        %swap3A_1814 = arith.index_cast %scan3A_783 : i32 to index
        %swap3A_1815 = arith.constant 752 : index
        %swap3A_1816 = tpu.vector_load %swap3A_1813[%swap3A_1814, %swap3A_1815] {strides = array<i32>} : memref<16x768xf32, #tpu.memory_space<vmem>>, vector<16xf32>,
        tpu.vector_store %swap3A_1813[%swap3A_1814, %swap3A_1815], %add3A_1802 {strides = array<i32>} : memref<16x768xf32, #tpu.memory_space<vmem>>, vector<16xf32>,
        %add3A_1817 = arith.addf %add3A_1767, %add3A_1801 : vector<16xf32>
        %mul3A_1818 = arith.mulf %add3A_1801, %add3A_1801 : vector<16xf32>
        %add3A_1819 = arith.addf %add3A_1769, %mul3A_1818 : vector<16xf32>
        %add3A_1820 = arith.addf %add3A_1770, %add3A_1802 : vector<16xf32>
        %mul3A_1821 = arith.mulf %add3A_1802, %add3A_1802 : vector<16xf32>
        %add3A_1822 = arith.addf %add3A_1772, %mul3A_1821 : vector<16xf32>
        %add3A_1823 = arith.addf %add3A_1792, %add3A_1795 : vector<16xf32>
        %add3A_1824 = arith.addf %add3A_1817, %add3A_1820 : vector<16xf32>
        %add3A_1825 = arith.addf %add3A_1823, %add3A_1824 : vector<16xf32>
        %add3A_1826 = arith.addf %add3A_1794, %add3A_1797 : vector<16xf32>
        %add3A_1827 = arith.addf %add3A_1819, %add3A_1822 : vector<16xf32>
        %add3A_1828 = arith.addf %add3A_1826, %add3A_1827 : vector<16xf32>
        %broadcast_in_dim3A_1829 = vector.broadcast %scan3A_783 : i32 to vector<16xi32>
        tpu.vector_store_idx %arg12[%iota3A, %broadcast_in_dim3A_1829], %add3A_1825 : memref<16x16xf32, #tpu.memory_space<vmem>>[vector<16xi32>, vector<16xi32>], vector<16xf32>,
        tpu.vector_store_idx %arg13[%iota3A, %broadcast_in_dim3A_1829], %add3A_1828 : memref<16x16xf32, #tpu.memory_space<vmem>>[vector<16xi32>, vector<16xi32>], vector<16xf32>,
        scf.yield %squeeze3A_792 : i32
      }
      %scan3A_457 = arith.constant 16 : i32
      %get3A_458 = arith.constant 0 : i32
      %get3A_459 = arith.index_cast %get3A_458 : i32 to index
      %get3A_460 = arith.constant 0 : index
      %get3A_461 = tpu.vector_load %arg12[%get3A_459, %get3A_460] {strides = array<i32>} : memref<16x16xf32, #tpu.memory_space<vmem>>, vector<16xf32>,
      %get3A_462 = arith.constant 1 : i32
      %get3A_463 = arith.index_cast %get3A_462 : i32 to index
      %get3A_464 = arith.constant 0 : index
      %get3A_465 = tpu.vector_load %arg12[%get3A_463, %get3A_464] {strides = array<i32>} : memref<16x16xf32, #tpu.memory_space<vmem>>, vector<16xf32>,
      %get3A_466 = arith.constant 2 : i32
      %get3A_467 = arith.index_cast %get3A_466 : i32 to index
      %get3A_468 = arith.constant 0 : index
      %get3A_469 = tpu.vector_load %arg12[%get3A_467, %get3A_468] {strides = array<i32>} : memref<16x16xf32, #tpu.memory_space<vmem>>, vector<16xf32>,
      %get3A_470 = arith.constant 3 : i32
      %get3A_471 = arith.index_cast %get3A_470 : i32 to index
      %get3A_472 = arith.constant 0 : index
      %get3A_473 = tpu.vector_load %arg12[%get3A_471, %get3A_472] {strides = array<i32>} : memref<16x16xf32, #tpu.memory_space<vmem>>, vector<16xf32>,
      %get3A_474 = arith.constant 4 : i32
      %get3A_475 = arith.index_cast %get3A_474 : i32 to index
      %get3A_476 = arith.constant 0 : index
      %get3A_477 = tpu.vector_load %arg12[%get3A_475, %get3A_476] {strides = array<i32>} : memref<16x16xf32, #tpu.memory_space<vmem>>, vector<16xf32>,
      %get3A_478 = arith.constant 5 : i32
      %get3A_479 = arith.index_cast %get3A_478 : i32 to index
      %get3A_480 = arith.constant 0 : index
      %get3A_481 = tpu.vector_load %arg12[%get3A_479, %get3A_480] {strides = array<i32>} : memref<16x16xf32, #tpu.memory_space<vmem>>, vector<16xf32>,
      %get3A_482 = arith.constant 6 : i32
      %get3A_483 = arith.index_cast %get3A_482 : i32 to index
      %get3A_484 = arith.constant 0 : index
      %get3A_485 = tpu.vector_load %arg12[%get3A_483, %get3A_484] {strides = array<i32>} : memref<16x16xf32, #tpu.memory_space<vmem>>, vector<16xf32>,
      %get3A_486 = arith.constant 7 : i32
      %get3A_487 = arith.index_cast %get3A_486 : i32 to index
      %get3A_488 = arith.constant 0 : index
      %get3A_489 = tpu.vector_load %arg12[%get3A_487, %get3A_488] {strides = array<i32>} : memref<16x16xf32, #tpu.memory_space<vmem>>, vector<16xf32>,
      %get3A_490 = arith.constant 8 : i32
      %get3A_491 = arith.index_cast %get3A_490 : i32 to index
      %get3A_492 = arith.constant 0 : index
      %get3A_493 = tpu.vector_load %arg12[%get3A_491, %get3A_492] {strides = array<i32>} : memref<16x16xf32, #tpu.memory_space<vmem>>, vector<16xf32>,
      %get3A_494 = arith.constant 9 : i32
      %get3A_495 = arith.index_cast %get3A_494 : i32 to index
      %get3A_496 = arith.constant 0 : index
      %get3A_497 = tpu.vector_load %arg12[%get3A_495, %get3A_496] {strides = array<i32>} : memref<16x16xf32, #tpu.memory_space<vmem>>, vector<16xf32>,
      %get3A_498 = arith.constant 10 : i32
      %get3A_499 = arith.index_cast %get3A_498 : i32 to index
      %get3A_500 = arith.constant 0 : index
      %get3A_501 = tpu.vector_load %arg12[%get3A_499, %get3A_500] {strides = array<i32>} : memref<16x16xf32, #tpu.memory_space<vmem>>, vector<16xf32>,
      %get3A_502 = arith.constant 11 : i32
      %get3A_503 = arith.index_cast %get3A_502 : i32 to index
      %get3A_504 = arith.constant 0 : index
      %get3A_505 = tpu.vector_load %arg12[%get3A_503, %get3A_504] {strides = array<i32>} : memref<16x16xf32, #tpu.memory_space<vmem>>, vector<16xf32>,
      %get3A_506 = arith.constant 12 : i32
      %get3A_507 = arith.index_cast %get3A_506 : i32 to index
      %get3A_508 = arith.constant 0 : index
      %get3A_509 = tpu.vector_load %arg12[%get3A_507, %get3A_508] {strides = array<i32>} : memref<16x16xf32, #tpu.memory_space<vmem>>, vector<16xf32>,
      %get3A_510 = arith.constant 13 : i32
      %get3A_511 = arith.index_cast %get3A_510 : i32 to index
      %get3A_512 = arith.constant 0 : index
      %get3A_513 = tpu.vector_load %arg12[%get3A_511, %get3A_512] {strides = array<i32>} : memref<16x16xf32, #tpu.memory_space<vmem>>, vector<16xf32>,
      %get3A_514 = arith.constant 14 : i32
      %get3A_515 = arith.index_cast %get3A_514 : i32 to index
      %get3A_516 = arith.constant 0 : index
      %get3A_517 = tpu.vector_load %arg12[%get3A_515, %get3A_516] {strides = array<i32>} : memref<16x16xf32, #tpu.memory_space<vmem>>, vector<16xf32>,
      %get3A_518 = arith.constant 15 : i32
      %get3A_519 = arith.index_cast %get3A_518 : i32 to index
      %get3A_520 = arith.constant 0 : index
      %get3A_521 = tpu.vector_load %arg12[%get3A_519, %get3A_520] {strides = array<i32>} : memref<16x16xf32, #tpu.memory_space<vmem>>, vector<16xf32>,
      %get3A_522 = arith.constant 0 : i32
      %get3A_523 = arith.index_cast %get3A_522 : i32 to index
      %get3A_524 = arith.constant 0 : index
      %get3A_525 = tpu.vector_load %arg13[%get3A_523, %get3A_524] {strides = array<i32>} : memref<16x16xf32, #tpu.memory_space<vmem>>, vector<16xf32>,
      %get3A_526 = arith.constant 1 : i32
      %get3A_527 = arith.index_cast %get3A_526 : i32 to index
      %get3A_528 = arith.constant 0 : index
      %get3A_529 = tpu.vector_load %arg13[%get3A_527, %get3A_528] {strides = array<i32>} : memref<16x16xf32, #tpu.memory_space<vmem>>, vector<16xf32>,
      %get3A_530 = arith.constant 2 : i32
      %get3A_531 = arith.index_cast %get3A_530 : i32 to index
      %get3A_532 = arith.constant 0 : index
      %get3A_533 = tpu.vector_load %arg13[%get3A_531, %get3A_532] {strides = array<i32>} : memref<16x16xf32, #tpu.memory_space<vmem>>, vector<16xf32>,
      %get3A_534 = arith.constant 3 : i32
      %get3A_535 = arith.index_cast %get3A_534 : i32 to index
      %get3A_536 = arith.constant 0 : index
      %get3A_537 = tpu.vector_load %arg13[%get3A_535, %get3A_536] {strides = array<i32>} : memref<16x16xf32, #tpu.memory_space<vmem>>, vector<16xf32>,
      %get3A_538 = arith.constant 4 : i32
      %get3A_539 = arith.index_cast %get3A_538 : i32 to index
      %get3A_540 = arith.constant 0 : index
      %get3A_541 = tpu.vector_load %arg13[%get3A_539, %get3A_540] {strides = array<i32>} : memref<16x16xf32, #tpu.memory_space<vmem>>, vector<16xf32>,
      %get3A_542 = arith.constant 5 : i32
      %get3A_543 = arith.index_cast %get3A_542 : i32 to index
      %get3A_544 = arith.constant 0 : index
      %get3A_545 = tpu.vector_load %arg13[%get3A_543, %get3A_544] {strides = array<i32>} : memref<16x16xf32, #tpu.memory_space<vmem>>, vector<16xf32>,
      %get3A_546 = arith.constant 6 : i32
      %get3A_547 = arith.index_cast %get3A_546 : i32 to index
      %get3A_548 = arith.constant 0 : index
      %get3A_549 = tpu.vector_load %arg13[%get3A_547, %get3A_548] {strides = array<i32>} : memref<16x16xf32, #tpu.memory_space<vmem>>, vector<16xf32>,
      %get3A_550 = arith.constant 7 : i32
      %get3A_551 = arith.index_cast %get3A_550 : i32 to index
      %get3A_552 = arith.constant 0 : index
      %get3A_553 = tpu.vector_load %arg13[%get3A_551, %get3A_552] {strides = array<i32>} : memref<16x16xf32, #tpu.memory_space<vmem>>, vector<16xf32>,
      %get3A_554 = arith.constant 8 : i32
      %get3A_555 = arith.index_cast %get3A_554 : i32 to index
      %get3A_556 = arith.constant 0 : index
      %get3A_557 = tpu.vector_load %arg13[%get3A_555, %get3A_556] {strides = array<i32>} : memref<16x16xf32, #tpu.memory_space<vmem>>, vector<16xf32>,
      %get3A_558 = arith.constant 9 : i32
      %get3A_559 = arith.index_cast %get3A_558 : i32 to index
      %get3A_560 = arith.constant 0 : index
      %get3A_561 = tpu.vector_load %arg13[%get3A_559, %get3A_560] {strides = array<i32>} : memref<16x16xf32, #tpu.memory_space<vmem>>, vector<16xf32>,
      %get3A_562 = arith.constant 10 : i32
      %get3A_563 = arith.index_cast %get3A_562 : i32 to index
      %get3A_564 = arith.constant 0 : index
      %get3A_565 = tpu.vector_load %arg13[%get3A_563, %get3A_564] {strides = array<i32>} : memref<16x16xf32, #tpu.memory_space<vmem>>, vector<16xf32>,
      %get3A_566 = arith.constant 11 : i32
      %get3A_567 = arith.index_cast %get3A_566 : i32 to index
      %get3A_568 = arith.constant 0 : index
      %get3A_569 = tpu.vector_load %arg13[%get3A_567, %get3A_568] {strides = array<i32>} : memref<16x16xf32, #tpu.memory_space<vmem>>, vector<16xf32>,
      %get3A_570 = arith.constant 12 : i32
      %get3A_571 = arith.index_cast %get3A_570 : i32 to index
      %get3A_572 = arith.constant 0 : index
      %get3A_573 = tpu.vector_load %arg13[%get3A_571, %get3A_572] {strides = array<i32>} : memref<16x16xf32, #tpu.memory_space<vmem>>, vector<16xf32>,
      %get3A_574 = arith.constant 13 : i32
      %get3A_575 = arith.index_cast %get3A_574 : i32 to index
      %get3A_576 = arith.constant 0 : index
      %get3A_577 = tpu.vector_load %arg13[%get3A_575, %get3A_576] {strides = array<i32>} : memref<16x16xf32, #tpu.memory_space<vmem>>, vector<16xf32>,
      %get3A_578 = arith.constant 14 : i32
      %get3A_579 = arith.index_cast %get3A_578 : i32 to index
      %get3A_580 = arith.constant 0 : index
      %get3A_581 = tpu.vector_load %arg13[%get3A_579, %get3A_580] {strides = array<i32>} : memref<16x16xf32, #tpu.memory_space<vmem>>, vector<16xf32>,
      %get3A_582 = arith.constant 15 : i32
      %get3A_583 = arith.index_cast %get3A_582 : i32 to index
      %get3A_584 = arith.constant 0 : index
      %get3A_585 = tpu.vector_load %arg13[%get3A_583, %get3A_584] {strides = array<i32>} : memref<16x16xf32, #tpu.memory_space<vmem>>, vector<16xf32>,
      %add3A_586 = arith.addf %get3A_461, %get3A_465 : vector<16xf32>
      %add3A_587 = arith.addf %get3A_469, %get3A_473 : vector<16xf32>
      %add3A_588 = arith.addf %get3A_477, %get3A_481 : vector<16xf32>
      %add3A_589 = arith.addf %get3A_485, %get3A_489 : vector<16xf32>
      %add3A_590 = arith.addf %get3A_493, %get3A_497 : vector<16xf32>
      %add3A_591 = arith.addf %get3A_501, %get3A_505 : vector<16xf32>
      %add3A_592 = arith.addf %get3A_509, %get3A_513 : vector<16xf32>
      %add3A_593 = arith.addf %get3A_517, %get3A_521 : vector<16xf32>
      %add3A_594 = arith.addf %get3A_525, %get3A_529 : vector<16xf32>
      %add3A_595 = arith.addf %get3A_533, %get3A_537 : vector<16xf32>
      %add3A_596 = arith.addf %get3A_541, %get3A_545 : vector<16xf32>
      %add3A_597 = arith.addf %get3A_549, %get3A_553 : vector<16xf32>
      %add3A_598 = arith.addf %get3A_557, %get3A_561 : vector<16xf32>
      %add3A_599 = arith.addf %get3A_565, %get3A_569 : vector<16xf32>
      %add3A_600 = arith.addf %get3A_573, %get3A_577 : vector<16xf32>
      %add3A_601 = arith.addf %get3A_581, %get3A_585 : vector<16xf32>
      %add3A_602 = arith.addf %add3A_586, %add3A_587 : vector<16xf32>
      %add3A_603 = arith.addf %add3A_588, %add3A_589 : vector<16xf32>
      %add3A_604 = arith.addf %add3A_590, %add3A_591 : vector<16xf32>
      %add3A_605 = arith.addf %add3A_592, %add3A_593 : vector<16xf32>
      %add3A_606 = arith.addf %add3A_594, %add3A_595 : vector<16xf32>
      %add3A_607 = arith.addf %add3A_596, %add3A_597 : vector<16xf32>
      %add3A_608 = arith.addf %add3A_598, %add3A_599 : vector<16xf32>
      %add3A_609 = arith.addf %add3A_600, %add3A_601 : vector<16xf32>
      %add3A_610 = arith.addf %add3A_602, %add3A_603 : vector<16xf32>
      %add3A_611 = arith.addf %add3A_604, %add3A_605 : vector<16xf32>
      %add3A_612 = arith.addf %add3A_606, %add3A_607 : vector<16xf32>
      %add3A_613 = arith.addf %add3A_608, %add3A_609 : vector<16xf32>
      %add3A_614 = arith.addf %add3A_610, %add3A_611 : vector<16xf32>
      %add3A_615 = arith.addf %add3A_612, %add3A_613 : vector<16xf32>
      %mul3A_616 = vector.broadcast %scan3A : f32 to vector<16xf32>
      %mul3A_617 = arith.mulf %add3A_614, %mul3A_616 : vector<16xf32>
      %mul3A_618 = vector.broadcast %scan3A : f32 to vector<16xf32>
      %mul3A_619 = arith.mulf %add3A_615, %mul3A_618 : vector<16xf32>
      %mul3A_620 = arith.mulf %mul3A_617, %mul3A_617 : vector<16xf32>
      %sub3A_621 = arith.subf %mul3A_619, %mul3A_620 : vector<16xf32>
      %max3A_622 = arith.constant 0.000000e+00 : f32
      %max3A_623 = vector.broadcast %max3A_622 : f32 to vector<16xf32>
      %max3A_624 = arith.maximumf %sub3A_621, %max3A_623 : vector<16xf32>
      %add3A_625 = arith.constant 9.99999996E-13 : f32
      %add3A_626 = vector.broadcast %add3A_625 : f32 to vector<16xf32>
      %add3A_627 = arith.addf %max3A_624, %add3A_626 : vector<16xf32>
      %bitcast3A_628 = vector.bitcast %add3A_627 : vector<16xf32> to vector<16xi32>
      %shift_right_arithmetic3A_629 = arith.constant 1 : i32
      %shift_right_arithmetic3A_630 = vector.broadcast %shift_right_arithmetic3A_629 : i32 to vector<16xi32>
      %shift_right_arithmetic3A_631 = arith.shrsi %bitcast3A_628, %shift_right_arithmetic3A_630 : vector<16xi32>
      %sub3A_632 = arith.constant 1597463007 : i32
      %sub3A_633 = vector.broadcast %sub3A_632 : i32 to vector<16xi32>
      %sub3A_634 = arith.subi %sub3A_633, %shift_right_arithmetic3A_631 : vector<16xi32>
      %bitcast3A_635 = vector.bitcast %sub3A_634 : vector<16xi32> to vector<16xf32>
      %mul3A_636 = arith.constant 5.000000e-01 : f32
      %mul3A_637 = vector.broadcast %mul3A_636 : f32 to vector<16xf32>
      %mul3A_638 = arith.mulf %mul3A_637, %add3A_627 : vector<16xf32>
      %mul3A_639 = arith.mulf %mul3A_638, %bitcast3A_635 : vector<16xf32>
      %mul3A_640 = arith.mulf %mul3A_639, %bitcast3A_635 : vector<16xf32>
      %sub3A_641 = arith.constant 1.500000e+00 : f32
      %sub3A_642 = vector.broadcast %sub3A_641 : f32 to vector<16xf32>
      %sub3A_643 = arith.subf %sub3A_642, %mul3A_640 : vector<16xf32>
      %mul3A_644 = arith.mulf %bitcast3A_635, %sub3A_643 : vector<16xf32>
      %mul3A_645 = arith.constant 5.000000e-01 : f32
      %mul3A_646 = vector.broadcast %mul3A_645 : f32 to vector<16xf32>
      %mul3A_647 = arith.mulf %mul3A_646, %add3A_627 : vector<16xf32>
      %mul3A_648 = arith.mulf %mul3A_647, %mul3A_644 : vector<16xf32>
      %mul3A_649 = arith.mulf %mul3A_648, %mul3A_644 : vector<16xf32>
      %sub3A_650 = arith.constant 1.500000e+00 : f32
      %sub3A_651 = vector.broadcast %sub3A_650 : f32 to vector<16xf32>
      %sub3A_652 = arith.subf %sub3A_651, %mul3A_649 : vector<16xf32>
      %mul3A_653 = arith.mulf %mul3A_644, %sub3A_652 : vector<16xf32>
      %mul3A_654 = arith.constant 5.000000e-01 : f32
      %mul3A_655 = vector.broadcast %mul3A_654 : f32 to vector<16xf32>
      %mul3A_656 = arith.mulf %mul3A_655, %add3A_627 : vector<16xf32>
      %mul3A_657 = arith.mulf %mul3A_656, %mul3A_653 : vector<16xf32>
      %mul3A_658 = arith.mulf %mul3A_657, %mul3A_653 : vector<16xf32>
      %sub3A_659 = arith.constant 1.500000e+00 : f32
      %sub3A_660 = vector.broadcast %sub3A_659 : f32 to vector<16xf32>
      %sub3A_661 = arith.subf %sub3A_660, %mul3A_658 : vector<16xf32>
      %mul3A_662 = arith.mulf %mul3A_653, %sub3A_661 : vector<16xf32>
      %neg3A_663 = arith.constant 0.000000e+00 : f32
      %neg3A_664 = vector.broadcast %neg3A_663 : f32 to vector<16xf32>
      %neg3A_665 = arith.subf %neg3A_664, %mul3A_617 : vector<16xf32>
      %mul3A_666 = arith.mulf %neg3A_665, %mul3A_662 : vector<16xf32>
      %broadcast_in_dim3A_667 = arith.constant 0 : i32
      %broadcast_in_dim3A_668 = vector.broadcast %broadcast_in_dim3A_667 : i32 to vector<16x1xi32>
      %gather3A_669 = vector.shape_cast %broadcast_in_dim3A_668 : vector<16x1xi32> to vector<16xi32>
      %gather3A_670 = tpu.dynamic_gather %mul3A_662[%gather3A_669] in [0] : vector<16xf32>, vector<16xi32> -> vector<16xf32>
      %gather3A_671 = vector.shape_cast %broadcast_in_dim3A_668 : vector<16x1xi32> to vector<16xi32>
      %gather3A_672 = tpu.dynamic_gather %mul3A_666[%gather3A_671] in [0] : vector<16xf32>, vector<16xi32> -> vector<16xf32>
      %broadcast_in_dim3A_673 = arith.constant 1 : i32
      %broadcast_in_dim3A_674 = vector.broadcast %broadcast_in_dim3A_673 : i32 to vector<16x1xi32>
      %gather3A_675 = vector.shape_cast %broadcast_in_dim3A_674 : vector<16x1xi32> to vector<16xi32>
      %gather3A_676 = tpu.dynamic_gather %mul3A_662[%gather3A_675] in [0] : vector<16xf32>, vector<16xi32> -> vector<16xf32>
      %gather3A_677 = vector.shape_cast %broadcast_in_dim3A_674 : vector<16x1xi32> to vector<16xi32>
      %gather3A_678 = tpu.dynamic_gather %mul3A_666[%gather3A_677] in [0] : vector<16xf32>, vector<16xi32> -> vector<16xf32>
      %broadcast_in_dim3A_679 = arith.constant 2 : i32
      %broadcast_in_dim3A_680 = vector.broadcast %broadcast_in_dim3A_679 : i32 to vector<16x1xi32>
      %gather3A_681 = vector.shape_cast %broadcast_in_dim3A_680 : vector<16x1xi32> to vector<16xi32>
      %gather3A_682 = tpu.dynamic_gather %mul3A_662[%gather3A_681] in [0] : vector<16xf32>, vector<16xi32> -> vector<16xf32>
      %gather3A_683 = vector.shape_cast %broadcast_in_dim3A_680 : vector<16x1xi32> to vector<16xi32>
      %gather3A_684 = tpu.dynamic_gather %mul3A_666[%gather3A_683] in [0] : vector<16xf32>, vector<16xi32> -> vector<16xf32>
      %broadcast_in_dim3A_685 = arith.constant 3 : i32
      %broadcast_in_dim3A_686 = vector.broadcast %broadcast_in_dim3A_685 : i32 to vector<16x1xi32>
      %gather3A_687 = vector.shape_cast %broadcast_in_dim3A_686 : vector<16x1xi32> to vector<16xi32>
      %gather3A_688 = tpu.dynamic_gather %mul3A_662[%gather3A_687] in [0] : vector<16xf32>, vector<16xi32> -> vector<16xf32>
      %gather3A_689 = vector.shape_cast %broadcast_in_dim3A_686 : vector<16x1xi32> to vector<16xi32>
      %gather3A_690 = tpu.dynamic_gather %mul3A_666[%gather3A_689] in [0] : vector<16xf32>, vector<16xi32> -> vector<16xf32>
      %broadcast_in_dim3A_691 = arith.constant 4 : i32
      %broadcast_in_dim3A_692 = vector.broadcast %broadcast_in_dim3A_691 : i32 to vector<16x1xi32>
      %gather3A_693 = vector.shape_cast %broadcast_in_dim3A_692 : vector<16x1xi32> to vector<16xi32>
      %gather3A_694 = tpu.dynamic_gather %mul3A_662[%gather3A_693] in [0] : vector<16xf32>, vector<16xi32> -> vector<16xf32>
      %gather3A_695 = vector.shape_cast %broadcast_in_dim3A_692 : vector<16x1xi32> to vector<16xi32>
      %gather3A_696 = tpu.dynamic_gather %mul3A_666[%gather3A_695] in [0] : vector<16xf32>, vector<16xi32> -> vector<16xf32>
      %broadcast_in_dim3A_697 = arith.constant 5 : i32
      %broadcast_in_dim3A_698 = vector.broadcast %broadcast_in_dim3A_697 : i32 to vector<16x1xi32>
      %gather3A_699 = vector.shape_cast %broadcast_in_dim3A_698 : vector<16x1xi32> to vector<16xi32>
      %gather3A_700 = tpu.dynamic_gather %mul3A_662[%gather3A_699] in [0] : vector<16xf32>, vector<16xi32> -> vector<16xf32>
      %gather3A_701 = vector.shape_cast %broadcast_in_dim3A_698 : vector<16x1xi32> to vector<16xi32>
      %gather3A_702 = tpu.dynamic_gather %mul3A_666[%gather3A_701] in [0] : vector<16xf32>, vector<16xi32> -> vector<16xf32>
      %broadcast_in_dim3A_703 = arith.constant 6 : i32
      %broadcast_in_dim3A_704 = vector.broadcast %broadcast_in_dim3A_703 : i32 to vector<16x1xi32>
      %gather3A_705 = vector.shape_cast %broadcast_in_dim3A_704 : vector<16x1xi32> to vector<16xi32>
      %gather3A_706 = tpu.dynamic_gather %mul3A_662[%gather3A_705] in [0] : vector<16xf32>, vector<16xi32> -> vector<16xf32>
      %gather3A_707 = vector.shape_cast %broadcast_in_dim3A_704 : vector<16x1xi32> to vector<16xi32>
      %gather3A_708 = tpu.dynamic_gather %mul3A_666[%gather3A_707] in [0] : vector<16xf32>, vector<16xi32> -> vector<16xf32>
      %broadcast_in_dim3A_709 = arith.constant 7 : i32
      %broadcast_in_dim3A_710 = vector.broadcast %broadcast_in_dim3A_709 : i32 to vector<16x1xi32>
      %gather3A_711 = vector.shape_cast %broadcast_in_dim3A_710 : vector<16x1xi32> to vector<16xi32>
      %gather3A_712 = tpu.dynamic_gather %mul3A_662[%gather3A_711] in [0] : vector<16xf32>, vector<16xi32> -> vector<16xf32>
      %gather3A_713 = vector.shape_cast %broadcast_in_dim3A_710 : vector<16x1xi32> to vector<16xi32>
      %gather3A_714 = tpu.dynamic_gather %mul3A_666[%gather3A_713] in [0] : vector<16xf32>, vector<16xi32> -> vector<16xf32>
      %broadcast_in_dim3A_715 = arith.constant 8 : i32
      %broadcast_in_dim3A_716 = vector.broadcast %broadcast_in_dim3A_715 : i32 to vector<16x1xi32>
      %gather3A_717 = vector.shape_cast %broadcast_in_dim3A_716 : vector<16x1xi32> to vector<16xi32>
      %gather3A_718 = tpu.dynamic_gather %mul3A_662[%gather3A_717] in [0] : vector<16xf32>, vector<16xi32> -> vector<16xf32>
      %gather3A_719 = vector.shape_cast %broadcast_in_dim3A_716 : vector<16x1xi32> to vector<16xi32>
      %gather3A_720 = tpu.dynamic_gather %mul3A_666[%gather3A_719] in [0] : vector<16xf32>, vector<16xi32> -> vector<16xf32>
      %broadcast_in_dim3A_721 = arith.constant 9 : i32
      %broadcast_in_dim3A_722 = vector.broadcast %broadcast_in_dim3A_721 : i32 to vector<16x1xi32>
      %gather3A_723 = vector.shape_cast %broadcast_in_dim3A_722 : vector<16x1xi32> to vector<16xi32>
      %gather3A_724 = tpu.dynamic_gather %mul3A_662[%gather3A_723] in [0] : vector<16xf32>, vector<16xi32> -> vector<16xf32>
      %gather3A_725 = vector.shape_cast %broadcast_in_dim3A_722 : vector<16x1xi32> to vector<16xi32>
      %gather3A_726 = tpu.dynamic_gather %mul3A_666[%gather3A_725] in [0] : vector<16xf32>, vector<16xi32> -> vector<16xf32>
      %broadcast_in_dim3A_727 = arith.constant 10 : i32
      %broadcast_in_dim3A_728 = vector.broadcast %broadcast_in_dim3A_727 : i32 to vector<16x1xi32>
      %gather3A_729 = vector.shape_cast %broadcast_in_dim3A_728 : vector<16x1xi32> to vector<16xi32>
      %gather3A_730 = tpu.dynamic_gather %mul3A_662[%gather3A_729] in [0] : vector<16xf32>, vector<16xi32> -> vector<16xf32>
      %gather3A_731 = vector.shape_cast %broadcast_in_dim3A_728 : vector<16x1xi32> to vector<16xi32>
      %gather3A_732 = tpu.dynamic_gather %mul3A_666[%gather3A_731] in [0] : vector<16xf32>, vector<16xi32> -> vector<16xf32>
      %broadcast_in_dim3A_733 = arith.constant 11 : i32
      %broadcast_in_dim3A_734 = vector.broadcast %broadcast_in_dim3A_733 : i32 to vector<16x1xi32>
      %gather3A_735 = vector.shape_cast %broadcast_in_dim3A_734 : vector<16x1xi32> to vector<16xi32>
      %gather3A_736 = tpu.dynamic_gather %mul3A_662[%gather3A_735] in [0] : vector<16xf32>, vector<16xi32> -> vector<16xf32>
      %gather3A_737 = vector.shape_cast %broadcast_in_dim3A_734 : vector<16x1xi32> to vector<16xi32>
      %gather3A_738 = tpu.dynamic_gather %mul3A_666[%gather3A_737] in [0] : vector<16xf32>, vector<16xi32> -> vector<16xf32>
      %broadcast_in_dim3A_739 = arith.constant 12 : i32
      %broadcast_in_dim3A_740 = vector.broadcast %broadcast_in_dim3A_739 : i32 to vector<16x1xi32>
      %gather3A_741 = vector.shape_cast %broadcast_in_dim3A_740 : vector<16x1xi32> to vector<16xi32>
      %gather3A_742 = tpu.dynamic_gather %mul3A_662[%gather3A_741] in [0] : vector<16xf32>, vector<16xi32> -> vector<16xf32>
      %gather3A_743 = vector.shape_cast %broadcast_in_dim3A_740 : vector<16x1xi32> to vector<16xi32>
      %gather3A_744 = tpu.dynamic_gather %mul3A_666[%gather3A_743] in [0] : vector<16xf32>, vector<16xi32> -> vector<16xf32>
      %broadcast_in_dim3A_745 = arith.constant 13 : i32
      %broadcast_in_dim3A_746 = vector.broadcast %broadcast_in_dim3A_745 : i32 to vector<16x1xi32>
      %gather3A_747 = vector.shape_cast %broadcast_in_dim3A_746 : vector<16x1xi32> to vector<16xi32>
      %gather3A_748 = tpu.dynamic_gather %mul3A_662[%gather3A_747] in [0] : vector<16xf32>, vector<16xi32> -> vector<16xf32>
      %gather3A_749 = vector.shape_cast %broadcast_in_dim3A_746 : vector<16x1xi32> to vector<16xi32>
      %gather3A_750 = tpu.dynamic_gather %mul3A_666[%gather3A_749] in [0] : vector<16xf32>, vector<16xi32> -> vector<16xf32>
      %broadcast_in_dim3A_751 = arith.constant 14 : i32
      %broadcast_in_dim3A_752 = vector.broadcast %broadcast_in_dim3A_751 : i32 to vector<16x1xi32>
      %gather3A_753 = vector.shape_cast %broadcast_in_dim3A_752 : vector<16x1xi32> to vector<16xi32>
      %gather3A_754 = tpu.dynamic_gather %mul3A_662[%gather3A_753] in [0] : vector<16xf32>, vector<16xi32> -> vector<16xf32>
      %gather3A_755 = vector.shape_cast %broadcast_in_dim3A_752 : vector<16x1xi32> to vector<16xi32>
      %gather3A_756 = tpu.dynamic_gather %mul3A_666[%gather3A_755] in [0] : vector<16xf32>, vector<16xi32> -> vector<16xf32>
      %broadcast_in_dim3A_757 = arith.constant 15 : i32
      %broadcast_in_dim3A_758 = vector.broadcast %broadcast_in_dim3A_757 : i32 to vector<16x1xi32>
      %gather3A_759 = vector.shape_cast %broadcast_in_dim3A_758 : vector<16x1xi32> to vector<16xi32>
      %gather3A_760 = tpu.dynamic_gather %mul3A_662[%gather3A_759] in [0] : vector<16xf32>, vector<16xi32> -> vector<16xf32>
      %gather3A_761 = vector.shape_cast %broadcast_in_dim3A_758 : vector<16x1xi32> to vector<16xi32>
      %gather3A_762 = tpu.dynamic_gather %mul3A_666[%gather3A_761] in [0] : vector<16xf32>, vector<16xi32> -> vector<16xf32>
      %parallel_loop3A_763 = arith.constant 0 : i32
      %parallel_loop3A_764 = arith.constant 48 : i32
      %parallel_loop3A_765 = arith.constant 1 : i32
      %parallel_loop3A_766 = arith.constant 1 : i32
      scf.for %parallel_loop3A_783 = %parallel_loop3A_763 to %parallel_loop3A_764 step %parallel_loop3A_765  : i32 {
        %parallel_loop3A_784 = arith.constant 16 : i32
        %parallel_loop3A_785 = arith.muli %parallel_loop3A_783, %parallel_loop3A_784 : i32
        %parallel_loop3A_786 = arith.index_cast %parallel_loop3A_785 : i32 to index
        %parallel_loop3A_787 = tpu.vector_load %arg11[%parallel_loop3A_786] {strides = array<i32>} : memref<768xi32, #tpu.memory_space<vmem>>, vector<16xi32>,
        %parallel_loop3A_788 = vector.bitcast %parallel_loop3A_787 : vector<16xi32> to vector<32xbf16>
        %parallel_loop3A_789 = tpu.unpack_subelements %parallel_loop3A_788, 0 {pack_format = #tpu.pack_format<interleaved>} : vector<32xbf16> -> vector<16xf32>
        %parallel_loop3A_790 = tpu.unpack_subelements %parallel_loop3A_788, 1 {pack_format = #tpu.pack_format<interleaved>} : vector<32xbf16> -> vector<16xf32>
        %parallel_loop3A_791 = arith.constant 0 : i32
        %parallel_loop3A_792 = arith.constant 0 : i32
        %parallel_loop3A_793 = arith.constant 0 : i32
        %parallel_loop3A_794 = tpu.memref_slice %arg15[%parallel_loop3A_766, %parallel_loop3A_792, %parallel_loop3A_793] : memref<2x16x768xf32, #tpu.memory_space<vmem>> -> memref<1x16x768xf32, #tpu.memory_space<vmem>>
        %parallel_loop3A_795 = tpu.memref_squeeze %parallel_loop3A_794 : memref<1x16x768xf32, #tpu.memory_space<vmem>> -> memref<16x768xf32, #tpu.memory_space<vmem>>
        %parallel_loop3A_796 = arith.index_cast %parallel_loop3A_791 : i32 to index
        %parallel_loop3A_797 = arith.index_cast %parallel_loop3A_785 : i32 to index
        %parallel_loop3A_798 = tpu.vector_load %parallel_loop3A_795[%parallel_loop3A_796, %parallel_loop3A_797] {strides = array<i32>} : memref<16x768xf32, #tpu.memory_space<vmem>>, vector<16xf32>,
        %parallel_loop3A_799 = arith.mulf %parallel_loop3A_798, %gather3A_670 : vector<16xf32>
        %parallel_loop3A_800 = arith.addf %parallel_loop3A_799, %gather3A_672 : vector<16xf32>
        %parallel_loop3A_801 = arith.mulf %parallel_loop3A_800, %parallel_loop3A_789 : vector<16xf32>
        %parallel_loop3A_802 = arith.addf %parallel_loop3A_801, %parallel_loop3A_790 : vector<16xf32>
        %parallel_loop3A_803 = arith.constant 0 : i32
        %parallel_loop3A_804 = arith.constant 0 : i32
        %parallel_loop3A_805 = arith.constant 0 : i32
        %parallel_loop3A_806 = tpu.memref_slice %arg15[%parallel_loop3A_766, %parallel_loop3A_804, %parallel_loop3A_805] : memref<2x16x768xf32, #tpu.memory_space<vmem>> -> memref<1x16x768xf32, #tpu.memory_space<vmem>>
        %parallel_loop3A_807 = tpu.memref_squeeze %parallel_loop3A_806 : memref<1x16x768xf32, #tpu.memory_space<vmem>> -> memref<16x768xf32, #tpu.memory_space<vmem>>
        %parallel_loop3A_808 = arith.index_cast %parallel_loop3A_803 : i32 to index
        %parallel_loop3A_809 = arith.index_cast %parallel_loop3A_785 : i32 to index
        %parallel_loop3A_810 = tpu.vector_load %parallel_loop3A_807[%parallel_loop3A_808, %parallel_loop3A_809] {strides = array<i32>} : memref<16x768xf32, #tpu.memory_space<vmem>>, vector<16xf32>,
        tpu.vector_store %parallel_loop3A_807[%parallel_loop3A_808, %parallel_loop3A_809], %parallel_loop3A_802 {strides = array<i32>} : memref<16x768xf32, #tpu.memory_space<vmem>>, vector<16xf32>,
        %parallel_loop3A_811 = arith.constant 1 : i32
        %parallel_loop3A_812 = arith.constant 0 : i32
        %parallel_loop3A_813 = arith.constant 0 : i32
        %parallel_loop3A_814 = tpu.memref_slice %arg15[%parallel_loop3A_766, %parallel_loop3A_812, %parallel_loop3A_813] : memref<2x16x768xf32, #tpu.memory_space<vmem>> -> memref<1x16x768xf32, #tpu.memory_space<vmem>>
        %parallel_loop3A_815 = tpu.memref_squeeze %parallel_loop3A_814 : memref<1x16x768xf32, #tpu.memory_space<vmem>> -> memref<16x768xf32, #tpu.memory_space<vmem>>
        %parallel_loop3A_816 = arith.index_cast %parallel_loop3A_811 : i32 to index
        %parallel_loop3A_817 = arith.index_cast %parallel_loop3A_785 : i32 to index
        %parallel_loop3A_818 = tpu.vector_load %parallel_loop3A_815[%parallel_loop3A_816, %parallel_loop3A_817] {strides = array<i32>} : memref<16x768xf32, #tpu.memory_space<vmem>>, vector<16xf32>,
        %parallel_loop3A_819 = arith.mulf %parallel_loop3A_818, %gather3A_676 : vector<16xf32>
        %parallel_loop3A_820 = arith.addf %parallel_loop3A_819, %gather3A_678 : vector<16xf32>
        %parallel_loop3A_821 = arith.mulf %parallel_loop3A_820, %parallel_loop3A_789 : vector<16xf32>
        %parallel_loop3A_822 = arith.addf %parallel_loop3A_821, %parallel_loop3A_790 : vector<16xf32>
        %parallel_loop3A_823 = arith.constant 1 : i32
        %parallel_loop3A_824 = arith.constant 0 : i32
        %parallel_loop3A_825 = arith.constant 0 : i32
        %parallel_loop3A_826 = tpu.memref_slice %arg15[%parallel_loop3A_766, %parallel_loop3A_824, %parallel_loop3A_825] : memref<2x16x768xf32, #tpu.memory_space<vmem>> -> memref<1x16x768xf32, #tpu.memory_space<vmem>>
        %parallel_loop3A_827 = tpu.memref_squeeze %parallel_loop3A_826 : memref<1x16x768xf32, #tpu.memory_space<vmem>> -> memref<16x768xf32, #tpu.memory_space<vmem>>
        %parallel_loop3A_828 = arith.index_cast %parallel_loop3A_823 : i32 to index
        %parallel_loop3A_829 = arith.index_cast %parallel_loop3A_785 : i32 to index
        %parallel_loop3A_830 = tpu.vector_load %parallel_loop3A_827[%parallel_loop3A_828, %parallel_loop3A_829] {strides = array<i32>} : memref<16x768xf32, #tpu.memory_space<vmem>>, vector<16xf32>,
        tpu.vector_store %parallel_loop3A_827[%parallel_loop3A_828, %parallel_loop3A_829], %parallel_loop3A_822 {strides = array<i32>} : memref<16x768xf32, #tpu.memory_space<vmem>>, vector<16xf32>,
        %parallel_loop3A_831 = arith.constant 2 : i32
        %parallel_loop3A_832 = arith.constant 0 : i32
        %parallel_loop3A_833 = arith.constant 0 : i32
        %parallel_loop3A_834 = tpu.memref_slice %arg15[%parallel_loop3A_766, %parallel_loop3A_832, %parallel_loop3A_833] : memref<2x16x768xf32, #tpu.memory_space<vmem>> -> memref<1x16x768xf32, #tpu.memory_space<vmem>>
        %parallel_loop3A_835 = tpu.memref_squeeze %parallel_loop3A_834 : memref<1x16x768xf32, #tpu.memory_space<vmem>> -> memref<16x768xf32, #tpu.memory_space<vmem>>
        %parallel_loop3A_836 = arith.index_cast %parallel_loop3A_831 : i32 to index
        %parallel_loop3A_837 = arith.index_cast %parallel_loop3A_785 : i32 to index
        %parallel_loop3A_838 = tpu.vector_load %parallel_loop3A_835[%parallel_loop3A_836, %parallel_loop3A_837] {strides = array<i32>} : memref<16x768xf32, #tpu.memory_space<vmem>>, vector<16xf32>,
        %parallel_loop3A_839 = arith.mulf %parallel_loop3A_838, %gather3A_682 : vector<16xf32>
        %parallel_loop3A_840 = arith.addf %parallel_loop3A_839, %gather3A_684 : vector<16xf32>
        %parallel_loop3A_841 = arith.mulf %parallel_loop3A_840, %parallel_loop3A_789 : vector<16xf32>
        %parallel_loop3A_842 = arith.addf %parallel_loop3A_841, %parallel_loop3A_790 : vector<16xf32>
        %parallel_loop3A_843 = arith.constant 2 : i32
        %parallel_loop3A_844 = arith.constant 0 : i32
        %parallel_loop3A_845 = arith.constant 0 : i32
        %parallel_loop3A_846 = tpu.memref_slice %arg15[%parallel_loop3A_766, %parallel_loop3A_844, %parallel_loop3A_845] : memref<2x16x768xf32, #tpu.memory_space<vmem>> -> memref<1x16x768xf32, #tpu.memory_space<vmem>>
        %parallel_loop3A_847 = tpu.memref_squeeze %parallel_loop3A_846 : memref<1x16x768xf32, #tpu.memory_space<vmem>> -> memref<16x768xf32, #tpu.memory_space<vmem>>
        %parallel_loop3A_848 = arith.index_cast %parallel_loop3A_843 : i32 to index
        %parallel_loop3A_849 = arith.index_cast %parallel_loop3A_785 : i32 to index
        %parallel_loop3A_850 = tpu.vector_load %parallel_loop3A_847[%parallel_loop3A_848, %parallel_loop3A_849] {strides = array<i32>} : memref<16x768xf32, #tpu.memory_space<vmem>>, vector<16xf32>,
        tpu.vector_store %parallel_loop3A_847[%parallel_loop3A_848, %parallel_loop3A_849], %parallel_loop3A_842 {strides = array<i32>} : memref<16x768xf32, #tpu.memory_space<vmem>>, vector<16xf32>,
        %parallel_loop3A_851 = arith.constant 3 : i32
        %parallel_loop3A_852 = arith.constant 0 : i32
        %parallel_loop3A_853 = arith.constant 0 : i32
        %parallel_loop3A_854 = tpu.memref_slice %arg15[%parallel_loop3A_766, %parallel_loop3A_852, %parallel_loop3A_853] : memref<2x16x768xf32, #tpu.memory_space<vmem>> -> memref<1x16x768xf32, #tpu.memory_space<vmem>>
        %parallel_loop3A_855 = tpu.memref_squeeze %parallel_loop3A_854 : memref<1x16x768xf32, #tpu.memory_space<vmem>> -> memref<16x768xf32, #tpu.memory_space<vmem>>
        %parallel_loop3A_856 = arith.index_cast %parallel_loop3A_851 : i32 to index
        %parallel_loop3A_857 = arith.index_cast %parallel_loop3A_785 : i32 to index
        %parallel_loop3A_858 = tpu.vector_load %parallel_loop3A_855[%parallel_loop3A_856, %parallel_loop3A_857] {strides = array<i32>} : memref<16x768xf32, #tpu.memory_space<vmem>>, vector<16xf32>,
        %parallel_loop3A_859 = arith.mulf %parallel_loop3A_858, %gather3A_688 : vector<16xf32>
        %parallel_loop3A_860 = arith.addf %parallel_loop3A_859, %gather3A_690 : vector<16xf32>
        %parallel_loop3A_861 = arith.mulf %parallel_loop3A_860, %parallel_loop3A_789 : vector<16xf32>
        %parallel_loop3A_862 = arith.addf %parallel_loop3A_861, %parallel_loop3A_790 : vector<16xf32>
        %parallel_loop3A_863 = arith.constant 3 : i32
        %parallel_loop3A_864 = arith.constant 0 : i32
        %parallel_loop3A_865 = arith.constant 0 : i32
        %parallel_loop3A_866 = tpu.memref_slice %arg15[%parallel_loop3A_766, %parallel_loop3A_864, %parallel_loop3A_865] : memref<2x16x768xf32, #tpu.memory_space<vmem>> -> memref<1x16x768xf32, #tpu.memory_space<vmem>>
        %parallel_loop3A_867 = tpu.memref_squeeze %parallel_loop3A_866 : memref<1x16x768xf32, #tpu.memory_space<vmem>> -> memref<16x768xf32, #tpu.memory_space<vmem>>
        %parallel_loop3A_868 = arith.index_cast %parallel_loop3A_863 : i32 to index
        %parallel_loop3A_869 = arith.index_cast %parallel_loop3A_785 : i32 to index
        %parallel_loop3A_870 = tpu.vector_load %parallel_loop3A_867[%parallel_loop3A_868, %parallel_loop3A_869] {strides = array<i32>} : memref<16x768xf32, #tpu.memory_space<vmem>>, vector<16xf32>,
        tpu.vector_store %parallel_loop3A_867[%parallel_loop3A_868, %parallel_loop3A_869], %parallel_loop3A_862 {strides = array<i32>} : memref<16x768xf32, #tpu.memory_space<vmem>>, vector<16xf32>,
        %parallel_loop3A_871 = arith.constant 4 : i32
        %parallel_loop3A_872 = arith.constant 0 : i32
        %parallel_loop3A_873 = arith.constant 0 : i32
        %parallel_loop3A_874 = tpu.memref_slice %arg15[%parallel_loop3A_766, %parallel_loop3A_872, %parallel_loop3A_873] : memref<2x16x768xf32, #tpu.memory_space<vmem>> -> memref<1x16x768xf32, #tpu.memory_space<vmem>>
        %parallel_loop3A_875 = tpu.memref_squeeze %parallel_loop3A_874 : memref<1x16x768xf32, #tpu.memory_space<vmem>> -> memref<16x768xf32, #tpu.memory_space<vmem>>
        %parallel_loop3A_876 = arith.index_cast %parallel_loop3A_871 : i32 to index
        %parallel_loop3A_877 = arith.index_cast %parallel_loop3A_785 : i32 to index
        %parallel_loop3A_878 = tpu.vector_load %parallel_loop3A_875[%parallel_loop3A_876, %parallel_loop3A_877] {strides = array<i32>} : memref<16x768xf32, #tpu.memory_space<vmem>>, vector<16xf32>,
        %parallel_loop3A_879 = arith.mulf %parallel_loop3A_878, %gather3A_694 : vector<16xf32>
        %parallel_loop3A_880 = arith.addf %parallel_loop3A_879, %gather3A_696 : vector<16xf32>
        %parallel_loop3A_881 = arith.mulf %parallel_loop3A_880, %parallel_loop3A_789 : vector<16xf32>
        %parallel_loop3A_882 = arith.addf %parallel_loop3A_881, %parallel_loop3A_790 : vector<16xf32>
        %parallel_loop3A_883 = arith.constant 4 : i32
        %parallel_loop3A_884 = arith.constant 0 : i32
        %parallel_loop3A_885 = arith.constant 0 : i32
        %parallel_loop3A_886 = tpu.memref_slice %arg15[%parallel_loop3A_766, %parallel_loop3A_884, %parallel_loop3A_885] : memref<2x16x768xf32, #tpu.memory_space<vmem>> -> memref<1x16x768xf32, #tpu.memory_space<vmem>>
        %parallel_loop3A_887 = tpu.memref_squeeze %parallel_loop3A_886 : memref<1x16x768xf32, #tpu.memory_space<vmem>> -> memref<16x768xf32, #tpu.memory_space<vmem>>
        %parallel_loop3A_888 = arith.index_cast %parallel_loop3A_883 : i32 to index
        %parallel_loop3A_889 = arith.index_cast %parallel_loop3A_785 : i32 to index
        %parallel_loop3A_890 = tpu.vector_load %parallel_loop3A_887[%parallel_loop3A_888, %parallel_loop3A_889] {strides = array<i32>} : memref<16x768xf32, #tpu.memory_space<vmem>>, vector<16xf32>,
        tpu.vector_store %parallel_loop3A_887[%parallel_loop3A_888, %parallel_loop3A_889], %parallel_loop3A_882 {strides = array<i32>} : memref<16x768xf32, #tpu.memory_space<vmem>>, vector<16xf32>,
        %parallel_loop3A_891 = arith.constant 5 : i32
        %parallel_loop3A_892 = arith.constant 0 : i32
        %parallel_loop3A_893 = arith.constant 0 : i32
        %parallel_loop3A_894 = tpu.memref_slice %arg15[%parallel_loop3A_766, %parallel_loop3A_892, %parallel_loop3A_893] : memref<2x16x768xf32, #tpu.memory_space<vmem>> -> memref<1x16x768xf32, #tpu.memory_space<vmem>>
        %parallel_loop3A_895 = tpu.memref_squeeze %parallel_loop3A_894 : memref<1x16x768xf32, #tpu.memory_space<vmem>> -> memref<16x768xf32, #tpu.memory_space<vmem>>
        %parallel_loop3A_896 = arith.index_cast %parallel_loop3A_891 : i32 to index
        %parallel_loop3A_897 = arith.index_cast %parallel_loop3A_785 : i32 to index
        %parallel_loop3A_898 = tpu.vector_load %parallel_loop3A_895[%parallel_loop3A_896, %parallel_loop3A_897] {strides = array<i32>} : memref<16x768xf32, #tpu.memory_space<vmem>>, vector<16xf32>,
        %parallel_loop3A_899 = arith.mulf %parallel_loop3A_898, %gather3A_700 : vector<16xf32>
        %parallel_loop3A_900 = arith.addf %parallel_loop3A_899, %gather3A_702 : vector<16xf32>
        %parallel_loop3A_901 = arith.mulf %parallel_loop3A_900, %parallel_loop3A_789 : vector<16xf32>
        %parallel_loop3A_902 = arith.addf %parallel_loop3A_901, %parallel_loop3A_790 : vector<16xf32>
        %parallel_loop3A_903 = arith.constant 5 : i32
        %parallel_loop3A_904 = arith.constant 0 : i32
        %parallel_loop3A_905 = arith.constant 0 : i32
        %parallel_loop3A_906 = tpu.memref_slice %arg15[%parallel_loop3A_766, %parallel_loop3A_904, %parallel_loop3A_905] : memref<2x16x768xf32, #tpu.memory_space<vmem>> -> memref<1x16x768xf32, #tpu.memory_space<vmem>>
        %parallel_loop3A_907 = tpu.memref_squeeze %parallel_loop3A_906 : memref<1x16x768xf32, #tpu.memory_space<vmem>> -> memref<16x768xf32, #tpu.memory_space<vmem>>
        %parallel_loop3A_908 = arith.index_cast %parallel_loop3A_903 : i32 to index
        %parallel_loop3A_909 = arith.index_cast %parallel_loop3A_785 : i32 to index
        %parallel_loop3A_910 = tpu.vector_load %parallel_loop3A_907[%parallel_loop3A_908, %parallel_loop3A_909] {strides = array<i32>} : memref<16x768xf32, #tpu.memory_space<vmem>>, vector<16xf32>,
        tpu.vector_store %parallel_loop3A_907[%parallel_loop3A_908, %parallel_loop3A_909], %parallel_loop3A_902 {strides = array<i32>} : memref<16x768xf32, #tpu.memory_space<vmem>>, vector<16xf32>,
        %parallel_loop3A_911 = arith.constant 6 : i32
        %parallel_loop3A_912 = arith.constant 0 : i32
        %parallel_loop3A_913 = arith.constant 0 : i32
        %parallel_loop3A_914 = tpu.memref_slice %arg15[%parallel_loop3A_766, %parallel_loop3A_912, %parallel_loop3A_913] : memref<2x16x768xf32, #tpu.memory_space<vmem>> -> memref<1x16x768xf32, #tpu.memory_space<vmem>>
        %parallel_loop3A_915 = tpu.memref_squeeze %parallel_loop3A_914 : memref<1x16x768xf32, #tpu.memory_space<vmem>> -> memref<16x768xf32, #tpu.memory_space<vmem>>
        %parallel_loop3A_916 = arith.index_cast %parallel_loop3A_911 : i32 to index
        %parallel_loop3A_917 = arith.index_cast %parallel_loop3A_785 : i32 to index
        %parallel_loop3A_918 = tpu.vector_load %parallel_loop3A_915[%parallel_loop3A_916, %parallel_loop3A_917] {strides = array<i32>} : memref<16x768xf32, #tpu.memory_space<vmem>>, vector<16xf32>,
        %parallel_loop3A_919 = arith.mulf %parallel_loop3A_918, %gather3A_706 : vector<16xf32>
        %parallel_loop3A_920 = arith.addf %parallel_loop3A_919, %gather3A_708 : vector<16xf32>
        %parallel_loop3A_921 = arith.mulf %parallel_loop3A_920, %parallel_loop3A_789 : vector<16xf32>
        %parallel_loop3A_922 = arith.addf %parallel_loop3A_921, %parallel_loop3A_790 : vector<16xf32>
        %parallel_loop3A_923 = arith.constant 6 : i32
        %parallel_loop3A_924 = arith.constant 0 : i32
        %parallel_loop3A_925 = arith.constant 0 : i32
        %parallel_loop3A_926 = tpu.memref_slice %arg15[%parallel_loop3A_766, %parallel_loop3A_924, %parallel_loop3A_925] : memref<2x16x768xf32, #tpu.memory_space<vmem>> -> memref<1x16x768xf32, #tpu.memory_space<vmem>>
        %parallel_loop3A_927 = tpu.memref_squeeze %parallel_loop3A_926 : memref<1x16x768xf32, #tpu.memory_space<vmem>> -> memref<16x768xf32, #tpu.memory_space<vmem>>
        %parallel_loop3A_928 = arith.index_cast %parallel_loop3A_923 : i32 to index
        %parallel_loop3A_929 = arith.index_cast %parallel_loop3A_785 : i32 to index
        %parallel_loop3A_930 = tpu.vector_load %parallel_loop3A_927[%parallel_loop3A_928, %parallel_loop3A_929] {strides = array<i32>} : memref<16x768xf32, #tpu.memory_space<vmem>>, vector<16xf32>,
        tpu.vector_store %parallel_loop3A_927[%parallel_loop3A_928, %parallel_loop3A_929], %parallel_loop3A_922 {strides = array<i32>} : memref<16x768xf32, #tpu.memory_space<vmem>>, vector<16xf32>,
        %parallel_loop3A_931 = arith.constant 7 : i32
        %parallel_loop3A_932 = arith.constant 0 : i32
        %parallel_loop3A_933 = arith.constant 0 : i32
        %parallel_loop3A_934 = tpu.memref_slice %arg15[%parallel_loop3A_766, %parallel_loop3A_932, %parallel_loop3A_933] : memref<2x16x768xf32, #tpu.memory_space<vmem>> -> memref<1x16x768xf32, #tpu.memory_space<vmem>>
        %parallel_loop3A_935 = tpu.memref_squeeze %parallel_loop3A_934 : memref<1x16x768xf32, #tpu.memory_space<vmem>> -> memref<16x768xf32, #tpu.memory_space<vmem>>
        %parallel_loop3A_936 = arith.index_cast %parallel_loop3A_931 : i32 to index
        %parallel_loop3A_937 = arith.index_cast %parallel_loop3A_785 : i32 to index
        %parallel_loop3A_938 = tpu.vector_load %parallel_loop3A_935[%parallel_loop3A_936, %parallel_loop3A_937] {strides = array<i32>} : memref<16x768xf32, #tpu.memory_space<vmem>>, vector<16xf32>,
        %parallel_loop3A_939 = arith.mulf %parallel_loop3A_938, %gather3A_712 : vector<16xf32>
        %parallel_loop3A_940 = arith.addf %parallel_loop3A_939, %gather3A_714 : vector<16xf32>
        %parallel_loop3A_941 = arith.mulf %parallel_loop3A_940, %parallel_loop3A_789 : vector<16xf32>
        %parallel_loop3A_942 = arith.addf %parallel_loop3A_941, %parallel_loop3A_790 : vector<16xf32>
        %parallel_loop3A_943 = arith.constant 7 : i32
        %parallel_loop3A_944 = arith.constant 0 : i32
        %parallel_loop3A_945 = arith.constant 0 : i32
        %parallel_loop3A_946 = tpu.memref_slice %arg15[%parallel_loop3A_766, %parallel_loop3A_944, %parallel_loop3A_945] : memref<2x16x768xf32, #tpu.memory_space<vmem>> -> memref<1x16x768xf32, #tpu.memory_space<vmem>>
        %parallel_loop3A_947 = tpu.memref_squeeze %parallel_loop3A_946 : memref<1x16x768xf32, #tpu.memory_space<vmem>> -> memref<16x768xf32, #tpu.memory_space<vmem>>
        %parallel_loop3A_948 = arith.index_cast %parallel_loop3A_943 : i32 to index
        %parallel_loop3A_949 = arith.index_cast %parallel_loop3A_785 : i32 to index
        %parallel_loop3A_950 = tpu.vector_load %parallel_loop3A_947[%parallel_loop3A_948, %parallel_loop3A_949] {strides = array<i32>} : memref<16x768xf32, #tpu.memory_space<vmem>>, vector<16xf32>,
        tpu.vector_store %parallel_loop3A_947[%parallel_loop3A_948, %parallel_loop3A_949], %parallel_loop3A_942 {strides = array<i32>} : memref<16x768xf32, #tpu.memory_space<vmem>>, vector<16xf32>,
        %parallel_loop3A_951 = arith.constant 8 : i32
        %parallel_loop3A_952 = arith.constant 0 : i32
        %parallel_loop3A_953 = arith.constant 0 : i32
        %parallel_loop3A_954 = tpu.memref_slice %arg15[%parallel_loop3A_766, %parallel_loop3A_952, %parallel_loop3A_953] : memref<2x16x768xf32, #tpu.memory_space<vmem>> -> memref<1x16x768xf32, #tpu.memory_space<vmem>>
        %parallel_loop3A_955 = tpu.memref_squeeze %parallel_loop3A_954 : memref<1x16x768xf32, #tpu.memory_space<vmem>> -> memref<16x768xf32, #tpu.memory_space<vmem>>
        %parallel_loop3A_956 = arith.index_cast %parallel_loop3A_951 : i32 to index
        %parallel_loop3A_957 = arith.index_cast %parallel_loop3A_785 : i32 to index
        %parallel_loop3A_958 = tpu.vector_load %parallel_loop3A_955[%parallel_loop3A_956, %parallel_loop3A_957] {strides = array<i32>} : memref<16x768xf32, #tpu.memory_space<vmem>>, vector<16xf32>,
        %parallel_loop3A_959 = arith.mulf %parallel_loop3A_958, %gather3A_718 : vector<16xf32>
        %parallel_loop3A_960 = arith.addf %parallel_loop3A_959, %gather3A_720 : vector<16xf32>
        %parallel_loop3A_961 = arith.mulf %parallel_loop3A_960, %parallel_loop3A_789 : vector<16xf32>
        %parallel_loop3A_962 = arith.addf %parallel_loop3A_961, %parallel_loop3A_790 : vector<16xf32>
        %parallel_loop3A_963 = arith.constant 8 : i32
        %parallel_loop3A_964 = arith.constant 0 : i32
        %parallel_loop3A_965 = arith.constant 0 : i32
        %parallel_loop3A_966 = tpu.memref_slice %arg15[%parallel_loop3A_766, %parallel_loop3A_964, %parallel_loop3A_965] : memref<2x16x768xf32, #tpu.memory_space<vmem>> -> memref<1x16x768xf32, #tpu.memory_space<vmem>>
        %parallel_loop3A_967 = tpu.memref_squeeze %parallel_loop3A_966 : memref<1x16x768xf32, #tpu.memory_space<vmem>> -> memref<16x768xf32, #tpu.memory_space<vmem>>
        %parallel_loop3A_968 = arith.index_cast %parallel_loop3A_963 : i32 to index
        %parallel_loop3A_969 = arith.index_cast %parallel_loop3A_785 : i32 to index
        %parallel_loop3A_970 = tpu.vector_load %parallel_loop3A_967[%parallel_loop3A_968, %parallel_loop3A_969] {strides = array<i32>} : memref<16x768xf32, #tpu.memory_space<vmem>>, vector<16xf32>,
        tpu.vector_store %parallel_loop3A_967[%parallel_loop3A_968, %parallel_loop3A_969], %parallel_loop3A_962 {strides = array<i32>} : memref<16x768xf32, #tpu.memory_space<vmem>>, vector<16xf32>,
        %parallel_loop3A_971 = arith.constant 9 : i32
        %parallel_loop3A_972 = arith.constant 0 : i32
        %parallel_loop3A_973 = arith.constant 0 : i32
        %parallel_loop3A_974 = tpu.memref_slice %arg15[%parallel_loop3A_766, %parallel_loop3A_972, %parallel_loop3A_973] : memref<2x16x768xf32, #tpu.memory_space<vmem>> -> memref<1x16x768xf32, #tpu.memory_space<vmem>>
        %parallel_loop3A_975 = tpu.memref_squeeze %parallel_loop3A_974 : memref<1x16x768xf32, #tpu.memory_space<vmem>> -> memref<16x768xf32, #tpu.memory_space<vmem>>
        %parallel_loop3A_976 = arith.index_cast %parallel_loop3A_971 : i32 to index
        %parallel_loop3A_977 = arith.index_cast %parallel_loop3A_785 : i32 to index
        %parallel_loop3A_978 = tpu.vector_load %parallel_loop3A_975[%parallel_loop3A_976, %parallel_loop3A_977] {strides = array<i32>} : memref<16x768xf32, #tpu.memory_space<vmem>>, vector<16xf32>,
        %parallel_loop3A_979 = arith.mulf %parallel_loop3A_978, %gather3A_724 : vector<16xf32>
        %parallel_loop3A_980 = arith.addf %parallel_loop3A_979, %gather3A_726 : vector<16xf32>
        %parallel_loop3A_981 = arith.mulf %parallel_loop3A_980, %parallel_loop3A_789 : vector<16xf32>
        %parallel_loop3A_982 = arith.addf %parallel_loop3A_981, %parallel_loop3A_790 : vector<16xf32>
        %parallel_loop3A_983 = arith.constant 9 : i32
        %parallel_loop3A_984 = arith.constant 0 : i32
        %parallel_loop3A_985 = arith.constant 0 : i32
        %parallel_loop3A_986 = tpu.memref_slice %arg15[%parallel_loop3A_766, %parallel_loop3A_984, %parallel_loop3A_985] : memref<2x16x768xf32, #tpu.memory_space<vmem>> -> memref<1x16x768xf32, #tpu.memory_space<vmem>>
        %parallel_loop3A_987 = tpu.memref_squeeze %parallel_loop3A_986 : memref<1x16x768xf32, #tpu.memory_space<vmem>> -> memref<16x768xf32, #tpu.memory_space<vmem>>
        %parallel_loop3A_988 = arith.index_cast %parallel_loop3A_983 : i32 to index
        %parallel_loop3A_989 = arith.index_cast %parallel_loop3A_785 : i32 to index
        %parallel_loop3A_990 = tpu.vector_load %parallel_loop3A_987[%parallel_loop3A_988, %parallel_loop3A_989] {strides = array<i32>} : memref<16x768xf32, #tpu.memory_space<vmem>>, vector<16xf32>,
        tpu.vector_store %parallel_loop3A_987[%parallel_loop3A_988, %parallel_loop3A_989], %parallel_loop3A_982 {strides = array<i32>} : memref<16x768xf32, #tpu.memory_space<vmem>>, vector<16xf32>,
        %parallel_loop3A_991 = arith.constant 10 : i32
        %parallel_loop3A_992 = arith.constant 0 : i32
        %parallel_loop3A_993 = arith.constant 0 : i32
        %parallel_loop3A_994 = tpu.memref_slice %arg15[%parallel_loop3A_766, %parallel_loop3A_992, %parallel_loop3A_993] : memref<2x16x768xf32, #tpu.memory_space<vmem>> -> memref<1x16x768xf32, #tpu.memory_space<vmem>>
        %parallel_loop3A_995 = tpu.memref_squeeze %parallel_loop3A_994 : memref<1x16x768xf32, #tpu.memory_space<vmem>> -> memref<16x768xf32, #tpu.memory_space<vmem>>
        %parallel_loop3A_996 = arith.index_cast %parallel_loop3A_991 : i32 to index
        %parallel_loop3A_997 = arith.index_cast %parallel_loop3A_785 : i32 to index
        %parallel_loop3A_998 = tpu.vector_load %parallel_loop3A_995[%parallel_loop3A_996, %parallel_loop3A_997] {strides = array<i32>} : memref<16x768xf32, #tpu.memory_space<vmem>>, vector<16xf32>,
        %parallel_loop3A_999 = arith.mulf %parallel_loop3A_998, %gather3A_730 : vector<16xf32>
        %parallel_loop3A_1000 = arith.addf %parallel_loop3A_999, %gather3A_732 : vector<16xf32>
        %parallel_loop3A_1001 = arith.mulf %parallel_loop3A_1000, %parallel_loop3A_789 : vector<16xf32>
        %parallel_loop3A_1002 = arith.addf %parallel_loop3A_1001, %parallel_loop3A_790 : vector<16xf32>
        %parallel_loop3A_1003 = arith.constant 10 : i32
        %parallel_loop3A_1004 = arith.constant 0 : i32
        %parallel_loop3A_1005 = arith.constant 0 : i32
        %parallel_loop3A_1006 = tpu.memref_slice %arg15[%parallel_loop3A_766, %parallel_loop3A_1004, %parallel_loop3A_1005] : memref<2x16x768xf32, #tpu.memory_space<vmem>> -> memref<1x16x768xf32, #tpu.memory_space<vmem>>
        %parallel_loop3A_1007 = tpu.memref_squeeze %parallel_loop3A_1006 : memref<1x16x768xf32, #tpu.memory_space<vmem>> -> memref<16x768xf32, #tpu.memory_space<vmem>>
        %parallel_loop3A_1008 = arith.index_cast %parallel_loop3A_1003 : i32 to index
        %parallel_loop3A_1009 = arith.index_cast %parallel_loop3A_785 : i32 to index
        %parallel_loop3A_1010 = tpu.vector_load %parallel_loop3A_1007[%parallel_loop3A_1008, %parallel_loop3A_1009] {strides = array<i32>} : memref<16x768xf32, #tpu.memory_space<vmem>>, vector<16xf32>,
        tpu.vector_store %parallel_loop3A_1007[%parallel_loop3A_1008, %parallel_loop3A_1009], %parallel_loop3A_1002 {strides = array<i32>} : memref<16x768xf32, #tpu.memory_space<vmem>>, vector<16xf32>,
        %parallel_loop3A_1011 = arith.constant 11 : i32
        %parallel_loop3A_1012 = arith.constant 0 : i32
        %parallel_loop3A_1013 = arith.constant 0 : i32
        %parallel_loop3A_1014 = tpu.memref_slice %arg15[%parallel_loop3A_766, %parallel_loop3A_1012, %parallel_loop3A_1013] : memref<2x16x768xf32, #tpu.memory_space<vmem>> -> memref<1x16x768xf32, #tpu.memory_space<vmem>>
        %parallel_loop3A_1015 = tpu.memref_squeeze %parallel_loop3A_1014 : memref<1x16x768xf32, #tpu.memory_space<vmem>> -> memref<16x768xf32, #tpu.memory_space<vmem>>
        %parallel_loop3A_1016 = arith.index_cast %parallel_loop3A_1011 : i32 to index
        %parallel_loop3A_1017 = arith.index_cast %parallel_loop3A_785 : i32 to index
        %parallel_loop3A_1018 = tpu.vector_load %parallel_loop3A_1015[%parallel_loop3A_1016, %parallel_loop3A_1017] {strides = array<i32>} : memref<16x768xf32, #tpu.memory_space<vmem>>, vector<16xf32>,
        %parallel_loop3A_1019 = arith.mulf %parallel_loop3A_1018, %gather3A_736 : vector<16xf32>
        %parallel_loop3A_1020 = arith.addf %parallel_loop3A_1019, %gather3A_738 : vector<16xf32>
        %parallel_loop3A_1021 = arith.mulf %parallel_loop3A_1020, %parallel_loop3A_789 : vector<16xf32>
        %parallel_loop3A_1022 = arith.addf %parallel_loop3A_1021, %parallel_loop3A_790 : vector<16xf32>
        %parallel_loop3A_1023 = arith.constant 11 : i32
        %parallel_loop3A_1024 = arith.constant 0 : i32
        %parallel_loop3A_1025 = arith.constant 0 : i32
        %parallel_loop3A_1026 = tpu.memref_slice %arg15[%parallel_loop3A_766, %parallel_loop3A_1024, %parallel_loop3A_1025] : memref<2x16x768xf32, #tpu.memory_space<vmem>> -> memref<1x16x768xf32, #tpu.memory_space<vmem>>
        %parallel_loop3A_1027 = tpu.memref_squeeze %parallel_loop3A_1026 : memref<1x16x768xf32, #tpu.memory_space<vmem>> -> memref<16x768xf32, #tpu.memory_space<vmem>>
        %parallel_loop3A_1028 = arith.index_cast %parallel_loop3A_1023 : i32 to index
        %parallel_loop3A_1029 = arith.index_cast %parallel_loop3A_785 : i32 to index
        %parallel_loop3A_1030 = tpu.vector_load %parallel_loop3A_1027[%parallel_loop3A_1028, %parallel_loop3A_1029] {strides = array<i32>} : memref<16x768xf32, #tpu.memory_space<vmem>>, vector<16xf32>,
        tpu.vector_store %parallel_loop3A_1027[%parallel_loop3A_1028, %parallel_loop3A_1029], %parallel_loop3A_1022 {strides = array<i32>} : memref<16x768xf32, #tpu.memory_space<vmem>>, vector<16xf32>,
        %parallel_loop3A_1031 = arith.constant 12 : i32
        %parallel_loop3A_1032 = arith.constant 0 : i32
        %parallel_loop3A_1033 = arith.constant 0 : i32
        %parallel_loop3A_1034 = tpu.memref_slice %arg15[%parallel_loop3A_766, %parallel_loop3A_1032, %parallel_loop3A_1033] : memref<2x16x768xf32, #tpu.memory_space<vmem>> -> memref<1x16x768xf32, #tpu.memory_space<vmem>>
        %parallel_loop3A_1035 = tpu.memref_squeeze %parallel_loop3A_1034 : memref<1x16x768xf32, #tpu.memory_space<vmem>> -> memref<16x768xf32, #tpu.memory_space<vmem>>
        %parallel_loop3A_1036 = arith.index_cast %parallel_loop3A_1031 : i32 to index
        %parallel_loop3A_1037 = arith.index_cast %parallel_loop3A_785 : i32 to index
        %parallel_loop3A_1038 = tpu.vector_load %parallel_loop3A_1035[%parallel_loop3A_1036, %parallel_loop3A_1037] {strides = array<i32>} : memref<16x768xf32, #tpu.memory_space<vmem>>, vector<16xf32>,
        %parallel_loop3A_1039 = arith.mulf %parallel_loop3A_1038, %gather3A_742 : vector<16xf32>
        %parallel_loop3A_1040 = arith.addf %parallel_loop3A_1039, %gather3A_744 : vector<16xf32>
        %parallel_loop3A_1041 = arith.mulf %parallel_loop3A_1040, %parallel_loop3A_789 : vector<16xf32>
        %parallel_loop3A_1042 = arith.addf %parallel_loop3A_1041, %parallel_loop3A_790 : vector<16xf32>
        %parallel_loop3A_1043 = arith.constant 12 : i32
        %parallel_loop3A_1044 = arith.constant 0 : i32
        %parallel_loop3A_1045 = arith.constant 0 : i32
        %parallel_loop3A_1046 = tpu.memref_slice %arg15[%parallel_loop3A_766, %parallel_loop3A_1044, %parallel_loop3A_1045] : memref<2x16x768xf32, #tpu.memory_space<vmem>> -> memref<1x16x768xf32, #tpu.memory_space<vmem>>
        %parallel_loop3A_1047 = tpu.memref_squeeze %parallel_loop3A_1046 : memref<1x16x768xf32, #tpu.memory_space<vmem>> -> memref<16x768xf32, #tpu.memory_space<vmem>>
        %parallel_loop3A_1048 = arith.index_cast %parallel_loop3A_1043 : i32 to index
        %parallel_loop3A_1049 = arith.index_cast %parallel_loop3A_785 : i32 to index
        %parallel_loop3A_1050 = tpu.vector_load %parallel_loop3A_1047[%parallel_loop3A_1048, %parallel_loop3A_1049] {strides = array<i32>} : memref<16x768xf32, #tpu.memory_space<vmem>>, vector<16xf32>,
        tpu.vector_store %parallel_loop3A_1047[%parallel_loop3A_1048, %parallel_loop3A_1049], %parallel_loop3A_1042 {strides = array<i32>} : memref<16x768xf32, #tpu.memory_space<vmem>>, vector<16xf32>,
        %parallel_loop3A_1051 = arith.constant 13 : i32
        %parallel_loop3A_1052 = arith.constant 0 : i32
        %parallel_loop3A_1053 = arith.constant 0 : i32
        %parallel_loop3A_1054 = tpu.memref_slice %arg15[%parallel_loop3A_766, %parallel_loop3A_1052, %parallel_loop3A_1053] : memref<2x16x768xf32, #tpu.memory_space<vmem>> -> memref<1x16x768xf32, #tpu.memory_space<vmem>>
        %parallel_loop3A_1055 = tpu.memref_squeeze %parallel_loop3A_1054 : memref<1x16x768xf32, #tpu.memory_space<vmem>> -> memref<16x768xf32, #tpu.memory_space<vmem>>
        %parallel_loop3A_1056 = arith.index_cast %parallel_loop3A_1051 : i32 to index
        %parallel_loop3A_1057 = arith.index_cast %parallel_loop3A_785 : i32 to index
        %parallel_loop3A_1058 = tpu.vector_load %parallel_loop3A_1055[%parallel_loop3A_1056, %parallel_loop3A_1057] {strides = array<i32>} : memref<16x768xf32, #tpu.memory_space<vmem>>, vector<16xf32>,
        %parallel_loop3A_1059 = arith.mulf %parallel_loop3A_1058, %gather3A_748 : vector<16xf32>
        %parallel_loop3A_1060 = arith.addf %parallel_loop3A_1059, %gather3A_750 : vector<16xf32>
        %parallel_loop3A_1061 = arith.mulf %parallel_loop3A_1060, %parallel_loop3A_789 : vector<16xf32>
        %parallel_loop3A_1062 = arith.addf %parallel_loop3A_1061, %parallel_loop3A_790 : vector<16xf32>
        %parallel_loop3A_1063 = arith.constant 13 : i32
        %parallel_loop3A_1064 = arith.constant 0 : i32
        %parallel_loop3A_1065 = arith.constant 0 : i32
        %parallel_loop3A_1066 = tpu.memref_slice %arg15[%parallel_loop3A_766, %parallel_loop3A_1064, %parallel_loop3A_1065] : memref<2x16x768xf32, #tpu.memory_space<vmem>> -> memref<1x16x768xf32, #tpu.memory_space<vmem>>
        %parallel_loop3A_1067 = tpu.memref_squeeze %parallel_loop3A_1066 : memref<1x16x768xf32, #tpu.memory_space<vmem>> -> memref<16x768xf32, #tpu.memory_space<vmem>>
        %parallel_loop3A_1068 = arith.index_cast %parallel_loop3A_1063 : i32 to index
        %parallel_loop3A_1069 = arith.index_cast %parallel_loop3A_785 : i32 to index
        %parallel_loop3A_1070 = tpu.vector_load %parallel_loop3A_1067[%parallel_loop3A_1068, %parallel_loop3A_1069] {strides = array<i32>} : memref<16x768xf32, #tpu.memory_space<vmem>>, vector<16xf32>,
        tpu.vector_store %parallel_loop3A_1067[%parallel_loop3A_1068, %parallel_loop3A_1069], %parallel_loop3A_1062 {strides = array<i32>} : memref<16x768xf32, #tpu.memory_space<vmem>>, vector<16xf32>,
        %parallel_loop3A_1071 = arith.constant 14 : i32
        %parallel_loop3A_1072 = arith.constant 0 : i32
        %parallel_loop3A_1073 = arith.constant 0 : i32
        %parallel_loop3A_1074 = tpu.memref_slice %arg15[%parallel_loop3A_766, %parallel_loop3A_1072, %parallel_loop3A_1073] : memref<2x16x768xf32, #tpu.memory_space<vmem>> -> memref<1x16x768xf32, #tpu.memory_space<vmem>>
        %parallel_loop3A_1075 = tpu.memref_squeeze %parallel_loop3A_1074 : memref<1x16x768xf32, #tpu.memory_space<vmem>> -> memref<16x768xf32, #tpu.memory_space<vmem>>
        %parallel_loop3A_1076 = arith.index_cast %parallel_loop3A_1071 : i32 to index
        %parallel_loop3A_1077 = arith.index_cast %parallel_loop3A_785 : i32 to index
        %parallel_loop3A_1078 = tpu.vector_load %parallel_loop3A_1075[%parallel_loop3A_1076, %parallel_loop3A_1077] {strides = array<i32>} : memref<16x768xf32, #tpu.memory_space<vmem>>, vector<16xf32>,
        %parallel_loop3A_1079 = arith.mulf %parallel_loop3A_1078, %gather3A_754 : vector<16xf32>
        %parallel_loop3A_1080 = arith.addf %parallel_loop3A_1079, %gather3A_756 : vector<16xf32>
        %parallel_loop3A_1081 = arith.mulf %parallel_loop3A_1080, %parallel_loop3A_789 : vector<16xf32>
        %parallel_loop3A_1082 = arith.addf %parallel_loop3A_1081, %parallel_loop3A_790 : vector<16xf32>
        %parallel_loop3A_1083 = arith.constant 14 : i32
        %parallel_loop3A_1084 = arith.constant 0 : i32
        %parallel_loop3A_1085 = arith.constant 0 : i32
        %parallel_loop3A_1086 = tpu.memref_slice %arg15[%parallel_loop3A_766, %parallel_loop3A_1084, %parallel_loop3A_1085] : memref<2x16x768xf32, #tpu.memory_space<vmem>> -> memref<1x16x768xf32, #tpu.memory_space<vmem>>
        %parallel_loop3A_1087 = tpu.memref_squeeze %parallel_loop3A_1086 : memref<1x16x768xf32, #tpu.memory_space<vmem>> -> memref<16x768xf32, #tpu.memory_space<vmem>>
        %parallel_loop3A_1088 = arith.index_cast %parallel_loop3A_1083 : i32 to index
        %parallel_loop3A_1089 = arith.index_cast %parallel_loop3A_785 : i32 to index
        %parallel_loop3A_1090 = tpu.vector_load %parallel_loop3A_1087[%parallel_loop3A_1088, %parallel_loop3A_1089] {strides = array<i32>} : memref<16x768xf32, #tpu.memory_space<vmem>>, vector<16xf32>,
        tpu.vector_store %parallel_loop3A_1087[%parallel_loop3A_1088, %parallel_loop3A_1089], %parallel_loop3A_1082 {strides = array<i32>} : memref<16x768xf32, #tpu.memory_space<vmem>>, vector<16xf32>,
        %parallel_loop3A_1091 = arith.constant 15 : i32
        %parallel_loop3A_1092 = arith.constant 0 : i32
        %parallel_loop3A_1093 = arith.constant 0 : i32
        %parallel_loop3A_1094 = tpu.memref_slice %arg15[%parallel_loop3A_766, %parallel_loop3A_1092, %parallel_loop3A_1093] : memref<2x16x768xf32, #tpu.memory_space<vmem>> -> memref<1x16x768xf32, #tpu.memory_space<vmem>>
        %parallel_loop3A_1095 = tpu.memref_squeeze %parallel_loop3A_1094 : memref<1x16x768xf32, #tpu.memory_space<vmem>> -> memref<16x768xf32, #tpu.memory_space<vmem>>
        %parallel_loop3A_1096 = arith.index_cast %parallel_loop3A_1091 : i32 to index
        %parallel_loop3A_1097 = arith.index_cast %parallel_loop3A_785 : i32 to index
        %parallel_loop3A_1098 = tpu.vector_load %parallel_loop3A_1095[%parallel_loop3A_1096, %parallel_loop3A_1097] {strides = array<i32>} : memref<16x768xf32, #tpu.memory_space<vmem>>, vector<16xf32>,
        %parallel_loop3A_1099 = arith.mulf %parallel_loop3A_1098, %gather3A_760 : vector<16xf32>
        %parallel_loop3A_1100 = arith.addf %parallel_loop3A_1099, %gather3A_762 : vector<16xf32>
        %parallel_loop3A_1101 = arith.mulf %parallel_loop3A_1100, %parallel_loop3A_789 : vector<16xf32>
        %parallel_loop3A_1102 = arith.addf %parallel_loop3A_1101, %parallel_loop3A_790 : vector<16xf32>
        %parallel_loop3A_1103 = arith.constant 15 : i32
        %parallel_loop3A_1104 = arith.constant 0 : i32
        %parallel_loop3A_1105 = arith.constant 0 : i32
        %parallel_loop3A_1106 = tpu.memref_slice %arg15[%parallel_loop3A_766, %parallel_loop3A_1104, %parallel_loop3A_1105] : memref<2x16x768xf32, #tpu.memory_space<vmem>> -> memref<1x16x768xf32, #tpu.memory_space<vmem>>
        %parallel_loop3A_1107 = tpu.memref_squeeze %parallel_loop3A_1106 : memref<1x16x768xf32, #tpu.memory_space<vmem>> -> memref<16x768xf32, #tpu.memory_space<vmem>>
        %parallel_loop3A_1108 = arith.index_cast %parallel_loop3A_1103 : i32 to index
        %parallel_loop3A_1109 = arith.index_cast %parallel_loop3A_785 : i32 to index
        %parallel_loop3A_1110 = tpu.vector_load %parallel_loop3A_1107[%parallel_loop3A_1108, %parallel_loop3A_1109] {strides = array<i32>} : memref<16x768xf32, #tpu.memory_space<vmem>>, vector<16xf32>,
        tpu.vector_store %parallel_loop3A_1107[%parallel_loop3A_1108, %parallel_loop3A_1109], %parallel_loop3A_1102 {strides = array<i32>} : memref<16x768xf32, #tpu.memory_space<vmem>>, vector<16xf32>,
      } {sc.loop_unroll_factor = 1 : i64, sc.parallel_access}
      %dma_start3A_767 = arith.constant 1 : i32
      %dma_start3A_768 = arith.constant 0 : i32
      %dma_start3A_769 = arith.constant 0 : i32
      %dma_start3A_770 = tpu.memref_slice %arg15[%dma_start3A_767, %dma_start3A_768, %dma_start3A_769] : memref<2x16x768xf32, #tpu.memory_space<vmem>> -> memref<1x16x768xf32, #tpu.memory_space<vmem>>
      %dma_start3A_771 = tpu.memref_squeeze %dma_start3A_770 : memref<1x16x768xf32, #tpu.memory_space<vmem>> -> memref<16x768xf32, #tpu.memory_space<vmem>>
      %dma_start3A_772 = arith.constant 0 : i32
      %dma_start3A_773 = tpu.memref_slice %arg7[%add3A_416, %mul3A_2, %dma_start3A_772] : memref<128x512x768xf32, #tpu.memory_space<hbm>> -> memref<1x16x768xf32, #tpu.memory_space<hbm>>
      %dma_start3A_774 = tpu.memref_squeeze %dma_start3A_773 : memref<1x16x768xf32, #tpu.memory_space<hbm>> -> memref<16x768xf32, #tpu.memory_space<hbm>>
      %dma_start3A_775 = arith.constant 0 : i32
      %dma_start3A_776 = tpu.memref_slice %arg7[%add3A_416, %mul3A_2, %dma_start3A_775] : memref<128x512x768xf32, #tpu.memory_space<hbm>> -> memref<1x16x768xf32, #tpu.memory_space<hbm>>
      %dma_start3A_777 = tpu.memref_squeeze %dma_start3A_776 : memref<1x16x768xf32, #tpu.memory_space<hbm>> -> memref<16x768xf32, #tpu.memory_space<hbm>>
      %dma_start3A_778 = arith.constant 0 : i32
      %dma_start3A_779 = arith.constant 0 : i32
      %dma_start3A_780 = tpu.memref_slice %arg15[%dma_start3A_767, %dma_start3A_778, %dma_start3A_779] : memref<2x16x768xf32, #tpu.memory_space<vmem>> -> memref<1x16x768xf32, #tpu.memory_space<vmem>>
      %dma_start3A_781 = tpu.memref_squeeze %dma_start3A_780 : memref<1x16x768xf32, #tpu.memory_space<vmem>> -> memref<16x768xf32, #tpu.memory_space<vmem>>
      tpu.enqueue_dma source(%dma_start3A_781 : memref<16x768xf32, #tpu.memory_space<vmem>>) target(%dma_start3A_777 : memref<16x768xf32, #tpu.memory_space<hbm>>) target_semaphore(%arg17 : memref<!tpu.dma_semaphore, #tpu.memory_space<semaphore_mem>>)
      %scan3A_782 = arith.constant 0 : i32
      scf.yield %scan3A_782 : i32
    }
    %scan3A_24 = arith.constant 64 : i32
    %dma_wait3A = arith.constant 0 : i32
    %dma_wait3A_25 = arith.constant 126 : i32
    %dma_wait3A_26 = arith.constant 0 : i32
    %dma_wait3A_27 = arith.constant 0 : i32
    %dma_wait3A_28 = tpu.memref_slice %arg15[%dma_wait3A, %dma_wait3A_26, %dma_wait3A_27] : memref<2x16x768xf32, #tpu.memory_space<vmem>> -> memref<1x16x768xf32, #tpu.memory_space<vmem>>
    %dma_wait3A_29 = tpu.memref_squeeze %dma_wait3A_28 : memref<1x16x768xf32, #tpu.memory_space<vmem>> -> memref<16x768xf32, #tpu.memory_space<vmem>>
    %dma_wait3A_30 = arith.constant 0 : i32
    %dma_wait3A_31 = tpu.memref_slice %arg7[%dma_wait3A_25, %mul3A_2, %dma_wait3A_30] : memref<128x512x768xf32, #tpu.memory_space<hbm>> -> memref<1x16x768xf32, #tpu.memory_space<hbm>>
    %dma_wait3A_32 = tpu.memref_squeeze %dma_wait3A_31 : memref<1x16x768xf32, #tpu.memory_space<hbm>> -> memref<16x768xf32, #tpu.memory_space<hbm>>
    %dma_wait3A_33 = arith.constant 0 : i32
    %dma_wait3A_34 = tpu.memref_slice %arg7[%dma_wait3A_25, %mul3A_2, %dma_wait3A_33] : memref<128x512x768xf32, #tpu.memory_space<hbm>> -> memref<1x16x768xf32, #tpu.memory_space<hbm>>
    %dma_wait3A_35 = tpu.memref_squeeze %dma_wait3A_34 : memref<1x16x768xf32, #tpu.memory_space<hbm>> -> memref<16x768xf32, #tpu.memory_space<hbm>>
    %dma_wait3A_36 = arith.constant 0 : i32
    %dma_wait3A_37 = arith.constant 0 : i32
    %dma_wait3A_38 = tpu.memref_slice %arg15[%dma_wait3A, %dma_wait3A_36, %dma_wait3A_37] : memref<2x16x768xf32, #tpu.memory_space<vmem>> -> memref<1x16x768xf32, #tpu.memory_space<vmem>>
    %dma_wait3A_39 = tpu.memref_squeeze %dma_wait3A_38 : memref<1x16x768xf32, #tpu.memory_space<vmem>> -> memref<16x768xf32, #tpu.memory_space<vmem>>
    tpu.wait_dma2 semaphore(%arg17 : memref<!tpu.dma_semaphore, #tpu.memory_space<semaphore_mem>>) src(%dma_wait3A_39 : memref<16x768xf32, #tpu.memory_space<vmem>>) dst(%dma_wait3A_35 : memref<16x768xf32, #tpu.memory_space<hbm>>)
    %dma_wait3A_40 = arith.constant 1 : i32
    %dma_wait3A_41 = arith.constant 127 : i32
    %dma_wait3A_42 = arith.constant 0 : i32
    %dma_wait3A_43 = arith.constant 0 : i32
    %dma_wait3A_44 = tpu.memref_slice %arg15[%dma_wait3A_40, %dma_wait3A_42, %dma_wait3A_43] : memref<2x16x768xf32, #tpu.memory_space<vmem>> -> memref<1x16x768xf32, #tpu.memory_space<vmem>>
    %dma_wait3A_45 = tpu.memref_squeeze %dma_wait3A_44 : memref<1x16x768xf32, #tpu.memory_space<vmem>> -> memref<16x768xf32, #tpu.memory_space<vmem>>
    %dma_wait3A_46 = arith.constant 0 : i32
    %dma_wait3A_47 = tpu.memref_slice %arg7[%dma_wait3A_41, %mul3A_2, %dma_wait3A_46] : memref<128x512x768xf32, #tpu.memory_space<hbm>> -> memref<1x16x768xf32, #tpu.memory_space<hbm>>
    %dma_wait3A_48 = tpu.memref_squeeze %dma_wait3A_47 : memref<1x16x768xf32, #tpu.memory_space<hbm>> -> memref<16x768xf32, #tpu.memory_space<hbm>>
    %dma_wait3A_49 = arith.constant 0 : i32
    %dma_wait3A_50 = tpu.memref_slice %arg7[%dma_wait3A_41, %mul3A_2, %dma_wait3A_49] : memref<128x512x768xf32, #tpu.memory_space<hbm>> -> memref<1x16x768xf32, #tpu.memory_space<hbm>>
    %dma_wait3A_51 = tpu.memref_squeeze %dma_wait3A_50 : memref<1x16x768xf32, #tpu.memory_space<hbm>> -> memref<16x768xf32, #tpu.memory_space<hbm>>
    %dma_wait3A_52 = arith.constant 0 : i32
    %dma_wait3A_53 = arith.constant 0 : i32
    %dma_wait3A_54 = tpu.memref_slice %arg15[%dma_wait3A_40, %dma_wait3A_52, %dma_wait3A_53] : memref<2x16x768xf32, #tpu.memory_space<vmem>> -> memref<1x16x768xf32, #tpu.memory_space<vmem>>
    %dma_wait3A_55 = tpu.memref_squeeze %dma_wait3A_54 : memref<1x16x768xf32, #tpu.memory_space<vmem>> -> memref<16x768xf32, #tpu.memory_space<vmem>>
    tpu.wait_dma2 semaphore(%arg17 : memref<!tpu.dma_semaphore, #tpu.memory_space<semaphore_mem>>) src(%dma_wait3A_55 : memref<16x768xf32, #tpu.memory_space<vmem>>) dst(%dma_wait3A_51 : memref<16x768xf32, #tpu.memory_space<hbm>>)
    return
  }
}

</mosaic_0001>

<sc_bundles>
// kernel: kernel.3.cloned.1.call-start
scs
__scs_entry_jumppad:
0x0: {  	(pc) =	sbr.rel $0x88, $3  }
0x1: {  	(tag) =	ssettag $0x0;
	lr =	simm.s32 $0x1  }
0x2: {  	[smem:$0x3F9A] =	sst lr;
	_ =	strace $0xD0000000  }
0x3: {  	_ = 	snop  }
0x4: {  	_ = 	snop  }
0x5: {  	_ = 	snop  }
0x6: {  	_ = 	snop  }
0x7: {  	_ = 	snop  }
__scs_overlays_trampoline_lowered:
0x8: {  	[smem:$0x3FA9] =	sst s0  }
0x9: {  	[smem:$0x3FAA] =	sst s1  }
0xa: {  	[smem:$0x3FAB] =	sst s2  }
0xb: {  	[smem:$0x3FAC] =	sst s3  }
0xc: {  	[smem:$0x3FAD] =	sst s4  }
0xd: {  	[smem:$0x3FAE] =	sst s5  }
0xe: {  	[smem:$0x3FAF] =	sst s6  }
0xf: {  	[smem:$0x3FB0] =	sst s7  }
0x10: {  	[smem:$0x3FB1] =	sst s8  }
0x11: {  	[smem:$0x3FB2] =	sst s9;
	s0 =	simm.s32 @!p0 $0x0  }
0x12: {  	s1 =	sld [smem:$0x3F98];
	s0 =	simm.s32 @p0 $0x1  }
0x13: {  	[smem:$0x3FB3] =	sst s0;
	s0 =	simm.s32 @!p1 $0x0  }
0x14: {  	s2 =	sld [smem:$0x3F97];
	s0 =	simm.s32 @p1 $0x1  }
0x15: {  	[smem:$0x3FB4] =	sst s0;
	s0 =	simm.s32 @!p2 $0x0  }
0x16: {  	s3 =	sld [smem:$0x3FDB];
	s0 =	simm.s32 @p2 $0x1  }
0x17: {  	s4 =	simm.s32 $0x1BF5;
	[smem:$0x3FB6] =	sst s0  }
0x18: {  	s0 =	sld [smem:$0x3F99];
	_ =	swait.ge [sflag:s4], $0x0  }
0x19: {  	s7 =	sld [smem:$0x3F9A]  }
0x1a: {  	s8 =	sadd.s32 $0xFFFFE003, lr  }
0x1b: {  	s9 =	sadd.s32 $0xFFFFFEF7, lr;
	s5 =	simm.s32 $0xFFFFFFFF;
	p2 =	slt.u32 s8, $0xFFFFF086  }
0x1c: {  	p1 =	slt.u32 s9, $0xF7A;
	s5 =	simm.s32 @!p2 $0x0  }
0x1d: {  	s5 =	simm.s32 @p1 $0x1;
	p0 =	seq.s32 s7, s2  }
0x1e: {  	s7 =	smul.u32 @!p0 $0xF7A, s2;
	p2 =	seq.s32 @!p0 s5, $0x0  }
0x1f: {  	s9 =	smul.u32 $0xF7A, s1;
	s8 =	simm.s32 @!p0 $0x1BF5;
	p2 =	por !p2, p0  }
0x20: {  	[sflag:s8] =	ssyncset.s32 @!p0 $0xFFFFF086;
	s6 =	sadd.s32 @!p0 s3, s7;
	s7 =	simm.s32 @!p0 $0x108  }
0x21: {  	s3 =	sadd.s32 s3, s9;
	s6 =	sadd.s32 @!p0 $0x88, s6;
	s7 =	simm.s32 @p2 $0x1082  }
0x22: {  	[simem:s7], [sflag:s8] =	dma.local @!p0 [hbm:s6], $0xF7A  }
0x23: {  	s9 =	sor.u32 $0xD0000000, s2;
	s6 =	simm.s32 $0x108;
	_ =	swait.ge @!p0 [sflag:s8], $0x0  }
0x24: {  	s3 =	sadd.s32 $0x88, s3;
	s6 =	simm.s32 @!p1 $0x1082;
	[sflag:s4] =	ssyncset.s32 $0xFFFFF086  }
0x25: {  	[simem:s6], [sflag:s4] =	dma.local [hbm:s3], $0xF7A  }
0x26: {  	[smem:$0x3F9A] =	sst s1;
	(tag) =	ssettag s2;
	_ =	strace s9  }
0x27: {  	s1 =	sld [smem:$0x3FAA]  }
0x28: {  	s2 =	sld [smem:$0x3FAB]  }
0x29: {  	s4 =	sld [smem:$0x3FAD]  }
0x2a: {  	p0 =	seq.s32 s5, $0x0;
	s5 =	sld [smem:$0x3FAE]  }
0x2b: {  	s6 =	sld [smem:$0x3FAF]  }
0x2c: {  	s7 =	sld [smem:$0x3FB0]  }
0x2d: {  	s3 =	simm.s32 $0x108;
	s8 =	sld [smem:$0x3FB1]  }
0x2e: {  	s3 =	simm.s32 @!p0 $0x1082;
	s9 =	sld [smem:$0x3FB2]  }
0x2f: {  	lr =	sadd.s32 s0, s3;
	s0 =	sld [smem:$0x3FA9]  }
0x30: {  	s3 =	sld [smem:$0x3FAC]  }
0x31: {  	[smem:$0x3FB5] =	sst s10  }
0x32: {  	s10 =	sld [smem:$0x3FB3];
	_ =	sdelay $0x3  }
0x33: {  	p0 =	seq.s32 s10, $0x1;
	s10 =	sld [smem:$0x3FB5];
	_ =	sdelay $0x3  }
0x34: {  	[smem:$0x3FB5] =	sst s10  }
0x35: {  	s10 =	sld [smem:$0x3FB4];
	_ =	sdelay $0x3  }
0x36: {  	p1 =	seq.s32 s10, $0x1;
	s10 =	sld [smem:$0x3FB5];
	_ =	sdelay $0x3  }
0x37: {  	[smem:$0x3FB5] =	sst s10  }
0x38: {  	s10 =	sld [smem:$0x3FB6]  }
0x39: {  	_ = 	snop;
	(pc) =	sbr.ind lr, $3  }
0x3a: {  	_ = 	snop  }
0x3b: {  	_ = 	snop  }
0x3c: {  	p2 =	seq.s32 s10, $0x1;
	s10 =	sld [smem:$0x3FB5]  }
0x3d: {  	_ =	shalt  }
0x3e: {  	_ =	shalt  }
0x3f: {  	_ =	shalt  }
0x40: {  	_ =	shalt  }
0x41: {  	_ =	shalt  }
0x42: {  	_ =	shalt  }
0x43: {  	_ =	shalt  }
0x44: {  	_ =	shalt  }
0x45: {  	_ =	shalt  }
0x46: {  	_ =	shalt  }
0x47: {  	_ =	shalt  }
0x48: {  	_ =	shalt  }
0x49: {  	_ =	shalt  }
0x4a: {  	_ =	shalt  }
0x4b: {  	_ =	shalt  }
0x4c: {  	_ =	shalt  }
0x4d: {  	_ =	shalt  }
0x4e: {  	_ =	shalt  }
0x4f: {  	_ =	shalt  }
0x50: {  	_ =	shalt  }
0x51: {  	_ =	shalt  }
0x52: {  	_ =	shalt  }
0x53: {  	_ =	shalt  }
0x54: {  	_ =	shalt  }
0x55: {  	_ =	shalt  }
0x56: {  	_ =	shalt  }
0x57: {  	_ =	shalt  }
0x58: {  	_ =	shalt  }
0x59: {  	_ =	shalt  }
0x5a: {  	_ =	shalt  }
0x5b: {  	_ =	shalt  }
0x5c: {  	_ =	shalt  }
0x5d: {  	_ =	shalt  }
0x5e: {  	_ =	shalt  }
0x5f: {  	_ =	shalt  }
0x60: {  	_ =	shalt  }
0x61: {  	_ =	shalt  }
0x62: {  	_ =	shalt  }
0x63: {  	_ =	shalt  }
0x64: {  	_ =	shalt  }
0x65: {  	_ =	shalt  }
0x66: {  	_ =	shalt  }
0x67: {  	_ =	shalt  }
0x68: {  	_ =	shalt  }
0x69: {  	_ =	shalt  }
0x6a: {  	_ =	shalt  }
0x6b: {  	_ =	shalt  }
0x6c: {  	_ =	shalt  }
0x6d: {  	_ =	shalt  }
0x6e: {  	_ =	shalt  }
0x6f: {  	_ =	shalt  }
0x70: {  	_ =	shalt  }
0x71: {  	_ =	shalt  }
0x72: {  	_ =	shalt  }
0x73: {  	_ =	shalt  }
0x74: {  	_ =	shalt  }
0x75: {  	_ =	shalt  }
0x76: {  	_ =	shalt  }
0x77: {  	_ =	shalt  }
0x78: {  	_ =	shalt  }
0x79: {  	_ =	shalt  }
0x7a: {  	_ =	shalt  }
0x7b: {  	_ =	shalt  }
0x7c: {  	_ =	shalt  }
0x7d: {  	_ =	shalt  }
0x7e: {  	_ =	shalt  }
0x7f: {  	_ =	shalt  }
0x80: {  	_ =	shalt  }
0x81: {  	_ =	shalt  }
0x82: {  	_ =	shalt  }
0x83: {  	_ =	shalt  }
0x84: {  	_ =	shalt  }
0x85: {  	_ =	shalt  }
0x86: {  	_ =	shalt  }
0x87: {  	_ =	shalt  }
.Lfunc_end0:
.L_simem_size_0:
called_computation_lowered:
.L_overlay_start_0:
0x88: {  	s2 =	sld [smem:$0x3FD9]  }
0x89: {  	s3 =	sld [smem:$0x3FFE];
	_ =	sdelay $0x1  }
0x8a: {  	s1 =	srdreg.scid  }
0x8b: {  	s0 =	sand.u32 $0x1, s1  }
0x8c: {  	s17 =	sshll.u32 s0, $0xA;
	s2 =	sadd.s32 s3, s2  }
0x8d: {  	s2 =	sadd.s32 s2, s17  }
0x8e: {  	[smem:$0x3FC1] =	sst s2  }
0x8f: {  	_ = 	snop  }
0x90: {  	s2 =	sld [smem:$0x3FC7]  }
0x91: {  	s18 =	sld [smem:$0x3FD0];
	(tm) =	ssettm $0x1  }
0x92: {  	s4 =	sld [smem:$0x3FFB];
	_ =	sdelay $0x3  }
0x93: {  	_ =	strace s4  }
0x94: {  	s4 =	sld [smem:$0x3FFC];
	_ =	sdelay $0x3  }
0x95: {  	_ =	strace s4  }
0x96: {  	s4 =	sld [smem:$0x3FFD];
	_ =	sdelay $0x3  }
0x97: {  	_ =	strace s4  }
0x98: {  	_ =	strace $0x8FFFFFFF  }
0x99: {  	s19 =	sld [smem:$0x3FDB];
	_ =	sdelay $0x1  }
0x9a: {  	s5 =	simm.s32 $_scs_section_size  }
0x9b: {  	s6 =	simm.s32 $_size__tile_overlayer_lowered;
	s7 =	simm.s32 $_tile_overlayer_lowered  }
0x9c: {  	s22 =	simm.s32 $0x1BFF;
	s21 =	sshll.u32 s7, $0x1;
	s4 =	sadd.s32 s5, s19  }
0x9d: {  	s8 =	simm.s32 $0x0;
	s20 =	sshll.u32 s6, $0x1;
	s6 =	sadd.s32 s21, s4  }
0x9e: {  	[timem:s8], [sflag:s22] =	dma.local [hbm:s6], s20  }
0x9f: {  	_ =	swait.ge [sflag:s22], s20  }
0xa0: {  	s5 =	ssub.s32 $0x0, s20;
	[sflag:s22] =	ssyncset.done $0x0  }
0xa1: {  	[sflag:s22] =	ssyncadd.s32 s5;
	_ =	sdelay $0x1  }
0xa2: {  	s23 =	simm.s32 $0x1B8B  }
0xa3: {  	_ =	swait.ge [sflag:s23], $0x1  }
0xa4: {  	[sflag:s23] =	ssyncset.done $0x0  }
0xa5: {  	s25 =	simm.s32 $0x1B8E;
	s24 =	sld [smem:$0x3FFE];
	[sflag:s23] =	ssyncadd.s32 $0xFFFFFFFF  }
0xa6: {  	s26 =	simm.s32 $execute0_lowered;
	[smem:$0x3FD2] =	sst s25  }
0xa7: {  	s6 =	sshll.u32 s26, $0x1;
	_ =	strace $0x80000046;
	[dreg:$0x1] =	wrdreg $0xFFFFFFFF  }
0xa8: {  	s28 =	simm.s32 $_size_execute0_lowered;
	s4 =	sadd.s32 s4, s6;
	[dreg:$0x0] =	wrdreg $0x0  }
0xa9: {  	s6 =	sshll.u32 s28, $0x1;
	[dreg:$0x2] =	wrdreg s4  }
0xaa: {  	[dreg:$0x3] =	wrdreg s6  }
0xab: {  	[dreg:$0x4] =	wrdreg $0xC0  }
0xac: {  	_ =	task [dreg:s8], $0x5FFFF  }
0xad: {  	[dreg:$0x1] =	wrdreg $0xFFFFFFFF  }
0xae: {  	[dreg:$0x0] =	wrdreg $0x60  }
0xaf: {  	[dreg:$0x2] =	wrdreg s24  }
0xb0: {  	[dreg:$0x3] =	wrdreg s2  }
0xb1: {  	[dreg:$0x4] =	wrdreg s18  }
0xb2: {  	[dreg:$0x5] =	wrdreg $0x9  }
0xb3: {  	_ =	task.clear_ibuf [dreg:s8], $0x6FFFF;
	_ =	strace $0x90000046  }
0xb4: {  	s29 =	simm.s32 $0x9;
	_ =	strace $0x80000048  }
0xb5: {  	_ =	swait.ge [sflag:s29], $0x1  }
0xb6: {  	[sflag:s29] =	ssyncadd.s32 $0xFFFFFFFF  }
0xb7: {  	_ =	strace $0x90000048  }
0xb8: {  	_ =	sfence  }
0xb9: {  	s30 =	sld [smem:$0x0];
	_ =	sdelay $0x2  }
0xba: {  	s31 =	sshll.u32 s1, $0xD;
	s1 =	sshrl.u32 s1, $0x2  }
0xbb: {  	s3 =	sand.u32 $0x4000, s31;
	s1 =	sadd.s32 s1, s30  }
0xbc: {  	s0 =	sor.u32 s3, s0;
	s1 =	sshll.u32 s1, $0x11  }
0xbd: {  	s0 =	sor.u32 s1, s0  }
0xbe: {  	s0 =	sadd.s32 $0x8F2B, s0  }
0xbf: {  	[sflag:s0] =	ssyncadd.remote.s32 $0x1  }
0xc0: {  	_ =	sfence.sel $0xFFFF  }
0xc1: {  	[dreg:$0x0] =	wrdreg $0xFFFFFFFF;
	(pc) =	sbr.abs _section_cstart, $3  }
0xc2: {  	[dreg:$0x1] =	wrdreg $0xFFFFFFFF  }
0xc3: {  	_ =	task.clear_ibuf [dreg:s8], $0x2FFFF;
	_ =	strace $0x9FFFFFFF  }
0xc4: {  	(tm) =	ssettm $0x7FFFFFFF  }
0xc5: {  	_ =	shalt  }
tec
execute0_lowered:
.L_overlay_start_1:
0x0: {  	(tag) =	ssettag $0x1  }
0x1: {  	s7 =	rddreg [dreg:$0x0]  }
0x2: {  	s3 =	rddreg [dreg:$0x1];
	s0 =	srdreg.scid  }
0x3: {  	s1 =	stileid.u32;
	s4 =	rddreg [dreg:$0x2]  }
0x4: {  	s5 =	simm.s32 $0x0;
	s14 =	simm.s32 $0xBB00;
	s17 =	simm.s32 $0x2  }
0x5: {  	s18 =	simm.s32 $0x15300;
	s0 =	sand.u32 $0x1, s0;
	s1 =	sshll.u32 s1, $0x1  }
0x6: {  	[smem:$0x7FF] =	sst s5;
	s10 =	sadd.s32 $0x100, s3;
	s1 =	sor.u32 s0, s1  }
0x7: {  	s11 =	sadd.s32 $0x200, s3;
	s0 =	ssub.s32 $0x2, s0;
	s6 =	sshll.u32 s1, $0xB  }
0x8: {  	s2 =	smul.u32 $0x1800, s1;
	s28 =	sshrl.u32 s0, $0x1;
	s6 =	sadd.s32 s6, s7  }
0x9: {  	_ =	strace $0x80000047;
	s0 =	ssub.s32 s0, s28;
	s30 =	sadd.s32 $0x1C200, s6  }
0xa: {  	v0 =	vlaneseq.u32;
	s2 =	sshrl.u32 s2, $0x3;
	s31 =	sadd.s32 $0xC200, s6;
	[dreg:$0x6] =	wrdreg s30  }
0xb: {  	v1 =	vshrl.u32 v0, $0x3;
	v2 =	vand.u32 $0x7, v0;
	s0 =	smax.u32 s0, $0x1;
	s2 =	sadd.s32 s2, s7;
	[dreg:$0x7] =	wrdreg s31  }
0xc: {  	v63 =	vor.u32 $0x8, v0;
	[tilespmem:$0x1FFD0] =	vst v2;
	v1 =	vmul.u32 $0x8, v1;
	s12 =	smul.u32 $0x3000, s1;
	[dreg:$0x8] =	wrdreg s0;
	s29 =	sadd.s32 $0x200, s2  }
0xd: {  	[tilespmem:$0x1FFF0] =	vst v63;
	s6 =	simm.s32 $0x0;
	s2 =	sadd.s32 $0x6200, s2;
	[dreg:$0x4] =	wrdreg s29  }
0xe: {  	vm0 =	vmmov $0xffff;
	v4 =	vmul.u32 $0x80, v0;
	[tilespmem:$0x1FFE0] =	vst v1;
	s0 =	simm.s32 $0xB300;
	[dreg:$0x5] =	wrdreg s2;
	s2 =	simm.s32 $0x1  }
.LBB2_1:
0xf: {  	[dreg:$0x9] =	wrdreg s6  }
0x10: {  	s1 =	rddreg [dreg:$0x4];
	s15 =	simm.s32 $0x8000;
	s16 =	simm.s32 $0x3  }
0x11: {  	[tilespmem:s15], [sflag:$0x3] =	stream.linear.gather [hbm4b:s1+s5], $0x1800, $0x38;
	[tilespmem:$0x18300] =	vst v63  }
0x12: {  	_ =	swait.ge [sflag:s16], $0x1800  }
0x13: {  	[sflag:s16] =	ssyncset.done $0x0  }
0x14: {  	s7 =	simm.s32 $0x9800;
	s19 =	rddreg [dreg:$0x5];
	[sflag:s16] =	ssyncadd.s32 $0xFFFFE800  }
0x15: {  	[tilespmem:s7], [sflag:$0x3] =	stream.linear.gather [hbm4b:s19+s5], $0x1800, $0x38;
	[tilespmem:$0x18300] =	vst v63  }
0x16: {  	_ =	swait.ge [sflag:s16], $0x1800  }
0x17: {  	[sflag:s16] =	ssyncset.done $0x0  }
0x18: {  	[sflag:s16] =	ssyncadd.s32 $0xFFFFE800  }
0x19: {  	s21 =	simm.s32 $0xB000;
	s20 =	rddreg [dreg:$0x0]  }
0x1a: {  	[tilespmem:s21], [sflag:$0x3] =	stream.linear.gather [hbm4b:s20+s5], $0x300, $0x38;
	[tilespmem:$0x18300] =	vst v63  }
0x1b: {  	_ =	swait.ge [sflag:s16], $0x300  }
0x1c: {  	[sflag:s16] =	ssyncset.done $0x0  }
0x1d: {  	s22 =	rddreg [dreg:$0x6];
	[sflag:s16] =	ssyncadd.s32 $0xFFFFFD00  }
0x1e: {  	[tilespmem:s5], [sflag:$0x3] =	stream.linear.gather [hbm4b:s22+s5], $0x4000, $0x38;
	[tilespmem:$0x18300] =	vst v63  }
0x1f: {  	_ =	swait.ge [sflag:s16], $0x4000  }
0x20: {  	[sflag:s16] =	ssyncset.done $0x0  }
0x21: {  	s24 =	simm.s32 $0x4000;
	s23 =	rddreg [dreg:$0x7];
	[sflag:s16] =	ssyncadd.s32 $0xFFFFC000  }
0x22: {  	[tilespmem:s24], [sflag:$0x3] =	stream.linear.gather [hbm4b:s23+s5], $0x4000, $0x38;
	[tilespmem:$0x18300] =	vst v63  }
0x23: {  	_ =	swait.ge [sflag:s16], $0x4000  }
0x24: {  	[sflag:s16] =	ssyncset.done $0x0  }
0x25: {  	[sflag:s16] =	ssyncadd.s32 $0xFFFFC000  }
0x26: {  	v0 =	vld [tilespmem:$0x0];
	_ =	sdelay $0x3  }
0x27: {  	v1 =	vld [tilespmem:$0x1FFD0]  }
0x28: {  	v2 =	vshrl.u32 v0, $0x3  }
0x29: {  	v63 =	vld [tilespmem:$0x1FFE0];
	v2 =	vmul.u32 $0x30, v2  }
0x2a: {  	v0 =	vand.u32 $0x7, v0  }
0x2b: {  	v0 =	vor.u32 v0, v2  }
0x2c: {  	v2 =	vperm.xlane v0, v1  }
0x2d: {  	v3 =	vld [tilespmem:$0x1FFF0]  }
0x2e: {  	v2 =	vadd.s32 v63, v2;
	_ =	sdelay $0x3  }
0x2f: {  	s25 =	simm.s32 $0xC300;
	v0 =	vperm.xlane v0, v3  }
0x30: {  	[tilespmem:s25], [sflag:$0x1] =	stream.indirect_vreg.gather [hbm4b:s3+s5], $0x80, v2, vm0, $0xb8;
	[tilespmem:$0x18300] =	vst v63  }
0x31: {  	s26 =	simm.s32 $0xCB00;
	v0 =	vadd.s32 v63, v0  }
0x32: {  	[tilespmem:s26], [sflag:$0x1] =	stream.indirect_vreg.gather [hbm4b:s10+s5], $0x80, v2, vm0, $0xb8;
	[tilespmem:$0x18300] =	vst v63  }
0x33: {  	s28 =	simm.s32 $0xD300  }
0x34: {  	[tilespmem:s28], [sflag:$0x1] =	stream.indirect_vreg.gather [hbm4b:s11+s5], $0x80, v2, vm0, $0xb8;
	[tilespmem:$0x18300] =	vst v63  }
0x35: {  	s29 =	simm.s32 $0xDB00  }
0x36: {  	[tilespmem:s29], [sflag:$0x1] =	stream.indirect_vreg.gather [hbm4b:s3+s5], $0x80, v0, vm0, $0xb8;
	[tilespmem:$0x18300] =	vst v63  }
0x37: {  	s30 =	simm.s32 $0xE300  }
0x38: {  	[tilespmem:s30], [sflag:$0x1] =	stream.indirect_vreg.gather [hbm4b:s10+s5], $0x80, v0, vm0, $0xb8;
	[tilespmem:$0x18300] =	vst v63  }
0x39: {  	s31 =	simm.s32 $0xEB00;
	s6 =	simm.s32 $0x0  }
0x3a: {  	[tilespmem:s31], [sflag:$0x1] =	stream.indirect_vreg.gather [hbm4b:s11+s5], $0x80, v0, vm0, $0xb8;
	[tilespmem:$0x18300] =	vst v63  }
.LBB2_2:
0x3b: {  	s7 =	sshllo.u32 s6, $0x1  }
0x3c: {  	s1 =	sshll.u32 s7, $0x9  }
0x3d: {  	s8 =	sshrl.u32 s1, $0x2  }
0x3e: {  	v0 =	vld [tilespmem:s8+$0x0];
	_ =	sdelay $0x3  }
0x3f: {  	v1 =	vld [tilespmem:$0x1FFD0]  }
0x40: {  	v2 =	vshrl.u32 v0, $0x3  }
0x41: {  	v2 =	vmul.u32 $0x30, v2  }
0x42: {  	v0 =	vand.u32 $0x7, v0  }
0x43: {  	v0 =	vor.u32 v0, v2  }
0x44: {  	v2 =	vperm.xlane v0, v1;
	v1 =	vld [tilespmem:$0x1FFE0];
	_ =	sdelay $0x3  }
0x45: {  	v3 =	vld [tilespmem:$0x1FFF0]  }
0x46: {  	v2 =	vadd.s32 v1, v2;
	_ =	sdelay $0x3  }
0x47: {  	s25 =	simm.s32 $0xF300;
	v0 =	vperm.xlane v0, v3  }
0x48: {  	[tilespmem:s25], [sflag:$0x1] =	stream.indirect_vreg.gather [hbm4b:s3+s5], $0x80, v2, vm0, $0xb8;
	[tilespmem:$0x18300] =	vst v63  }
0x49: {  	s26 =	simm.s32 $0xFB00;
	v0 =	vadd.s32 v1, v0  }
0x4a: {  	[tilespmem:s26], [sflag:$0x1] =	stream.indirect_vreg.gather [hbm4b:s10+s5], $0x80, v2, vm0, $0xb8;
	[tilespmem:$0x18300] =	vst v63  }
0x4b: {  	s28 =	simm.s32 $0x10300  }
0x4c: {  	[tilespmem:s28], [sflag:$0x1] =	stream.indirect_vreg.gather [hbm4b:s11+s5], $0x80, v2, vm0, $0xb8;
	[tilespmem:$0x18300] =	vst v63  }
0x4d: {  	s29 =	simm.s32 $0x10B00  }
0x4e: {  	[tilespmem:s29], [sflag:$0x1] =	stream.indirect_vreg.gather [hbm4b:s3+s5], $0x80, v0, vm0, $0xb8;
	[tilespmem:$0x18300] =	vst v63  }
0x4f: {  	s30 =	simm.s32 $0x11300  }
0x50: {  	[tilespmem:s30], [sflag:$0x1] =	stream.indirect_vreg.gather [hbm4b:s10+s5], $0x80, v0, vm0, $0xb8;
	[tilespmem:$0x18300] =	vst v63  }
0x51: {  	s31 =	simm.s32 $0x11B00  }
0x52: {  	[tilespmem:s31], [sflag:$0x1] =	stream.indirect_vreg.gather [hbm4b:s11+s5], $0x80, v0, vm0, $0xb8;
	[tilespmem:$0x18300] =	vst v63  }
0x53: {  	_ =	swait.ge [sflag:s2], $0x3000  }
0x54: {  	p0 =	seq.s32 s6, $0x0;
	[sflag:s2] =	ssyncset.done $0x0  }
0x55: {  	s1 =	simm.s32 @!p0 $0x2;
	[sflag:s2] =	ssyncadd.s32 $0xFFFFD000  }
0x56: {  	_ =	swait.ge @!p0 [sflag:s1], $0x3000  }
0x57: {  	s9 =	sshll.u32 s6, $0xA;
	[sflag:s1] =	ssyncset.done @!p0 $0x0  }
0x58: {  	s9 =	sshrl.u32 s9, $0x2;
	[sflag:s1] =	ssyncadd.s32 @!p0 $0xFFFFD000  }
0x59: {  	v20 =	vld [tilespmem:s9+$0x4000];
	_ =	sdelay $0x3  }
0x5a: {  	v1 =	vimm.s32 $0x0  }
0x5b: {  	v0 =	vperm.xlane v20, v1;
	_ =	sdelay $0x1  }
0x5c: {  	(v2sf) =	vpush v0, $0x0;
	_ =	sdelay $0xe  }
0x5d: {  	s13 =	simm.s32 $0x0;
	s1 =	simm.s32 $0x0;
	s19 =	spop (v2sf)  }
.LBB2_3:
0x5e: {  	s15 =	sshrl.u32 s13, $0x3;
	s19 =	smul.u32 $0x6000, s19  }
0x5f: {  	s20 =	smul.u32 $0x3000, s15  }
0x60: {  	s15 =	smul.u32 $0x1800, s15  }
0x61: {  	s21 =	sand.u32 $0x380, s1;
	s19 =	sshra.s32 s19, $0x2;
	s20 =	sshra.s32 s20, $0x2  }
0x62: {  	s29 =	sor.u32 s21, s15;
	s19 =	sadd.s32 s20, s19  }
0x63: {  	v2 =	vld [tilespmem:s29+$0xC300];
	s20 =	sor.u32 s21, s19  }
0x64: {  	v0 =	vld [tilespmem:s20+$0x8000]  }
0x65: {  	v5 =	vld [tilespmem:s29+$0xC310]  }
0x66: {  	v6 =	vld [tilespmem:s20+$0x8010]  }
0x67: {  	v7 =	vld [tilespmem:s29+$0xC320]  }
0x68: {  	v8 =	vld [tilespmem:s29+$0xC330]  }
0x69: {  	v10 =	vld [tilespmem:s20+$0x8020];
	v9 =	vunpack.i.l.bf16.f32 v0  }
0x6a: {  	s30 =	sadd.s32 $0x1, s13;
	v56 =	vld [tilespmem:s29+$0xC340];
	v0 =	vunpack.i.u.bf16.f32 v0;
	v2 =	vadd.f32 v9, v2  }
0x6b: {  	s31 =	smin.u32 s30, $0xF;
	v12 =	vld [tilespmem:s29+$0xC350];
	v11 =	vunpack.i.l.bf16.f32 v6;
	v0 =	vadd.f32 v0, v5  }
0x6c: {  	v6 =	vunpack.i.u.bf16.f32 v6;
	v5 =	vmov s31;
	v7 =	vadd.f32 v11, v7;
	[tilespmem:s29+$0x12300] =	vst v2  }
0x6d: {  	v14 =	vld [tilespmem:s29+$0xC370];
	v6 =	vadd.f32 v6, v8;
	v5 =	vperm.xlane v20, v5;
	[tilespmem:s29+$0x12310] =	vst v0  }
0x6e: {  	v58 =	vunpack.i.l.bf16.f32 v10;
	v57 =	vld [tilespmem:s20+$0x8030];
	[tilespmem:s29+$0x12320] =	vst v7  }
0x6f: {  	v10 =	vunpack.i.u.bf16.f32 v10;
	v8 =	vadd.f32 v58, v56;
	(v2sf) =	vpush v5, $0x0;
	v5 =	vld [tilespmem:s29+$0xC360];
	[tilespmem:s29+$0x12330] =	vst v6  }
0x70: {  	v10 =	vadd.f32 v10, v12;
	v21 =	vld [tilespmem:s20+$0x8040]  }
0x71: {  	v23 =	vld [tilespmem:s29+$0xC700];
	v13 =	vadd.f32 $0.0e+00, v2;
	v2 =	vmul.f32 v2, v2;
	[tilespmem:s29+$0x12340] =	vst v8  }
0x72: {  	v62 =	vld [tilespmem:s29+$0xC710];
	v59 =	vadd.f32 $0.0e+00, v0;
	v0 =	vmul.f32 v0, v0;
	v15 =	vadd.f32 $0.0e+00, v7;
	[tilespmem:s29+$0x12350] =	vst v10  }
0x73: {  	v22 =	vadd.f32 $0.0e+00, v6;
	v24 =	vmul.f32 v8, v8;
	v63 =	vld [tilespmem:s20+$0x8050];
	v61 =	vunpack.i.l.bf16.f32 v57  }
0x74: {  	v60 =	vadd.f32 v8, v13;
	v11 =	vunpack.i.u.bf16.f32 v57;
	v5 =	vadd.f32 v61, v5  }
0x75: {  	v30 =	vld [tilespmem:s29+$0xC720];
	v9 =	vadd.f32 v10, v59;
	v11 =	vadd.f32 v11, v14;
	v29 =	vunpack.i.l.bf16.f32 v21  }
0x76: {  	v31 =	vld [tilespmem:s29+$0xC730];
	v10 =	vmul.f32 v10, v10;
	v21 =	vunpack.i.u.bf16.f32 v21;
	v23 =	vadd.f32 v29, v23;
	[tilespmem:s29+$0x12360] =	vst v5  }
0x77: {  	v7 =	vmul.f32 v7, v7;
	v2 =	vadd.f32 v24, v2;
	v8 =	vadd.f32 v21, v62;
	[tilespmem:s29+$0x12370] =	vst v11  }
0x78: {  	v0 =	vadd.f32 v10, v0;
	v21 =	vunpack.i.l.bf16.f32 v63;
	v13 =	vunpack.i.u.bf16.f32 v63;
	v33 =	vld [tilespmem:s20+$0x8060];
	[tilespmem:s29+$0x12700] =	vst v23  }
0x79: {  	v34 =	vld [tilespmem:s29+$0xC740];
	v32 =	vmul.f32 v11, v11;
	v11 =	vadd.f32 v11, v22;
	v22 =	vmul.f32 v23, v23;
	[tilespmem:s29+$0x12710] =	vst v8  }
0x7a: {  	v28 =	vmul.f32 v5, v5;
	v5 =	vadd.f32 v5, v15;
	v10 =	vadd.f32 v21, v30;
	v35 =	vld [tilespmem:s20+$0x8070]  }
0x7b: {  	v6 =	vmul.f32 v6, v6;
	v13 =	vadd.f32 v13, v31;
	v2 =	vadd.f32 v22, v2;
	v22 =	vld [tilespmem:s29+$0xC750]  }
0x7c: {  	v21 =	vld [tilespmem:s29+$0xC760];
	v12 =	vadd.f32 v23, v60;
	v23 =	vmul.f32 v8, v8;
	v8 =	vadd.f32 v8, v9;
	[tilespmem:s29+$0x12720] =	vst v10  }
0x7d: {  	v25 =	vld [tilespmem:s29+$0xC770];
	v7 =	vadd.f32 v28, v7;
	v6 =	vadd.f32 v32, v6;
	[tilespmem:s29+$0x12730] =	vst v13  }
0x7e: {  	v5 =	vadd.f32 v10, v5;
	v37 =	vmul.f32 v13, v13;
	v38 =	vld [tilespmem:s20+$0x8400];
	v36 =	vunpack.i.l.bf16.f32 v33  }
0x7f: {  	v39 =	vld [tilespmem:s29+$0xCB00];
	v0 =	vadd.f32 v23, v0;
	v15 =	vunpack.i.u.bf16.f32 v33;
	v14 =	vadd.f32 v36, v34  }
0x80: {  	v23 =	vmul.f32 v10, v10;
	v15 =	vadd.f32 v15, v22;
	v22 =	vunpack.i.l.bf16.f32 v35  }
0x81: {  	v11 =	vadd.f32 v13, v11;
	[tilespmem:s29+$0x12740] =	vst v14;
	v40 =	vadd.f32 v22, v21;
	v21 =	vld [tilespmem:s29+$0xCB10]  }
0x82: {  	v6 =	vadd.f32 v37, v6;
	v7 =	vadd.f32 v23, v7;
	v9 =	vunpack.i.u.bf16.f32 v35;
	[tilespmem:s29+$0x12750] =	vst v15  }
0x83: {  	v9 =	vadd.f32 v9, v25;
	v41 =	vunpack.i.l.bf16.f32 v38;
	v23 =	vmul.f32 v14, v14;
	v22 =	vld [tilespmem:s20+$0x8410]  }
0x84: {  	v42 =	vld [tilespmem:s29+$0xCB20];
	v13 =	vunpack.i.u.bf16.f32 v38;
	v12 =	vadd.f32 v14, v12;
	v10 =	vadd.f32 v41, v39;
	[tilespmem:s29+$0x12760] =	vst v40  }
0x85: {  	v43 =	vld [tilespmem:s29+$0xCB30];
	v8 =	vadd.f32 v15, v8;
	v15 =	vmul.f32 v15, v15;
	v2 =	vadd.f32 v23, v2;
	[tilespmem:s29+$0x12770] =	vst v9  }
0x86: {  	v23 =	vmul.f32 v40, v40;
	v5 =	vadd.f32 v40, v5;
	v45 =	vld [tilespmem:s20+$0x8420];
	v13 =	vadd.f32 v13, v21  }
0x87: {  	v46 =	vld [tilespmem:s29+$0xCB40];
	v44 =	vmul.f32 v9, v9;
	v9 =	vadd.f32 v9, v11;
	v0 =	vadd.f32 v15, v0;
	[tilespmem:s29+$0x12B00] =	vst v10  }
0x88: {  	v7 =	vadd.f32 v23, v7;
	v23 =	vmul.f32 v10, v10;
	v21 =	vld [tilespmem:s29+$0xCB50];
	v47 =	vunpack.i.l.bf16.f32 v22;
	[tilespmem:s29+$0x12B10] =	vst v13  }
0x89: {  	v10 =	vadd.f32 v10, v12;
	v22 =	vunpack.i.u.bf16.f32 v22;
	v12 =	vadd.f32 v47, v42;
	v48 =	vld [tilespmem:s20+$0x8430]  }
0x8a: {  	v2 =	vadd.f32 v23, v2;
	v23 =	vmul.f32 v13, v13;
	v49 =	vadd.f32 v22, v43;
	v22 =	vld [tilespmem:s29+$0xCB60]  }
0x8b: {  	v6 =	vadd.f32 v44, v6;
	v8 =	vadd.f32 v13, v8;
	v50 =	vunpack.i.l.bf16.f32 v45;
	[tilespmem:s29+$0x12B20] =	vst v12  }
0x8c: {  	v51 =	vld [tilespmem:s29+$0xCB70];
	v11 =	vunpack.i.u.bf16.f32 v45;
	v0 =	vadd.f32 v23, v0;
	v14 =	vadd.f32 v50, v46;
	[tilespmem:s29+$0x12B30] =	vst v49  }
0x8d: {  	v23 =	vmul.f32 v12, v12;
	v5 =	vadd.f32 v12, v5;
	v52 =	vmul.f32 v49, v49;
	v53 =	vld [tilespmem:s20+$0x8440]  }
0x8e: {  	v54 =	vld [tilespmem:s29+$0xCF00];
	v9 =	vadd.f32 v49, v9;
	v11 =	vadd.f32 v11, v21;
	v21 =	vunpack.i.l.bf16.f32 v48  }
0x8f: {  	v10 =	vadd.f32 v14, v10;
	[tilespmem:s29+$0x12B40] =	vst v14;
	v55 =	vadd.f32 v21, v22;
	v21 =	vld [tilespmem:s29+$0xCF10]  }
0x90: {  	v7 =	vadd.f32 v23, v7;
	v6 =	vadd.f32 v52, v6;
	v23 =	vmul.f32 v14, v14;
	[tilespmem:s29+$0x12B50] =	vst v11  }
0x91: {  	v8 =	vadd.f32 v11, v8;
	v11 =	vmul.f32 v11, v11;
	v13 =	vunpack.i.u.bf16.f32 v48;
	v22 =	vld [tilespmem:s20+$0x8450]  }
0x92: {  	v57 =	vld [tilespmem:s29+$0xCF20];
	v2 =	vadd.f32 v23, v2;
	v13 =	vadd.f32 v13, v51;
	v56 =	vunpack.i.l.bf16.f32 v53  }
0x93: {  	v58 =	vld [tilespmem:s29+$0xCF30];
	v0 =	vadd.f32 v11, v0;
	[tilespmem:s29+$0x12B60] =	vst v55;
	v15 =	vunpack.i.u.bf16.f32 v53;
	v12 =	vadd.f32 v56, v54  }
0x94: {  	v61 =	vld [tilespmem:s29+$0xCF40];
	v23 =	vmul.f32 v55, v55;
	[tilespmem:s29+$0x12B70] =	vst v13;
	v59 =	vmul.f32 v13, v13;
	v15 =	vadd.f32 v15, v21  }
0x95: {  	v5 =	vadd.f32 v55, v5;
	v9 =	vadd.f32 v13, v9;
	v60 =	vld [tilespmem:s20+$0x8460];
	[tilespmem:s29+$0x12F00] =	vst v12  }
0x96: {  	v7 =	vadd.f32 v23, v7;
	v6 =	vadd.f32 v59, v6;
	v62 =	vunpack.i.l.bf16.f32 v22;
	v21 =	vld [tilespmem:s29+$0xCF50];
	[tilespmem:s29+$0x12F10] =	vst v15  }
0x97: {  	v23 =	vmul.f32 v12, v12;
	v22 =	vunpack.i.u.bf16.f32 v22;
	v11 =	vadd.f32 v62, v57;
	v63 =	vld [tilespmem:s20+$0x8470]  }
0x98: {  	v10 =	vadd.f32 v12, v10;
	v28 =	vadd.f32 v22, v58;
	v22 =	vld [tilespmem:s29+$0xCF60]  }
0x99: {  	v2 =	vadd.f32 v23, v2;
	v23 =	vmul.f32 v15, v15;
	v8 =	vadd.f32 v15, v8;
	[tilespmem:s29+$0x12F20] =	vst v11  }
0x9a: {  	v30 =	vld [tilespmem:s29+$0xCF70];
	v29 =	vunpack.i.l.bf16.f32 v60;
	[tilespmem:s29+$0x12F30] =	vst v28;
	v5 =	vadd.f32 v11, v5;
	v31 =	vmul.f32 v28, v28  }
0x9b: {  	v13 =	vunpack.i.u.bf16.f32 v60;
	v0 =	vadd.f32 v23, v0;
	v14 =	vadd.f32 v29, v61;
	v32 =	vld [tilespmem:s20+$0x8800]  }
0x9c: {  	v33 =	vld [tilespmem:s29+$0xD300];
	v23 =	vmul.f32 v11, v11;
	v13 =	vadd.f32 v13, v21;
	v21 =	vunpack.i.l.bf16.f32 v63  }
0x9d: {  	v9 =	vadd.f32 v28, v9;
	[tilespmem:s29+$0x12F40] =	vst v14;
	v34 =	vadd.f32 v21, v22;
	v21 =	vld [tilespmem:s29+$0xD310]  }
0x9e: {  	v6 =	vadd.f32 v31, v6;
	v7 =	vadd.f32 v23, v7;
	v23 =	vmul.f32 v14, v14;
	[tilespmem:s29+$0x12F50] =	vst v13  }
0x9f: {  	v10 =	vadd.f32 v14, v10;
	v8 =	vadd.f32 v13, v8;
	v12 =	vunpack.i.u.bf16.f32 v63;
	v22 =	vld [tilespmem:s20+$0x8810]  }
0xa0: {  	v36 =	vld [tilespmem:s29+$0xD320];
	v13 =	vmul.f32 v13, v13;
	v12 =	vadd.f32 v12, v30;
	v35 =	vunpack.i.l.bf16.f32 v32  }
0xa1: {  	v37 =	vld [tilespmem:s29+$0xD330];
	v2 =	vadd.f32 v23, v2;
	v15 =	vunpack.i.u.bf16.f32 v32;
	v11 =	vadd.f32 v35, v33;
	[tilespmem:s29+$0x12F60] =	vst v34  }
0xa2: {  	v40 =	vld [tilespmem:s29+$0xD340];
	v0 =	vadd.f32 v13, v0;
	v23 =	vmul.f32 v34, v34;
	[tilespmem:s29+$0x12F70] =	vst v12;
	v15 =	vadd.f32 v15, v21  }
0xa3: {  	v5 =	vadd.f32 v34, v5;
	v38 =	vmul.f32 v12, v12;
	v9 =	vadd.f32 v12, v9;
	v39 =	vld [tilespmem:s20+$0x8820];
	[tilespmem:s29+$0x13300] =	vst v11  }
0xa4: {  	v10 =	vadd.f32 v11, v10;
	v7 =	vadd.f32 v23, v7;
	v41 =	vunpack.i.l.bf16.f32 v22;
	v21 =	vld [tilespmem:s29+$0xD350];
	[tilespmem:s29+$0x13310] =	vst v15  }
0xa5: {  	v23 =	vmul.f32 v11, v11;
	v22 =	vunpack.i.u.bf16.f32 v22;
	v11 =	vadd.f32 v41, v36;
	v42 =	vld [tilespmem:s20+$0x8830]  }
0xa6: {  	v6 =	vadd.f32 v38, v6;
	v43 =	vadd.f32 v22, v37;
	v22 =	vld [tilespmem:s29+$0xD360]  }
0xa7: {  	v45 =	vld [tilespmem:s29+$0xD370];
	v2 =	vadd.f32 v23, v2;
	v23 =	vmul.f32 v15, v15;
	v8 =	vadd.f32 v15, v8;
	[tilespmem:s29+$0x13320] =	vst v11  }
0xa8: {  	v44 =	vunpack.i.l.bf16.f32 v39;
	[tilespmem:s29+$0x13330] =	vst v43;
	v5 =	vadd.f32 v11, v5;
	v46 =	vmul.f32 v43, v43  }
0xa9: {  	v12 =	vunpack.i.u.bf16.f32 v39;
	v0 =	vadd.f32 v23, v0;
	v14 =	vadd.f32 v44, v40;
	v47 =	vld [tilespmem:s20+$0x8840]  }
0xaa: {  	v48 =	vld [tilespmem:s29+$0xD700];
	v23 =	vmul.f32 v11, v11;
	v12 =	vadd.f32 v12, v21;
	v21 =	vunpack.i.l.bf16.f32 v42  }
0xab: {  	v52 =	vld [tilespmem:s29+$0xD730];
	v9 =	vadd.f32 v43, v9;
	[tilespmem:s29+$0x13340] =	vst v14;
	v13 =	vunpack.i.u.bf16.f32 v42;
	v49 =	vadd.f32 v21, v22  }
0xac: {  	v7 =	vadd.f32 v23, v7;
	v23 =	vmul.f32 v14, v14;
	[tilespmem:s29+$0x13350] =	vst v12;
	v21 =	vld [tilespmem:s29+$0xD710];
	v13 =	vadd.f32 v13, v45  }
0xad: {  	v6 =	vadd.f32 v46, v6;
	v8 =	vadd.f32 v12, v8;
	v12 =	vmul.f32 v12, v12;
	v22 =	vld [tilespmem:s20+$0x8850];
	[tilespmem:s29+$0x13360] =	vst v49  }
0xae: {  	v51 =	vld [tilespmem:s29+$0xD720];
	v10 =	vadd.f32 v14, v10;
	v2 =	vadd.f32 v23, v2;
	v50 =	vunpack.i.l.bf16.f32 v47;
	[tilespmem:s29+$0x13370] =	vst v13  }
0xaf: {  	v0 =	vadd.f32 v12, v0;
	v11 =	vadd.f32 v50, v48;
	v23 =	vmul.f32 v49, v49;
	v54 =	vld [tilespmem:s20+$0x8860]  }
0xb0: {  	v55 =	vld [tilespmem:s29+$0xD740];
	v15 =	vunpack.i.u.bf16.f32 v47;
	v5 =	vadd.f32 v49, v5;
	v53 =	vmul.f32 v13, v13  }
0xb1: {  	v7 =	vadd.f32 v23, v7;
	v23 =	vmul.f32 v11, v11;
	v15 =	vadd.f32 v15, v21  }
0xb2: {  	[tilespmem:s29+$0x13700] =	vst v11;
	v10 =	vadd.f32 v11, v10;
	v56 =	vunpack.i.l.bf16.f32 v22;
	v22 =	vunpack.i.u.bf16.f32 v22  }
0xb3: {  	v21 =	vld [tilespmem:s29+$0xD750];
	v2 =	vadd.f32 v23, v2;
	v11 =	vadd.f32 v56, v51;
	[tilespmem:s29+$0x13710] =	vst v15;
	v23 =	vmul.f32 v15, v15  }
0xb4: {  	v9 =	vadd.f32 v13, v9;
	v58 =	vadd.f32 v22, v52;
	v57 =	vld [tilespmem:s20+$0x8870];
	v59 =	vunpack.i.l.bf16.f32 v54  }
0xb5: {  	v22 =	vld [tilespmem:s29+$0xD760];
	v0 =	vadd.f32 v23, v0;
	v23 =	vmul.f32 v11, v11;
	v14 =	vadd.f32 v59, v55  }
0xb6: {  	v60 =	vld [tilespmem:s29+$0xD770];
	v6 =	vadd.f32 v53, v6;
	v8 =	vadd.f32 v15, v8;
	v61 =	vmul.f32 v58, v58  }
0xb7: {  	v5 =	vadd.f32 v11, v5;
	v7 =	vadd.f32 v23, v7;
	v23 =	vmul.f32 v14, v14  }
0xb8: {  	v9 =	vadd.f32 v58, v9;
	v13 =	vunpack.i.u.bf16.f32 v54;
	v6 =	vadd.f32 v61, v6  }
0xb9: {  	v13 =	vadd.f32 v13, v21;
	v21 =	vunpack.i.l.bf16.f32 v57;
	v2 =	vadd.f32 v23, v2  }
0xba: {  	v12 =	vunpack.i.u.bf16.f32 v57;
	v23 =	vmov s13;
	v21 =	vadd.f32 v21, v22  }
0xbb: {  	v22 =	vmul.f32 v13, v13;
	v12 =	vadd.f32 v12, v60;
	v23 =	vand.u32 $0x7F, v23  }
0xbc: {  	v10 =	vadd.f32 v14, v10;
	v8 =	vadd.f32 v13, v8;
	v23 =	vbroadcast v23, $0x0  }
0xbd: {  	v62 =	vmul.f32 v21, v21;
	v0 =	vadd.f32 v22, v0;
	v22 =	vmul.f32 v12, v12  }
0xbe: {  	[tilespmem:s29+$0x13720] =	vst v11;
	v5 =	vadd.f32 v21, v5;
	v9 =	vadd.f32 v12, v9  }
0xbf: {  	[tilespmem:s29+$0x13730] =	vst v58;
	v63 =	vor.u32 v4, v23;
	v7 =	vadd.f32 v62, v7;
	v6 =	vadd.f32 v22, v6  }
0xc0: {  	p1 =	sne.s32 s13, $0xF;
	[tilespmem:s29+$0x13740] =	vst v14;
	v8 =	vadd.f32 v10, v8;
	v5 =	vadd.f32 v5, v9  }
.Ltmp0:
0xc1: {  	[tilespmem:s29+$0x13750] =	vst v13;
	v0 =	vadd.f32 v2, v0;
	v2 =	vadd.f32 v7, v6;
	(pc) =	sbr.rel @p1 .LBB2_3-.Ltmp0, $4  }
0xc2: {  	[tilespmem:s29+$0x13760] =	vst v21;
	v5 =	vadd.f32 v5, v8  }
0xc3: {  	[tilespmem:s29+$0x13770] =	vst v12;
	v0 =	vadd.f32 v2, v0  }
0xc4: {  	[tilespmem:v63+s0+$0x0] =	vst.idx.msk $0xffff, v5  }
0xc5: {  	s1 =	sadd.s32 $0x80, s1;
	s19 =	spop (v2sf);
	s13 =	smov.u32 s30;
	[tilespmem:v63+s14+$0x0] =	vst.idx.msk $0xffff, v0  }
0xc6: {  	v0 =	vld [tilespmem:$0xB300]  }
0xc7: {  	v2 =	vld [tilespmem:$0xB380]  }
0xc8: {  	v5 =	vld [tilespmem:$0xB400]  }
0xc9: {  	v6 =	vld [tilespmem:$0xB480]  }
0xca: {  	v7 =	vld [tilespmem:$0xB500]  }
0xcb: {  	v8 =	vld [tilespmem:$0xB580]  }
0xcc: {  	v9 =	vld [tilespmem:$0xB600]  }
0xcd: {  	v10 =	vld [tilespmem:$0xB680]  }
0xce: {  	v11 =	vld [tilespmem:$0xB700]  }
0xcf: {  	v12 =	vld [tilespmem:$0xB780]  }
0xd0: {  	v13 =	vld [tilespmem:$0xB800]  }
0xd1: {  	v14 =	vld [tilespmem:$0xB880]  }
0xd2: {  	v15 =	vld [tilespmem:$0xB900]  }
0xd3: {  	v20 =	vld [tilespmem:$0xB980]  }
0xd4: {  	v21 =	vld [tilespmem:$0xBA00]  }
0xd5: {  	v22 =	vld [tilespmem:$0xBA80]  }
0xd6: {  	v23 =	vld [tilespmem:$0xBB00]  }
0xd7: {  	v24 =	vld [tilespmem:$0xBB80]  }
0xd8: {  	v25 =	vld [tilespmem:$0xBC00]  }
0xd9: {  	v26 =	vld [tilespmem:$0xBC80]  }
0xda: {  	v27 =	vld [tilespmem:$0xBD00]  }
0xdb: {  	v28 =	vld [tilespmem:$0xBD80]  }
0xdc: {  	v29 =	vld [tilespmem:$0xBE00]  }
0xdd: {  	v30 =	vld [tilespmem:$0xBE80]  }
0xde: {  	v31 =	vld [tilespmem:$0xBF00]  }
0xdf: {  	v32 =	vld [tilespmem:$0xBF80]  }
0xe0: {  	v33 =	vld [tilespmem:$0xC000]  }
0xe1: {  	v34 =	vld [tilespmem:$0xC080];
	v0 =	vadd.f32 v2, v0;
	v2 =	vadd.f32 v6, v5  }
0xe2: {  	v35 =	vld [tilespmem:$0xC100];
	v6 =	vadd.f32 v8, v7;
	v7 =	vadd.f32 v10, v9  }
0xe3: {  	v36 =	vld [tilespmem:$0xC180];
	v9 =	vadd.f32 v12, v11;
	v10 =	vadd.f32 v14, v13  }
0xe4: {  	v11 =	vadd.f32 v20, v15;
	v12 =	vadd.f32 v22, v21  }
0xe5: {  	v5 =	vld [tilespmem:$0xC200];
	v13 =	vadd.f32 v24, v23;
	v14 =	vadd.f32 v26, v25  }
0xe6: {  	v8 =	vld [tilespmem:$0xC280];
	v15 =	vadd.f32 v28, v27;
	v20 =	vadd.f32 v30, v29  }
0xe7: {  	v21 =	vadd.f32 v32, v31;
	v22 =	vadd.f32 v34, v33  }
0xe8: {  	v23 =	vadd.f32 v36, v35;
	v0 =	vadd.f32 v2, v0  }
0xe9: {  	v2 =	vadd.f32 v7, v6;
	v6 =	vadd.f32 v10, v9  }
0xea: {  	v7 =	vadd.f32 v12, v11;
	v9 =	vadd.f32 v20, v15  }
0xeb: {  	v10 =	vadd.f32 v22, v21;
	v5 =	vadd.f32 v8, v5  }
0xec: {  	v0 =	vadd.f32 v2, v0;
	v2 =	vadd.f32 v7, v6  }
0xed: {  	v8 =	vadd.f32 v14, v13;
	v5 =	vadd.f32 v5, v23  }
0xee: {  	v0 =	vadd.f32 v2, v0  }
0xef: {  	v6 =	vadd.f32 v9, v8;
	v5 =	vadd.f32 v5, v10;
	_ =	sdelay $0x1  }
0xf0: {  	v0 =	vmul.f32 $1.302083370e-03, v0;
	v2 =	vadd.f32 v5, v6;
	_ =	sdelay $0x1  }
0xf1: {  	v5 =	vmul.f32 v0, v0;
	v2 =	vmul.f32 $1.302083370e-03, v2;
	_ =	sdelay $0x1  }
0xf2: {  	v2 =	vsub.f32 v2, v5;
	_ =	sdelay $0x1  }
0xf3: {  	v2 =	vmax.f32 v2, $0.0e+00  }
0xf4: {  	v2 =	vadd.f32 $9.999999960e-13, v2;
	_ =	sdelay $0x1  }
0xf5: {  	v5 =	vshra.s32 v2, $0x1;
	v2 =	vmul.f32 $5.000000000e-01, v2  }
0xf6: {  	v5 =	vsub.s32 $0x5F3759DF, v5  }
0xf7: {  	v6 =	vmul.f32 v5, v2;
	_ =	sdelay $0x1  }
0xf8: {  	v6 =	vmul.f32 v5, v6;
	_ =	sdelay $0x1  }
0xf9: {  	v6 =	vsub.f32 $1.500000000e+00, v6;
	_ =	sdelay $0x1  }
0xfa: {  	v5 =	vmul.f32 v5, v6;
	_ =	sdelay $0x1  }
0xfb: {  	v6 =	vmul.f32 v5, v2;
	_ =	sdelay $0x1  }
0xfc: {  	v6 =	vmul.f32 v6, v5;
	_ =	sdelay $0x1  }
0xfd: {  	v6 =	vsub.f32 $1.500000000e+00, v6;
	_ =	sdelay $0x1  }
0xfe: {  	v5 =	vmul.f32 v6, v5  }
0xff: {  	s19 =	simm.s32 $0x0  }
0x100: {  	s21 =	simm.s32 $0xB000;
	s24 =	simm.s32 $0x10;
	s25 =	simm.s32 $0x80;
	v2 =	vmul.f32 v5, v2  }
0x101: {  	s26 =	simm.s32 $0xB010;
	s20 =	simm.s32 $0x20;
	s1 =	sand.u32 $0x70, s19  }
0x102: {  	s13 =	sand.u32 $0x1C00, s19;
	s22 =	sand.u32 $0x70, s24;
	s23 =	sand.u32 $0x1C00, s25;
	v2 =	vmul.f32 v2, v5  }
0x103: {  	v38 =	vld [tilespmem:s26+$0x0];
	s15 =	sor.u32 s1, s13;
	s13 =	sor.u32 s22, s23;
	s22 =	simm.s32 $0x100  }
0x104: {  	s29 =	sand.u32 $0x70, s20;
	v6 =	vld [tilespmem:s21+$0x0];
	s21 =	sand.u32 $0x1C00, s22;
	v2 =	vsub.f32 $1.500000000e+00, v2  }
0x105: {  	s1 =	sor.u32 s29, s21  }
0x106: {  	v0 =	vsub.f32 $0.0e+00, v0;
	v59 =	vld [tilespmem:s1+$0x12300];
	v2 =	vmul.f32 v2, v5;
	_ =	sdelay $0x1  }
0x107: {  	v3 =	vimm.s32 $0x1;
	v0 =	vmul.f32 v2, v0  }
0x108: {  	v57 =	vunpack.i.l.bf16.f32 v38;
	v40 =	vunpack.i.u.bf16.f32 v38;
	v41 =	vperm.xlane v2, v1  }
0x109: {  	v55 =	vunpack.i.l.bf16.f32 v6;
	v43 =	vperm.xlane v2, v3;
	v42 =	vperm.xlane v0, v1  }
0x10a: {  	v13 =	vld [tilespmem:s13+$0x12480];
	v44 =	vperm.xlane v0, v3;
	v3 =	vimm.s32 $0x2;
	v16 =	vmul.f32 v59, v41  }
0x10b: {  	v11 =	vld [tilespmem:s15+$0x12500];
	v45 =	vperm.xlane v2, v3;
	v46 =	vperm.xlane v0, v3;
	v3 =	vimm.s32 $0x3  }
0x10c: {  	v47 =	vperm.xlane v2, v3;
	v49 =	vperm.xlane v0, v3;
	v3 =	vimm.s32 $0x4  }
0x10d: {  	v50 =	vperm.xlane v2, v3;
	v51 =	vperm.xlane v0, v3;
	v3 =	vimm.s32 $0x5  }
0x10e: {  	v52 =	vperm.xlane v2, v3;
	v53 =	vperm.xlane v0, v3;
	v3 =	vimm.s32 $0x6  }
0x10f: {  	v48 =	vunpack.i.u.bf16.f32 v6;
	v13 =	vmul.f32 v13, v47;
	v54 =	vperm.xlane v2, v3  }
0x110: {  	s23 =	simm.s32 $0x180;
	s21 =	simm.s32 $0x30;
	v56 =	vperm.xlane v0, v3;
	v3 =	vimm.s32 $0x7;
	v11 =	vmul.f32 v11, v50  }
0x111: {  	s19 =	sor.u32 s19, s19;
	s28 =	sand.u32 $0x1C00, s23;
	s31 =	sand.u32 $0x70, s21;
	v37 =	vperm.xlane v2, v3;
	v36 =	vperm.xlane v0, v3;
	v3 =	vimm.s32 $0x8  }
0x112: {  	s26 =	sor.u32 $0x380, s19;
	v7 =	vld [tilespmem:s15+$0x12580];
	s19 =	sor.u32 s31, s28;
	s28 =	simm.s32 $0xB030;
	v29 =	vperm.xlane v2, v3;
	v26 =	vperm.xlane v0, v3;
	v3 =	vimm.s32 $0x9  }
0x113: {  	v62 =	vld [tilespmem:s28+$0x0];
	v25 =	vperm.xlane v2, v3;
	v21 =	vperm.xlane v0, v3;
	v3 =	vimm.s32 $0xA  }
0x114: {  	v5 =	vld [tilespmem:s15+$0x12400];
	v23 =	vperm.xlane v2, v3;
	v20 =	vperm.xlane v0, v3;
	v3 =	vimm.s32 $0xB  }
0x115: {  	v8 =	vld [tilespmem:s15+$0x12480];
	v32 =	vperm.xlane v2, v3;
	v30 =	vperm.xlane v0, v3;
	v3 =	vimm.s32 $0xC  }
0x116: {  	v9 =	vld [tilespmem:s15+$0x12300];
	v31 =	vperm.xlane v2, v3;
	v27 =	vperm.xlane v0, v3;
	v3 =	vimm.s32 $0xD  }
0x117: {  	v10 =	vld [tilespmem:s15+$0x12380];
	v28 =	vperm.xlane v2, v3;
	v22 =	vperm.xlane v0, v3;
	v3 =	vimm.s32 $0xE  }
0x118: {  	v34 =	vperm.xlane v2, v3;
	v33 =	vperm.xlane v0, v3;
	v3 =	vimm.s32 $0xF  }
0x119: {  	v59 =	vunpack.i.u.bf16.f32 v62;
	v24 =	vperm.xlane v0, v3;
	v0 =	vmul.f32 v5, v45  }
0x11a: {  	v13 =	vadd.f32 v13, v49;
	v5 =	vmul.f32 v7, v52;
	v7 =	vmul.f32 v8, v47  }
0x11b: {  	v11 =	vadd.f32 v11, v51;
	v35 =	vperm.xlane v2, v3;
	v2 =	vld [tilespmem:s15+$0x12600];
	v8 =	vmul.f32 v9, v41  }
0x11c: {  	v12 =	vld [tilespmem:s13+$0x12580];
	v13 =	vmul.f32 v13, v57;
	v9 =	vmul.f32 v10, v43;
	v7 =	vadd.f32 v7, v49  }
0x11d: {  	v11 =	vmul.f32 v11, v55;
	v10 =	vld [tilespmem:s13+$0x12400];
	v5 =	vadd.f32 v5, v53;
	v6 =	vadd.f32 v8, v42  }
0x11e: {  	v15 =	vld [tilespmem:s13+$0x12380];
	v13 =	vadd.f32 v13, v40;
	v8 =	vadd.f32 v9, v44;
	v7 =	vmul.f32 v7, v55  }
0x11f: {  	v9 =	vld [tilespmem:s13+$0x12500];
	v0 =	vadd.f32 v0, v46;
	v5 =	vmul.f32 v5, v55;
	v6 =	vmul.f32 v6, v55  }
0x120: {  	v14 =	vld [tilespmem:s13+$0x12300];
	v11 =	vadd.f32 v11, v48;
	v8 =	vmul.f32 v8, v55;
	v2 =	vmul.f32 v2, v54  }
0x121: {  	v39 =	vld [tilespmem:s13+$0x12600];
	[tilespmem:s13+$0x12480] =	vst v13;
	v0 =	vmul.f32 v0, v55;
	v7 =	vadd.f32 v7, v48;
	v5 =	vadd.f32 v5, v48  }
0x122: {  	[tilespmem:s15+$0x12500] =	vst v11;
	v10 =	vmul.f32 v10, v45;
	v6 =	vadd.f32 v6, v48;
	v2 =	vadd.f32 v2, v56  }
0x123: {  	v60 =	vld [tilespmem:s1+$0x12380];
	v12 =	vmul.f32 v12, v52;
	v8 =	vadd.f32 v8, v48;
	v0 =	vadd.f32 v0, v48;
	[tilespmem:s15+$0x12480] =	vst v7  }
0x124: {  	v58 =	vld [tilespmem:s1+$0x12600];
	v10 =	vadd.f32 v10, v46;
	v7 =	vmul.f32 v9, v50;
	[tilespmem:s15+$0x12580] =	vst v5;
	v2 =	vmul.f32 v2, v55  }
0x125: {  	s30 =	simm.s32 $0xB020;
	v9 =	vadd.f32 v12, v53;
	v12 =	vld [tilespmem:s1+$0x12400];
	v5 =	vmul.f32 v14, v41;
	v14 =	vmul.f32 v15, v43;
	[tilespmem:s15+$0x12300] =	vst v6  }
0x126: {  	v15 =	vld [tilespmem:s30+$0x0];
	[tilespmem:s15+$0x12380] =	vst v8;
	v8 =	vmul.f32 v39, v54;
	v6 =	vadd.f32 v7, v51;
	v2 =	vadd.f32 v2, v48  }
0x127: {  	[tilespmem:s15+$0x12400] =	vst v0;
	v10 =	vmul.f32 v10, v57;
	v7 =	vld [tilespmem:s1+$0x12580];
	v0 =	vadd.f32 v5, v42;
	v5 =	vadd.f32 v14, v44  }
0x128: {  	v13 =	vmul.f32 v60, v43;
	v14 =	vld [tilespmem:s1+$0x12500];
	v9 =	vmul.f32 v9, v57;
	v8 =	vadd.f32 v8, v56;
	[tilespmem:s15+$0x12600] =	vst v2  }
0x129: {  	v10 =	vadd.f32 v10, v40;
	v0 =	vmul.f32 v0, v57;
	v5 =	vmul.f32 v5, v57;
	v11 =	vld [tilespmem:s26+$0x12300]  }
0x12a: {  	v9 =	vadd.f32 v9, v40;
	v6 =	vmul.f32 v6, v57;
	v8 =	vmul.f32 v8, v57  }
0x12b: {  	v2 =	vld [tilespmem:s1+$0x12480];
	v12 =	vmul.f32 v12, v45;
	v39 =	vunpack.i.l.bf16.f32 v15;
	v38 =	vunpack.i.u.bf16.f32 v15  }
0x12c: {  	v15 =	vmul.f32 v58, v54;
	v58 =	vadd.f32 v16, v42;
	v0 =	vadd.f32 v0, v40  }
0x12d: {  	[tilespmem:s13+$0x12400] =	vst v10;
	v5 =	vadd.f32 v5, v40;
	v8 =	vadd.f32 v8, v40;
	v7 =	vmul.f32 v7, v52  }
0x12e: {  	[tilespmem:s13+$0x12580] =	vst v9;
	v6 =	vadd.f32 v6, v40;
	v14 =	vmul.f32 v14, v50;
	v11 =	vmul.f32 v11, v37  }
0x12f: {  	v10 =	vadd.f32 v12, v46;
	v12 =	vld [tilespmem:s19+$0x12480];
	[tilespmem:s13+$0x12300] =	vst v0;
	v0 =	vadd.f32 v13, v44;
	v13 =	vmul.f32 v58, v39  }
0x130: {  	[tilespmem:s13+$0x12380] =	vst v5;
	v5 =	vld [tilespmem:s19+$0x12300];
	v58 =	vunpack.i.l.bf16.f32 v62;
	v2 =	vmul.f32 v2, v47;
	v9 =	vadd.f32 v11, v36  }
0x131: {  	v63 =	vld [tilespmem:s19+$0x12500];
	v7 =	vadd.f32 v7, v53;
	v14 =	vadd.f32 v14, v51;
	v0 =	vmul.f32 v0, v39  }
0x132: {  	v10 =	vmul.f32 v10, v39;
	v2 =	vadd.f32 v2, v49;
	v11 =	vld [tilespmem:s19+$0x12580];
	v9 =	vmul.f32 v9, v55  }
0x133: {  	[tilespmem:s13+$0x12500] =	vst v6;
	v6 =	vld [tilespmem:s19+$0x12380];
	v7 =	vmul.f32 v7, v39;
	v61 =	vadd.f32 v0, v38;
	v0 =	vadd.f32 v15, v56  }
0x134: {  	s24 =	sor.u32 s25, s24;
	v17 =	vld [tilespmem:s19+$0x12400];
	v12 =	vmul.f32 v12, v47;
	v2 =	vmul.f32 v2, v39;
	v9 =	vadd.f32 v9, v48  }
0x135: {  	s24 =	sor.u32 $0x380, s24;
	[tilespmem:s13+$0x12600] =	vst v8;
	v8 =	vld [tilespmem:s19+$0x12600];
	v60 =	vmul.f32 v14, v39;
	v7 =	vadd.f32 v7, v38;
	v5 =	vmul.f32 v5, v41  }
0x136: {  	v15 =	vld [tilespmem:s24+$0x12300];
	v0 =	vmul.f32 v0, v39;
	v12 =	vadd.f32 v12, v49;
	v2 =	vadd.f32 v2, v38;
	[tilespmem:s26+$0x12300] =	vst v9  }
0x137: {  	v10 =	vadd.f32 v10, v38;
	[tilespmem:s1+$0x12580] =	vst v7;
	v11 =	vmul.f32 v11, v52;
	v9 =	vmul.f32 v63, v50;
	v63 =	vld [tilespmem:s15+$0x13E80]  }
0x138: {  	v7 =	vmul.f32 v12, v58;
	[tilespmem:s1+$0x12480] =	vst v2;
	v2 =	vmul.f32 v6, v43;
	v6 =	vadd.f32 v5, v42;
	v16 =	vld [tilespmem:s15+$0x13E00]  }
0x139: {  	v14 =	vmul.f32 v17, v45;
	v0 =	vadd.f32 v0, v38;
	v11 =	vadd.f32 v11, v53;
	v17 =	vld [tilespmem:s15+$0x13B00]  }
0x13a: {  	[tilespmem:s1+$0x12400] =	vst v10;
	v18 =	vld [tilespmem:s15+$0x13B80];
	v2 =	vadd.f32 v2, v44;
	v10 =	vmul.f32 v6, v58;
	v6 =	vadd.f32 v7, v59  }
0x13b: {  	v12 =	vadd.f32 v14, v46;
	v5 =	vmul.f32 v15, v37;
	[tilespmem:s1+$0x12600] =	vst v0;
	v15 =	vld [tilespmem:s15+$0x13C00];
	v11 =	vmul.f32 v11, v58  }
0x13c: {  	v13 =	vadd.f32 v13, v38;
	v0 =	vmul.f32 v2, v58;
	[tilespmem:s19+$0x12480] =	vst v6;
	v6 =	vld [tilespmem:s15+$0x13D00]  }
0x13d: {  	v10 =	vadd.f32 v10, v59;
	v2 =	vadd.f32 v11, v59;
	v11 =	vmul.f32 v12, v58;
	v12 =	vld [tilespmem:s15+$0x13C80]  }
0x13e: {  	[tilespmem:s1+$0x12300] =	vst v13;
	v8 =	vmul.f32 v8, v54;
	v9 =	vadd.f32 v9, v51;
	v62 =	vmul.f32 v63, v35  }
0x13f: {  	[tilespmem:s19+$0x12300] =	vst v10;
	v10 =	vld [tilespmem:s15+$0x13D80];
	v7 =	vmul.f32 v16, v34;
	v13 =	vmul.f32 v17, v29  }
0x140: {  	v63 =	vadd.f32 v0, v59;
	v0 =	vadd.f32 v8, v56;
	[tilespmem:s19+$0x12580] =	vst v2;
	v2 =	vmul.f32 v9, v58  }
0x141: {  	s25 =	simm.s32 $0x200;
	s28 =	simm.s32 $0x40;
	s26 =	simm.s32 $0xB040;
	v8 =	vadd.f32 v11, v59;
	v11 =	vmul.f32 v18, v25;
	v9 =	vmul.f32 v15, v23  }
.LBB2_5:
0x142: {  	s29 =	sand.u32 $0x70, s28;
	v13 =	vadd.f32 v13, v26;
	v12 =	vmul.f32 v12, v32;
	v6 =	vmul.f32 v6, v31;
	v14 =	vmovc v39  }
0x143: {  	s31 =	sand.u32 $0x1C00, s25;
	v39 =	vmovc v58;
	v15 =	vmovc v48;
	v48 =	vmov v40;
	v40 =	vmov v38;
	v38 =	vmov v59;
	s16 =	smov.u32 s28;
	s30 =	sadd.s32 $0x10, s28  }
0x144: {  	p1 =	sne.s32 s28, $0x2F0;
	v5 =	vadd.f32 v5, v36;
	v7 =	vadd.f32 v7, v33;
	s29 =	sor.u32 s29, s31;
	[tilespmem:s19+$0x12400] =	vst v8;
	v8 =	vmul.f32 v10, v28  }
0x145: {  	v16 =	vmovc v60;
	v11 =	vadd.f32 v11, v21;
	v10 =	vld [tilespmem:s29+$0x12400];
	v13 =	vmul.f32 v13, v55;
	v12 =	vadd.f32 v12, v30  }
0x146: {  	v60 =	vmovc v2;
	v5 =	vmul.f32 v5, v57;
	v6 =	vadd.f32 v6, v27;
	v17 =	vld [tilespmem:s26+$0x0];
	v8 =	vadd.f32 v8, v22  }
0x147: {  	v9 =	vadd.f32 v9, v20;
	v2 =	vld [tilespmem:s29+$0x12580];
	v13 =	vadd.f32 v13, v15;
	v12 =	vmul.f32 v12, v55  }
0x148: {  	v7 =	vmul.f32 v7, v55;
	v11 =	vmul.f32 v11, v55;
	v5 =	vadd.f32 v5, v48;
	v18 =	vld [tilespmem:s29+$0x12500]  }
0x149: {  	v16 =	vadd.f32 v16, v40;
	v6 =	vmul.f32 v6, v55;
	v59 =	vld [tilespmem:s29+$0x12480];
	[tilespmem:s15+$0x13B00] =	vst v13;
	v12 =	vadd.f32 v12, v15  }
0x14a: {  	v7 =	vadd.f32 v7, v15;
	v8 =	vmul.f32 v8, v55;
	v10 =	vmul.f32 v10, v45;
	v13 =	vld [tilespmem:s29+$0x12600];
	[tilespmem:s1+$0x12380] =	vst v61  }
0x14b: {  	s22 =	sor.u32 s22, s20;
	s20 =	smov.u32 s21;
	s21 =	smov.u32 s16;
	v9 =	vmul.f32 v9, v55;
	v11 =	vadd.f32 v11, v15;
	v19 =	vld [tilespmem:s29+$0x12300];
	[tilespmem:s1+$0x12500] =	vst v16;
	v16 =	vadd.f32 v62, v24  }
0x14c: {  	s16 =	sor.u32 $0x380, s22;
	s22 =	smov.u32 s23;
	s23 =	smov.u32 s25;
	v6 =	vadd.f32 v6, v15;
	v61 =	vmovc v63;
	v58 =	vunpack.i.l.bf16.f32 v17;
	v62 =	vld [tilespmem:s29+$0x12380];
	v2 =	vmul.f32 v2, v52;
	[tilespmem:s15+$0x13C80] =	vst v12  }
0x14d: {  	v8 =	vadd.f32 v8, v15;
	v12 =	vmul.f32 v18, v50;
	v18 =	vld [tilespmem:s16+$0x12300];
	[tilespmem:s24+$0x12300] =	vst v5;
	v5 =	vadd.f32 v9, v15;
	s24 =	smov.u32 s16  }
0x14e: {  	v9 =	vmul.f32 v59, v47;
	v2 =	vadd.f32 v2, v53;
	v63 =	vld [tilespmem:s13+$0x13E80];
	[tilespmem:s15+$0x13E00] =	vst v7;
	v7 =	vmul.f32 v16, v55  }
0x14f: {  	v0 =	vmul.f32 v0, v39;
	v59 =	vunpack.i.u.bf16.f32 v17;
	v55 =	vmovc v57;
	v16 =	vmul.f32 v13, v54;
	v13 =	vld [tilespmem:s13+$0x13E00];
	[tilespmem:s15+$0x13D00] =	vst v6  }
0x150: {  	v6 =	vmul.f32 v19, v41;
	v9 =	vadd.f32 v9, v49;
	v17 =	vld [tilespmem:s13+$0x13B80];
	[tilespmem:s15+$0x13B80] =	vst v11;
	v7 =	vadd.f32 v7, v15  }
0x151: {  	v0 =	vadd.f32 v0, v38;
	v15 =	vadd.f32 v12, v51;
	v11 =	vmul.f32 v62, v43;
	v19 =	vld [tilespmem:s13+$0x13B00];
	[tilespmem:s15+$0x13C00] =	vst v5  }
0x152: {  	v12 =	vadd.f32 v6, v42;
	v9 =	vmul.f32 v9, v58;
	v5 =	vmul.f32 v18, v37;
	v6 =	vld [tilespmem:s13+$0x13D00];
	[tilespmem:s15+$0x13E80] =	vst v7  }
0x153: {  	v2 =	vmul.f32 v2, v58;
	v7 =	vadd.f32 v11, v44;
	v18 =	vld [tilespmem:s13+$0x13C00];
	v62 =	vmul.f32 v63, v35;
	[tilespmem:s15+$0x13D80] =	vst v8;
	s15 =	smov.u32 s13;
	s13 =	smov.u32 s1;
	s1 =	smov.u32 s19  }
.Ltmp1:
0x154: {  	v11 =	vadd.f32 v10, v46;
	s19 =	smov.u32 s29;
	v8 =	vmul.f32 v12, v58;
	v9 =	vadd.f32 v9, v59;
	[tilespmem:s1+$0x12600] =	vst v0;
	v12 =	vld [tilespmem:s15+$0x13C80];
	(pc) =	sbr.rel @p1 .LBB2_5-.Ltmp1, $4  }
0x155: {  	v57 =	vmovc v14;
	v3 =	vadd.f32 v2, v59;
	v0 =	vmul.f32 v7, v58;
	v10 =	vld [tilespmem:s15+$0x13D80];
	v7 =	vmul.f32 v13, v34  }
0x156: {  	v11 =	vmul.f32 v11, v58;
	v8 =	vadd.f32 v8, v59;
	[tilespmem:s19+$0x12480] =	vst v9;
	v13 =	vmul.f32 v19, v29  }
0x157: {  	v2 =	vmul.f32 v15, v58;
	v63 =	vadd.f32 v0, v59;
	[tilespmem:s19+$0x12580] =	vst v3;
	v0 =	vadd.f32 v16, v56  }
0x158: {  	s25 =	sadd.s32 $0x80, s25;
	s28 =	smov.u32 s30;
	s26 =	sadd.s32 $0x10, s26;
	[tilespmem:s19+$0x12300] =	vst v8;
	v8 =	vadd.f32 v11, v59;
	v11 =	vmul.f32 v17, v25;
	v9 =	vmul.f32 v18, v23  }
0x159: {  	v3 =	vadd.f32 v5, v36;
	[tilespmem:s1+$0x12380] =	vst v61  }
0x15a: {  	v5 =	vadd.f32 v60, v38;
	v0 =	vmul.f32 v0, v58;
	[tilespmem:s19+$0x12380] =	vst v63  }
0x15b: {  	v2 =	vadd.f32 v2, v59;
	[tilespmem:s19+$0x12400] =	vst v8;
	v3 =	vmul.f32 v3, v57  }
0x15c: {  	s16 =	sor.u32 s22, s20;
	[tilespmem:s1+$0x12500] =	vst v5;
	v0 =	vadd.f32 v0, v59  }
0x15d: {  	s29 =	sor.u32 s23, s21;
	s16 =	sor.u32 $0x380, s16;
	[tilespmem:s19+$0x12500] =	vst v2;
	v3 =	vadd.f32 v3, v40  }
0x15e: {  	v12 =	vmul.f32 v12, v32;
	v18 =	vadd.f32 v62, v24;
	s20 =	sor.u32 $0x380, s29;
	v44 =	vld [tilespmem:s16+$0x12300];
	[tilespmem:s19+$0x12600] =	vst v0  }
0x15f: {  	v11 =	vadd.f32 v11, v21;
	v9 =	vadd.f32 v9, v20;
	v5 =	vmul.f32 v6, v31;
	v50 =	vld [tilespmem:s20+$0x12300];
	[tilespmem:s24+$0x12300] =	vst v3  }
0x160: {  	v6 =	vmul.f32 v10, v28;
	v43 =	vadd.f32 v12, v30;
	v18 =	vmul.f32 v18, v55;
	v45 =	vld [tilespmem:s13+$0x13E80]  }
0x161: {  	v13 =	vadd.f32 v13, v26;
	v11 =	vmul.f32 v11, v55;
	v9 =	vmul.f32 v9, v55;
	v14 =	vld [tilespmem:s13+$0x13E00]  }
0x162: {  	v5 =	vadd.f32 v5, v27;
	v6 =	vadd.f32 v6, v22;
	v10 =	vmul.f32 v43, v55;
	v15 =	vld [tilespmem:s13+$0x13B80]  }
0x163: {  	v18 =	vadd.f32 v18, v48;
	v46 =	vadd.f32 v11, v48;
	v16 =	vld [tilespmem:s13+$0x13B00];
	v12 =	vmul.f32 v44, v37  }
0x164: {  	v9 =	vadd.f32 v9, v48;
	v3 =	vadd.f32 v7, v33;
	v7 =	vmul.f32 v13, v55;
	v19 =	vld [tilespmem:s13+$0x13C80]  }
0x165: {  	v10 =	vadd.f32 v10, v48;
	v5 =	vmul.f32 v5, v55;
	v17 =	vld [tilespmem:s13+$0x13D00];
	v12 =	vadd.f32 v12, v36  }
0x166: {  	v6 =	vmul.f32 v6, v55;
	v0 =	vld [tilespmem:s13+$0x13D80];
	v7 =	vadd.f32 v7, v48;
	v3 =	vmul.f32 v3, v55  }
0x167: {  	v47 =	vld [tilespmem:s13+$0x13C00];
	v5 =	vadd.f32 v5, v48;
	v55 =	vmul.f32 v50, v37;
	v12 =	vmul.f32 v12, v39  }
0x168: {  	v6 =	vadd.f32 v6, v48;
	v13 =	vmul.f32 v45, v35;
	v16 =	vmul.f32 v16, v29  }
0x169: {  	v2 =	vmul.f32 v14, v34;
	v49 =	vmul.f32 v19, v32;
	v12 =	vadd.f32 v12, v38  }
0x16a: {  	v3 =	vadd.f32 v3, v48;
	v15 =	vmul.f32 v15, v25;
	v17 =	vmul.f32 v17, v31  }
0x16b: {  	v0 =	vmul.f32 v0, v28;
	v16 =	vadd.f32 v16, v26;
	v14 =	vadd.f32 v49, v30;
	[tilespmem:s16+$0x12300] =	vst v12  }
0x16c: {  	v11 =	vmul.f32 v47, v23;
	v2 =	vadd.f32 v2, v33;
	v15 =	vadd.f32 v15, v21;
	v52 =	vld [tilespmem:s1+$0x13E00]  }
0x16d: {  	[tilespmem:s15+$0x13B00] =	vst v7;
	v7 =	vadd.f32 v17, v27;
	v0 =	vadd.f32 v0, v22;
	v51 =	vmul.f32 v16, v57;
	v53 =	vld [tilespmem:s1+$0x13B80]  }
0x16e: {  	[tilespmem:s15+$0x13E00] =	vst v3;
	v11 =	vadd.f32 v11, v20;
	v14 =	vmul.f32 v14, v57;
	v3 =	vmul.f32 v15, v57;
	v56 =	vld [tilespmem:s1+$0x13B00]  }
0x16f: {  	[tilespmem:s15+$0x13D00] =	vst v5;
	v63 =	vadd.f32 v13, v24;
	v2 =	vmul.f32 v2, v57;
	v5 =	vmul.f32 v7, v57;
	v60 =	vld [tilespmem:s1+$0x13D00]  }
0x170: {  	[tilespmem:s15+$0x13E80] =	vst v18;
	v0 =	vmul.f32 v0, v57;
	v12 =	vadd.f32 v55, v36;
	v7 =	vld [tilespmem:s1+$0x13C80];
	v54 =	vadd.f32 v51, v40  }
0x171: {  	[tilespmem:s15+$0x13B80] =	vst v46;
	v61 =	vmul.f32 v11, v57;
	v62 =	vld [tilespmem:s1+$0x13D80];
	v14 =	vadd.f32 v14, v40;
	v2 =	vadd.f32 v2, v40  }
0x172: {  	[tilespmem:s15+$0x13C00] =	vst v9;
	v36 =	vld [tilespmem:s1+$0x13C00];
	v3 =	vadd.f32 v3, v40;
	v5 =	vadd.f32 v5, v40;
	v12 =	vmul.f32 v12, v58  }
0x173: {  	[tilespmem:s15+$0x13D80] =	vst v6;
	v9 =	vmul.f32 v63, v57;
	v6 =	vld [tilespmem:s1+$0x13E80];
	v8 =	vadd.f32 v61, v40;
	v0 =	vadd.f32 v0, v40  }
0x174: {  	[tilespmem:s15+$0x13C80] =	vst v10;
	v12 =	vadd.f32 v12, v59;
	v37 =	vmul.f32 v56, v29;
	v16 =	vmul.f32 v52, v34  }
0x175: {  	v9 =	vadd.f32 v9, v40;
	[tilespmem:s13+$0x13B00] =	vst v54;
	v41 =	vmul.f32 v53, v25;
	v7 =	vmul.f32 v7, v32  }
0x176: {  	v15 =	vmul.f32 v60, v31;
	v11 =	vmul.f32 v62, v28;
	[tilespmem:s20+$0x12300] =	vst v12;
	v42 =	vadd.f32 v37, v26  }
0x177: {  	[tilespmem:s13+$0x13E00] =	vst v2;
	v2 =	vmul.f32 v36, v23;
	v45 =	vld [tilespmem:s19+$0x13E80];
	v43 =	vadd.f32 v16, v33;
	v7 =	vadd.f32 v7, v30  }
0x178: {  	[tilespmem:s13+$0x13D00] =	vst v5;
	v5 =	vmul.f32 v6, v35;
	v47 =	vld [tilespmem:s19+$0x13E00];
	v10 =	vadd.f32 v41, v21;
	v46 =	vadd.f32 v15, v27  }
0x179: {  	[tilespmem:s13+$0x13B80] =	vst v3;
	v49 =	vld [tilespmem:s19+$0x13B00];
	v6 =	vadd.f32 v11, v22;
	v44 =	vmul.f32 v42, v39;
	v3 =	vmul.f32 v7, v39  }
0x17a: {  	[tilespmem:s13+$0x13C80] =	vst v14;
	v53 =	vld [tilespmem:s19+$0x13B80];
	v2 =	vadd.f32 v2, v20;
	v7 =	vmul.f32 v10, v39;
	v51 =	vmul.f32 v43, v39  }
0x17b: {  	[tilespmem:s13+$0x13C00] =	vst v8;
	v54 =	vld [tilespmem:s19+$0x13D00];
	v5 =	vadd.f32 v5, v24;
	v52 =	vmul.f32 v46, v39;
	v6 =	vmul.f32 v6, v39  }
0x17c: {  	[tilespmem:s13+$0x13E80] =	vst v9;
	v50 =	vld [tilespmem:s19+$0x13C80];
	v2 =	vmul.f32 v2, v39;
	v48 =	vadd.f32 v44, v38;
	v3 =	vadd.f32 v3, v38  }
0x17d: {  	[tilespmem:s13+$0x13D80] =	vst v0;
	v55 =	vld [tilespmem:s19+$0x13C00];
	v5 =	vmul.f32 v5, v39;
	v0 =	vadd.f32 v51, v38;
	v7 =	vadd.f32 v7, v38  }
0x17e: {  	v57 =	vld [tilespmem:s19+$0x13D80];
	v56 =	vadd.f32 v52, v38;
	v2 =	vadd.f32 v2, v38;
	v14 =	vmul.f32 v49, v29;
	[tilespmem:s1+$0x13B00] =	vst v48  }
0x17f: {  	v5 =	vadd.f32 v5, v38;
	v60 =	vmul.f32 v47, v34;
	v61 =	vmul.f32 v53, v25;
	[tilespmem:s1+$0x13C80] =	vst v3  }
0x180: {  	v9 =	vmul.f32 v54, v31;
	v3 =	vadd.f32 v6, v38;
	[tilespmem:s1+$0x13E00] =	vst v0;
	v14 =	vadd.f32 v14, v26  }
0x181: {  	v6 =	vmul.f32 v50, v32;
	v0 =	vmul.f32 v45, v35;
	[tilespmem:s1+$0x13B80] =	vst v7;
	v62 =	vadd.f32 v60, v33  }
0x182: {  	v7 =	vmul.f32 v55, v23;
	[tilespmem:s1+$0x13E80] =	vst v5;
	v5 =	vadd.f32 v61, v21;
	v63 =	vmul.f32 v14, v58  }
0x183: {  	[tilespmem:s1+$0x13C00] =	vst v2;
	v2 =	vmul.f32 v57, v28;
	v6 =	vadd.f32 v6, v30;
	v8 =	vmul.f32 v62, v58  }
0x184: {  	[tilespmem:s1+$0x13D80] =	vst v3;
	v3 =	vadd.f32 v7, v20;
	v5 =	vmul.f32 v5, v58;
	v10 =	vadd.f32 v63, v59  }
0x185: {  	[tilespmem:s1+$0x13D00] =	vst v56;
	v0 =	vadd.f32 v0, v24;
	v6 =	vmul.f32 v6, v58;
	v8 =	vadd.f32 v8, v59  }
0x186: {  	v2 =	vadd.f32 v2, v22;
	v3 =	vmul.f32 v3, v58;
	v5 =	vadd.f32 v5, v59;
	[tilespmem:s19+$0x13B00] =	vst v10  }
0x187: {  	v9 =	vadd.f32 v9, v27;
	v0 =	vmul.f32 v0, v58;
	v6 =	vadd.f32 v6, v59;
	[tilespmem:s19+$0x13E00] =	vst v8  }
0x188: {  	v2 =	vmul.f32 v2, v58;
	v3 =	vadd.f32 v3, v59;
	[tilespmem:s19+$0x13B80] =	vst v5  }
0x189: {  	s30 =	smul.u32 $0xC0000, s6;
	p1 =	sne.s32 s6, $0x3F;
	v7 =	vmul.f32 v9, v58;
	v0 =	vadd.f32 v0, v59;
	[tilespmem:s19+$0x13C80] =	vst v6  }
.Ltmp2:
0x18a: {  	v2 =	vadd.f32 v2, v59;
	[tilespmem:s19+$0x13C00] =	vst v3;
	(pc) =	sbr.rel @p1 .LBB2_8-.Ltmp2, $4  }
0x18b: {  	s1 =	sadd.s32 s12, s30;
	v6 =	vadd.f32 v7, v59;
	[tilespmem:s19+$0x13E80] =	vst v0  }
0x18c: {  	s1 =	sshrl.u32 s1, $0x3;
	[tilespmem:s19+$0x13D80] =	vst v2  }
0x18d: {  	s31 =	simm.s32 $0x12300;
	s1 =	sadd.s32 s4, s1;
	[tilespmem:s19+$0x13D00] =	vst v6  }
0x18e: {  	[hbm4b:s1+s5] =	stream.linear.scatter [tilespmem:s31], [sflag:$0x2], $0x3000, $0x38;
	[tilespmem:$0x18300] =	vst v63  }
.Ltmp3:
0x18f: {  	(pc) =	sbr.rel .LBB2_9-.Ltmp3, $4  }
0x190: {  	_ = 	snop  }
0x191: {  	_ =	swait.ge [sflag:s2], $0x3000  }
0x192: {  	[sflag:s2] =	ssyncset.done $0x0  }
0x193: {  	[sflag:s2] =	ssyncadd.s32 $0xFFFFD000  }
.LBB2_8:
0x194: {  	v0 =	vld [tilespmem:s9+$0x100];
	_ =	sdelay $0x3  }
0x195: {  	v1 =	vld [tilespmem:$0x1FFD0]  }
0x196: {  	v2 =	vshrl.u32 v0, $0x3  }
0x197: {  	v2 =	vmul.u32 $0x30, v2  }
0x198: {  	v0 =	vand.u32 $0x7, v0  }
0x199: {  	v0 =	vor.u32 v0, v2  }
0x19a: {  	v2 =	vperm.xlane v0, v1;
	v1 =	vld [tilespmem:$0x1FFE0];
	_ =	sdelay $0x3  }
0x19b: {  	v3 =	vld [tilespmem:$0x1FFF0]  }
0x19c: {  	v2 =	vadd.s32 v1, v2;
	_ =	sdelay $0x3  }
0x19d: {  	s1 =	simm.s32 $0xC300;
	v0 =	vperm.xlane v0, v3  }
0x19e: {  	[tilespmem:s1], [sflag:$0x1] =	stream.indirect_vreg.gather [hbm4b:s3+s5], $0x80, v2, vm0, $0xb8;
	[tilespmem:$0x18300] =	vst v63  }
0x19f: {  	s26 =	simm.s32 $0xCB00;
	v0 =	vadd.s32 v1, v0  }
0x1a0: {  	[tilespmem:s26], [sflag:$0x1] =	stream.indirect_vreg.gather [hbm4b:s10+s5], $0x80, v2, vm0, $0xb8;
	[tilespmem:$0x18300] =	vst v63  }
0x1a1: {  	s28 =	simm.s32 $0xD300  }
0x1a2: {  	[tilespmem:s28], [sflag:$0x1] =	stream.indirect_vreg.gather [hbm4b:s11+s5], $0x80, v2, vm0, $0xb8;
	[tilespmem:$0x18300] =	vst v63  }
0x1a3: {  	s29 =	simm.s32 $0xDB00  }
0x1a4: {  	[tilespmem:s29], [sflag:$0x1] =	stream.indirect_vreg.gather [hbm4b:s3+s5], $0x80, v0, vm0, $0xb8;
	[tilespmem:$0x18300] =	vst v63  }
0x1a5: {  	s30 =	simm.s32 $0xE300  }
0x1a6: {  	[tilespmem:s30], [sflag:$0x1] =	stream.indirect_vreg.gather [hbm4b:s10+s5], $0x80, v0, vm0, $0xb8;
	[tilespmem:$0x18300] =	vst v63  }
.Ltmp4:
0x1a7: {  	s31 =	simm.s32 $0xEB00;
	(pc) =	sbr.rel @p0 .LBB2_10-.Ltmp4, $4  }
0x1a8: {  	[tilespmem:s31], [sflag:$0x1] =	stream.indirect_vreg.gather [hbm4b:s11+s5], $0x80, v0, vm0, $0xb8;
	[tilespmem:$0x18300] =	vst v63  }
0x1a9: {  	_ =	swait.ge [sflag:s2], $0x3000  }
0x1aa: {  	[sflag:s2] =	ssyncset.done $0x0  }
0x1ab: {  	v1 =	vimm.s32 $0x0;
	[sflag:s2] =	ssyncadd.s32 $0xFFFFD000  }
.LBB2_9:
0x1ac: {  	_ =	swait.ge [sflag:s17], $0x3000  }
0x1ad: {  	[sflag:s17] =	ssyncset.done $0x0  }
0x1ae: {  	[sflag:s17] =	ssyncadd.s32 $0xFFFFD000  }
.LBB2_10:
0x1af: {  	v20 =	vld [tilespmem:s8+$0x4000];
	_ =	sdelay $0x4  }
0x1b0: {  	v0 =	vperm.xlane v20, v1;
	_ =	sdelay $0x1  }
0x1b1: {  	(v2sf) =	vpush v0, $0x0;
	_ =	sdelay $0xe  }
0x1b2: {  	s8 =	simm.s32 $0x0;
	s1 =	simm.s32 $0x0;
	s9 =	spop (v2sf)  }
.LBB2_11:
0x1b3: {  	s13 =	sshrl.u32 s8, $0x3;
	s9 =	smul.u32 $0x6000, s9  }
0x1b4: {  	s15 =	smul.u32 $0x3000, s13  }
0x1b5: {  	s13 =	smul.u32 $0x1800, s13  }
0x1b6: {  	s16 =	sand.u32 $0x380, s1;
	s9 =	sshra.s32 s9, $0x2;
	s15 =	sshra.s32 s15, $0x2  }
0x1b7: {  	s28 =	sor.u32 s16, s13;
	s9 =	sadd.s32 s15, s9  }
0x1b8: {  	v2 =	vld [tilespmem:s28+$0xF300];
	s15 =	sor.u32 s16, s9  }
0x1b9: {  	v0 =	vld [tilespmem:s15+$0x8000]  }
0x1ba: {  	v3 =	vld [tilespmem:s28+$0xF310]  }
0x1bb: {  	v5 =	vld [tilespmem:s15+$0x8010]  }
0x1bc: {  	v6 =	vld [tilespmem:s28+$0xF320]  }
0x1bd: {  	v7 =	vld [tilespmem:s28+$0xF330]  }
0x1be: {  	v53 =	vld [tilespmem:s15+$0x8020];
	v8 =	vunpack.i.l.bf16.f32 v0  }
0x1bf: {  	v10 =	vld [tilespmem:s28+$0xF350];
	v0 =	vunpack.i.u.bf16.f32 v0;
	v2 =	vadd.f32 v8, v2  }
0x1c0: {  	v9 =	vunpack.i.l.bf16.f32 v5;
	v0 =	vadd.f32 v0, v3  }
0x1c1: {  	v11 =	vld [tilespmem:s28+$0xF370];
	v5 =	vunpack.i.u.bf16.f32 v5;
	v6 =	vadd.f32 v9, v6;
	[tilespmem:s28+$0x15300] =	vst v2  }
0x1c2: {  	s29 =	sadd.s32 $0x1, s8;
	v3 =	vld [tilespmem:s28+$0xF340];
	v5 =	vadd.f32 v5, v7;
	[tilespmem:s28+$0x15310] =	vst v0  }
0x1c3: {  	s30 =	smin.u32 s29, $0xF;
	v8 =	vunpack.i.u.bf16.f32 v53;
	v54 =	vld [tilespmem:s15+$0x8030];
	[tilespmem:s28+$0x15320] =	vst v6  }
0x1c4: {  	v56 =	vmov s30;
	v12 =	vunpack.i.l.bf16.f32 v53;
	v7 =	vld [tilespmem:s28+$0xF360];
	v8 =	vadd.f32 v8, v10;
	[tilespmem:s28+$0x15330] =	vst v5  }
0x1c5: {  	v10 =	vperm.xlane v20, v56;
	v58 =	vadd.f32 $0.0e+00, v2;
	v60 =	vadd.f32 $0.0e+00, v0;
	v13 =	vld [tilespmem:s15+$0x8040]  }
0x1c6: {  	v55 =	vld [tilespmem:s28+$0xF700];
	v2 =	vmul.f32 v2, v2;
	v61 =	vadd.f32 $0.0e+00, v6;
	v21 =	vadd.f32 $0.0e+00, v5  }
0x1c7: {  	v14 =	vld [tilespmem:s28+$0xF710];
	v0 =	vmul.f32 v0, v0;
	(v2sf) =	vpush v10, $0x0;
	v3 =	vadd.f32 v12, v3  }
0x1c8: {  	v23 =	vmul.f32 v8, v8;
	v6 =	vmul.f32 v6, v6;
	[tilespmem:s28+$0x15350] =	vst v8;
	v15 =	vunpack.i.l.bf16.f32 v54  }
0x1c9: {  	v59 =	vld [tilespmem:s28+$0xF720];
	v8 =	vadd.f32 v8, v60;
	[tilespmem:s28+$0x15340] =	vst v3;
	v9 =	vunpack.i.u.bf16.f32 v54;
	v7 =	vadd.f32 v15, v7  }
0x1ca: {  	v0 =	vadd.f32 v23, v0;
	v57 =	vld [tilespmem:s15+$0x8050];
	v9 =	vadd.f32 v9, v11;
	v16 =	vunpack.i.l.bf16.f32 v13  }
0x1cb: {  	v17 =	vld [tilespmem:s28+$0xF730];
	v18 =	vmul.f32 v3, v3;
	v13 =	vunpack.i.u.bf16.f32 v13;
	v12 =	vadd.f32 v16, v55;
	[tilespmem:s28+$0x15360] =	vst v7  }
0x1cc: {  	v22 =	vld [tilespmem:s28+$0xF740];
	v5 =	vmul.f32 v5, v5;
	v3 =	vadd.f32 v3, v58;
	v13 =	vadd.f32 v13, v14;
	[tilespmem:s28+$0x15370] =	vst v9  }
0x1cd: {  	v2 =	vadd.f32 v18, v2;
	v27 =	vmul.f32 v7, v7;
	v7 =	vadd.f32 v7, v61;
	v19 =	vld [tilespmem:s15+$0x8060];
	[tilespmem:s28+$0x15700] =	vst v12  }
0x1ce: {  	v62 =	vld [tilespmem:s28+$0xF750];
	v30 =	vadd.f32 v9, v21;
	v9 =	vmul.f32 v9, v9;
	[tilespmem:s28+$0x15710] =	vst v13;
	v31 =	vmul.f32 v13, v13  }
0x1cf: {  	v3 =	vadd.f32 v12, v3;
	v8 =	vadd.f32 v13, v8;
	v18 =	vunpack.i.l.bf16.f32 v57;
	v24 =	vld [tilespmem:s15+$0x8070]  }
0x1d0: {  	v63 =	vld [tilespmem:s28+$0xF760];
	v15 =	vunpack.i.u.bf16.f32 v57;
	v6 =	vadd.f32 v27, v6;
	v11 =	vadd.f32 v18, v59  }
0x1d1: {  	v5 =	vadd.f32 v9, v5;
	v15 =	vadd.f32 v15, v17;
	v18 =	vld [tilespmem:s28+$0xF770]  }
0x1d2: {  	v0 =	vadd.f32 v31, v0;
	[tilespmem:s28+$0x15720] =	vst v11;
	v7 =	vadd.f32 v11, v7  }
0x1d3: {  	[tilespmem:s28+$0x15730] =	vst v15;
	v14 =	vadd.f32 v15, v30;
	v23 =	vunpack.i.l.bf16.f32 v19;
	v28 =	vunpack.i.u.bf16.f32 v19  }
0x1d4: {  	v29 =	vld [tilespmem:s15+$0x8400];
	v19 =	vadd.f32 v23, v22;
	v22 =	vunpack.i.l.bf16.f32 v24;
	v23 =	vmul.f32 v12, v12  }
0x1d5: {  	v21 =	vld [tilespmem:s28+$0xFB00];
	v10 =	vadd.f32 v28, v62;
	v24 =	vunpack.i.u.bf16.f32 v24;
	v16 =	vadd.f32 v22, v63  }
0x1d6: {  	v25 =	vld [tilespmem:s28+$0xFB10];
	v18 =	vadd.f32 v24, v18;
	[tilespmem:s28+$0x15740] =	vst v19;
	v2 =	vadd.f32 v23, v2  }
0x1d7: {  	v32 =	vld [tilespmem:s28+$0xFB20];
	[tilespmem:s28+$0x15750] =	vst v10;
	v23 =	vmul.f32 v11, v11;
	v3 =	vadd.f32 v19, v3;
	v39 =	vmul.f32 v19, v19  }
0x1d8: {  	v40 =	vmul.f32 v10, v10;
	v8 =	vadd.f32 v10, v8;
	v22 =	vld [tilespmem:s15+$0x8410];
	[tilespmem:s28+$0x15760] =	vst v16;
	v41 =	vmul.f32 v16, v16  }
0x1d9: {  	v33 =	vld [tilespmem:s28+$0xFB30];
	[tilespmem:s28+$0x15770] =	vst v18;
	v7 =	vadd.f32 v16, v7;
	v14 =	vadd.f32 v18, v14;
	v34 =	vunpack.i.l.bf16.f32 v29  }
0x1da: {  	v35 =	vld [tilespmem:s15+$0x8420];
	v17 =	vunpack.i.u.bf16.f32 v29;
	v6 =	vadd.f32 v23, v6;
	v13 =	vadd.f32 v34, v21  }
0x1db: {  	v36 =	vld [tilespmem:s28+$0xFB40];
	v2 =	vadd.f32 v39, v2;
	v17 =	vadd.f32 v17, v25;
	v21 =	vmul.f32 v15, v15  }
0x1dc: {  	v45 =	vmul.f32 v18, v18;
	v23 =	vld [tilespmem:s28+$0xFB50];
	v0 =	vadd.f32 v40, v0;
	v6 =	vadd.f32 v41, v6;
	[tilespmem:s28+$0x15B00] =	vst v13  }
0x1dd: {  	[tilespmem:s28+$0x15B10] =	vst v17;
	v5 =	vadd.f32 v21, v5;
	v3 =	vadd.f32 v13, v3;
	v37 =	vunpack.i.l.bf16.f32 v22  }
0x1de: {  	v8 =	vadd.f32 v17, v8;
	v38 =	vunpack.i.u.bf16.f32 v22;
	v21 =	vld [tilespmem:s15+$0x8430];
	v12 =	vadd.f32 v37, v32  }
0x1df: {  	v19 =	vld [tilespmem:s28+$0xFB60];
	v50 =	vmul.f32 v17, v17;
	v9 =	vadd.f32 v38, v33;
	v22 =	vunpack.i.l.bf16.f32 v35  }
0x1e0: {  	v26 =	vld [tilespmem:s28+$0xFB70];
	v24 =	vunpack.i.u.bf16.f32 v35;
	v5 =	vadd.f32 v45, v5;
	v11 =	vadd.f32 v22, v36;
	[tilespmem:s28+$0x15B20] =	vst v12  }
0x1e1: {  	v42 =	vld [tilespmem:s28+$0xFF00];
	v0 =	vadd.f32 v50, v0;
	v23 =	vadd.f32 v24, v23;
	[tilespmem:s28+$0x15B30] =	vst v9;
	v52 =	vmul.f32 v12, v12  }
0x1e2: {  	v53 =	vmul.f32 v9, v9;
	v7 =	vadd.f32 v12, v7;
	v9 =	vadd.f32 v9, v14;
	v22 =	vld [tilespmem:s15+$0x8440];
	[tilespmem:s28+$0x15B40] =	vst v11  }
0x1e3: {  	v43 =	vld [tilespmem:s28+$0xFF10];
	[tilespmem:s28+$0x15B50] =	vst v23;
	v3 =	vadd.f32 v11, v3;
	v58 =	vmul.f32 v23, v23;
	v44 =	vunpack.i.l.bf16.f32 v21  }
0x1e4: {  	v8 =	vadd.f32 v23, v8;
	v46 =	vld [tilespmem:s15+$0x8450];
	v21 =	vunpack.i.u.bf16.f32 v21;
	v16 =	vadd.f32 v44, v19  }
0x1e5: {  	v18 =	vld [tilespmem:s28+$0xFF20];
	v6 =	vadd.f32 v52, v6;
	v19 =	vadd.f32 v21, v26;
	v21 =	vmul.f32 v13, v13  }
0x1e6: {  	v47 =	vld [tilespmem:s28+$0xFF30];
	v11 =	vmul.f32 v11, v11;
	v5 =	vadd.f32 v53, v5;
	v0 =	vadd.f32 v58, v0;
	[tilespmem:s28+$0x15B60] =	vst v16  }
0x1e7: {  	[tilespmem:s28+$0x15B70] =	vst v19;
	v2 =	vadd.f32 v21, v2;
	v60 =	vmul.f32 v16, v16;
	v48 =	vunpack.i.l.bf16.f32 v22  }
0x1e8: {  	v7 =	vadd.f32 v16, v7;
	v49 =	vunpack.i.u.bf16.f32 v22;
	v21 =	vld [tilespmem:s15+$0x8460];
	v10 =	vadd.f32 v48, v42  }
0x1e9: {  	v51 =	vld [tilespmem:s28+$0xFF40];
	v9 =	vadd.f32 v19, v9;
	v13 =	vadd.f32 v49, v43;
	v22 =	vunpack.i.l.bf16.f32 v46  }
0x1ea: {  	v27 =	vld [tilespmem:s28+$0xFF50];
	v62 =	vmul.f32 v19, v19;
	v25 =	vunpack.i.u.bf16.f32 v46;
	v18 =	vadd.f32 v22, v18;
	[tilespmem:s28+$0x15F00] =	vst v10  }
0x1eb: {  	v54 =	vld [tilespmem:s28+$0xFF60];
	v2 =	vadd.f32 v11, v2;
	v24 =	vadd.f32 v25, v47;
	[tilespmem:s28+$0x15F10] =	vst v13  }
0x1ec: {  	v6 =	vadd.f32 v60, v6;
	v5 =	vadd.f32 v62, v5;
	v23 =	vmul.f32 v10, v10;
	v22 =	vld [tilespmem:s15+$0x8470];
	[tilespmem:s28+$0x15F20] =	vst v18  }
0x1ed: {  	s31 =	sadd.s32 $0x1000, s28;
	v55 =	vld [tilespmem:s28+$0xFF70];
	v26 =	vmul.f32 v13, v13;
	v3 =	vadd.f32 v10, v3;
	[tilespmem:s28+$0x15F30] =	vst v24;
	v57 =	vunpack.i.l.bf16.f32 v21  }
0x1ee: {  	v8 =	vadd.f32 v13, v8;
	v56 =	vld [tilespmem:s31+$0xF300];
	v21 =	vunpack.i.u.bf16.f32 v21;
	v17 =	vadd.f32 v57, v51  }
0x1ef: {  	v7 =	vadd.f32 v18, v7;
	v28 =	vmul.f32 v18, v18;
	v61 =	vld [tilespmem:s15+$0x8800];
	v21 =	vadd.f32 v21, v27  }
0x1f0: {  	v18 =	vmul.f32 v24, v24;
	v9 =	vadd.f32 v24, v9;
	v59 =	vld [tilespmem:s31+$0xF310];
	v2 =	vadd.f32 v23, v2;
	[tilespmem:s28+$0x15F40] =	vst v17  }
0x1f1: {  	v0 =	vadd.f32 v26, v0;
	v6 =	vadd.f32 v28, v6;
	[tilespmem:s28+$0x15F50] =	vst v21;
	v19 =	vunpack.i.l.bf16.f32 v22  }
0x1f2: {  	v5 =	vadd.f32 v18, v5;
	v63 =	vld [tilespmem:s31+$0xF320];
	v22 =	vunpack.i.u.bf16.f32 v22;
	v12 =	vadd.f32 v19, v54  }
0x1f3: {  	v32 =	vmul.f32 v17, v17;
	v34 =	vmul.f32 v21, v21;
	v19 =	vld [tilespmem:s31+$0xF330];
	v14 =	vadd.f32 v22, v55  }
0x1f4: {  	v3 =	vadd.f32 v17, v3;
	v8 =	vadd.f32 v21, v8;
	v22 =	vld [tilespmem:s15+$0x8810];
	v30 =	vunpack.i.l.bf16.f32 v61;
	[tilespmem:s28+$0x15F60] =	vst v12  }
0x1f5: {  	v23 =	vunpack.i.u.bf16.f32 v61;
	v2 =	vadd.f32 v32, v2;
	v0 =	vadd.f32 v34, v0;
	[tilespmem:s28+$0x15F70] =	vst v14  }
0x1f6: {  	v13 =	vadd.f32 v30, v56;
	v23 =	vadd.f32 v23, v59;
	v29 =	vld [tilespmem:s31+$0xF340]  }
0x1f7: {  	v21 =	vmul.f32 v12, v12;
	v36 =	vmul.f32 v14, v14;
	v7 =	vadd.f32 v12, v7;
	v31 =	vld [tilespmem:s31+$0xF350]  }
0x1f8: {  	v9 =	vadd.f32 v14, v9;
	v33 =	vld [tilespmem:s15+$0x8820];
	[tilespmem:s28+$0x16300] =	vst v13;
	v37 =	vmul.f32 v13, v13;
	v3 =	vadd.f32 v13, v3  }
0x1f9: {  	[tilespmem:s28+$0x16310] =	vst v23;
	v40 =	vmul.f32 v23, v23;
	v8 =	vadd.f32 v23, v8;
	v18 =	vunpack.i.l.bf16.f32 v22  }
0x1fa: {  	v35 =	vld [tilespmem:s31+$0xF360];
	v6 =	vadd.f32 v21, v6;
	v22 =	vunpack.i.u.bf16.f32 v22;
	v16 =	vadd.f32 v18, v63  }
0x1fb: {  	v5 =	vadd.f32 v36, v5;
	v18 =	vld [tilespmem:s31+$0xF370];
	v19 =	vadd.f32 v22, v19  }
0x1fc: {  	v2 =	vadd.f32 v37, v2;
	v0 =	vadd.f32 v40, v0;
	v22 =	vld [tilespmem:s15+$0x8830];
	[tilespmem:s28+$0x16320] =	vst v16  }
0x1fd: {  	s19 =	sadd.s32 $0x1400, s28;
	[tilespmem:s28+$0x16330] =	vst v19;
	v39 =	vunpack.i.l.bf16.f32 v33;
	v42 =	vunpack.i.u.bf16.f32 v33;
	v21 =	vmul.f32 v16, v16  }
0x1fe: {  	v7 =	vadd.f32 v16, v7;
	v44 =	vmul.f32 v19, v19;
	v38 =	vld [tilespmem:s19+$0xF300];
	v11 =	vadd.f32 v39, v29  }
0x1ff: {  	v9 =	vadd.f32 v19, v9;
	v41 =	vld [tilespmem:s19+$0xF310];
	v14 =	vadd.f32 v42, v31  }
0x200: {  	v43 =	vld [tilespmem:s15+$0x8840];
	v6 =	vadd.f32 v21, v6;
	v5 =	vadd.f32 v44, v5;
	[tilespmem:s28+$0x16340] =	vst v11  }
0x201: {  	[tilespmem:s28+$0x16350] =	vst v14;
	v45 =	vmul.f32 v11, v11;
	v19 =	vunpack.i.l.bf16.f32 v22;
	v3 =	vadd.f32 v11, v3  }
0x202: {  	v21 =	vunpack.i.u.bf16.f32 v22;
	v48 =	vmul.f32 v14, v14;
	v46 =	vld [tilespmem:s19+$0xF320];
	v17 =	vadd.f32 v19, v35  }
0x203: {  	v8 =	vadd.f32 v14, v8;
	v47 =	vld [tilespmem:s19+$0xF330];
	v18 =	vadd.f32 v21, v18  }
0x204: {  	v19 =	vld [tilespmem:s15+$0x8850];
	v2 =	vadd.f32 v45, v2;
	v0 =	vadd.f32 v48, v0;
	[tilespmem:s28+$0x16360] =	vst v17  }
0x205: {  	v49 =	vmul.f32 v17, v17;
	v21 =	vunpack.i.l.bf16.f32 v43;
	[tilespmem:s28+$0x16370] =	vst v18;
	v7 =	vadd.f32 v17, v7  }
0x206: {  	v50 =	vmul.f32 v18, v18;
	v15 =	vunpack.i.u.bf16.f32 v43;
	v10 =	vadd.f32 v21, v38;
	v51 =	vld [tilespmem:s19+$0xF340]  }
0x207: {  	v61 =	vmov s8;
	v9 =	vadd.f32 v18, v9;
	v52 =	vld [tilespmem:s15+$0x8860];
	v12 =	vadd.f32 v15, v41  }
0x208: {  	v53 =	vld [tilespmem:s19+$0xF350];
	v6 =	vadd.f32 v49, v6;
	v5 =	vadd.f32 v50, v5;
	v18 =	vmul.f32 v10, v10;
	[tilespmem:s28+$0x16700] =	vst v10  }
0x209: {  	v3 =	vadd.f32 v10, v3;
	v54 =	vunpack.i.l.bf16.f32 v19;
	[tilespmem:s28+$0x16710] =	vst v12;
	v15 =	vmul.f32 v12, v12  }
0x20a: {  	v17 =	vand.u32 $0x7F, v61;
	v8 =	vadd.f32 v12, v8;
	v10 =	vadd.f32 v54, v46;
	v55 =	vld [tilespmem:s15+$0x8870]  }
0x20b: {  	v56 =	vld [tilespmem:s19+$0xF360];
	v2 =	vadd.f32 v18, v2;
	v18 =	vunpack.i.u.bf16.f32 v19;
	v0 =	vadd.f32 v15, v0  }
0x20c: {  	v19 =	vld [tilespmem:s19+$0xF370];
	v11 =	vadd.f32 v18, v47;
	v16 =	vmul.f32 v10, v10;
	v18 =	vunpack.i.l.bf16.f32 v52  }
0x20d: {  	v7 =	vadd.f32 v10, v7;
	v57 =	vunpack.i.u.bf16.f32 v52;
	v14 =	vadd.f32 v18, v51  }
0x20e: {  	v13 =	vadd.f32 v57, v53;
	v18 =	vmul.f32 v11, v11;
	v6 =	vadd.f32 v16, v6  }
0x20f: {  	v9 =	vadd.f32 v11, v9;
	v58 =	vmul.f32 v14, v14;
	v3 =	vadd.f32 v14, v3  }
0x210: {  	v59 =	vunpack.i.l.bf16.f32 v55;
	v12 =	vunpack.i.u.bf16.f32 v55;
	v8 =	vadd.f32 v13, v8  }
0x211: {  	v60 =	vmul.f32 v13, v13;
	v15 =	vadd.f32 v59, v56;
	v12 =	vadd.f32 v12, v19  }
0x212: {  	v17 =	vbroadcast v17, $0x0;
	v5 =	vadd.f32 v18, v5;
	v2 =	vadd.f32 v58, v2  }
0x213: {  	v0 =	vadd.f32 v60, v0;
	v18 =	vmul.f32 v15, v15;
	v62 =	vmul.f32 v12, v12  }
0x214: {  	[tilespmem:s28+$0x16720] =	vst v10;
	v7 =	vadd.f32 v15, v7;
	v9 =	vadd.f32 v12, v9  }
0x215: {  	v63 =	vor.u32 v4, v17;
	[tilespmem:s28+$0x16730] =	vst v11;
	v6 =	vadd.f32 v18, v6;
	v5 =	vadd.f32 v62, v5  }
0x216: {  	p0 =	sne.s32 s8, $0xF;
	[tilespmem:s28+$0x16740] =	vst v14;
	v3 =	vadd.f32 v3, v8;
	v7 =	vadd.f32 v7, v9  }
.Ltmp5:
0x217: {  	[tilespmem:s28+$0x16750] =	vst v13;
	v0 =	vadd.f32 v2, v0;
	v2 =	vadd.f32 v6, v5;
	(pc) =	sbr.rel @p0 .LBB2_11-.Ltmp5, $4  }
0x218: {  	[tilespmem:s28+$0x16760] =	vst v15;
	v3 =	vadd.f32 v7, v3  }
0x219: {  	[tilespmem:s28+$0x16770] =	vst v12;
	v0 =	vadd.f32 v2, v0  }
0x21a: {  	[tilespmem:v63+s0+$0x0] =	vst.idx.msk $0xffff, v3  }
0x21b: {  	s1 =	sadd.s32 $0x80, s1;
	s9 =	spop (v2sf);
	s8 =	smov.u32 s29;
	[tilespmem:v63+s14+$0x0] =	vst.idx.msk $0xffff, v0  }
0x21c: {  	v0 =	vld [tilespmem:$0xB300]  }
0x21d: {  	v2 =	vld [tilespmem:$0xB380]  }
0x21e: {  	v3 =	vld [tilespmem:$0xB400]  }
0x21f: {  	v5 =	vld [tilespmem:$0xB480]  }
0x220: {  	v6 =	vld [tilespmem:$0xB500]  }
0x221: {  	v7 =	vld [tilespmem:$0xB580]  }
0x222: {  	v8 =	vld [tilespmem:$0xB600]  }
0x223: {  	v9 =	vld [tilespmem:$0xB680]  }
0x224: {  	v10 =	vld [tilespmem:$0xB700]  }
0x225: {  	v11 =	vld [tilespmem:$0xB780]  }
0x226: {  	v12 =	vld [tilespmem:$0xB800]  }
0x227: {  	v13 =	vld [tilespmem:$0xB880]  }
0x228: {  	v14 =	vld [tilespmem:$0xB900]  }
0x229: {  	v15 =	vld [tilespmem:$0xB980]  }
0x22a: {  	v16 =	vld [tilespmem:$0xBA00]  }
0x22b: {  	v17 =	vld [tilespmem:$0xBA80]  }
0x22c: {  	v18 =	vld [tilespmem:$0xBB00]  }
0x22d: {  	v19 =	vld [tilespmem:$0xBB80]  }
0x22e: {  	v20 =	vld [tilespmem:$0xBC00]  }
0x22f: {  	v21 =	vld [tilespmem:$0xBC80]  }
0x230: {  	v22 =	vld [tilespmem:$0xBD00]  }
0x231: {  	v23 =	vld [tilespmem:$0xBD80]  }
0x232: {  	v24 =	vld [tilespmem:$0xBE00]  }
0x233: {  	v25 =	vld [tilespmem:$0xBE80]  }
0x234: {  	v26 =	vld [tilespmem:$0xBF00]  }
0x235: {  	v27 =	vld [tilespmem:$0xBF80]  }
0x236: {  	v28 =	vld [tilespmem:$0xC000]  }
0x237: {  	v29 =	vld [tilespmem:$0xC080];
	v0 =	vadd.f32 v2, v0;
	v2 =	vadd.f32 v5, v3  }
0x238: {  	v30 =	vld [tilespmem:$0xC100];
	v5 =	vadd.f32 v7, v6;
	v6 =	vadd.f32 v9, v8  }
0x239: {  	v31 =	vld [tilespmem:$0xC180];
	v8 =	vadd.f32 v11, v10;
	v9 =	vadd.f32 v13, v12  }
0x23a: {  	v10 =	vadd.f32 v15, v14;
	v11 =	vadd.f32 v17, v16  }
0x23b: {  	v3 =	vld [tilespmem:$0xC200];
	v12 =	vadd.f32 v19, v18;
	v13 =	vadd.f32 v21, v20  }
0x23c: {  	v7 =	vld [tilespmem:$0xC280];
	v14 =	vadd.f32 v23, v22;
	v15 =	vadd.f32 v25, v24  }
0x23d: {  	v16 =	vadd.f32 v27, v26;
	v17 =	vadd.f32 v29, v28  }
0x23e: {  	v18 =	vadd.f32 v31, v30;
	v0 =	vadd.f32 v2, v0  }
0x23f: {  	v2 =	vadd.f32 v6, v5;
	v5 =	vadd.f32 v9, v8  }
0x240: {  	v6 =	vadd.f32 v11, v10;
	v8 =	vadd.f32 v15, v14  }
0x241: {  	v9 =	vadd.f32 v17, v16;
	v3 =	vadd.f32 v7, v3  }
0x242: {  	v0 =	vadd.f32 v2, v0;
	v2 =	vadd.f32 v6, v5  }
0x243: {  	v7 =	vadd.f32 v13, v12;
	v3 =	vadd.f32 v3, v18  }
0x244: {  	v0 =	vadd.f32 v2, v0  }
0x245: {  	v5 =	vadd.f32 v8, v7;
	v3 =	vadd.f32 v3, v9;
	_ =	sdelay $0x1  }
0x246: {  	v0 =	vmul.f32 $1.302083370e-03, v0;
	v2 =	vadd.f32 v3, v5;
	_ =	sdelay $0x1  }
0x247: {  	v3 =	vmul.f32 v0, v0;
	v2 =	vmul.f32 $1.302083370e-03, v2;
	_ =	sdelay $0x1  }
0x248: {  	v2 =	vsub.f32 v2, v3;
	_ =	sdelay $0x1  }
0x249: {  	v2 =	vmax.f32 v2, $0.0e+00  }
0x24a: {  	v2 =	vadd.f32 $9.999999960e-13, v2;
	_ =	sdelay $0x1  }
0x24b: {  	v3 =	vshra.s32 v2, $0x1;
	v2 =	vmul.f32 $5.000000000e-01, v2  }
0x24c: {  	v3 =	vsub.s32 $0x5F3759DF, v3  }
0x24d: {  	v5 =	vmul.f32 v3, v2;
	_ =	sdelay $0x1  }
0x24e: {  	v5 =	vmul.f32 v3, v5;
	_ =	sdelay $0x1  }
0x24f: {  	v5 =	vsub.f32 $1.500000000e+00, v5;
	_ =	sdelay $0x1  }
0x250: {  	v3 =	vmul.f32 v3, v5;
	_ =	sdelay $0x1  }
0x251: {  	v5 =	vmul.f32 v3, v2;
	_ =	sdelay $0x1  }
0x252: {  	v5 =	vmul.f32 v5, v3;
	_ =	sdelay $0x1  }
0x253: {  	v5 =	vsub.f32 $1.500000000e+00, v5;
	_ =	sdelay $0x1  }
0x254: {  	v3 =	vmul.f32 v5, v3;
	_ =	sdelay $0x1  }
0x255: {  	v2 =	vmul.f32 v3, v2;
	_ =	sdelay $0x1  }
0x256: {  	v2 =	vmul.f32 v2, v3  }
0x257: {  	s26 =	simm.s32 $0xB000  }
0x258: {  	v5 =	vld [tilespmem:s26+$0x0];
	v2 =	vsub.f32 $1.500000000e+00, v2  }
0x259: {  	s13 =	simm.s32 $0x0  }
0x25a: {  	s1 =	sand.u32 $0x70, s13;
	s8 =	sand.u32 $0x1C00, s13;
	v0 =	vsub.f32 $0.0e+00, v0;
	v55 =	vmul.f32 v2, v3  }
0x25b: {  	s8 =	sor.u32 s1, s8  }
0x25c: {  	s20 =	sadd.s32 $0x15300, s8;
	v2 =	vld [tilespmem:s8+$0x15300];
	v41 =	vmul.f32 v55, v0  }
0x25d: {  	v21 =	vunpack.i.l.bf16.f32 v5;
	v0 =	vld [tilespmem:s20+$0x80]  }
0x25e: {  	v35 =	vperm.xlane v55, v1;
	v36 =	vperm.xlane v41, v1;
	v1 =	vimm.s32 $0x1  }
0x25f: {  	v6 =	vld [tilespmem:s20+$0x100];
	v39 =	vperm.xlane v55, v1;
	v40 =	vperm.xlane v41, v1;
	v1 =	vimm.s32 $0x2  }
0x260: {  	v8 =	vld [tilespmem:s20+$0x180];
	v42 =	vperm.xlane v55, v1;
	v44 =	vperm.xlane v41, v1;
	v1 =	vimm.s32 $0x3  }
0x261: {  	v20 =	vunpack.i.u.bf16.f32 v5;
	v2 =	vmul.f32 v2, v35;
	v45 =	vperm.xlane v55, v1  }
0x262: {  	v3 =	vld [tilespmem:s20+$0x200];
	v46 =	vperm.xlane v41, v1;
	v1 =	vimm.s32 $0x4;
	v0 =	vmul.f32 v0, v39  }
0x263: {  	v7 =	vld [tilespmem:s20+$0x280];
	v47 =	vperm.xlane v55, v1;
	v48 =	vperm.xlane v41, v1;
	v1 =	vimm.s32 $0x5  }
0x264: {  	v2 =	vadd.f32 v2, v36;
	v6 =	vmul.f32 v6, v42;
	v49 =	vperm.xlane v55, v1  }
0x265: {  	v9 =	vld [tilespmem:s20+$0x300];
	v50 =	vperm.xlane v41, v1;
	v1 =	vimm.s32 $0x6;
	v8 =	vmul.f32 v8, v45  }
0x266: {  	v2 =	vmul.f32 v2, v21;
	v0 =	vadd.f32 v0, v40;
	v51 =	vperm.xlane v55, v1  }
0x267: {  	v52 =	vperm.xlane v41, v1;
	v3 =	vmul.f32 v3, v47;
	v6 =	vadd.f32 v6, v44  }
0x268: {  	v1 =	vimm.s32 $0x7;
	v7 =	vmul.f32 v7, v49;
	v2 =	vadd.f32 v2, v20  }
0x269: {  	s29 =	simm.s32 $0x10;
	s15 =	simm.s32 $0x80;
	v8 =	vadd.f32 v8, v46;
	v0 =	vmul.f32 v0, v21;
	v53 =	vperm.xlane v55, v1  }
0x26a: {  	s21 =	simm.s32 $0x20;
	s9 =	sand.u32 $0x70, s29;
	s16 =	sand.u32 $0x1C00, s15;
	v54 =	vperm.xlane v41, v1;
	v1 =	vimm.s32 $0x8;
	v5 =	vmul.f32 v9, v51  }
0x26b: {  	s22 =	simm.s32 $0x100;
	s13 =	sor.u32 s13, s13;
	s9 =	sor.u32 s9, s16;
	v3 =	vadd.f32 v3, v48;
	v6 =	vmul.f32 v6, v21;
	v29 =	vperm.xlane v55, v1  }
0x26c: {  	s23 =	sand.u32 $0x70, s21;
	s24 =	sand.u32 $0x1C00, s22;
	s19 =	sadd.s32 $0x15300, s9;
	v27 =	vperm.xlane v41, v1;
	v1 =	vimm.s32 $0x9;
	v7 =	vadd.f32 v7, v50  }
0x26d: {  	s31 =	sor.u32 $0x380, s13;
	s13 =	sor.u32 s23, s24;
	v10 =	vld [tilespmem:s19+$0x300];
	v0 =	vadd.f32 v0, v20;
	v37 =	vperm.xlane v55, v1;
	v33 =	vperm.xlane v41, v1  }
0x26e: {  	v11 =	vld [tilespmem:s13+$0x15300];
	v1 =	vimm.s32 $0xA;
	v3 =	vmul.f32 v3, v21;
	v6 =	vadd.f32 v6, v20  }
0x26f: {  	v9 =	vld [tilespmem:s19+$0x280];
	[tilespmem:s8+$0x15300] =	vst v2;
	v2 =	vadd.f32 v5, v52;
	v5 =	vmul.f32 v8, v21;
	v23 =	vperm.xlane v55, v1  }
0x270: {  	v8 =	vld [tilespmem:s9+$0x15300];
	v22 =	vperm.xlane v41, v1;
	v1 =	vimm.s32 $0xB;
	v7 =	vmul.f32 v7, v21  }
0x271: {  	[tilespmem:s20+$0x80] =	vst v0;
	v0 =	vld [tilespmem:s19+$0x100];
	v43 =	vperm.xlane v55, v1;
	v38 =	vperm.xlane v41, v1;
	v3 =	vadd.f32 v3, v20  }
0x272: {  	s30 =	simm.s32 $0xB010;
	v1 =	vimm.s32 $0xC;
	[tilespmem:s20+$0x100] =	vst v6;
	v6 =	vld [tilespmem:s19+$0x80];
	v2 =	vmul.f32 v2, v21;
	v5 =	vadd.f32 v5, v20  }
0x273: {  	v11 =	vmul.f32 v11, v35;
	v34 =	vperm.xlane v55, v1;
	v7 =	vadd.f32 v7, v20;
	[tilespmem:s20+$0x200] =	vst v3;
	v3 =	vld [tilespmem:s30+$0x0]  }
0x274: {  	v32 =	vperm.xlane v41, v1;
	v1 =	vimm.s32 $0xD;
	v2 =	vadd.f32 v2, v20;
	[tilespmem:s20+$0x180] =	vst v5;
	v5 =	vld [tilespmem:s19+$0x180]  }
0x275: {  	v10 =	vmul.f32 v10, v51;
	v25 =	vperm.xlane v55, v1;
	[tilespmem:s20+$0x280] =	vst v7  }
0x276: {  	v7 =	vld [tilespmem:s19+$0x200];
	v8 =	vmul.f32 v8, v35;
	[tilespmem:s20+$0x300] =	vst v2;
	v0 =	vmul.f32 v0, v42  }
0x277: {  	v24 =	vperm.xlane v41, v1;
	v9 =	vmul.f32 v9, v49;
	v1 =	vimm.s32 $0xE;
	v2 =	vld [tilespmem:s31+$0x15300]  }
0x278: {  	v8 =	vadd.f32 v8, v36;
	v6 =	vmul.f32 v6, v39;
	v0 =	vadd.f32 v0, v44  }
0x279: {  	v28 =	vunpack.i.l.bf16.f32 v3;
	v5 =	vmul.f32 v5, v45;
	v26 =	vunpack.i.u.bf16.f32 v3  }
0x27a: {  	v3 =	vadd.f32 v9, v50;
	v6 =	vadd.f32 v6, v40;
	v8 =	vmul.f32 v8, v28  }
0x27b: {  	v7 =	vmul.f32 v7, v47;
	v0 =	vmul.f32 v0, v28;
	v5 =	vadd.f32 v5, v46  }
0x27c: {  	v3 =	vmul.f32 v3, v28;
	v2 =	vmul.f32 v2, v53;
	v8 =	vadd.f32 v8, v26  }
0x27d: {  	s23 =	sadd.s32 $0x15300, s13;
	v30 =	vperm.xlane v55, v1;
	v7 =	vadd.f32 v7, v48;
	v0 =	vadd.f32 v0, v26  }
0x27e: {  	v12 =	vld [tilespmem:s23+$0x80];
	v5 =	vmul.f32 v5, v28;
	v3 =	vadd.f32 v3, v26;
	v2 =	vadd.f32 v2, v54;
	[tilespmem:s9+$0x15300] =	vst v8  }
0x27f: {  	s25 =	simm.s32 $0xB020;
	v10 =	vadd.f32 v10, v52;
	v31 =	vperm.xlane v41, v1;
	v7 =	vmul.f32 v7, v28;
	v8 =	vld [tilespmem:s23+$0x200];
	[tilespmem:s19+$0x100] =	vst v0  }
0x280: {  	v6 =	vmul.f32 v6, v28;
	v0 =	vld [tilespmem:s25+$0x0];
	[tilespmem:s19+$0x280] =	vst v3;
	v3 =	vadd.f32 v5, v26;
	v2 =	vmul.f32 v2, v21  }
0x281: {  	v1 =	vimm.s32 $0xF;
	v9 =	vld [tilespmem:s23+$0x300];
	v10 =	vmul.f32 v10, v28;
	v7 =	vadd.f32 v7, v26  }
0x282: {  	v13 =	vld [tilespmem:s23+$0x180];
	v56 =	vperm.xlane v55, v1;
	v5 =	vadd.f32 v6, v26;
	[tilespmem:s19+$0x180] =	vst v3;
	v2 =	vadd.f32 v2, v20  }
0x283: {  	v3 =	vmul.f32 v12, v39;
	[tilespmem:s19+$0x200] =	vst v7;
	v7 =	vadd.f32 v10, v26;
	v10 =	vadd.f32 v11, v36;
	v11 =	vld [tilespmem:s23+$0x100]  }
0x284: {  	v57 =	vperm.xlane v41, v1;
	v8 =	vmul.f32 v8, v47;
	[tilespmem:s31+$0x15300] =	vst v2;
	v2 =	vld [tilespmem:s23+$0x280]  }
0x285: {  	s1 =	sor.u32 s15, s29;
	[tilespmem:s19+$0x80] =	vst v5;
	v3 =	vadd.f32 v3, v40;
	v55 =	vunpack.i.l.bf16.f32 v0;
	v41 =	vunpack.i.u.bf16.f32 v0;
	v6 =	vld [tilespmem:s8+$0x16B00]  }
0x286: {  	s24 =	sor.u32 $0x380, s1;
	[tilespmem:s19+$0x300] =	vst v7;
	v0 =	vmul.f32 v9, v51;
	v12 =	vld [tilespmem:s8+$0x16B80];
	v5 =	vadd.f32 v8, v48;
	v8 =	vmul.f32 v10, v55  }
0x287: {  	v10 =	vmul.f32 v13, v45;
	v9 =	vld [tilespmem:s24+$0x15300]  }
0x288: {  	v7 =	vld [tilespmem:s8+$0x16C80];
	v3 =	vmul.f32 v3, v55;
	v0 =	vadd.f32 v0, v52;
	v8 =	vadd.f32 v8, v41  }
0x289: {  	v13 =	vld [tilespmem:s8+$0x16D00];
	v5 =	vmul.f32 v5, v55;
	v11 =	vmul.f32 v11, v42;
	v10 =	vadd.f32 v10, v46  }
0x28a: {  	s15 =	simm.s32 $0x30;
	s19 =	simm.s32 $0x180;
	v3 =	vadd.f32 v3, v41;
	v0 =	vmul.f32 v0, v55;
	v2 =	vmul.f32 v2, v49  }
0x28b: {  	s26 =	sand.u32 $0x70, s15;
	s29 =	sand.u32 $0x1C00, s19;
	v11 =	vadd.f32 v11, v44;
	v10 =	vmul.f32 v10, v55;
	v6 =	vmul.f32 v6, v29  }
0x28c: {  	s1 =	sor.u32 s26, s29;
	v5 =	vadd.f32 v5, v41;
	v12 =	vmul.f32 v12, v37;
	v9 =	vmul.f32 v9, v53  }
0x28d: {  	v14 =	vld [tilespmem:s8+$0x16E80];
	s20 =	sadd.s32 $0x15300, s1;
	v7 =	vmul.f32 v7, v43;
	v0 =	vadd.f32 v0, v41;
	v2 =	vadd.f32 v2, v50  }
0x28e: {  	v16 =	vld [tilespmem:s20+$0x300];
	v13 =	vmul.f32 v13, v34;
	v10 =	vadd.f32 v10, v41;
	v12 =	vadd.f32 v12, v33  }
0x28f: {  	v15 =	vld [tilespmem:s8+$0x16E00];
	v11 =	vmul.f32 v11, v55;
	v9 =	vadd.f32 v9, v54;
	v7 =	vadd.f32 v7, v38  }
0x290: {  	v18 =	vld [tilespmem:s1+$0x15300];
	[tilespmem:s13+$0x15300] =	vst v8;
	v6 =	vadd.f32 v6, v27;
	v8 =	vadd.f32 v13, v32;
	v12 =	vmul.f32 v12, v21  }
0x291: {  	v17 =	vld [tilespmem:s20+$0x80];
	[tilespmem:s23+$0x80] =	vst v3;
	v2 =	vmul.f32 v2, v55;
	v11 =	vadd.f32 v11, v41;
	v9 =	vmul.f32 v9, v28  }
0x292: {  	s30 =	simm.s32 $0xB030;
	[tilespmem:s23+$0x200] =	vst v5;
	v13 =	vld [tilespmem:s20+$0x200];
	v7 =	vmul.f32 v7, v21;
	v6 =	vmul.f32 v6, v21;
	v12 =	vadd.f32 v12, v20  }
0x293: {  	v3 =	vmul.f32 v16, v51;
	[tilespmem:s23+$0x100] =	vst v11;
	v11 =	vmul.f32 v14, v56;
	v14 =	vld [tilespmem:s30+$0x0];
	v9 =	vadd.f32 v9, v26  }
0x294: {  	v7 =	vadd.f32 v7, v20;
	v19 =	vadd.f32 v6, v20;
	v6 =	vmul.f32 v8, v21;
	v8 =	vld [tilespmem:s20+$0x180];
	[tilespmem:s8+$0x16B80] =	vst v12  }
0x295: {  	v2 =	vadd.f32 v2, v41;
	v11 =	vadd.f32 v11, v57;
	v12 =	vld [tilespmem:s20+$0x280];
	[tilespmem:s24+$0x15300] =	vst v9;
	v9 =	vmul.f32 v18, v35  }
0x296: {  	v3 =	vadd.f32 v3, v52;
	[tilespmem:s8+$0x16C80] =	vst v7;
	v7 =	vadd.f32 v6, v20;
	v6 =	vmul.f32 v15, v30;
	v15 =	vld [tilespmem:s8+$0x16D80]  }
0x297: {  	[tilespmem:s23+$0x280] =	vst v2;
	v2 =	vmul.f32 v11, v21;
	v5 =	vadd.f32 v9, v36;
	v9 =	vmul.f32 v17, v39;
	v17 =	vld [tilespmem:s20+$0x100]  }
0x298: {  	v11 =	vmul.f32 v13, v47;
	v13 =	vld [tilespmem:s9+$0x16B00];
	v58 =	vunpack.i.l.bf16.f32 v14;
	v59 =	vunpack.i.u.bf16.f32 v14  }
0x299: {  	s31 =	sor.u32 s22, s21;
	[tilespmem:s23+$0x180] =	vst v10;
	v10 =	vld [tilespmem:s9+$0x16B80];
	v60 =	vadd.f32 v6, v31;
	v8 =	vmul.f32 v8, v45;
	v14 =	vmul.f32 v5, v58  }
0x29a: {  	[tilespmem:s23+$0x300] =	vst v0;
	s23 =	sor.u32 $0x380, s31;
	v11 =	vadd.f32 v11, v48;
	v2 =	vadd.f32 v2, v20;
	v18 =	vmul.f32 v12, v49  }
0x29b: {  	v5 =	vmul.f32 v15, v25;
	v15 =	vadd.f32 v9, v40;
	v0 =	vadd.f32 v14, v59;
	v14 =	vld [tilespmem:s23+$0x15300]  }
0x29c: {  	v12 =	vmul.f32 v11, v58;
	v9 =	vld [tilespmem:s9+$0x16C80];
	v11 =	vadd.f32 v18, v50;
	v16 =	vmul.f32 v17, v42  }
0x29d: {  	v63 =	vld [tilespmem:s9+$0x16D00];
	[tilespmem:s8+$0x16E80] =	vst v2;
	v2 =	vadd.f32 v8, v46;
	v6 =	vmul.f32 v13, v29;
	v15 =	vmul.f32 v15, v58  }
0x29e: {  	[tilespmem:s8+$0x16B00] =	vst v19;
	v62 =	vld [tilespmem:s9+$0x16E80];
	v13 =	vmul.f32 v10, v37;
	v8 =	vmul.f32 v11, v58;
	v16 =	vadd.f32 v16, v44  }
0x29f: {  	v61 =	vld [tilespmem:s9+$0x16E00];
	[tilespmem:s8+$0x16D00] =	vst v7;
	v7 =	vmul.f32 v2, v58;
	v11 =	vmul.f32 v3, v58;
	v2 =	vadd.f32 v15, v59  }
0x2a0: {  	s28 =	simm.s32 $0x40;
	s21 =	simm.s32 $0x200;
	s22 =	simm.s32 $0xB040;
	v10 =	vld [tilespmem:s8+$0x16C00];
	[tilespmem:s1+$0x15300] =	vst v0;
	v8 =	vadd.f32 v8, v59;
	v15 =	vmul.f32 v16, v58;
	v14 =	vmul.f32 v14, v53  }
.LBB2_13:
0x2a1: {  	s16 =	sand.u32 $0x70, s28;
	v3 =	vadd.f32 v12, v59;
	v9 =	vmul.f32 v9, v43;
	v5 =	vadd.f32 v5, v24  }
0x2a2: {  	s25 =	sand.u32 $0x1C00, s21;
	v0 =	vmovc v58;
	v12 =	vmovc v20;
	v20 =	vmov v26;
	v26 =	vmov v41;
	v41 =	vmov v59;
	s26 =	smov.u32 s28;
	s24 =	sadd.s32 $0x10, s28  }
0x2a3: {  	p0 =	sne.s32 s28, $0x2F0;
	v16 =	vmul.f32 v63, v34;
	s25 =	sor.u32 s16, s25;
	v15 =	vadd.f32 v15, v41;
	v14 =	vadd.f32 v14, v54  }
0x2a4: {  	v6 =	vadd.f32 v6, v27;
	v13 =	vadd.f32 v13, v33;
	s28 =	sadd.s32 $0x15300, s25;
	v5 =	vmul.f32 v5, v21  }
0x2a5: {  	v9 =	vadd.f32 v9, v38;
	v17 =	vld [tilespmem:s28+$0x300];
	[tilespmem:s20+$0x100] =	vst v15;
	v14 =	vmul.f32 v14, v55;
	v15 =	vadd.f32 v16, v32  }
0x2a6: {  	v13 =	vmul.f32 v13, v28;
	v16 =	vld [tilespmem:s28+$0x80];
	v10 =	vmul.f32 v10, v23;
	v5 =	vadd.f32 v5, v12  }
0x2a7: {  	v6 =	vmul.f32 v6, v28;
	v9 =	vmul.f32 v9, v28;
	v18 =	vld [tilespmem:s25+$0x15300];
	v14 =	vadd.f32 v14, v26  }
0x2a8: {  	v58 =	vmul.f32 v62, v56;
	v13 =	vadd.f32 v13, v20;
	v19 =	vld [tilespmem:s28+$0x200];
	v10 =	vadd.f32 v10, v22;
	[tilespmem:s8+$0x16D80] =	vst v5  }
0x2a9: {  	v5 =	vld [tilespmem:s22+$0x0];
	[tilespmem:s23+$0x15300] =	vst v14;
	v14 =	vadd.f32 v6, v20;
	v6 =	vadd.f32 v9, v20;
	v9 =	vmul.f32 v15, v28  }
0x2aa: {  	v11 =	vadd.f32 v11, v41;
	v15 =	vld [tilespmem:s28+$0x180];
	[tilespmem:s9+$0x16B80] =	vst v13;
	v13 =	vadd.f32 v58, v57;
	v58 =	vmul.f32 v60, v21  }
0x2ab: {  	v60 =	vld [tilespmem:s28+$0x280];
	[tilespmem:s9+$0x16C80] =	vst v6;
	v1 =	vadd.f32 v9, v20;
	v6 =	vmul.f32 v61, v30;
	v9 =	vmul.f32 v10, v21  }
0x2ac: {  	v10 =	vmul.f32 v18, v35;
	[tilespmem:s20+$0x280] =	vst v8;
	v8 =	vld [tilespmem:s9+$0x16D80];
	v13 =	vmul.f32 v13, v28;
	v18 =	vadd.f32 v58, v12  }
0x2ad: {  	v7 =	vadd.f32 v7, v41;
	v19 =	vmul.f32 v19, v47;
	[tilespmem:s20+$0x200] =	vst v3;
	v3 =	vld [tilespmem:s13+$0x16B00];
	v61 =	vadd.f32 v9, v12  }
0x2ae: {  	v21 =	vmovc v28;
	v58 =	vunpack.i.l.bf16.f32 v5;
	v9 =	vadd.f32 v10, v36;
	v10 =	vmul.f32 v16, v39;
	v16 =	vld [tilespmem:s28+$0x100];
	[tilespmem:s8+$0x16E00] =	vst v18  }
0x2af: {  	v13 =	vadd.f32 v13, v20;
	v15 =	vmul.f32 v15, v45;
	v12 =	vadd.f32 v19, v48;
	[tilespmem:s20+$0x180] =	vst v7;
	v7 =	vld [tilespmem:s13+$0x16B80]  }
0x2b0: {  	s16 =	sor.u32 s19, s15;
	s15 =	smov.u32 s26;
	s19 =	smov.u32 s21;
	v28 =	vmovc v55;
	v59 =	vunpack.i.u.bf16.f32 v5;
	v18 =	vmul.f32 v9, v58;
	v19 =	vmul.f32 v60, v49;
	[tilespmem:s20+$0x80] =	vst v2;
	v63 =	vld [tilespmem:s13+$0x16D00]  }
0x2b1: {  	s23 =	sor.u32 $0x380, s16;
	v2 =	vmul.f32 v17, v51;
	v60 =	vadd.f32 v6, v31;
	[tilespmem:s20+$0x300] =	vst v11;
	v9 =	vld [tilespmem:s13+$0x16C80];
	v5 =	vmul.f32 v8, v25;
	s20 =	smov.u32 s28  }
0x2b2: {  	v12 =	vmul.f32 v12, v58;
	v8 =	vadd.f32 v18, v59;
	v11 =	vadd.f32 v19, v50;
	v17 =	vld [tilespmem:s23+$0x15300];
	[tilespmem:s8+$0x16C00] =	vst v61;
	s8 =	smov.u32 s9;
	s9 =	smov.u32 s13;
	s13 =	smov.u32 s1  }
.Ltmp6:
0x2b3: {  	v10 =	vadd.f32 v10, v40;
	v6 =	vmul.f32 v3, v29;
	s1 =	smov.u32 s25;
	v16 =	vmul.f32 v16, v42;
	v62 =	vld [tilespmem:s9+$0x16E80];
	[tilespmem:s8+$0x16E80] =	vst v13;
	(pc) =	sbr.rel @p0 .LBB2_13-.Ltmp6, $4  }
0x2b4: {  	v3 =	vadd.f32 v15, v46;
	v2 =	vadd.f32 v2, v52;
	[tilespmem:s1+$0x15300] =	vst v8;
	v8 =	vmul.f32 v11, v58;
	v61 =	vld [tilespmem:s9+$0x16E00]  }
0x2b5: {  	v10 =	vmul.f32 v10, v58;
	v13 =	vmul.f32 v7, v37;
	v15 =	vadd.f32 v16, v44;
	[tilespmem:s8+$0x16D00] =	vst v1  }
0x2b6: {  	v7 =	vmul.f32 v3, v58;
	v11 =	vmul.f32 v2, v58;
	v8 =	vadd.f32 v8, v59;
	[tilespmem:s8+$0x16B00] =	vst v14  }
0x2b7: {  	s21 =	sadd.s32 $0x80, s21;
	s22 =	sadd.s32 $0x10, s22;
	v55 =	vmovc v0;
	s28 =	smov.u32 s24;
	v2 =	vadd.f32 v10, v59;
	v15 =	vmul.f32 v15, v58;
	v14 =	vmul.f32 v17, v53;
	v10 =	vld [tilespmem:s8+$0x16C00]  }
0x2b8: {  	v1 =	vadd.f32 v12, v59;
	[tilespmem:s20+$0x280] =	vst v8  }
0x2b9: {  	v18 =	vadd.f32 v7, v59;
	[tilespmem:s20+$0x80] =	vst v2  }
0x2ba: {  	v19 =	vadd.f32 v11, v59;
	[tilespmem:s20+$0x200] =	vst v1  }
0x2bb: {  	v0 =	vadd.f32 v15, v59;
	[tilespmem:s20+$0x180] =	vst v18  }
0x2bc: {  	s15 =	sor.u32 s19, s15;
	[tilespmem:s20+$0x300] =	vst v19  }
0x2bd: {  	s15 =	sor.u32 $0x380, s15;
	v35 =	vadd.f32 v14, v54;
	[tilespmem:s20+$0x100] =	vst v0  }
0x2be: {  	v0 =	vld [tilespmem:s15+$0x15300]  }
0x2bf: {  	v1 =	vmul.f32 v35, v55;
	_ =	sdelay $0x1  }
0x2c0: {  	v1 =	vadd.f32 v1, v41  }
0x2c1: {  	v36 =	vmul.f32 v9, v43  }
0x2c2: {  	v3 =	vadd.f32 v13, v33;
	[tilespmem:s23+$0x15300] =	vst v1;
	v0 =	vmul.f32 v0, v53  }
0x2c3: {  	v39 =	vmul.f32 v63, v34;
	v5 =	vadd.f32 v5, v24;
	v2 =	vadd.f32 v36, v38;
	v7 =	vld [tilespmem:s13+$0x16B00]  }
0x2c4: {  	v44 =	vmul.f32 v62, v56;
	v3 =	vmul.f32 v3, v28;
	v40 =	vld [tilespmem:s13+$0x16B80];
	v0 =	vadd.f32 v0, v54  }
0x2c5: {  	v6 =	vadd.f32 v6, v27;
	v5 =	vmul.f32 v5, v21;
	v2 =	vmul.f32 v2, v28;
	v42 =	vld [tilespmem:s13+$0x16C80]  }
0x2c6: {  	v11 =	vadd.f32 v44, v57;
	v3 =	vadd.f32 v3, v26;
	v46 =	vld [tilespmem:s13+$0x16E80];
	v0 =	vmul.f32 v0, v58  }
0x2c7: {  	v6 =	vmul.f32 v6, v28;
	v2 =	vadd.f32 v2, v26;
	v1 =	vadd.f32 v39, v32;
	v45 =	vld [tilespmem:s13+$0x16D00]  }
0x2c8: {  	v51 =	vld [tilespmem:s9+$0x16D80];
	v44 =	vmul.f32 v61, v30;
	v49 =	vmul.f32 v11, v28;
	[tilespmem:s9+$0x16B80] =	vst v3;
	v0 =	vadd.f32 v0, v59  }
0x2c9: {  	v47 =	vmul.f32 v10, v23;
	v6 =	vadd.f32 v6, v26;
	[tilespmem:s9+$0x16C80] =	vst v2;
	v1 =	vmul.f32 v1, v28  }
0x2ca: {  	v2 =	vadd.f32 v49, v26;
	v3 =	vmul.f32 v40, v37;
	v9 =	vmul.f32 v42, v43;
	[tilespmem:s15+$0x15300] =	vst v0  }
0x2cb: {  	v1 =	vadd.f32 v1, v26;
	v7 =	vmul.f32 v7, v29;
	v13 =	vmul.f32 v46, v56;
	v50 =	vld [tilespmem:s1+$0x16C80]  }
0x2cc: {  	v12 =	vmul.f32 v45, v34;
	v3 =	vadd.f32 v3, v33;
	v9 =	vadd.f32 v9, v38;
	v48 =	vld [tilespmem:s1+$0x16B80]  }
0x2cd: {  	v42 =	vmul.f32 v51, v25;
	v7 =	vadd.f32 v7, v27;
	v13 =	vadd.f32 v13, v57;
	v52 =	vld [tilespmem:s1+$0x16E80]  }
0x2ce: {  	v12 =	vadd.f32 v12, v32;
	v3 =	vmul.f32 v3, v55;
	v9 =	vmul.f32 v9, v55;
	v53 =	vld [tilespmem:s1+$0x16D00]  }
0x2cf: {  	v17 =	vmul.f32 v13, v55;
	v7 =	vmul.f32 v7, v55;
	v0 =	vadd.f32 v47, v22;
	v16 =	vld [tilespmem:s1+$0x16B00]  }
0x2d0: {  	v54 =	vadd.f32 v3, v41;
	v3 =	vmul.f32 v12, v55;
	v10 =	vmul.f32 v50, v43  }
0x2d1: {  	[tilespmem:s9+$0x16B00] =	vst v6;
	v63 =	vadd.f32 v9, v41;
	v7 =	vadd.f32 v7, v41;
	v0 =	vmul.f32 v0, v21  }
0x2d2: {  	v62 =	vld [tilespmem:s13+$0x16E00];
	[tilespmem:s9+$0x16E80] =	vst v2;
	v18 =	vadd.f32 v3, v41;
	v19 =	vmul.f32 v52, v56;
	v3 =	vadd.f32 v10, v38  }
0x2d3: {  	[tilespmem:s13+$0x16B00] =	vst v7;
	v7 =	vld [tilespmem:s1+$0x16D80];
	v0 =	vadd.f32 v0, v20;
	v8 =	vmul.f32 v48, v37;
	v35 =	vmul.f32 v53, v34  }
0x2d4: {  	[tilespmem:s9+$0x16D00] =	vst v1;
	v36 =	vmul.f32 v16, v29;
	v37 =	vld [tilespmem:s9+$0x16C00];
	v10 =	vadd.f32 v19, v57;
	v3 =	vmul.f32 v3, v58  }
0x2d5: {  	[tilespmem:s13+$0x16B80] =	vst v54;
	v43 =	vmul.f32 v60, v21;
	v8 =	vadd.f32 v8, v33;
	v33 =	vadd.f32 v17, v41  }
0x2d6: {  	[tilespmem:s13+$0x16C80] =	vst v63;
	v38 =	vadd.f32 v35, v32;
	v10 =	vmul.f32 v10, v58;
	v3 =	vadd.f32 v3, v59  }
0x2d7: {  	v6 =	vld [tilespmem:s13+$0x16D80];
	[tilespmem:s13+$0x16D00] =	vst v18;
	v50 =	vmul.f32 v62, v30;
	v40 =	vadd.f32 v36, v27;
	v47 =	vadd.f32 v43, v20  }
0x2d8: {  	v7 =	vmul.f32 v7, v25;
	v8 =	vmul.f32 v8, v58;
	[tilespmem:s1+$0x16C80] =	vst v3;
	v3 =	vadd.f32 v10, v59  }
0x2d9: {  	v46 =	vld [tilespmem:s13+$0x16C00];
	[tilespmem:s8+$0x16C00] =	vst v0;
	v52 =	vadd.f32 v50, v31;
	v1 =	vmul.f32 v38, v58;
	v45 =	vmul.f32 v37, v23  }
0x2da: {  	v2 =	vmul.f32 v40, v58;
	[tilespmem:s1+$0x16E80] =	vst v3;
	v3 =	vadd.f32 v5, v20;
	v5 =	vadd.f32 v44, v31  }
0x2db: {  	v39 =	vld [tilespmem:s1+$0x16E00];
	[tilespmem:s13+$0x16E80] =	vst v33;
	v54 =	vmul.f32 v52, v55;
	v8 =	vadd.f32 v8, v59;
	v48 =	vadd.f32 v45, v22  }
0x2dc: {  	[tilespmem:s8+$0x16E00] =	vst v47;
	v49 =	vmul.f32 v5, v28;
	v5 =	vmul.f32 v6, v25;
	v6 =	vld [tilespmem:s1+$0x16C00]  }
0x2dd: {  	v1 =	vadd.f32 v1, v59;
	[tilespmem:s1+$0x16B80] =	vst v8;
	v8 =	vadd.f32 v42, v24;
	v10 =	vmul.f32 v48, v28  }
0x2de: {  	v2 =	vadd.f32 v2, v59;
	[tilespmem:s8+$0x16D80] =	vst v3;
	v3 =	vadd.f32 v5, v24;
	v5 =	vmul.f32 v46, v23  }
0x2df: {  	v56 =	vadd.f32 v54, v41;
	[tilespmem:s1+$0x16D00] =	vst v1;
	v8 =	vmul.f32 v8, v28;
	v51 =	vadd.f32 v10, v26  }
0x2e0: {  	[tilespmem:s1+$0x16B00] =	vst v2;
	v53 =	vmul.f32 v3, v55;
	v3 =	vadd.f32 v5, v22;
	v5 =	vmul.f32 v39, v30  }
0x2e1: {  	v7 =	vadd.f32 v7, v24;
	[tilespmem:s13+$0x16E00] =	vst v56;
	v8 =	vadd.f32 v8, v26;
	v6 =	vmul.f32 v6, v23  }
0x2e2: {  	[tilespmem:s9+$0x16C00] =	vst v51;
	v2 =	vadd.f32 v49, v26;
	v55 =	vmul.f32 v3, v55;
	v3 =	vadd.f32 v5, v31  }
0x2e3: {  	[tilespmem:s9+$0x16D80] =	vst v8;
	v0 =	vadd.f32 v53, v41;
	v5 =	vmul.f32 v7, v58;
	v6 =	vadd.f32 v6, v22  }
0x2e4: {  	s6 =	sadd.s32 $0x1, s6;
	[tilespmem:s9+$0x16E00] =	vst v2;
	v57 =	vadd.f32 v55, v41;
	v60 =	vmul.f32 v3, v58  }
0x2e5: {  	s7 =	smul.u32 $0x60000, s7;
	p0 =	sne.s32 s6, $0x40;
	[tilespmem:s13+$0x16D80] =	vst v0;
	v61 =	vadd.f32 v5, v59;
	v3 =	vmul.f32 v6, v58  }
.Ltmp7:
0x2e6: {  	[tilespmem:s13+$0x16C00] =	vst v57;
	v62 =	vadd.f32 v60, v59;
	(pc) =	sbr.rel @p0 .LBB2_2-.Ltmp7, $4  }
0x2e7: {  	s7 =	sadd.s32 s12, s7;
	[tilespmem:s1+$0x16D80] =	vst v61;
	v63 =	vadd.f32 v3, v59  }
0x2e8: {  	s7 =	sshrl.u32 s7, $0x3;
	[tilespmem:s1+$0x16E00] =	vst v62  }
0x2e9: {  	s31 =	sadd.s32 s4, s7;
	[tilespmem:s1+$0x16C00] =	vst v63  }
0x2ea: {  	[hbm4b:s31+s5] =	stream.linear.scatter [tilespmem:s18], [sflag:$0x2], $0x3000, $0x38;
	[tilespmem:$0x18300] =	vst v63  }
0x2eb: {  	_ =	swait.ge [sflag:s17], $0x3000  }
0x2ec: {  	[sflag:s17] =	ssyncset.done $0x0  }
0x2ed: {  	[sflag:s17] =	ssyncadd.s32 $0xFFFFD000  }
0x2ee: {  	_ =	swait.ge [sflag:s17], $0x3000  }
0x2ef: {  	s6 =	rddreg [dreg:$0x9]  }
0x2f0: {  	s1 =	rddreg [dreg:$0x8];
	s6 =	sadd.s32 $0x1, s6  }
0x2f1: {  	p0 =	sne.s32 s6, s1  }
.Ltmp8:
0x2f2: {  	_ = 	snop;
	(pc) =	sbr.rel @p0 .LBB2_1-.Ltmp8, $3  }
0x2f3: {  	_ =	sdelay $0x1  }
0x2f4: {  	[sflag:s17] =	ssyncset.done $0x0  }
0x2f5: {  	[sflag:s17] =	ssyncadd.s32 $0xFFFFD000  }
0x2f6: {  	_ =	sfence.sel $0x180000  }
0x2f7: {  	[bflag:$0x0] =	sbarrier.arrive $0xFFFF  }
0x2f8: {  	_ =	strace $0x90000047  }
0x2f9: {  	s0 =	stileid.u32;
	[bflag:$0x2] =	sbarrier.arrive $0xFFFF  }
0x2fa: {  	p0 =	sne.s32 s0, $0x0;
	s0 =	rddreg [dreg:$0x3]  }
0x2fb: {  	s0 =	sadd.s32 @!p0 $0x100000, s0  }
0x2fc: {  	[sflag:s0] =	ssyncadd.tile.s32 @!p0 $0x1;
	_ =	shalt  }
.Lfunc_end2:
_tile_overlayer_lowered:
.L_overlay_start_2:
0x2fd: {  	(tag) =	ssettag $0x2  }
0x2fe: {  	s0 =	rddreg [dreg:$0x0];
	s2 =	stileid.u32  }
0x2ff: {  	s1 =	rddreg [dreg:$0x1];
	p0 =	sne.s32 s2, $0x0  }
0x300: {  	s3 =	rddreg [dreg:$0x2];
	[bflag:$0x3] =	sbarrier.arrive $0xFFFF;
	s2 =	simm.s32 @!p0 $0x1C03  }
0x301: {  	[timem:s3], [sflag:s2] =	dma.local @!p0 [hbm:s0], s1  }
0x302: {  	s0 =	simm.s32 @!p0 $0x3  }
0x303: {  	_ =	swait.ge @!p0 [sflag:s0], s1  }
0x304: {  	s1 =	ssub.s32 @!p0 $0x0, s1;
	[sflag:s0] =	ssyncset.done @!p0 $0x0  }
0x305: {  	[sflag:s0] =	ssyncadd.s32 @!p0 s1  }
0x306: {  	[bflag:$0x3] =	sbarrier.arrive $0xFFFF  }
0x307: {  	_ =	shalt  }

</sc_bundles>
